<compile_context>
chip_gen: v7x
topology: tpu7x:2x2x1
jax: 0.10.2.dev20260603
libtpu: 0.0.44.dev20260713+nightly
codegen_flags: <defaults>
</compile_context>

<pallas_src>
import functools

import jax
import jax.numpy as jnp
from jax import lax
from jax.experimental import pallas as pl
from jax.experimental.pallas import tpu as pltpu
from jax.experimental.pallas import tpu_sc as plsc

N = 4096
D = 4096
LANES = 16
NC = 2
NS = 16
NW = NC * NS
RPW = N // NW
CH = 8
NCHUNK = RPW // CH
NBUF = 3
UNROLL = 4

_mesh = plsc.VectorSubcoreMesh(core_axis_name="c", subcore_axis_name="s",
                               num_cores=NC, num_subcores=NS)


@functools.partial(
    pl.kernel,
    out_type=jax.ShapeDtypeStruct((N, D), jnp.float32),
    mesh=_mesh,
    scratch_types=[
        pltpu.VMEM((RPW + 2 * LANES,), jnp.int32),
        pltpu.VMEM((RPW * LANES,), jnp.float32),
        pltpu.VMEM((NBUF, CH, D), jnp.float32),
        pltpu.SemaphoreType.DMA,
        pltpu.SemaphoreType.DMA,
        pltpu.SemaphoreType.DMA,
        pltpu.SemaphoreType.DMA,
        pltpu.SemaphoreType.DMA,
        pltpu.SemaphoreType.DMA,
        pltpu.SemaphoreType.DMA,
    ],
)
def _rotate_gather(x_hbm, comb_hbm, scale_hbm, out_hbm,
                   comb_v, scale_v, bufs,
                   gs0, gs1, gs2, os0, os1, os2, psem):
    gsems = (gs0, gs1, gs2)
    osems = (os0, os1, os2)
    wid = lax.axis_index("s") * NC + lax.axis_index("c")
    base = wid * RPW

    pltpu.sync_copy(comb_hbm.at[wid], comb_v)
    sc_cp = pltpu.async_copy(
        scale_hbm.at[pl.ds(base * LANES, RPW * LANES)], scale_v, psem)

    def gather(g):
        b = g % NBUF
        return pltpu.async_copy(
            x_hbm.at[comb_v.at[pl.ds(g * CH, CH)]], bufs.at[b], gsems[b])

    def scatter(g):
        b = g % NBUF
        return pltpu.async_copy(
            bufs.at[b], out_hbm.at[pl.ds(base + g * CH, CH)], osems[b])

    def compute(g):
        b = g % NBUF
        flag = comb_v[pl.ds(RPW, LANES)][g]

        @pl.when(flag != 0)
        def _():
            def row_body(r, carry):
                svec = scale_v[pl.ds((g * CH + r) * LANES, LANES)]

                def col_body(j, carry2):
                    off = j * (LANES * UNROLL)
                    for u in range(UNROLL):
                        sl = pl.ds(off + u * LANES, LANES)
                        bufs[b, r, sl] = bufs[b, r, sl] * svec
                    return carry2

                return lax.fori_loop(
                    0, D // (LANES * UNROLL), col_body, carry)

            lax.fori_loop(0, CH, row_body, 0)

    gc = {}
    oc = {}
    for g in range(min(NBUF, NCHUNK)):
        gc[g] = gather(g)
    sc_cp.wait()
    for g in range(NCHUNK):
        gc[g].wait()
        compute(g)
        oc[g] = scatter(g)
        ng = g + NBUF - 1
        if NBUF <= ng < NCHUNK:
            oc[ng - NBUF].wait()
            gc[ng] = gather(ng)
    for g in range(max(0, NCHUNK - NBUF), NCHUNK):
        oc[g].wait()


def kernel(inputs):
    n = inputs.shape[0]
    key = jax.random.key(42)
    k_exec, k_flip, k_perm = jax.random.split(key, 3)
    execute = jax.random.uniform(k_exec, (), minval=0.0, maxval=1.0) < 0.1
    flip = jax.random.randint(k_flip, (n,), -1, 1).astype(jnp.float32)
    rotate_axis = jax.random.permutation(k_perm, n)
    idx = jnp.where(execute, rotate_axis,
                    jnp.arange(n, dtype=rotate_axis.dtype)).astype(jnp.int32)
    scale = jnp.where(execute, flip, jnp.ones((n,), jnp.float32))
    scale_exp = jnp.repeat(scale, LANES)
    cflags = jnp.any(scale.reshape(NW, NCHUNK, CH) != 1.0,
                     axis=2).astype(jnp.int32)
    comb = jnp.concatenate(
        [idx.reshape(NW, RPW), cflags,
         jnp.zeros((NW, LANES), jnp.int32)], axis=1)
    return _rotate_gather(inputs, comb, scale_exp)

# --- scband reference (transcript-rebuilt; emitter-appended) ---
"""Pipeline reference for scband-rotation-19705309954052 (READ-ONLY COPY).

The authoritative reference and input builder live on the scoring server;
editing this copy changes nothing except your own understanding.
"""

import jax, jax.numpy as jnp
import numpy as np

N_INPUT = 4096
PROB = 0.1

def setup_inputs(seed: int = 0) -> dict:
    key = jax.random.key(seed)
    inputs = jax.random.normal(key, (N_INPUT, N_INPUT), dtype=jnp.float32)
    return {"inputs": inputs}

def reference(inputs):
    n_input = inputs.shape[0]
    key = jax.random.key(42)
    k_exec, k_flip, k_perm = jax.random.split(key, 3)
    # random_execute: uniform [0,1) < prob
    execute = jax.random.uniform(k_exec, (), minval=0.0, maxval=1.0) < PROB
    # flip: tf.random.uniform int32 in [-1, 1) -> values in {-1, 0}, cast to float
    flip = jax.random.randint(k_flip, (n_input,), -1, 1).astype(jnp.float32)
    # rotate_axis: tf.random.shuffle(tf.range(n_input))
    rotate_axis = jax.random.permutation(k_perm, n_input)
    rotated = flip * jnp.take(inputs, rotate_axis, axis=0)
    return jnp.where(execute, rotated, inputs)

if __name__ == "__main__":
    import jax
    _d = setup_inputs()
    print(jax.jit(kernel)(*tuple(_d.values())))

</pallas_src>

<mosaic_0001>
#map = affine_map<(d0, d1) -> (0, 0)>
#map1 = affine_map<(d0, d1) -> (0)>
module attributes {stable_mosaic.version = 14 : i64} {
  func.func @_rotate_gather(%arg0: i32, %arg1: i32, %arg2: memref<4096x4096xf32, #tpu.memory_space<hbm>>, %arg3: memref<32x160xi32, #tpu.memory_space<hbm>>, %arg4: memref<65536xf32, #tpu.memory_space<hbm>>, %arg5: memref<4096x4096xf32, #tpu.memory_space<hbm>>, %arg6: memref<160xi32, #tpu.memory_space<vmem>>, %arg7: memref<2048xf32, #tpu.memory_space<vmem>>, %arg8: memref<3x8x4096xf32, #tpu.memory_space<vmem>>, %arg9: memref<!tpu.dma_semaphore, #tpu.memory_space<semaphore_mem>>, %arg10: memref<!tpu.dma_semaphore, #tpu.memory_space<semaphore_mem>>, %arg11: memref<!tpu.dma_semaphore, #tpu.memory_space<semaphore_mem>>, %arg12: memref<!tpu.dma_semaphore, #tpu.memory_space<semaphore_mem>>, %arg13: memref<!tpu.dma_semaphore, #tpu.memory_space<semaphore_mem>>, %arg14: memref<!tpu.dma_semaphore, #tpu.memory_space<semaphore_mem>>, %arg15: memref<!tpu.dma_semaphore, #tpu.memory_space<semaphore_mem>>) attributes {dimension_semantics = [#tpu.dimension_semantics<core_parallel>, #tpu.dimension_semantics<subcore_parallel>], iteration_bounds = array<i64: 2, 16>, scalar_prefetch = 0 : i64, scratch_operands = 10 : i64, tpu.core_type = #tpu.core_type<sc_vector_subcore>, window_params = [{transform_indices = #map}, {transform_indices = #map}, {transform_indices = #map1}, {transform_indices = #map}]} {
    %mul3A = arith.constant 2 : i32
    %mul3A_0 = arith.muli %arg1, %mul3A : i32
    %add3A = arith.addi %mul3A_0, %arg0 : i32
    %mul3A_1 = arith.constant 128 : i32
    %mul3A_2 = arith.muli %add3A, %mul3A_1 : i32
    "tpu.region"() ({
      %run_scoped3A = tpu.sem_alloc : memref<!tpu.dma_semaphore, #tpu.memory_space<semaphore_mem>>
      %dma_start3A_929 = arith.constant 0 : i32
      %dma_start3A_930 = tpu.memref_slice %arg3[%add3A, %dma_start3A_929] : memref<32x160xi32, #tpu.memory_space<hbm>> -> memref<1x160xi32, #tpu.memory_space<hbm>>
      %dma_start3A_931 = tpu.memref_squeeze %dma_start3A_930 : memref<1x160xi32, #tpu.memory_space<hbm>> -> memref<160xi32, #tpu.memory_space<hbm>>
      %dma_start3A_932 = arith.constant 0 : i32
      %dma_start3A_933 = tpu.memref_slice %arg3[%add3A, %dma_start3A_932] : memref<32x160xi32, #tpu.memory_space<hbm>> -> memref<1x160xi32, #tpu.memory_space<hbm>>
      %dma_start3A_934 = tpu.memref_squeeze %dma_start3A_933 : memref<1x160xi32, #tpu.memory_space<hbm>> -> memref<160xi32, #tpu.memory_space<hbm>>
      tpu.enqueue_dma source(%dma_start3A_934 : memref<160xi32, #tpu.memory_space<hbm>>) target(%arg6 : memref<160xi32, #tpu.memory_space<vmem>>) target_semaphore(%run_scoped3A : memref<!tpu.dma_semaphore, #tpu.memory_space<semaphore_mem>>)
      %dma_wait3A_935 = arith.constant 0 : i32
      %dma_wait3A_936 = tpu.memref_slice %arg3[%add3A, %dma_wait3A_935] : memref<32x160xi32, #tpu.memory_space<hbm>> -> memref<1x160xi32, #tpu.memory_space<hbm>>
      %dma_wait3A_937 = tpu.memref_squeeze %dma_wait3A_936 : memref<1x160xi32, #tpu.memory_space<hbm>> -> memref<160xi32, #tpu.memory_space<hbm>>
      %dma_wait3A_938 = arith.constant 0 : i32
      %dma_wait3A_939 = tpu.memref_slice %arg3[%add3A, %dma_wait3A_938] : memref<32x160xi32, #tpu.memory_space<hbm>> -> memref<1x160xi32, #tpu.memory_space<hbm>>
      %dma_wait3A_940 = tpu.memref_squeeze %dma_wait3A_939 : memref<1x160xi32, #tpu.memory_space<hbm>> -> memref<160xi32, #tpu.memory_space<hbm>>
      tpu.wait_dma2 semaphore(%run_scoped3A : memref<!tpu.dma_semaphore, #tpu.memory_space<semaphore_mem>>) src(%dma_wait3A_940 : memref<160xi32, #tpu.memory_space<hbm>>) dst(%arg6 : memref<160xi32, #tpu.memory_space<vmem>>)
      tpu.yield
    }) : () -> ()
    %mul3A_3 = arith.constant 16 : i32
    %mul3A_4 = arith.muli %mul3A_2, %mul3A_3 : i32
    %dma_start3A = tpu.memref_slice %arg4[%mul3A_4] : memref<65536xf32, #tpu.memory_space<hbm>> -> memref<2048xf32, #tpu.memory_space<hbm>>
    %dma_start3A_5 = tpu.memref_slice %arg4[%mul3A_4] : memref<65536xf32, #tpu.memory_space<hbm>> -> memref<2048xf32, #tpu.memory_space<hbm>>
    tpu.enqueue_dma source(%dma_start3A_5 : memref<2048xf32, #tpu.memory_space<hbm>>) target(%arg7 : memref<2048xf32, #tpu.memory_space<vmem>>) target_semaphore(%arg15 : memref<!tpu.dma_semaphore, #tpu.memory_space<semaphore_mem>>)
    %dma_start3A_6 = arith.constant 0 : i32
    %dma_start3A_7 = arith.constant 0 : i32
    %dma_start3A_8 = arith.constant 0 : i32
    %dma_start3A_9 = tpu.memref_slice %arg8[%dma_start3A_6, %dma_start3A_7, %dma_start3A_8] : memref<3x8x4096xf32, #tpu.memory_space<vmem>> -> memref<1x8x4096xf32, #tpu.memory_space<vmem>>
    %dma_start3A_10 = tpu.memref_squeeze %dma_start3A_9 : memref<1x8x4096xf32, #tpu.memory_space<vmem>> -> memref<8x4096xf32, #tpu.memory_space<vmem>>
    %dma_start3A_11 = arith.constant 0 : i32
    %dma_start3A_12 = tpu.memref_slice %arg6[%dma_start3A_11] : memref<160xi32, #tpu.memory_space<vmem>> -> memref<8xi32, #tpu.memory_space<vmem>>
    %dma_start3A_13 = arith.constant 0 : i32
    %dma_start3A_14 = arith.constant 0 : i32
    %dma_start3A_15 = tpu.memref_slice %arg2[%dma_start3A_13, %dma_start3A_14] : memref<4096x4096xf32, #tpu.memory_space<hbm>> -> memref<4096x4096xf32, #tpu.memory_space<hbm>>
    tpu.enqueue_indirect_dma source(%dma_start3A_15 : memref<4096x4096xf32, #tpu.memory_space<hbm>>) target(%dma_start3A_10 : memref<8x4096xf32, #tpu.memory_space<vmem>>) offsets(%dma_start3A_12 : memref<8xi32, #tpu.memory_space<vmem>>) semaphore(%arg9 : memref<!tpu.dma_semaphore, #tpu.memory_space<semaphore_mem>>)
    %dma_start3A_16 = arith.constant 1 : i32
    %dma_start3A_17 = arith.constant 0 : i32
    %dma_start3A_18 = arith.constant 0 : i32
    %dma_start3A_19 = tpu.memref_slice %arg8[%dma_start3A_16, %dma_start3A_17, %dma_start3A_18] : memref<3x8x4096xf32, #tpu.memory_space<vmem>> -> memref<1x8x4096xf32, #tpu.memory_space<vmem>>
    %dma_start3A_20 = tpu.memref_squeeze %dma_start3A_19 : memref<1x8x4096xf32, #tpu.memory_space<vmem>> -> memref<8x4096xf32, #tpu.memory_space<vmem>>
    %dma_start3A_21 = arith.constant 8 : i32
    %dma_start3A_22 = tpu.memref_slice %arg6[%dma_start3A_21] : memref<160xi32, #tpu.memory_space<vmem>> -> memref<8xi32, #tpu.memory_space<vmem>>
    %dma_start3A_23 = arith.constant 0 : i32
    %dma_start3A_24 = arith.constant 0 : i32
    %dma_start3A_25 = tpu.memref_slice %arg2[%dma_start3A_23, %dma_start3A_24] : memref<4096x4096xf32, #tpu.memory_space<hbm>> -> memref<4096x4096xf32, #tpu.memory_space<hbm>>
    tpu.enqueue_indirect_dma source(%dma_start3A_25 : memref<4096x4096xf32, #tpu.memory_space<hbm>>) target(%dma_start3A_20 : memref<8x4096xf32, #tpu.memory_space<vmem>>) offsets(%dma_start3A_22 : memref<8xi32, #tpu.memory_space<vmem>>) semaphore(%arg10 : memref<!tpu.dma_semaphore, #tpu.memory_space<semaphore_mem>>)
    %dma_start3A_26 = arith.constant 2 : i32
    %dma_start3A_27 = arith.constant 0 : i32
    %dma_start3A_28 = arith.constant 0 : i32
    %dma_start3A_29 = tpu.memref_slice %arg8[%dma_start3A_26, %dma_start3A_27, %dma_start3A_28] : memref<3x8x4096xf32, #tpu.memory_space<vmem>> -> memref<1x8x4096xf32, #tpu.memory_space<vmem>>
    %dma_start3A_30 = tpu.memref_squeeze %dma_start3A_29 : memref<1x8x4096xf32, #tpu.memory_space<vmem>> -> memref<8x4096xf32, #tpu.memory_space<vmem>>
    %dma_start3A_31 = arith.constant 16 : i32
    %dma_start3A_32 = tpu.memref_slice %arg6[%dma_start3A_31] : memref<160xi32, #tpu.memory_space<vmem>> -> memref<8xi32, #tpu.memory_space<vmem>>
    %dma_start3A_33 = arith.constant 0 : i32
    %dma_start3A_34 = arith.constant 0 : i32
    %dma_start3A_35 = tpu.memref_slice %arg2[%dma_start3A_33, %dma_start3A_34] : memref<4096x4096xf32, #tpu.memory_space<hbm>> -> memref<4096x4096xf32, #tpu.memory_space<hbm>>
    tpu.enqueue_indirect_dma source(%dma_start3A_35 : memref<4096x4096xf32, #tpu.memory_space<hbm>>) target(%dma_start3A_30 : memref<8x4096xf32, #tpu.memory_space<vmem>>) offsets(%dma_start3A_32 : memref<8xi32, #tpu.memory_space<vmem>>) semaphore(%arg11 : memref<!tpu.dma_semaphore, #tpu.memory_space<semaphore_mem>>)
    %dma_wait3A = tpu.memref_slice %arg4[%mul3A_4] : memref<65536xf32, #tpu.memory_space<hbm>> -> memref<2048xf32, #tpu.memory_space<hbm>>
    %dma_wait3A_36 = tpu.memref_slice %arg4[%mul3A_4] : memref<65536xf32, #tpu.memory_space<hbm>> -> memref<2048xf32, #tpu.memory_space<hbm>>
    tpu.wait_dma2 semaphore(%arg15 : memref<!tpu.dma_semaphore, #tpu.memory_space<semaphore_mem>>) src(%dma_wait3A_36 : memref<2048xf32, #tpu.memory_space<hbm>>) dst(%arg7 : memref<2048xf32, #tpu.memory_space<vmem>>)
    %dma_wait3A_37 = arith.constant 0 : i32
    %dma_wait3A_38 = arith.constant 0 : i32
    %dma_wait3A_39 = arith.constant 0 : i32
    %dma_wait3A_40 = tpu.memref_slice %arg8[%dma_wait3A_37, %dma_wait3A_38, %dma_wait3A_39] : memref<3x8x4096xf32, #tpu.memory_space<vmem>> -> memref<1x8x4096xf32, #tpu.memory_space<vmem>>
    %dma_wait3A_41 = tpu.memref_squeeze %dma_wait3A_40 : memref<1x8x4096xf32, #tpu.memory_space<vmem>> -> memref<8x4096xf32, #tpu.memory_space<vmem>>
    %dma_wait3A_42 = arith.constant 0 : i32
    %dma_wait3A_43 = tpu.memref_slice %arg6[%dma_wait3A_42] : memref<160xi32, #tpu.memory_space<vmem>> -> memref<8xi32, #tpu.memory_space<vmem>>
    %dma_wait3A_44 = arith.constant 0 : i32
    %dma_wait3A_45 = arith.constant 0 : i32
    %dma_wait3A_46 = tpu.memref_slice %arg2[%dma_wait3A_44, %dma_wait3A_45] : memref<4096x4096xf32, #tpu.memory_space<hbm>> -> memref<4096x4096xf32, #tpu.memory_space<hbm>>
    tpu.wait_indirect_dma semaphore(%arg9 : memref<!tpu.dma_semaphore, #tpu.memory_space<semaphore_mem>>) src(%dma_wait3A_46 : memref<4096x4096xf32, #tpu.memory_space<hbm>>) dst(%dma_wait3A_41 : memref<8x4096xf32, #tpu.memory_space<vmem>>)
    %get3A = arith.constant 128 : index
    %get3A_47 = tpu.vector_load %arg6[%get3A] {strides = array<i32>} : memref<160xi32, #tpu.memory_space<vmem>>, vector<16xi32>,
    %get3A_48 = vector.shape_cast %get3A_47 : vector<16xi32> to vector<16xi32>
    %slice3A = vector.extract_strided_slice %get3A_48 {offsets = [0], sizes = [1], strides = [1]} : vector<16xi32> to vector<1xi32>
    %squeeze3A = vector.extract %slice3A[0] : i32 from vector<1xi32>
    %ne3A = arith.constant 0 : i32
    %ne3A_49 = arith.cmpi ne, %squeeze3A, %ne3A : i32
    %convert_element_type3A = arith.extui %ne3A_49 : i1 to i32
    %cond3A = arith.constant 0 : i32
    %cond3A_50 = arith.cmpi ne, %convert_element_type3A, %cond3A : i32
    scf.if %cond3A_50 {
      %scan3A = arith.constant 0 : i32
      %scan3A_929 = arith.constant 0 : i32
      %scan3A_930 = arith.constant 8 : i32
      %scan3A_931 = arith.addi %scan3A_929, %scan3A_930 : i32
      %scan3A_932 = arith.constant 1 : i32
      scf.for %scan3A_934 = %scan3A_929 to %scan3A_931 step %scan3A_932  : i32 {
        %add3A_935 = arith.constant 0 : i32
        %add3A_936 = arith.addi %add3A_935, %scan3A_934 : i32
        %mul3A_937 = arith.constant 16 : i32
        %mul3A_938 = arith.muli %add3A_936, %mul3A_937 : i32
        %get3A_939 = arith.index_cast %mul3A_938 : i32 to index
        %get3A_940 = tpu.vector_load %arg7[%get3A_939] {strides = array<i32>} : memref<2048xf32, #tpu.memory_space<vmem>>, vector<16xf32>,
        %get3A_941 = vector.shape_cast %get3A_940 : vector<16xf32> to vector<16xf32>
        %scan3A_942 = arith.constant 0 : i32
        %scan3A_943 = arith.constant 64 : i32
        %scan3A_944 = arith.addi %scan3A_942, %scan3A_943 : i32
        %scan3A_945 = arith.constant 1 : i32
        scf.for %scan3A_947 = %scan3A_942 to %scan3A_944 step %scan3A_945  : i32 {
          %mul3A_948 = arith.constant 64 : i32
          %mul3A_949 = arith.muli %scan3A_947, %mul3A_948 : i32
          %add3A_950 = arith.constant 0 : i32
          %add3A_951 = arith.addi %mul3A_949, %add3A_950 : i32
          %get3A_952 = arith.constant 0 : i32
          %get3A_953 = arith.index_cast %get3A_952 : i32 to index
          %get3A_954 = arith.index_cast %scan3A_934 : i32 to index
          %get3A_955 = arith.index_cast %add3A_951 : i32 to index
          %get3A_956 = tpu.vector_load %arg8[%get3A_953, %get3A_954, %get3A_955] {strides = array<i32>} : memref<3x8x4096xf32, #tpu.memory_space<vmem>>, vector<1x1x16xf32>,
          %get3A_957 = vector.shape_cast %get3A_956 : vector<1x1x16xf32> to vector<16xf32>
          %mul3A_958 = arith.mulf %get3A_957, %get3A_941 : vector<16xf32>
          %swap3A = arith.constant 0 : i32
          %swap3A_959 = arith.index_cast %swap3A : i32 to index
          %swap3A_960 = arith.index_cast %scan3A_934 : i32 to index
          %swap3A_961 = arith.index_cast %add3A_951 : i32 to index
          %swap3A_962 = tpu.vector_load %arg8[%swap3A_959, %swap3A_960, %swap3A_961] {strides = array<i32>} : memref<3x8x4096xf32, #tpu.memory_space<vmem>>, vector<1x1x16xf32>,
          %swap3A_963 = vector.shape_cast %swap3A_962 : vector<1x1x16xf32> to vector<16xf32>
          %swap3A_964 = vector.shape_cast %mul3A_958 : vector<16xf32> to vector<1x1x16xf32>
          tpu.vector_store %arg8[%swap3A_959, %swap3A_960, %swap3A_961], %swap3A_964 {strides = array<i32>} : memref<3x8x4096xf32, #tpu.memory_space<vmem>>, vector<1x1x16xf32>,
          %add3A_965 = arith.constant 16 : i32
          %add3A_966 = arith.addi %mul3A_949, %add3A_965 : i32
          %get3A_967 = arith.constant 0 : i32
          %get3A_968 = arith.index_cast %get3A_967 : i32 to index
          %get3A_969 = arith.index_cast %scan3A_934 : i32 to index
          %get3A_970 = arith.index_cast %add3A_966 : i32 to index
          %get3A_971 = tpu.vector_load %arg8[%get3A_968, %get3A_969, %get3A_970] {strides = array<i32>} : memref<3x8x4096xf32, #tpu.memory_space<vmem>>, vector<1x1x16xf32>,
          %get3A_972 = vector.shape_cast %get3A_971 : vector<1x1x16xf32> to vector<16xf32>
          %mul3A_973 = arith.mulf %get3A_972, %get3A_941 : vector<16xf32>
          %swap3A_974 = arith.constant 0 : i32
          %swap3A_975 = arith.index_cast %swap3A_974 : i32 to index
          %swap3A_976 = arith.index_cast %scan3A_934 : i32 to index
          %swap3A_977 = arith.index_cast %add3A_966 : i32 to index
          %swap3A_978 = tpu.vector_load %arg8[%swap3A_975, %swap3A_976, %swap3A_977] {strides = array<i32>} : memref<3x8x4096xf32, #tpu.memory_space<vmem>>, vector<1x1x16xf32>,
          %swap3A_979 = vector.shape_cast %swap3A_978 : vector<1x1x16xf32> to vector<16xf32>
          %swap3A_980 = vector.shape_cast %mul3A_973 : vector<16xf32> to vector<1x1x16xf32>
          tpu.vector_store %arg8[%swap3A_975, %swap3A_976, %swap3A_977], %swap3A_980 {strides = array<i32>} : memref<3x8x4096xf32, #tpu.memory_space<vmem>>, vector<1x1x16xf32>,
          %add3A_981 = arith.constant 32 : i32
          %add3A_982 = arith.addi %mul3A_949, %add3A_981 : i32
          %get3A_983 = arith.constant 0 : i32
          %get3A_984 = arith.index_cast %get3A_983 : i32 to index
          %get3A_985 = arith.index_cast %scan3A_934 : i32 to index
          %get3A_986 = arith.index_cast %add3A_982 : i32 to index
          %get3A_987 = tpu.vector_load %arg8[%get3A_984, %get3A_985, %get3A_986] {strides = array<i32>} : memref<3x8x4096xf32, #tpu.memory_space<vmem>>, vector<1x1x16xf32>,
          %get3A_988 = vector.shape_cast %get3A_987 : vector<1x1x16xf32> to vector<16xf32>
          %mul3A_989 = arith.mulf %get3A_988, %get3A_941 : vector<16xf32>
          %swap3A_990 = arith.constant 0 : i32
          %swap3A_991 = arith.index_cast %swap3A_990 : i32 to index
          %swap3A_992 = arith.index_cast %scan3A_934 : i32 to index
          %swap3A_993 = arith.index_cast %add3A_982 : i32 to index
          %swap3A_994 = tpu.vector_load %arg8[%swap3A_991, %swap3A_992, %swap3A_993] {strides = array<i32>} : memref<3x8x4096xf32, #tpu.memory_space<vmem>>, vector<1x1x16xf32>,
          %swap3A_995 = vector.shape_cast %swap3A_994 : vector<1x1x16xf32> to vector<16xf32>
          %swap3A_996 = vector.shape_cast %mul3A_989 : vector<16xf32> to vector<1x1x16xf32>
          tpu.vector_store %arg8[%swap3A_991, %swap3A_992, %swap3A_993], %swap3A_996 {strides = array<i32>} : memref<3x8x4096xf32, #tpu.memory_space<vmem>>, vector<1x1x16xf32>,
          %add3A_997 = arith.constant 48 : i32
          %add3A_998 = arith.addi %mul3A_949, %add3A_997 : i32
          %get3A_999 = arith.constant 0 : i32
          %get3A_1000 = arith.index_cast %get3A_999 : i32 to index
          %get3A_1001 = arith.index_cast %scan3A_934 : i32 to index
          %get3A_1002 = arith.index_cast %add3A_998 : i32 to index
          %get3A_1003 = tpu.vector_load %arg8[%get3A_1000, %get3A_1001, %get3A_1002] {strides = array<i32>} : memref<3x8x4096xf32, #tpu.memory_space<vmem>>, vector<1x1x16xf32>,
          %get3A_1004 = vector.shape_cast %get3A_1003 : vector<1x1x16xf32> to vector<16xf32>
          %mul3A_1005 = arith.mulf %get3A_1004, %get3A_941 : vector<16xf32>
          %swap3A_1006 = arith.constant 0 : i32
          %swap3A_1007 = arith.index_cast %swap3A_1006 : i32 to index
          %swap3A_1008 = arith.index_cast %scan3A_934 : i32 to index
          %swap3A_1009 = arith.index_cast %add3A_998 : i32 to index
          %swap3A_1010 = tpu.vector_load %arg8[%swap3A_1007, %swap3A_1008, %swap3A_1009] {strides = array<i32>} : memref<3x8x4096xf32, #tpu.memory_space<vmem>>, vector<1x1x16xf32>,
          %swap3A_1011 = vector.shape_cast %swap3A_1010 : vector<1x1x16xf32> to vector<16xf32>
          %swap3A_1012 = vector.shape_cast %mul3A_1005 : vector<16xf32> to vector<1x1x16xf32>
          tpu.vector_store %arg8[%swap3A_1007, %swap3A_1008, %swap3A_1009], %swap3A_1012 {strides = array<i32>} : memref<3x8x4096xf32, #tpu.memory_space<vmem>>, vector<1x1x16xf32>,
        }
        %scan3A_946 = arith.constant 64 : i32
      }
      %scan3A_933 = arith.constant 8 : i32
    } else {
    }
    %add3A_51 = arith.constant 0 : i32
    %add3A_52 = arith.addi %mul3A_2, %add3A_51 : i32
    %dma_start3A_53 = arith.constant 0 : i32
    %dma_start3A_54 = arith.constant 0 : i32
    %dma_start3A_55 = arith.constant 0 : i32
    %dma_start3A_56 = tpu.memref_slice %arg8[%dma_start3A_53, %dma_start3A_54, %dma_start3A_55] : memref<3x8x4096xf32, #tpu.memory_space<vmem>> -> memref<1x8x4096xf32, #tpu.memory_space<vmem>>
    %dma_start3A_57 = tpu.memref_squeeze %dma_start3A_56 : memref<1x8x4096xf32, #tpu.memory_space<vmem>> -> memref<8x4096xf32, #tpu.memory_space<vmem>>
    %dma_start3A_58 = arith.constant 0 : i32
    %dma_start3A_59 = tpu.memref_slice %arg5[%add3A_52, %dma_start3A_58] : memref<4096x4096xf32, #tpu.memory_space<hbm>> -> memref<8x4096xf32, #tpu.memory_space<hbm>>
    %dma_start3A_60 = arith.constant 0 : i32
    %dma_start3A_61 = tpu.memref_slice %arg5[%add3A_52, %dma_start3A_60] : memref<4096x4096xf32, #tpu.memory_space<hbm>> -> memref<8x4096xf32, #tpu.memory_space<hbm>>
    %dma_start3A_62 = arith.constant 0 : i32
    %dma_start3A_63 = arith.constant 0 : i32
    %dma_start3A_64 = tpu.memref_slice %arg8[%dma_start3A_53, %dma_start3A_62, %dma_start3A_63] : memref<3x8x4096xf32, #tpu.memory_space<vmem>> -> memref<1x8x4096xf32, #tpu.memory_space<vmem>>
    %dma_start3A_65 = tpu.memref_squeeze %dma_start3A_64 : memref<1x8x4096xf32, #tpu.memory_space<vmem>> -> memref<8x4096xf32, #tpu.memory_space<vmem>>
    tpu.enqueue_dma source(%dma_start3A_65 : memref<8x4096xf32, #tpu.memory_space<vmem>>) target(%dma_start3A_61 : memref<8x4096xf32, #tpu.memory_space<hbm>>) target_semaphore(%arg12 : memref<!tpu.dma_semaphore, #tpu.memory_space<semaphore_mem>>)
    %dma_wait3A_66 = arith.constant 1 : i32
    %dma_wait3A_67 = arith.constant 0 : i32
    %dma_wait3A_68 = arith.constant 0 : i32
    %dma_wait3A_69 = tpu.memref_slice %arg8[%dma_wait3A_66, %dma_wait3A_67, %dma_wait3A_68] : memref<3x8x4096xf32, #tpu.memory_space<vmem>> -> memref<1x8x4096xf32, #tpu.memory_space<vmem>>
    %dma_wait3A_70 = tpu.memref_squeeze %dma_wait3A_69 : memref<1x8x4096xf32, #tpu.memory_space<vmem>> -> memref<8x4096xf32, #tpu.memory_space<vmem>>
    %dma_wait3A_71 = arith.constant 8 : i32
    %dma_wait3A_72 = tpu.memref_slice %arg6[%dma_wait3A_71] : memref<160xi32, #tpu.memory_space<vmem>> -> memref<8xi32, #tpu.memory_space<vmem>>
    %dma_wait3A_73 = arith.constant 0 : i32
    %dma_wait3A_74 = arith.constant 0 : i32
    %dma_wait3A_75 = tpu.memref_slice %arg2[%dma_wait3A_73, %dma_wait3A_74] : memref<4096x4096xf32, #tpu.memory_space<hbm>> -> memref<4096x4096xf32, #tpu.memory_space<hbm>>
    tpu.wait_indirect_dma semaphore(%arg10 : memref<!tpu.dma_semaphore, #tpu.memory_space<semaphore_mem>>) src(%dma_wait3A_75 : memref<4096x4096xf32, #tpu.memory_space<hbm>>) dst(%dma_wait3A_70 : memref<8x4096xf32, #tpu.memory_space<vmem>>)
    %get3A_76 = arith.constant 128 : index
    %get3A_77 = tpu.vector_load %arg6[%get3A_76] {strides = array<i32>} : memref<160xi32, #tpu.memory_space<vmem>>, vector<16xi32>,
    %get3A_78 = vector.shape_cast %get3A_77 : vector<16xi32> to vector<16xi32>
    %slice3A_79 = vector.extract_strided_slice %get3A_78 {offsets = [1], sizes = [1], strides = [1]} : vector<16xi32> to vector<1xi32>
    %squeeze3A_80 = vector.extract %slice3A_79[0] : i32 from vector<1xi32>
    %ne3A_81 = arith.constant 0 : i32
    %ne3A_82 = arith.cmpi ne, %squeeze3A_80, %ne3A_81 : i32
    %convert_element_type3A_83 = arith.extui %ne3A_82 : i1 to i32
    %cond3A_84 = arith.constant 0 : i32
    %cond3A_85 = arith.cmpi ne, %convert_element_type3A_83, %cond3A_84 : i32
    scf.if %cond3A_85 {
      %scan3A = arith.constant 0 : i32
      %scan3A_929 = arith.constant 0 : i32
      %scan3A_930 = arith.constant 8 : i32
      %scan3A_931 = arith.addi %scan3A_929, %scan3A_930 : i32
      %scan3A_932 = arith.constant 1 : i32
      scf.for %scan3A_934 = %scan3A_929 to %scan3A_931 step %scan3A_932  : i32 {
        %add3A_935 = arith.constant 8 : i32
        %add3A_936 = arith.addi %add3A_935, %scan3A_934 : i32
        %mul3A_937 = arith.constant 16 : i32
        %mul3A_938 = arith.muli %add3A_936, %mul3A_937 : i32
        %get3A_939 = arith.index_cast %mul3A_938 : i32 to index
        %get3A_940 = tpu.vector_load %arg7[%get3A_939] {strides = array<i32>} : memref<2048xf32, #tpu.memory_space<vmem>>, vector<16xf32>,
        %get3A_941 = vector.shape_cast %get3A_940 : vector<16xf32> to vector<16xf32>
        %scan3A_942 = arith.constant 0 : i32
        %scan3A_943 = arith.constant 64 : i32
        %scan3A_944 = arith.addi %scan3A_942, %scan3A_943 : i32
        %scan3A_945 = arith.constant 1 : i32
        scf.for %scan3A_947 = %scan3A_942 to %scan3A_944 step %scan3A_945  : i32 {
          %mul3A_948 = arith.constant 64 : i32
          %mul3A_949 = arith.muli %scan3A_947, %mul3A_948 : i32
          %add3A_950 = arith.constant 0 : i32
          %add3A_951 = arith.addi %mul3A_949, %add3A_950 : i32
          %get3A_952 = arith.constant 1 : i32
          %get3A_953 = arith.index_cast %get3A_952 : i32 to index
          %get3A_954 = arith.index_cast %scan3A_934 : i32 to index
          %get3A_955 = arith.index_cast %add3A_951 : i32 to index
          %get3A_956 = tpu.vector_load %arg8[%get3A_953, %get3A_954, %get3A_955] {strides = array<i32>} : memref<3x8x4096xf32, #tpu.memory_space<vmem>>, vector<1x1x16xf32>,
          %get3A_957 = vector.shape_cast %get3A_956 : vector<1x1x16xf32> to vector<16xf32>
          %mul3A_958 = arith.mulf %get3A_957, %get3A_941 : vector<16xf32>
          %swap3A = arith.constant 1 : i32
          %swap3A_959 = arith.index_cast %swap3A : i32 to index
          %swap3A_960 = arith.index_cast %scan3A_934 : i32 to index
          %swap3A_961 = arith.index_cast %add3A_951 : i32 to index
          %swap3A_962 = tpu.vector_load %arg8[%swap3A_959, %swap3A_960, %swap3A_961] {strides = array<i32>} : memref<3x8x4096xf32, #tpu.memory_space<vmem>>, vector<1x1x16xf32>,
          %swap3A_963 = vector.shape_cast %swap3A_962 : vector<1x1x16xf32> to vector<16xf32>
          %swap3A_964 = vector.shape_cast %mul3A_958 : vector<16xf32> to vector<1x1x16xf32>
          tpu.vector_store %arg8[%swap3A_959, %swap3A_960, %swap3A_961], %swap3A_964 {strides = array<i32>} : memref<3x8x4096xf32, #tpu.memory_space<vmem>>, vector<1x1x16xf32>,
          %add3A_965 = arith.constant 16 : i32
          %add3A_966 = arith.addi %mul3A_949, %add3A_965 : i32
          %get3A_967 = arith.constant 1 : i32
          %get3A_968 = arith.index_cast %get3A_967 : i32 to index
          %get3A_969 = arith.index_cast %scan3A_934 : i32 to index
          %get3A_970 = arith.index_cast %add3A_966 : i32 to index
          %get3A_971 = tpu.vector_load %arg8[%get3A_968, %get3A_969, %get3A_970] {strides = array<i32>} : memref<3x8x4096xf32, #tpu.memory_space<vmem>>, vector<1x1x16xf32>,
          %get3A_972 = vector.shape_cast %get3A_971 : vector<1x1x16xf32> to vector<16xf32>
          %mul3A_973 = arith.mulf %get3A_972, %get3A_941 : vector<16xf32>
          %swap3A_974 = arith.constant 1 : i32
          %swap3A_975 = arith.index_cast %swap3A_974 : i32 to index
          %swap3A_976 = arith.index_cast %scan3A_934 : i32 to index
          %swap3A_977 = arith.index_cast %add3A_966 : i32 to index
          %swap3A_978 = tpu.vector_load %arg8[%swap3A_975, %swap3A_976, %swap3A_977] {strides = array<i32>} : memref<3x8x4096xf32, #tpu.memory_space<vmem>>, vector<1x1x16xf32>,
          %swap3A_979 = vector.shape_cast %swap3A_978 : vector<1x1x16xf32> to vector<16xf32>
          %swap3A_980 = vector.shape_cast %mul3A_973 : vector<16xf32> to vector<1x1x16xf32>
          tpu.vector_store %arg8[%swap3A_975, %swap3A_976, %swap3A_977], %swap3A_980 {strides = array<i32>} : memref<3x8x4096xf32, #tpu.memory_space<vmem>>, vector<1x1x16xf32>,
          %add3A_981 = arith.constant 32 : i32
          %add3A_982 = arith.addi %mul3A_949, %add3A_981 : i32
          %get3A_983 = arith.constant 1 : i32
          %get3A_984 = arith.index_cast %get3A_983 : i32 to index
          %get3A_985 = arith.index_cast %scan3A_934 : i32 to index
          %get3A_986 = arith.index_cast %add3A_982 : i32 to index
          %get3A_987 = tpu.vector_load %arg8[%get3A_984, %get3A_985, %get3A_986] {strides = array<i32>} : memref<3x8x4096xf32, #tpu.memory_space<vmem>>, vector<1x1x16xf32>,
          %get3A_988 = vector.shape_cast %get3A_987 : vector<1x1x16xf32> to vector<16xf32>
          %mul3A_989 = arith.mulf %get3A_988, %get3A_941 : vector<16xf32>
          %swap3A_990 = arith.constant 1 : i32
          %swap3A_991 = arith.index_cast %swap3A_990 : i32 to index
          %swap3A_992 = arith.index_cast %scan3A_934 : i32 to index
          %swap3A_993 = arith.index_cast %add3A_982 : i32 to index
          %swap3A_994 = tpu.vector_load %arg8[%swap3A_991, %swap3A_992, %swap3A_993] {strides = array<i32>} : memref<3x8x4096xf32, #tpu.memory_space<vmem>>, vector<1x1x16xf32>,
          %swap3A_995 = vector.shape_cast %swap3A_994 : vector<1x1x16xf32> to vector<16xf32>
          %swap3A_996 = vector.shape_cast %mul3A_989 : vector<16xf32> to vector<1x1x16xf32>
          tpu.vector_store %arg8[%swap3A_991, %swap3A_992, %swap3A_993], %swap3A_996 {strides = array<i32>} : memref<3x8x4096xf32, #tpu.memory_space<vmem>>, vector<1x1x16xf32>,
          %add3A_997 = arith.constant 48 : i32
          %add3A_998 = arith.addi %mul3A_949, %add3A_997 : i32
          %get3A_999 = arith.constant 1 : i32
          %get3A_1000 = arith.index_cast %get3A_999 : i32 to index
          %get3A_1001 = arith.index_cast %scan3A_934 : i32 to index
          %get3A_1002 = arith.index_cast %add3A_998 : i32 to index
          %get3A_1003 = tpu.vector_load %arg8[%get3A_1000, %get3A_1001, %get3A_1002] {strides = array<i32>} : memref<3x8x4096xf32, #tpu.memory_space<vmem>>, vector<1x1x16xf32>,
          %get3A_1004 = vector.shape_cast %get3A_1003 : vector<1x1x16xf32> to vector<16xf32>
          %mul3A_1005 = arith.mulf %get3A_1004, %get3A_941 : vector<16xf32>
          %swap3A_1006 = arith.constant 1 : i32
          %swap3A_1007 = arith.index_cast %swap3A_1006 : i32 to index
          %swap3A_1008 = arith.index_cast %scan3A_934 : i32 to index
          %swap3A_1009 = arith.index_cast %add3A_998 : i32 to index
          %swap3A_1010 = tpu.vector_load %arg8[%swap3A_1007, %swap3A_1008, %swap3A_1009] {strides = array<i32>} : memref<3x8x4096xf32, #tpu.memory_space<vmem>>, vector<1x1x16xf32>,
          %swap3A_1011 = vector.shape_cast %swap3A_1010 : vector<1x1x16xf32> to vector<16xf32>
          %swap3A_1012 = vector.shape_cast %mul3A_1005 : vector<16xf32> to vector<1x1x16xf32>
          tpu.vector_store %arg8[%swap3A_1007, %swap3A_1008, %swap3A_1009], %swap3A_1012 {strides = array<i32>} : memref<3x8x4096xf32, #tpu.memory_space<vmem>>, vector<1x1x16xf32>,
        }
        %scan3A_946 = arith.constant 64 : i32
      }
      %scan3A_933 = arith.constant 8 : i32
    } else {
    }
    %add3A_86 = arith.constant 8 : i32
    %add3A_87 = arith.addi %mul3A_2, %add3A_86 : i32
    %dma_start3A_88 = arith.constant 1 : i32
    %dma_start3A_89 = arith.constant 0 : i32
    %dma_start3A_90 = arith.constant 0 : i32
    %dma_start3A_91 = tpu.memref_slice %arg8[%dma_start3A_88, %dma_start3A_89, %dma_start3A_90] : memref<3x8x4096xf32, #tpu.memory_space<vmem>> -> memref<1x8x4096xf32, #tpu.memory_space<vmem>>
    %dma_start3A_92 = tpu.memref_squeeze %dma_start3A_91 : memref<1x8x4096xf32, #tpu.memory_space<vmem>> -> memref<8x4096xf32, #tpu.memory_space<vmem>>
    %dma_start3A_93 = arith.constant 0 : i32
    %dma_start3A_94 = tpu.memref_slice %arg5[%add3A_87, %dma_start3A_93] : memref<4096x4096xf32, #tpu.memory_space<hbm>> -> memref<8x4096xf32, #tpu.memory_space<hbm>>
    %dma_start3A_95 = arith.constant 0 : i32
    %dma_start3A_96 = tpu.memref_slice %arg5[%add3A_87, %dma_start3A_95] : memref<4096x4096xf32, #tpu.memory_space<hbm>> -> memref<8x4096xf32, #tpu.memory_space<hbm>>
    %dma_start3A_97 = arith.constant 0 : i32
    %dma_start3A_98 = arith.constant 0 : i32
    %dma_start3A_99 = tpu.memref_slice %arg8[%dma_start3A_88, %dma_start3A_97, %dma_start3A_98] : memref<3x8x4096xf32, #tpu.memory_space<vmem>> -> memref<1x8x4096xf32, #tpu.memory_space<vmem>>
    %dma_start3A_100 = tpu.memref_squeeze %dma_start3A_99 : memref<1x8x4096xf32, #tpu.memory_space<vmem>> -> memref<8x4096xf32, #tpu.memory_space<vmem>>
    tpu.enqueue_dma source(%dma_start3A_100 : memref<8x4096xf32, #tpu.memory_space<vmem>>) target(%dma_start3A_96 : memref<8x4096xf32, #tpu.memory_space<hbm>>) target_semaphore(%arg13 : memref<!tpu.dma_semaphore, #tpu.memory_space<semaphore_mem>>)
    %dma_wait3A_101 = arith.constant 0 : i32
    %dma_wait3A_102 = arith.constant 0 : i32
    %dma_wait3A_103 = arith.constant 0 : i32
    %dma_wait3A_104 = tpu.memref_slice %arg8[%dma_wait3A_101, %dma_wait3A_102, %dma_wait3A_103] : memref<3x8x4096xf32, #tpu.memory_space<vmem>> -> memref<1x8x4096xf32, #tpu.memory_space<vmem>>
    %dma_wait3A_105 = tpu.memref_squeeze %dma_wait3A_104 : memref<1x8x4096xf32, #tpu.memory_space<vmem>> -> memref<8x4096xf32, #tpu.memory_space<vmem>>
    %dma_wait3A_106 = arith.constant 0 : i32
    %dma_wait3A_107 = tpu.memref_slice %arg5[%add3A_52, %dma_wait3A_106] : memref<4096x4096xf32, #tpu.memory_space<hbm>> -> memref<8x4096xf32, #tpu.memory_space<hbm>>
    %dma_wait3A_108 = arith.constant 0 : i32
    %dma_wait3A_109 = tpu.memref_slice %arg5[%add3A_52, %dma_wait3A_108] : memref<4096x4096xf32, #tpu.memory_space<hbm>> -> memref<8x4096xf32, #tpu.memory_space<hbm>>
    %dma_wait3A_110 = arith.constant 0 : i32
    %dma_wait3A_111 = arith.constant 0 : i32
    %dma_wait3A_112 = tpu.memref_slice %arg8[%dma_wait3A_101, %dma_wait3A_110, %dma_wait3A_111] : memref<3x8x4096xf32, #tpu.memory_space<vmem>> -> memref<1x8x4096xf32, #tpu.memory_space<vmem>>
    %dma_wait3A_113 = tpu.memref_squeeze %dma_wait3A_112 : memref<1x8x4096xf32, #tpu.memory_space<vmem>> -> memref<8x4096xf32, #tpu.memory_space<vmem>>
    tpu.wait_dma2 semaphore(%arg12 : memref<!tpu.dma_semaphore, #tpu.memory_space<semaphore_mem>>) src(%dma_wait3A_113 : memref<8x4096xf32, #tpu.memory_space<vmem>>) dst(%dma_wait3A_109 : memref<8x4096xf32, #tpu.memory_space<hbm>>)
    %dma_start3A_114 = arith.constant 0 : i32
    %dma_start3A_115 = arith.constant 0 : i32
    %dma_start3A_116 = arith.constant 0 : i32
    %dma_start3A_117 = tpu.memref_slice %arg8[%dma_start3A_114, %dma_start3A_115, %dma_start3A_116] : memref<3x8x4096xf32, #tpu.memory_space<vmem>> -> memref<1x8x4096xf32, #tpu.memory_space<vmem>>
    %dma_start3A_118 = tpu.memref_squeeze %dma_start3A_117 : memref<1x8x4096xf32, #tpu.memory_space<vmem>> -> memref<8x4096xf32, #tpu.memory_space<vmem>>
    %dma_start3A_119 = arith.constant 24 : i32
    %dma_start3A_120 = tpu.memref_slice %arg6[%dma_start3A_119] : memref<160xi32, #tpu.memory_space<vmem>> -> memref<8xi32, #tpu.memory_space<vmem>>
    %dma_start3A_121 = arith.constant 0 : i32
    %dma_start3A_122 = arith.constant 0 : i32
    %dma_start3A_123 = tpu.memref_slice %arg2[%dma_start3A_121, %dma_start3A_122] : memref<4096x4096xf32, #tpu.memory_space<hbm>> -> memref<4096x4096xf32, #tpu.memory_space<hbm>>
    tpu.enqueue_indirect_dma source(%dma_start3A_123 : memref<4096x4096xf32, #tpu.memory_space<hbm>>) target(%dma_start3A_118 : memref<8x4096xf32, #tpu.memory_space<vmem>>) offsets(%dma_start3A_120 : memref<8xi32, #tpu.memory_space<vmem>>) semaphore(%arg9 : memref<!tpu.dma_semaphore, #tpu.memory_space<semaphore_mem>>)
    %dma_wait3A_124 = arith.constant 2 : i32
    %dma_wait3A_125 = arith.constant 0 : i32
    %dma_wait3A_126 = arith.constant 0 : i32
    %dma_wait3A_127 = tpu.memref_slice %arg8[%dma_wait3A_124, %dma_wait3A_125, %dma_wait3A_126] : memref<3x8x4096xf32, #tpu.memory_space<vmem>> -> memref<1x8x4096xf32, #tpu.memory_space<vmem>>
    %dma_wait3A_128 = tpu.memref_squeeze %dma_wait3A_127 : memref<1x8x4096xf32, #tpu.memory_space<vmem>> -> memref<8x4096xf32, #tpu.memory_space<vmem>>
    %dma_wait3A_129 = arith.constant 16 : i32
    %dma_wait3A_130 = tpu.memref_slice %arg6[%dma_wait3A_129] : memref<160xi32, #tpu.memory_space<vmem>> -> memref<8xi32, #tpu.memory_space<vmem>>
    %dma_wait3A_131 = arith.constant 0 : i32
    %dma_wait3A_132 = arith.constant 0 : i32
    %dma_wait3A_133 = tpu.memref_slice %arg2[%dma_wait3A_131, %dma_wait3A_132] : memref<4096x4096xf32, #tpu.memory_space<hbm>> -> memref<4096x4096xf32, #tpu.memory_space<hbm>>
    tpu.wait_indirect_dma semaphore(%arg11 : memref<!tpu.dma_semaphore, #tpu.memory_space<semaphore_mem>>) src(%dma_wait3A_133 : memref<4096x4096xf32, #tpu.memory_space<hbm>>) dst(%dma_wait3A_128 : memref<8x4096xf32, #tpu.memory_space<vmem>>)
    %get3A_134 = arith.constant 128 : index
    %get3A_135 = tpu.vector_load %arg6[%get3A_134] {strides = array<i32>} : memref<160xi32, #tpu.memory_space<vmem>>, vector<16xi32>,
    %get3A_136 = vector.shape_cast %get3A_135 : vector<16xi32> to vector<16xi32>
    %slice3A_137 = vector.extract_strided_slice %get3A_136 {offsets = [2], sizes = [1], strides = [1]} : vector<16xi32> to vector<1xi32>
    %squeeze3A_138 = vector.extract %slice3A_137[0] : i32 from vector<1xi32>
    %ne3A_139 = arith.constant 0 : i32
    %ne3A_140 = arith.cmpi ne, %squeeze3A_138, %ne3A_139 : i32
    %convert_element_type3A_141 = arith.extui %ne3A_140 : i1 to i32
    %cond3A_142 = arith.constant 0 : i32
    %cond3A_143 = arith.cmpi ne, %convert_element_type3A_141, %cond3A_142 : i32
    scf.if %cond3A_143 {
      %scan3A = arith.constant 0 : i32
      %scan3A_929 = arith.constant 0 : i32
      %scan3A_930 = arith.constant 8 : i32
      %scan3A_931 = arith.addi %scan3A_929, %scan3A_930 : i32
      %scan3A_932 = arith.constant 1 : i32
      scf.for %scan3A_934 = %scan3A_929 to %scan3A_931 step %scan3A_932  : i32 {
        %add3A_935 = arith.constant 16 : i32
        %add3A_936 = arith.addi %add3A_935, %scan3A_934 : i32
        %mul3A_937 = arith.constant 16 : i32
        %mul3A_938 = arith.muli %add3A_936, %mul3A_937 : i32
        %get3A_939 = arith.index_cast %mul3A_938 : i32 to index
        %get3A_940 = tpu.vector_load %arg7[%get3A_939] {strides = array<i32>} : memref<2048xf32, #tpu.memory_space<vmem>>, vector<16xf32>,
        %get3A_941 = vector.shape_cast %get3A_940 : vector<16xf32> to vector<16xf32>
        %scan3A_942 = arith.constant 0 : i32
        %scan3A_943 = arith.constant 64 : i32
        %scan3A_944 = arith.addi %scan3A_942, %scan3A_943 : i32
        %scan3A_945 = arith.constant 1 : i32
        scf.for %scan3A_947 = %scan3A_942 to %scan3A_944 step %scan3A_945  : i32 {
          %mul3A_948 = arith.constant 64 : i32
          %mul3A_949 = arith.muli %scan3A_947, %mul3A_948 : i32
          %add3A_950 = arith.constant 0 : i32
          %add3A_951 = arith.addi %mul3A_949, %add3A_950 : i32
          %get3A_952 = arith.constant 2 : i32
          %get3A_953 = arith.index_cast %get3A_952 : i32 to index
          %get3A_954 = arith.index_cast %scan3A_934 : i32 to index
          %get3A_955 = arith.index_cast %add3A_951 : i32 to index
          %get3A_956 = tpu.vector_load %arg8[%get3A_953, %get3A_954, %get3A_955] {strides = array<i32>} : memref<3x8x4096xf32, #tpu.memory_space<vmem>>, vector<1x1x16xf32>,
          %get3A_957 = vector.shape_cast %get3A_956 : vector<1x1x16xf32> to vector<16xf32>
          %mul3A_958 = arith.mulf %get3A_957, %get3A_941 : vector<16xf32>
          %swap3A = arith.constant 2 : i32
          %swap3A_959 = arith.index_cast %swap3A : i32 to index
          %swap3A_960 = arith.index_cast %scan3A_934 : i32 to index
          %swap3A_961 = arith.index_cast %add3A_951 : i32 to index
          %swap3A_962 = tpu.vector_load %arg8[%swap3A_959, %swap3A_960, %swap3A_961] {strides = array<i32>} : memref<3x8x4096xf32, #tpu.memory_space<vmem>>, vector<1x1x16xf32>,
          %swap3A_963 = vector.shape_cast %swap3A_962 : vector<1x1x16xf32> to vector<16xf32>
          %swap3A_964 = vector.shape_cast %mul3A_958 : vector<16xf32> to vector<1x1x16xf32>
          tpu.vector_store %arg8[%swap3A_959, %swap3A_960, %swap3A_961], %swap3A_964 {strides = array<i32>} : memref<3x8x4096xf32, #tpu.memory_space<vmem>>, vector<1x1x16xf32>,
          %add3A_965 = arith.constant 16 : i32
          %add3A_966 = arith.addi %mul3A_949, %add3A_965 : i32
          %get3A_967 = arith.constant 2 : i32
          %get3A_968 = arith.index_cast %get3A_967 : i32 to index
          %get3A_969 = arith.index_cast %scan3A_934 : i32 to index
          %get3A_970 = arith.index_cast %add3A_966 : i32 to index
          %get3A_971 = tpu.vector_load %arg8[%get3A_968, %get3A_969, %get3A_970] {strides = array<i32>} : memref<3x8x4096xf32, #tpu.memory_space<vmem>>, vector<1x1x16xf32>,
          %get3A_972 = vector.shape_cast %get3A_971 : vector<1x1x16xf32> to vector<16xf32>
          %mul3A_973 = arith.mulf %get3A_972, %get3A_941 : vector<16xf32>
          %swap3A_974 = arith.constant 2 : i32
          %swap3A_975 = arith.index_cast %swap3A_974 : i32 to index
          %swap3A_976 = arith.index_cast %scan3A_934 : i32 to index
          %swap3A_977 = arith.index_cast %add3A_966 : i32 to index
          %swap3A_978 = tpu.vector_load %arg8[%swap3A_975, %swap3A_976, %swap3A_977] {strides = array<i32>} : memref<3x8x4096xf32, #tpu.memory_space<vmem>>, vector<1x1x16xf32>,
          %swap3A_979 = vector.shape_cast %swap3A_978 : vector<1x1x16xf32> to vector<16xf32>
          %swap3A_980 = vector.shape_cast %mul3A_973 : vector<16xf32> to vector<1x1x16xf32>
          tpu.vector_store %arg8[%swap3A_975, %swap3A_976, %swap3A_977], %swap3A_980 {strides = array<i32>} : memref<3x8x4096xf32, #tpu.memory_space<vmem>>, vector<1x1x16xf32>,
          %add3A_981 = arith.constant 32 : i32
          %add3A_982 = arith.addi %mul3A_949, %add3A_981 : i32
          %get3A_983 = arith.constant 2 : i32
          %get3A_984 = arith.index_cast %get3A_983 : i32 to index
          %get3A_985 = arith.index_cast %scan3A_934 : i32 to index
          %get3A_986 = arith.index_cast %add3A_982 : i32 to index
          %get3A_987 = tpu.vector_load %arg8[%get3A_984, %get3A_985, %get3A_986] {strides = array<i32>} : memref<3x8x4096xf32, #tpu.memory_space<vmem>>, vector<1x1x16xf32>,
          %get3A_988 = vector.shape_cast %get3A_987 : vector<1x1x16xf32> to vector<16xf32>
          %mul3A_989 = arith.mulf %get3A_988, %get3A_941 : vector<16xf32>
          %swap3A_990 = arith.constant 2 : i32
          %swap3A_991 = arith.index_cast %swap3A_990 : i32 to index
          %swap3A_992 = arith.index_cast %scan3A_934 : i32 to index
          %swap3A_993 = arith.index_cast %add3A_982 : i32 to index
          %swap3A_994 = tpu.vector_load %arg8[%swap3A_991, %swap3A_992, %swap3A_993] {strides = array<i32>} : memref<3x8x4096xf32, #tpu.memory_space<vmem>>, vector<1x1x16xf32>,
          %swap3A_995 = vector.shape_cast %swap3A_994 : vector<1x1x16xf32> to vector<16xf32>
          %swap3A_996 = vector.shape_cast %mul3A_989 : vector<16xf32> to vector<1x1x16xf32>
          tpu.vector_store %arg8[%swap3A_991, %swap3A_992, %swap3A_993], %swap3A_996 {strides = array<i32>} : memref<3x8x4096xf32, #tpu.memory_space<vmem>>, vector<1x1x16xf32>,
          %add3A_997 = arith.constant 48 : i32
          %add3A_998 = arith.addi %mul3A_949, %add3A_997 : i32
          %get3A_999 = arith.constant 2 : i32
          %get3A_1000 = arith.index_cast %get3A_999 : i32 to index
          %get3A_1001 = arith.index_cast %scan3A_934 : i32 to index
          %get3A_1002 = arith.index_cast %add3A_998 : i32 to index
          %get3A_1003 = tpu.vector_load %arg8[%get3A_1000, %get3A_1001, %get3A_1002] {strides = array<i32>} : memref<3x8x4096xf32, #tpu.memory_space<vmem>>, vector<1x1x16xf32>,
          %get3A_1004 = vector.shape_cast %get3A_1003 : vector<1x1x16xf32> to vector<16xf32>
          %mul3A_1005 = arith.mulf %get3A_1004, %get3A_941 : vector<16xf32>
          %swap3A_1006 = arith.constant 2 : i32
          %swap3A_1007 = arith.index_cast %swap3A_1006 : i32 to index
          %swap3A_1008 = arith.index_cast %scan3A_934 : i32 to index
          %swap3A_1009 = arith.index_cast %add3A_998 : i32 to index
          %swap3A_1010 = tpu.vector_load %arg8[%swap3A_1007, %swap3A_1008, %swap3A_1009] {strides = array<i32>} : memref<3x8x4096xf32, #tpu.memory_space<vmem>>, vector<1x1x16xf32>,
          %swap3A_1011 = vector.shape_cast %swap3A_1010 : vector<1x1x16xf32> to vector<16xf32>
          %swap3A_1012 = vector.shape_cast %mul3A_1005 : vector<16xf32> to vector<1x1x16xf32>
          tpu.vector_store %arg8[%swap3A_1007, %swap3A_1008, %swap3A_1009], %swap3A_1012 {strides = array<i32>} : memref<3x8x4096xf32, #tpu.memory_space<vmem>>, vector<1x1x16xf32>,
        }
        %scan3A_946 = arith.constant 64 : i32
      }
      %scan3A_933 = arith.constant 8 : i32
    } else {
    }
    %add3A_144 = arith.constant 16 : i32
    %add3A_145 = arith.addi %mul3A_2, %add3A_144 : i32
    %dma_start3A_146 = arith.constant 2 : i32
    %dma_start3A_147 = arith.constant 0 : i32
    %dma_start3A_148 = arith.constant 0 : i32
    %dma_start3A_149 = tpu.memref_slice %arg8[%dma_start3A_146, %dma_start3A_147, %dma_start3A_148] : memref<3x8x4096xf32, #tpu.memory_space<vmem>> -> memref<1x8x4096xf32, #tpu.memory_space<vmem>>
    %dma_start3A_150 = tpu.memref_squeeze %dma_start3A_149 : memref<1x8x4096xf32, #tpu.memory_space<vmem>> -> memref<8x4096xf32, #tpu.memory_space<vmem>>
    %dma_start3A_151 = arith.constant 0 : i32
    %dma_start3A_152 = tpu.memref_slice %arg5[%add3A_145, %dma_start3A_151] : memref<4096x4096xf32, #tpu.memory_space<hbm>> -> memref<8x4096xf32, #tpu.memory_space<hbm>>
    %dma_start3A_153 = arith.constant 0 : i32
    %dma_start3A_154 = tpu.memref_slice %arg5[%add3A_145, %dma_start3A_153] : memref<4096x4096xf32, #tpu.memory_space<hbm>> -> memref<8x4096xf32, #tpu.memory_space<hbm>>
    %dma_start3A_155 = arith.constant 0 : i32
    %dma_start3A_156 = arith.constant 0 : i32
    %dma_start3A_157 = tpu.memref_slice %arg8[%dma_start3A_146, %dma_start3A_155, %dma_start3A_156] : memref<3x8x4096xf32, #tpu.memory_space<vmem>> -> memref<1x8x4096xf32, #tpu.memory_space<vmem>>
    %dma_start3A_158 = tpu.memref_squeeze %dma_start3A_157 : memref<1x8x4096xf32, #tpu.memory_space<vmem>> -> memref<8x4096xf32, #tpu.memory_space<vmem>>
    tpu.enqueue_dma source(%dma_start3A_158 : memref<8x4096xf32, #tpu.memory_space<vmem>>) target(%dma_start3A_154 : memref<8x4096xf32, #tpu.memory_space<hbm>>) target_semaphore(%arg14 : memref<!tpu.dma_semaphore, #tpu.memory_space<semaphore_mem>>)
    %dma_wait3A_159 = arith.constant 1 : i32
    %dma_wait3A_160 = arith.constant 0 : i32
    %dma_wait3A_161 = arith.constant 0 : i32
    %dma_wait3A_162 = tpu.memref_slice %arg8[%dma_wait3A_159, %dma_wait3A_160, %dma_wait3A_161] : memref<3x8x4096xf32, #tpu.memory_space<vmem>> -> memref<1x8x4096xf32, #tpu.memory_space<vmem>>
    %dma_wait3A_163 = tpu.memref_squeeze %dma_wait3A_162 : memref<1x8x4096xf32, #tpu.memory_space<vmem>> -> memref<8x4096xf32, #tpu.memory_space<vmem>>
    %dma_wait3A_164 = arith.constant 0 : i32
    %dma_wait3A_165 = tpu.memref_slice %arg5[%add3A_87, %dma_wait3A_164] : memref<4096x4096xf32, #tpu.memory_space<hbm>> -> memref<8x4096xf32, #tpu.memory_space<hbm>>
    %dma_wait3A_166 = arith.constant 0 : i32
    %dma_wait3A_167 = tpu.memref_slice %arg5[%add3A_87, %dma_wait3A_166] : memref<4096x4096xf32, #tpu.memory_space<hbm>> -> memref<8x4096xf32, #tpu.memory_space<hbm>>
    %dma_wait3A_168 = arith.constant 0 : i32
    %dma_wait3A_169 = arith.constant 0 : i32
    %dma_wait3A_170 = tpu.memref_slice %arg8[%dma_wait3A_159, %dma_wait3A_168, %dma_wait3A_169] : memref<3x8x4096xf32, #tpu.memory_space<vmem>> -> memref<1x8x4096xf32, #tpu.memory_space<vmem>>
    %dma_wait3A_171 = tpu.memref_squeeze %dma_wait3A_170 : memref<1x8x4096xf32, #tpu.memory_space<vmem>> -> memref<8x4096xf32, #tpu.memory_space<vmem>>
    tpu.wait_dma2 semaphore(%arg13 : memref<!tpu.dma_semaphore, #tpu.memory_space<semaphore_mem>>) src(%dma_wait3A_171 : memref<8x4096xf32, #tpu.memory_space<vmem>>) dst(%dma_wait3A_167 : memref<8x4096xf32, #tpu.memory_space<hbm>>)
    %dma_start3A_172 = arith.constant 1 : i32
    %dma_start3A_173 = arith.constant 0 : i32
    %dma_start3A_174 = arith.constant 0 : i32
    %dma_start3A_175 = tpu.memref_slice %arg8[%dma_start3A_172, %dma_start3A_173, %dma_start3A_174] : memref<3x8x4096xf32, #tpu.memory_space<vmem>> -> memref<1x8x4096xf32, #tpu.memory_space<vmem>>
    %dma_start3A_176 = tpu.memref_squeeze %dma_start3A_175 : memref<1x8x4096xf32, #tpu.memory_space<vmem>> -> memref<8x4096xf32, #tpu.memory_space<vmem>>
    %dma_start3A_177 = arith.constant 32 : i32
    %dma_start3A_178 = tpu.memref_slice %arg6[%dma_start3A_177] : memref<160xi32, #tpu.memory_space<vmem>> -> memref<8xi32, #tpu.memory_space<vmem>>
    %dma_start3A_179 = arith.constant 0 : i32
    %dma_start3A_180 = arith.constant 0 : i32
    %dma_start3A_181 = tpu.memref_slice %arg2[%dma_start3A_179, %dma_start3A_180] : memref<4096x4096xf32, #tpu.memory_space<hbm>> -> memref<4096x4096xf32, #tpu.memory_space<hbm>>
    tpu.enqueue_indirect_dma source(%dma_start3A_181 : memref<4096x4096xf32, #tpu.memory_space<hbm>>) target(%dma_start3A_176 : memref<8x4096xf32, #tpu.memory_space<vmem>>) offsets(%dma_start3A_178 : memref<8xi32, #tpu.memory_space<vmem>>) semaphore(%arg10 : memref<!tpu.dma_semaphore, #tpu.memory_space<semaphore_mem>>)
    %dma_wait3A_182 = arith.constant 0 : i32
    %dma_wait3A_183 = arith.constant 0 : i32
    %dma_wait3A_184 = arith.constant 0 : i32
    %dma_wait3A_185 = tpu.memref_slice %arg8[%dma_wait3A_182, %dma_wait3A_183, %dma_wait3A_184] : memref<3x8x4096xf32, #tpu.memory_space<vmem>> -> memref<1x8x4096xf32, #tpu.memory_space<vmem>>
    %dma_wait3A_186 = tpu.memref_squeeze %dma_wait3A_185 : memref<1x8x4096xf32, #tpu.memory_space<vmem>> -> memref<8x4096xf32, #tpu.memory_space<vmem>>
    %dma_wait3A_187 = arith.constant 24 : i32
    %dma_wait3A_188 = tpu.memref_slice %arg6[%dma_wait3A_187] : memref<160xi32, #tpu.memory_space<vmem>> -> memref<8xi32, #tpu.memory_space<vmem>>
    %dma_wait3A_189 = arith.constant 0 : i32
    %dma_wait3A_190 = arith.constant 0 : i32
    %dma_wait3A_191 = tpu.memref_slice %arg2[%dma_wait3A_189, %dma_wait3A_190] : memref<4096x4096xf32, #tpu.memory_space<hbm>> -> memref<4096x4096xf32, #tpu.memory_space<hbm>>
    tpu.wait_indirect_dma semaphore(%arg9 : memref<!tpu.dma_semaphore, #tpu.memory_space<semaphore_mem>>) src(%dma_wait3A_191 : memref<4096x4096xf32, #tpu.memory_space<hbm>>) dst(%dma_wait3A_186 : memref<8x4096xf32, #tpu.memory_space<vmem>>)
    %get3A_192 = arith.constant 128 : index
    %get3A_193 = tpu.vector_load %arg6[%get3A_192] {strides = array<i32>} : memref<160xi32, #tpu.memory_space<vmem>>, vector<16xi32>,
    %get3A_194 = vector.shape_cast %get3A_193 : vector<16xi32> to vector<16xi32>
    %slice3A_195 = vector.extract_strided_slice %get3A_194 {offsets = [3], sizes = [1], strides = [1]} : vector<16xi32> to vector<1xi32>
    %squeeze3A_196 = vector.extract %slice3A_195[0] : i32 from vector<1xi32>
    %ne3A_197 = arith.constant 0 : i32
    %ne3A_198 = arith.cmpi ne, %squeeze3A_196, %ne3A_197 : i32
    %convert_element_type3A_199 = arith.extui %ne3A_198 : i1 to i32
    %cond3A_200 = arith.constant 0 : i32
    %cond3A_201 = arith.cmpi ne, %convert_element_type3A_199, %cond3A_200 : i32
    scf.if %cond3A_201 {
      %scan3A = arith.constant 0 : i32
      %scan3A_929 = arith.constant 0 : i32
      %scan3A_930 = arith.constant 8 : i32
      %scan3A_931 = arith.addi %scan3A_929, %scan3A_930 : i32
      %scan3A_932 = arith.constant 1 : i32
      scf.for %scan3A_934 = %scan3A_929 to %scan3A_931 step %scan3A_932  : i32 {
        %add3A_935 = arith.constant 24 : i32
        %add3A_936 = arith.addi %add3A_935, %scan3A_934 : i32
        %mul3A_937 = arith.constant 16 : i32
        %mul3A_938 = arith.muli %add3A_936, %mul3A_937 : i32
        %get3A_939 = arith.index_cast %mul3A_938 : i32 to index
        %get3A_940 = tpu.vector_load %arg7[%get3A_939] {strides = array<i32>} : memref<2048xf32, #tpu.memory_space<vmem>>, vector<16xf32>,
        %get3A_941 = vector.shape_cast %get3A_940 : vector<16xf32> to vector<16xf32>
        %scan3A_942 = arith.constant 0 : i32
        %scan3A_943 = arith.constant 64 : i32
        %scan3A_944 = arith.addi %scan3A_942, %scan3A_943 : i32
        %scan3A_945 = arith.constant 1 : i32
        scf.for %scan3A_947 = %scan3A_942 to %scan3A_944 step %scan3A_945  : i32 {
          %mul3A_948 = arith.constant 64 : i32
          %mul3A_949 = arith.muli %scan3A_947, %mul3A_948 : i32
          %add3A_950 = arith.constant 0 : i32
          %add3A_951 = arith.addi %mul3A_949, %add3A_950 : i32
          %get3A_952 = arith.constant 0 : i32
          %get3A_953 = arith.index_cast %get3A_952 : i32 to index
          %get3A_954 = arith.index_cast %scan3A_934 : i32 to index
          %get3A_955 = arith.index_cast %add3A_951 : i32 to index
          %get3A_956 = tpu.vector_load %arg8[%get3A_953, %get3A_954, %get3A_955] {strides = array<i32>} : memref<3x8x4096xf32, #tpu.memory_space<vmem>>, vector<1x1x16xf32>,
          %get3A_957 = vector.shape_cast %get3A_956 : vector<1x1x16xf32> to vector<16xf32>
          %mul3A_958 = arith.mulf %get3A_957, %get3A_941 : vector<16xf32>
          %swap3A = arith.constant 0 : i32
          %swap3A_959 = arith.index_cast %swap3A : i32 to index
          %swap3A_960 = arith.index_cast %scan3A_934 : i32 to index
          %swap3A_961 = arith.index_cast %add3A_951 : i32 to index
          %swap3A_962 = tpu.vector_load %arg8[%swap3A_959, %swap3A_960, %swap3A_961] {strides = array<i32>} : memref<3x8x4096xf32, #tpu.memory_space<vmem>>, vector<1x1x16xf32>,
          %swap3A_963 = vector.shape_cast %swap3A_962 : vector<1x1x16xf32> to vector<16xf32>
          %swap3A_964 = vector.shape_cast %mul3A_958 : vector<16xf32> to vector<1x1x16xf32>
          tpu.vector_store %arg8[%swap3A_959, %swap3A_960, %swap3A_961], %swap3A_964 {strides = array<i32>} : memref<3x8x4096xf32, #tpu.memory_space<vmem>>, vector<1x1x16xf32>,
          %add3A_965 = arith.constant 16 : i32
          %add3A_966 = arith.addi %mul3A_949, %add3A_965 : i32
          %get3A_967 = arith.constant 0 : i32
          %get3A_968 = arith.index_cast %get3A_967 : i32 to index
          %get3A_969 = arith.index_cast %scan3A_934 : i32 to index
          %get3A_970 = arith.index_cast %add3A_966 : i32 to index
          %get3A_971 = tpu.vector_load %arg8[%get3A_968, %get3A_969, %get3A_970] {strides = array<i32>} : memref<3x8x4096xf32, #tpu.memory_space<vmem>>, vector<1x1x16xf32>,
          %get3A_972 = vector.shape_cast %get3A_971 : vector<1x1x16xf32> to vector<16xf32>
          %mul3A_973 = arith.mulf %get3A_972, %get3A_941 : vector<16xf32>
          %swap3A_974 = arith.constant 0 : i32
          %swap3A_975 = arith.index_cast %swap3A_974 : i32 to index
          %swap3A_976 = arith.index_cast %scan3A_934 : i32 to index
          %swap3A_977 = arith.index_cast %add3A_966 : i32 to index
          %swap3A_978 = tpu.vector_load %arg8[%swap3A_975, %swap3A_976, %swap3A_977] {strides = array<i32>} : memref<3x8x4096xf32, #tpu.memory_space<vmem>>, vector<1x1x16xf32>,
          %swap3A_979 = vector.shape_cast %swap3A_978 : vector<1x1x16xf32> to vector<16xf32>
          %swap3A_980 = vector.shape_cast %mul3A_973 : vector<16xf32> to vector<1x1x16xf32>
          tpu.vector_store %arg8[%swap3A_975, %swap3A_976, %swap3A_977], %swap3A_980 {strides = array<i32>} : memref<3x8x4096xf32, #tpu.memory_space<vmem>>, vector<1x1x16xf32>,
          %add3A_981 = arith.constant 32 : i32
          %add3A_982 = arith.addi %mul3A_949, %add3A_981 : i32
          %get3A_983 = arith.constant 0 : i32
          %get3A_984 = arith.index_cast %get3A_983 : i32 to index
          %get3A_985 = arith.index_cast %scan3A_934 : i32 to index
          %get3A_986 = arith.index_cast %add3A_982 : i32 to index
          %get3A_987 = tpu.vector_load %arg8[%get3A_984, %get3A_985, %get3A_986] {strides = array<i32>} : memref<3x8x4096xf32, #tpu.memory_space<vmem>>, vector<1x1x16xf32>,
          %get3A_988 = vector.shape_cast %get3A_987 : vector<1x1x16xf32> to vector<16xf32>
          %mul3A_989 = arith.mulf %get3A_988, %get3A_941 : vector<16xf32>
          %swap3A_990 = arith.constant 0 : i32
          %swap3A_991 = arith.index_cast %swap3A_990 : i32 to index
          %swap3A_992 = arith.index_cast %scan3A_934 : i32 to index
          %swap3A_993 = arith.index_cast %add3A_982 : i32 to index
          %swap3A_994 = tpu.vector_load %arg8[%swap3A_991, %swap3A_992, %swap3A_993] {strides = array<i32>} : memref<3x8x4096xf32, #tpu.memory_space<vmem>>, vector<1x1x16xf32>,
          %swap3A_995 = vector.shape_cast %swap3A_994 : vector<1x1x16xf32> to vector<16xf32>
          %swap3A_996 = vector.shape_cast %mul3A_989 : vector<16xf32> to vector<1x1x16xf32>
          tpu.vector_store %arg8[%swap3A_991, %swap3A_992, %swap3A_993], %swap3A_996 {strides = array<i32>} : memref<3x8x4096xf32, #tpu.memory_space<vmem>>, vector<1x1x16xf32>,
          %add3A_997 = arith.constant 48 : i32
          %add3A_998 = arith.addi %mul3A_949, %add3A_997 : i32
          %get3A_999 = arith.constant 0 : i32
          %get3A_1000 = arith.index_cast %get3A_999 : i32 to index
          %get3A_1001 = arith.index_cast %scan3A_934 : i32 to index
          %get3A_1002 = arith.index_cast %add3A_998 : i32 to index
          %get3A_1003 = tpu.vector_load %arg8[%get3A_1000, %get3A_1001, %get3A_1002] {strides = array<i32>} : memref<3x8x4096xf32, #tpu.memory_space<vmem>>, vector<1x1x16xf32>,
          %get3A_1004 = vector.shape_cast %get3A_1003 : vector<1x1x16xf32> to vector<16xf32>
          %mul3A_1005 = arith.mulf %get3A_1004, %get3A_941 : vector<16xf32>
          %swap3A_1006 = arith.constant 0 : i32
          %swap3A_1007 = arith.index_cast %swap3A_1006 : i32 to index
          %swap3A_1008 = arith.index_cast %scan3A_934 : i32 to index
          %swap3A_1009 = arith.index_cast %add3A_998 : i32 to index
          %swap3A_1010 = tpu.vector_load %arg8[%swap3A_1007, %swap3A_1008, %swap3A_1009] {strides = array<i32>} : memref<3x8x4096xf32, #tpu.memory_space<vmem>>, vector<1x1x16xf32>,
          %swap3A_1011 = vector.shape_cast %swap3A_1010 : vector<1x1x16xf32> to vector<16xf32>
          %swap3A_1012 = vector.shape_cast %mul3A_1005 : vector<16xf32> to vector<1x1x16xf32>
          tpu.vector_store %arg8[%swap3A_1007, %swap3A_1008, %swap3A_1009], %swap3A_1012 {strides = array<i32>} : memref<3x8x4096xf32, #tpu.memory_space<vmem>>, vector<1x1x16xf32>,
        }
        %scan3A_946 = arith.constant 64 : i32
      }
      %scan3A_933 = arith.constant 8 : i32
    } else {
    }
    %add3A_202 = arith.constant 24 : i32
    %add3A_203 = arith.addi %mul3A_2, %add3A_202 : i32
    %dma_start3A_204 = arith.constant 0 : i32
    %dma_start3A_205 = arith.constant 0 : i32
    %dma_start3A_206 = arith.constant 0 : i32
    %dma_start3A_207 = tpu.memref_slice %arg8[%dma_start3A_204, %dma_start3A_205, %dma_start3A_206] : memref<3x8x4096xf32, #tpu.memory_space<vmem>> -> memref<1x8x4096xf32, #tpu.memory_space<vmem>>
    %dma_start3A_208 = tpu.memref_squeeze %dma_start3A_207 : memref<1x8x4096xf32, #tpu.memory_space<vmem>> -> memref<8x4096xf32, #tpu.memory_space<vmem>>
    %dma_start3A_209 = arith.constant 0 : i32
    %dma_start3A_210 = tpu.memref_slice %arg5[%add3A_203, %dma_start3A_209] : memref<4096x4096xf32, #tpu.memory_space<hbm>> -> memref<8x4096xf32, #tpu.memory_space<hbm>>
    %dma_start3A_211 = arith.constant 0 : i32
    %dma_start3A_212 = tpu.memref_slice %arg5[%add3A_203, %dma_start3A_211] : memref<4096x4096xf32, #tpu.memory_space<hbm>> -> memref<8x4096xf32, #tpu.memory_space<hbm>>
    %dma_start3A_213 = arith.constant 0 : i32
    %dma_start3A_214 = arith.constant 0 : i32
    %dma_start3A_215 = tpu.memref_slice %arg8[%dma_start3A_204, %dma_start3A_213, %dma_start3A_214] : memref<3x8x4096xf32, #tpu.memory_space<vmem>> -> memref<1x8x4096xf32, #tpu.memory_space<vmem>>
    %dma_start3A_216 = tpu.memref_squeeze %dma_start3A_215 : memref<1x8x4096xf32, #tpu.memory_space<vmem>> -> memref<8x4096xf32, #tpu.memory_space<vmem>>
    tpu.enqueue_dma source(%dma_start3A_216 : memref<8x4096xf32, #tpu.memory_space<vmem>>) target(%dma_start3A_212 : memref<8x4096xf32, #tpu.memory_space<hbm>>) target_semaphore(%arg12 : memref<!tpu.dma_semaphore, #tpu.memory_space<semaphore_mem>>)
    %dma_wait3A_217 = arith.constant 2 : i32
    %dma_wait3A_218 = arith.constant 0 : i32
    %dma_wait3A_219 = arith.constant 0 : i32
    %dma_wait3A_220 = tpu.memref_slice %arg8[%dma_wait3A_217, %dma_wait3A_218, %dma_wait3A_219] : memref<3x8x4096xf32, #tpu.memory_space<vmem>> -> memref<1x8x4096xf32, #tpu.memory_space<vmem>>
    %dma_wait3A_221 = tpu.memref_squeeze %dma_wait3A_220 : memref<1x8x4096xf32, #tpu.memory_space<vmem>> -> memref<8x4096xf32, #tpu.memory_space<vmem>>
    %dma_wait3A_222 = arith.constant 0 : i32
    %dma_wait3A_223 = tpu.memref_slice %arg5[%add3A_145, %dma_wait3A_222] : memref<4096x4096xf32, #tpu.memory_space<hbm>> -> memref<8x4096xf32, #tpu.memory_space<hbm>>
    %dma_wait3A_224 = arith.constant 0 : i32
    %dma_wait3A_225 = tpu.memref_slice %arg5[%add3A_145, %dma_wait3A_224] : memref<4096x4096xf32, #tpu.memory_space<hbm>> -> memref<8x4096xf32, #tpu.memory_space<hbm>>
    %dma_wait3A_226 = arith.constant 0 : i32
    %dma_wait3A_227 = arith.constant 0 : i32
    %dma_wait3A_228 = tpu.memref_slice %arg8[%dma_wait3A_217, %dma_wait3A_226, %dma_wait3A_227] : memref<3x8x4096xf32, #tpu.memory_space<vmem>> -> memref<1x8x4096xf32, #tpu.memory_space<vmem>>
    %dma_wait3A_229 = tpu.memref_squeeze %dma_wait3A_228 : memref<1x8x4096xf32, #tpu.memory_space<vmem>> -> memref<8x4096xf32, #tpu.memory_space<vmem>>
    tpu.wait_dma2 semaphore(%arg14 : memref<!tpu.dma_semaphore, #tpu.memory_space<semaphore_mem>>) src(%dma_wait3A_229 : memref<8x4096xf32, #tpu.memory_space<vmem>>) dst(%dma_wait3A_225 : memref<8x4096xf32, #tpu.memory_space<hbm>>)
    %dma_start3A_230 = arith.constant 2 : i32
    %dma_start3A_231 = arith.constant 0 : i32
    %dma_start3A_232 = arith.constant 0 : i32
    %dma_start3A_233 = tpu.memref_slice %arg8[%dma_start3A_230, %dma_start3A_231, %dma_start3A_232] : memref<3x8x4096xf32, #tpu.memory_space<vmem>> -> memref<1x8x4096xf32, #tpu.memory_space<vmem>>
    %dma_start3A_234 = tpu.memref_squeeze %dma_start3A_233 : memref<1x8x4096xf32, #tpu.memory_space<vmem>> -> memref<8x4096xf32, #tpu.memory_space<vmem>>
    %dma_start3A_235 = arith.constant 40 : i32
    %dma_start3A_236 = tpu.memref_slice %arg6[%dma_start3A_235] : memref<160xi32, #tpu.memory_space<vmem>> -> memref<8xi32, #tpu.memory_space<vmem>>
    %dma_start3A_237 = arith.constant 0 : i32
    %dma_start3A_238 = arith.constant 0 : i32
    %dma_start3A_239 = tpu.memref_slice %arg2[%dma_start3A_237, %dma_start3A_238] : memref<4096x4096xf32, #tpu.memory_space<hbm>> -> memref<4096x4096xf32, #tpu.memory_space<hbm>>
    tpu.enqueue_indirect_dma source(%dma_start3A_239 : memref<4096x4096xf32, #tpu.memory_space<hbm>>) target(%dma_start3A_234 : memref<8x4096xf32, #tpu.memory_space<vmem>>) offsets(%dma_start3A_236 : memref<8xi32, #tpu.memory_space<vmem>>) semaphore(%arg11 : memref<!tpu.dma_semaphore, #tpu.memory_space<semaphore_mem>>)
    %dma_wait3A_240 = arith.constant 1 : i32
    %dma_wait3A_241 = arith.constant 0 : i32
    %dma_wait3A_242 = arith.constant 0 : i32
    %dma_wait3A_243 = tpu.memref_slice %arg8[%dma_wait3A_240, %dma_wait3A_241, %dma_wait3A_242] : memref<3x8x4096xf32, #tpu.memory_space<vmem>> -> memref<1x8x4096xf32, #tpu.memory_space<vmem>>
    %dma_wait3A_244 = tpu.memref_squeeze %dma_wait3A_243 : memref<1x8x4096xf32, #tpu.memory_space<vmem>> -> memref<8x4096xf32, #tpu.memory_space<vmem>>
    %dma_wait3A_245 = arith.constant 32 : i32
    %dma_wait3A_246 = tpu.memref_slice %arg6[%dma_wait3A_245] : memref<160xi32, #tpu.memory_space<vmem>> -> memref<8xi32, #tpu.memory_space<vmem>>
    %dma_wait3A_247 = arith.constant 0 : i32
    %dma_wait3A_248 = arith.constant 0 : i32
    %dma_wait3A_249 = tpu.memref_slice %arg2[%dma_wait3A_247, %dma_wait3A_248] : memref<4096x4096xf32, #tpu.memory_space<hbm>> -> memref<4096x4096xf32, #tpu.memory_space<hbm>>
    tpu.wait_indirect_dma semaphore(%arg10 : memref<!tpu.dma_semaphore, #tpu.memory_space<semaphore_mem>>) src(%dma_wait3A_249 : memref<4096x4096xf32, #tpu.memory_space<hbm>>) dst(%dma_wait3A_244 : memref<8x4096xf32, #tpu.memory_space<vmem>>)
    %get3A_250 = arith.constant 128 : index
    %get3A_251 = tpu.vector_load %arg6[%get3A_250] {strides = array<i32>} : memref<160xi32, #tpu.memory_space<vmem>>, vector<16xi32>,
    %get3A_252 = vector.shape_cast %get3A_251 : vector<16xi32> to vector<16xi32>
    %slice3A_253 = vector.extract_strided_slice %get3A_252 {offsets = [4], sizes = [1], strides = [1]} : vector<16xi32> to vector<1xi32>
    %squeeze3A_254 = vector.extract %slice3A_253[0] : i32 from vector<1xi32>
    %ne3A_255 = arith.constant 0 : i32
    %ne3A_256 = arith.cmpi ne, %squeeze3A_254, %ne3A_255 : i32
    %convert_element_type3A_257 = arith.extui %ne3A_256 : i1 to i32
    %cond3A_258 = arith.constant 0 : i32
    %cond3A_259 = arith.cmpi ne, %convert_element_type3A_257, %cond3A_258 : i32
    scf.if %cond3A_259 {
      %scan3A = arith.constant 0 : i32
      %scan3A_929 = arith.constant 0 : i32
      %scan3A_930 = arith.constant 8 : i32
      %scan3A_931 = arith.addi %scan3A_929, %scan3A_930 : i32
      %scan3A_932 = arith.constant 1 : i32
      scf.for %scan3A_934 = %scan3A_929 to %scan3A_931 step %scan3A_932  : i32 {
        %add3A_935 = arith.constant 32 : i32
        %add3A_936 = arith.addi %add3A_935, %scan3A_934 : i32
        %mul3A_937 = arith.constant 16 : i32
        %mul3A_938 = arith.muli %add3A_936, %mul3A_937 : i32
        %get3A_939 = arith.index_cast %mul3A_938 : i32 to index
        %get3A_940 = tpu.vector_load %arg7[%get3A_939] {strides = array<i32>} : memref<2048xf32, #tpu.memory_space<vmem>>, vector<16xf32>,
        %get3A_941 = vector.shape_cast %get3A_940 : vector<16xf32> to vector<16xf32>
        %scan3A_942 = arith.constant 0 : i32
        %scan3A_943 = arith.constant 64 : i32
        %scan3A_944 = arith.addi %scan3A_942, %scan3A_943 : i32
        %scan3A_945 = arith.constant 1 : i32
        scf.for %scan3A_947 = %scan3A_942 to %scan3A_944 step %scan3A_945  : i32 {
          %mul3A_948 = arith.constant 64 : i32
          %mul3A_949 = arith.muli %scan3A_947, %mul3A_948 : i32
          %add3A_950 = arith.constant 0 : i32
          %add3A_951 = arith.addi %mul3A_949, %add3A_950 : i32
          %get3A_952 = arith.constant 1 : i32
          %get3A_953 = arith.index_cast %get3A_952 : i32 to index
          %get3A_954 = arith.index_cast %scan3A_934 : i32 to index
          %get3A_955 = arith.index_cast %add3A_951 : i32 to index
          %get3A_956 = tpu.vector_load %arg8[%get3A_953, %get3A_954, %get3A_955] {strides = array<i32>} : memref<3x8x4096xf32, #tpu.memory_space<vmem>>, vector<1x1x16xf32>,
          %get3A_957 = vector.shape_cast %get3A_956 : vector<1x1x16xf32> to vector<16xf32>
          %mul3A_958 = arith.mulf %get3A_957, %get3A_941 : vector<16xf32>
          %swap3A = arith.constant 1 : i32
          %swap3A_959 = arith.index_cast %swap3A : i32 to index
          %swap3A_960 = arith.index_cast %scan3A_934 : i32 to index
          %swap3A_961 = arith.index_cast %add3A_951 : i32 to index
          %swap3A_962 = tpu.vector_load %arg8[%swap3A_959, %swap3A_960, %swap3A_961] {strides = array<i32>} : memref<3x8x4096xf32, #tpu.memory_space<vmem>>, vector<1x1x16xf32>,
          %swap3A_963 = vector.shape_cast %swap3A_962 : vector<1x1x16xf32> to vector<16xf32>
          %swap3A_964 = vector.shape_cast %mul3A_958 : vector<16xf32> to vector<1x1x16xf32>
          tpu.vector_store %arg8[%swap3A_959, %swap3A_960, %swap3A_961], %swap3A_964 {strides = array<i32>} : memref<3x8x4096xf32, #tpu.memory_space<vmem>>, vector<1x1x16xf32>,
          %add3A_965 = arith.constant 16 : i32
          %add3A_966 = arith.addi %mul3A_949, %add3A_965 : i32
          %get3A_967 = arith.constant 1 : i32
          %get3A_968 = arith.index_cast %get3A_967 : i32 to index
          %get3A_969 = arith.index_cast %scan3A_934 : i32 to index
          %get3A_970 = arith.index_cast %add3A_966 : i32 to index
          %get3A_971 = tpu.vector_load %arg8[%get3A_968, %get3A_969, %get3A_970] {strides = array<i32>} : memref<3x8x4096xf32, #tpu.memory_space<vmem>>, vector<1x1x16xf32>,
          %get3A_972 = vector.shape_cast %get3A_971 : vector<1x1x16xf32> to vector<16xf32>
          %mul3A_973 = arith.mulf %get3A_972, %get3A_941 : vector<16xf32>
          %swap3A_974 = arith.constant 1 : i32
          %swap3A_975 = arith.index_cast %swap3A_974 : i32 to index
          %swap3A_976 = arith.index_cast %scan3A_934 : i32 to index
          %swap3A_977 = arith.index_cast %add3A_966 : i32 to index
          %swap3A_978 = tpu.vector_load %arg8[%swap3A_975, %swap3A_976, %swap3A_977] {strides = array<i32>} : memref<3x8x4096xf32, #tpu.memory_space<vmem>>, vector<1x1x16xf32>,
          %swap3A_979 = vector.shape_cast %swap3A_978 : vector<1x1x16xf32> to vector<16xf32>
          %swap3A_980 = vector.shape_cast %mul3A_973 : vector<16xf32> to vector<1x1x16xf32>
          tpu.vector_store %arg8[%swap3A_975, %swap3A_976, %swap3A_977], %swap3A_980 {strides = array<i32>} : memref<3x8x4096xf32, #tpu.memory_space<vmem>>, vector<1x1x16xf32>,
          %add3A_981 = arith.constant 32 : i32
          %add3A_982 = arith.addi %mul3A_949, %add3A_981 : i32
          %get3A_983 = arith.constant 1 : i32
          %get3A_984 = arith.index_cast %get3A_983 : i32 to index
          %get3A_985 = arith.index_cast %scan3A_934 : i32 to index
          %get3A_986 = arith.index_cast %add3A_982 : i32 to index
          %get3A_987 = tpu.vector_load %arg8[%get3A_984, %get3A_985, %get3A_986] {strides = array<i32>} : memref<3x8x4096xf32, #tpu.memory_space<vmem>>, vector<1x1x16xf32>,
          %get3A_988 = vector.shape_cast %get3A_987 : vector<1x1x16xf32> to vector<16xf32>
          %mul3A_989 = arith.mulf %get3A_988, %get3A_941 : vector<16xf32>
          %swap3A_990 = arith.constant 1 : i32
          %swap3A_991 = arith.index_cast %swap3A_990 : i32 to index
          %swap3A_992 = arith.index_cast %scan3A_934 : i32 to index
          %swap3A_993 = arith.index_cast %add3A_982 : i32 to index
          %swap3A_994 = tpu.vector_load %arg8[%swap3A_991, %swap3A_992, %swap3A_993] {strides = array<i32>} : memref<3x8x4096xf32, #tpu.memory_space<vmem>>, vector<1x1x16xf32>,
          %swap3A_995 = vector.shape_cast %swap3A_994 : vector<1x1x16xf32> to vector<16xf32>
          %swap3A_996 = vector.shape_cast %mul3A_989 : vector<16xf32> to vector<1x1x16xf32>
          tpu.vector_store %arg8[%swap3A_991, %swap3A_992, %swap3A_993], %swap3A_996 {strides = array<i32>} : memref<3x8x4096xf32, #tpu.memory_space<vmem>>, vector<1x1x16xf32>,
          %add3A_997 = arith.constant 48 : i32
          %add3A_998 = arith.addi %mul3A_949, %add3A_997 : i32
          %get3A_999 = arith.constant 1 : i32
          %get3A_1000 = arith.index_cast %get3A_999 : i32 to index
          %get3A_1001 = arith.index_cast %scan3A_934 : i32 to index
          %get3A_1002 = arith.index_cast %add3A_998 : i32 to index
          %get3A_1003 = tpu.vector_load %arg8[%get3A_1000, %get3A_1001, %get3A_1002] {strides = array<i32>} : memref<3x8x4096xf32, #tpu.memory_space<vmem>>, vector<1x1x16xf32>,
          %get3A_1004 = vector.shape_cast %get3A_1003 : vector<1x1x16xf32> to vector<16xf32>
          %mul3A_1005 = arith.mulf %get3A_1004, %get3A_941 : vector<16xf32>
          %swap3A_1006 = arith.constant 1 : i32
          %swap3A_1007 = arith.index_cast %swap3A_1006 : i32 to index
          %swap3A_1008 = arith.index_cast %scan3A_934 : i32 to index
          %swap3A_1009 = arith.index_cast %add3A_998 : i32 to index
          %swap3A_1010 = tpu.vector_load %arg8[%swap3A_1007, %swap3A_1008, %swap3A_1009] {strides = array<i32>} : memref<3x8x4096xf32, #tpu.memory_space<vmem>>, vector<1x1x16xf32>,
          %swap3A_1011 = vector.shape_cast %swap3A_1010 : vector<1x1x16xf32> to vector<16xf32>
          %swap3A_1012 = vector.shape_cast %mul3A_1005 : vector<16xf32> to vector<1x1x16xf32>
          tpu.vector_store %arg8[%swap3A_1007, %swap3A_1008, %swap3A_1009], %swap3A_1012 {strides = array<i32>} : memref<3x8x4096xf32, #tpu.memory_space<vmem>>, vector<1x1x16xf32>,
        }
        %scan3A_946 = arith.constant 64 : i32
      }
      %scan3A_933 = arith.constant 8 : i32
    } else {
    }
    %add3A_260 = arith.constant 32 : i32
    %add3A_261 = arith.addi %mul3A_2, %add3A_260 : i32
    %dma_start3A_262 = arith.constant 1 : i32
    %dma_start3A_263 = arith.constant 0 : i32
    %dma_start3A_264 = arith.constant 0 : i32
    %dma_start3A_265 = tpu.memref_slice %arg8[%dma_start3A_262, %dma_start3A_263, %dma_start3A_264] : memref<3x8x4096xf32, #tpu.memory_space<vmem>> -> memref<1x8x4096xf32, #tpu.memory_space<vmem>>
    %dma_start3A_266 = tpu.memref_squeeze %dma_start3A_265 : memref<1x8x4096xf32, #tpu.memory_space<vmem>> -> memref<8x4096xf32, #tpu.memory_space<vmem>>
    %dma_start3A_267 = arith.constant 0 : i32
    %dma_start3A_268 = tpu.memref_slice %arg5[%add3A_261, %dma_start3A_267] : memref<4096x4096xf32, #tpu.memory_space<hbm>> -> memref<8x4096xf32, #tpu.memory_space<hbm>>
    %dma_start3A_269 = arith.constant 0 : i32
    %dma_start3A_270 = tpu.memref_slice %arg5[%add3A_261, %dma_start3A_269] : memref<4096x4096xf32, #tpu.memory_space<hbm>> -> memref<8x4096xf32, #tpu.memory_space<hbm>>
    %dma_start3A_271 = arith.constant 0 : i32
    %dma_start3A_272 = arith.constant 0 : i32
    %dma_start3A_273 = tpu.memref_slice %arg8[%dma_start3A_262, %dma_start3A_271, %dma_start3A_272] : memref<3x8x4096xf32, #tpu.memory_space<vmem>> -> memref<1x8x4096xf32, #tpu.memory_space<vmem>>
    %dma_start3A_274 = tpu.memref_squeeze %dma_start3A_273 : memref<1x8x4096xf32, #tpu.memory_space<vmem>> -> memref<8x4096xf32, #tpu.memory_space<vmem>>
    tpu.enqueue_dma source(%dma_start3A_274 : memref<8x4096xf32, #tpu.memory_space<vmem>>) target(%dma_start3A_270 : memref<8x4096xf32, #tpu.memory_space<hbm>>) target_semaphore(%arg13 : memref<!tpu.dma_semaphore, #tpu.memory_space<semaphore_mem>>)
    %dma_wait3A_275 = arith.constant 0 : i32
    %dma_wait3A_276 = arith.constant 0 : i32
    %dma_wait3A_277 = arith.constant 0 : i32
    %dma_wait3A_278 = tpu.memref_slice %arg8[%dma_wait3A_275, %dma_wait3A_276, %dma_wait3A_277] : memref<3x8x4096xf32, #tpu.memory_space<vmem>> -> memref<1x8x4096xf32, #tpu.memory_space<vmem>>
    %dma_wait3A_279 = tpu.memref_squeeze %dma_wait3A_278 : memref<1x8x4096xf32, #tpu.memory_space<vmem>> -> memref<8x4096xf32, #tpu.memory_space<vmem>>
    %dma_wait3A_280 = arith.constant 0 : i32
    %dma_wait3A_281 = tpu.memref_slice %arg5[%add3A_203, %dma_wait3A_280] : memref<4096x4096xf32, #tpu.memory_space<hbm>> -> memref<8x4096xf32, #tpu.memory_space<hbm>>
    %dma_wait3A_282 = arith.constant 0 : i32
    %dma_wait3A_283 = tpu.memref_slice %arg5[%add3A_203, %dma_wait3A_282] : memref<4096x4096xf32, #tpu.memory_space<hbm>> -> memref<8x4096xf32, #tpu.memory_space<hbm>>
    %dma_wait3A_284 = arith.constant 0 : i32
    %dma_wait3A_285 = arith.constant 0 : i32
    %dma_wait3A_286 = tpu.memref_slice %arg8[%dma_wait3A_275, %dma_wait3A_284, %dma_wait3A_285] : memref<3x8x4096xf32, #tpu.memory_space<vmem>> -> memref<1x8x4096xf32, #tpu.memory_space<vmem>>
    %dma_wait3A_287 = tpu.memref_squeeze %dma_wait3A_286 : memref<1x8x4096xf32, #tpu.memory_space<vmem>> -> memref<8x4096xf32, #tpu.memory_space<vmem>>
    tpu.wait_dma2 semaphore(%arg12 : memref<!tpu.dma_semaphore, #tpu.memory_space<semaphore_mem>>) src(%dma_wait3A_287 : memref<8x4096xf32, #tpu.memory_space<vmem>>) dst(%dma_wait3A_283 : memref<8x4096xf32, #tpu.memory_space<hbm>>)
    %dma_start3A_288 = arith.constant 0 : i32
    %dma_start3A_289 = arith.constant 0 : i32
    %dma_start3A_290 = arith.constant 0 : i32
    %dma_start3A_291 = tpu.memref_slice %arg8[%dma_start3A_288, %dma_start3A_289, %dma_start3A_290] : memref<3x8x4096xf32, #tpu.memory_space<vmem>> -> memref<1x8x4096xf32, #tpu.memory_space<vmem>>
    %dma_start3A_292 = tpu.memref_squeeze %dma_start3A_291 : memref<1x8x4096xf32, #tpu.memory_space<vmem>> -> memref<8x4096xf32, #tpu.memory_space<vmem>>
    %dma_start3A_293 = arith.constant 48 : i32
    %dma_start3A_294 = tpu.memref_slice %arg6[%dma_start3A_293] : memref<160xi32, #tpu.memory_space<vmem>> -> memref<8xi32, #tpu.memory_space<vmem>>
    %dma_start3A_295 = arith.constant 0 : i32
    %dma_start3A_296 = arith.constant 0 : i32
    %dma_start3A_297 = tpu.memref_slice %arg2[%dma_start3A_295, %dma_start3A_296] : memref<4096x4096xf32, #tpu.memory_space<hbm>> -> memref<4096x4096xf32, #tpu.memory_space<hbm>>
    tpu.enqueue_indirect_dma source(%dma_start3A_297 : memref<4096x4096xf32, #tpu.memory_space<hbm>>) target(%dma_start3A_292 : memref<8x4096xf32, #tpu.memory_space<vmem>>) offsets(%dma_start3A_294 : memref<8xi32, #tpu.memory_space<vmem>>) semaphore(%arg9 : memref<!tpu.dma_semaphore, #tpu.memory_space<semaphore_mem>>)
    %dma_wait3A_298 = arith.constant 2 : i32
    %dma_wait3A_299 = arith.constant 0 : i32
    %dma_wait3A_300 = arith.constant 0 : i32
    %dma_wait3A_301 = tpu.memref_slice %arg8[%dma_wait3A_298, %dma_wait3A_299, %dma_wait3A_300] : memref<3x8x4096xf32, #tpu.memory_space<vmem>> -> memref<1x8x4096xf32, #tpu.memory_space<vmem>>
    %dma_wait3A_302 = tpu.memref_squeeze %dma_wait3A_301 : memref<1x8x4096xf32, #tpu.memory_space<vmem>> -> memref<8x4096xf32, #tpu.memory_space<vmem>>
    %dma_wait3A_303 = arith.constant 40 : i32
    %dma_wait3A_304 = tpu.memref_slice %arg6[%dma_wait3A_303] : memref<160xi32, #tpu.memory_space<vmem>> -> memref<8xi32, #tpu.memory_space<vmem>>
    %dma_wait3A_305 = arith.constant 0 : i32
    %dma_wait3A_306 = arith.constant 0 : i32
    %dma_wait3A_307 = tpu.memref_slice %arg2[%dma_wait3A_305, %dma_wait3A_306] : memref<4096x4096xf32, #tpu.memory_space<hbm>> -> memref<4096x4096xf32, #tpu.memory_space<hbm>>
    tpu.wait_indirect_dma semaphore(%arg11 : memref<!tpu.dma_semaphore, #tpu.memory_space<semaphore_mem>>) src(%dma_wait3A_307 : memref<4096x4096xf32, #tpu.memory_space<hbm>>) dst(%dma_wait3A_302 : memref<8x4096xf32, #tpu.memory_space<vmem>>)
    %get3A_308 = arith.constant 128 : index
    %get3A_309 = tpu.vector_load %arg6[%get3A_308] {strides = array<i32>} : memref<160xi32, #tpu.memory_space<vmem>>, vector<16xi32>,
    %get3A_310 = vector.shape_cast %get3A_309 : vector<16xi32> to vector<16xi32>
    %slice3A_311 = vector.extract_strided_slice %get3A_310 {offsets = [5], sizes = [1], strides = [1]} : vector<16xi32> to vector<1xi32>
    %squeeze3A_312 = vector.extract %slice3A_311[0] : i32 from vector<1xi32>
    %ne3A_313 = arith.constant 0 : i32
    %ne3A_314 = arith.cmpi ne, %squeeze3A_312, %ne3A_313 : i32
    %convert_element_type3A_315 = arith.extui %ne3A_314 : i1 to i32
    %cond3A_316 = arith.constant 0 : i32
    %cond3A_317 = arith.cmpi ne, %convert_element_type3A_315, %cond3A_316 : i32
    scf.if %cond3A_317 {
      %scan3A = arith.constant 0 : i32
      %scan3A_929 = arith.constant 0 : i32
      %scan3A_930 = arith.constant 8 : i32
      %scan3A_931 = arith.addi %scan3A_929, %scan3A_930 : i32
      %scan3A_932 = arith.constant 1 : i32
      scf.for %scan3A_934 = %scan3A_929 to %scan3A_931 step %scan3A_932  : i32 {
        %add3A_935 = arith.constant 40 : i32
        %add3A_936 = arith.addi %add3A_935, %scan3A_934 : i32
        %mul3A_937 = arith.constant 16 : i32
        %mul3A_938 = arith.muli %add3A_936, %mul3A_937 : i32
        %get3A_939 = arith.index_cast %mul3A_938 : i32 to index
        %get3A_940 = tpu.vector_load %arg7[%get3A_939] {strides = array<i32>} : memref<2048xf32, #tpu.memory_space<vmem>>, vector<16xf32>,
        %get3A_941 = vector.shape_cast %get3A_940 : vector<16xf32> to vector<16xf32>
        %scan3A_942 = arith.constant 0 : i32
        %scan3A_943 = arith.constant 64 : i32
        %scan3A_944 = arith.addi %scan3A_942, %scan3A_943 : i32
        %scan3A_945 = arith.constant 1 : i32
        scf.for %scan3A_947 = %scan3A_942 to %scan3A_944 step %scan3A_945  : i32 {
          %mul3A_948 = arith.constant 64 : i32
          %mul3A_949 = arith.muli %scan3A_947, %mul3A_948 : i32
          %add3A_950 = arith.constant 0 : i32
          %add3A_951 = arith.addi %mul3A_949, %add3A_950 : i32
          %get3A_952 = arith.constant 2 : i32
          %get3A_953 = arith.index_cast %get3A_952 : i32 to index
          %get3A_954 = arith.index_cast %scan3A_934 : i32 to index
          %get3A_955 = arith.index_cast %add3A_951 : i32 to index
          %get3A_956 = tpu.vector_load %arg8[%get3A_953, %get3A_954, %get3A_955] {strides = array<i32>} : memref<3x8x4096xf32, #tpu.memory_space<vmem>>, vector<1x1x16xf32>,
          %get3A_957 = vector.shape_cast %get3A_956 : vector<1x1x16xf32> to vector<16xf32>
          %mul3A_958 = arith.mulf %get3A_957, %get3A_941 : vector<16xf32>
          %swap3A = arith.constant 2 : i32
          %swap3A_959 = arith.index_cast %swap3A : i32 to index
          %swap3A_960 = arith.index_cast %scan3A_934 : i32 to index
          %swap3A_961 = arith.index_cast %add3A_951 : i32 to index
          %swap3A_962 = tpu.vector_load %arg8[%swap3A_959, %swap3A_960, %swap3A_961] {strides = array<i32>} : memref<3x8x4096xf32, #tpu.memory_space<vmem>>, vector<1x1x16xf32>,
          %swap3A_963 = vector.shape_cast %swap3A_962 : vector<1x1x16xf32> to vector<16xf32>
          %swap3A_964 = vector.shape_cast %mul3A_958 : vector<16xf32> to vector<1x1x16xf32>
          tpu.vector_store %arg8[%swap3A_959, %swap3A_960, %swap3A_961], %swap3A_964 {strides = array<i32>} : memref<3x8x4096xf32, #tpu.memory_space<vmem>>, vector<1x1x16xf32>,
          %add3A_965 = arith.constant 16 : i32
          %add3A_966 = arith.addi %mul3A_949, %add3A_965 : i32
          %get3A_967 = arith.constant 2 : i32
          %get3A_968 = arith.index_cast %get3A_967 : i32 to index
          %get3A_969 = arith.index_cast %scan3A_934 : i32 to index
          %get3A_970 = arith.index_cast %add3A_966 : i32 to index
          %get3A_971 = tpu.vector_load %arg8[%get3A_968, %get3A_969, %get3A_970] {strides = array<i32>} : memref<3x8x4096xf32, #tpu.memory_space<vmem>>, vector<1x1x16xf32>,
          %get3A_972 = vector.shape_cast %get3A_971 : vector<1x1x16xf32> to vector<16xf32>
          %mul3A_973 = arith.mulf %get3A_972, %get3A_941 : vector<16xf32>
          %swap3A_974 = arith.constant 2 : i32
          %swap3A_975 = arith.index_cast %swap3A_974 : i32 to index
          %swap3A_976 = arith.index_cast %scan3A_934 : i32 to index
          %swap3A_977 = arith.index_cast %add3A_966 : i32 to index
          %swap3A_978 = tpu.vector_load %arg8[%swap3A_975, %swap3A_976, %swap3A_977] {strides = array<i32>} : memref<3x8x4096xf32, #tpu.memory_space<vmem>>, vector<1x1x16xf32>,
          %swap3A_979 = vector.shape_cast %swap3A_978 : vector<1x1x16xf32> to vector<16xf32>
          %swap3A_980 = vector.shape_cast %mul3A_973 : vector<16xf32> to vector<1x1x16xf32>
          tpu.vector_store %arg8[%swap3A_975, %swap3A_976, %swap3A_977], %swap3A_980 {strides = array<i32>} : memref<3x8x4096xf32, #tpu.memory_space<vmem>>, vector<1x1x16xf32>,
          %add3A_981 = arith.constant 32 : i32
          %add3A_982 = arith.addi %mul3A_949, %add3A_981 : i32
          %get3A_983 = arith.constant 2 : i32
          %get3A_984 = arith.index_cast %get3A_983 : i32 to index
          %get3A_985 = arith.index_cast %scan3A_934 : i32 to index
          %get3A_986 = arith.index_cast %add3A_982 : i32 to index
          %get3A_987 = tpu.vector_load %arg8[%get3A_984, %get3A_985, %get3A_986] {strides = array<i32>} : memref<3x8x4096xf32, #tpu.memory_space<vmem>>, vector<1x1x16xf32>,
          %get3A_988 = vector.shape_cast %get3A_987 : vector<1x1x16xf32> to vector<16xf32>
          %mul3A_989 = arith.mulf %get3A_988, %get3A_941 : vector<16xf32>
          %swap3A_990 = arith.constant 2 : i32
          %swap3A_991 = arith.index_cast %swap3A_990 : i32 to index
          %swap3A_992 = arith.index_cast %scan3A_934 : i32 to index
          %swap3A_993 = arith.index_cast %add3A_982 : i32 to index
          %swap3A_994 = tpu.vector_load %arg8[%swap3A_991, %swap3A_992, %swap3A_993] {strides = array<i32>} : memref<3x8x4096xf32, #tpu.memory_space<vmem>>, vector<1x1x16xf32>,
          %swap3A_995 = vector.shape_cast %swap3A_994 : vector<1x1x16xf32> to vector<16xf32>
          %swap3A_996 = vector.shape_cast %mul3A_989 : vector<16xf32> to vector<1x1x16xf32>
          tpu.vector_store %arg8[%swap3A_991, %swap3A_992, %swap3A_993], %swap3A_996 {strides = array<i32>} : memref<3x8x4096xf32, #tpu.memory_space<vmem>>, vector<1x1x16xf32>,
          %add3A_997 = arith.constant 48 : i32
          %add3A_998 = arith.addi %mul3A_949, %add3A_997 : i32
          %get3A_999 = arith.constant 2 : i32
          %get3A_1000 = arith.index_cast %get3A_999 : i32 to index
          %get3A_1001 = arith.index_cast %scan3A_934 : i32 to index
          %get3A_1002 = arith.index_cast %add3A_998 : i32 to index
          %get3A_1003 = tpu.vector_load %arg8[%get3A_1000, %get3A_1001, %get3A_1002] {strides = array<i32>} : memref<3x8x4096xf32, #tpu.memory_space<vmem>>, vector<1x1x16xf32>,
          %get3A_1004 = vector.shape_cast %get3A_1003 : vector<1x1x16xf32> to vector<16xf32>
          %mul3A_1005 = arith.mulf %get3A_1004, %get3A_941 : vector<16xf32>
          %swap3A_1006 = arith.constant 2 : i32
          %swap3A_1007 = arith.index_cast %swap3A_1006 : i32 to index
          %swap3A_1008 = arith.index_cast %scan3A_934 : i32 to index
          %swap3A_1009 = arith.index_cast %add3A_998 : i32 to index
          %swap3A_1010 = tpu.vector_load %arg8[%swap3A_1007, %swap3A_1008, %swap3A_1009] {strides = array<i32>} : memref<3x8x4096xf32, #tpu.memory_space<vmem>>, vector<1x1x16xf32>,
          %swap3A_1011 = vector.shape_cast %swap3A_1010 : vector<1x1x16xf32> to vector<16xf32>
          %swap3A_1012 = vector.shape_cast %mul3A_1005 : vector<16xf32> to vector<1x1x16xf32>
          tpu.vector_store %arg8[%swap3A_1007, %swap3A_1008, %swap3A_1009], %swap3A_1012 {strides = array<i32>} : memref<3x8x4096xf32, #tpu.memory_space<vmem>>, vector<1x1x16xf32>,
        }
        %scan3A_946 = arith.constant 64 : i32
      }
      %scan3A_933 = arith.constant 8 : i32
    } else {
    }
    %add3A_318 = arith.constant 40 : i32
    %add3A_319 = arith.addi %mul3A_2, %add3A_318 : i32
    %dma_start3A_320 = arith.constant 2 : i32
    %dma_start3A_321 = arith.constant 0 : i32
    %dma_start3A_322 = arith.constant 0 : i32
    %dma_start3A_323 = tpu.memref_slice %arg8[%dma_start3A_320, %dma_start3A_321, %dma_start3A_322] : memref<3x8x4096xf32, #tpu.memory_space<vmem>> -> memref<1x8x4096xf32, #tpu.memory_space<vmem>>
    %dma_start3A_324 = tpu.memref_squeeze %dma_start3A_323 : memref<1x8x4096xf32, #tpu.memory_space<vmem>> -> memref<8x4096xf32, #tpu.memory_space<vmem>>
    %dma_start3A_325 = arith.constant 0 : i32
    %dma_start3A_326 = tpu.memref_slice %arg5[%add3A_319, %dma_start3A_325] : memref<4096x4096xf32, #tpu.memory_space<hbm>> -> memref<8x4096xf32, #tpu.memory_space<hbm>>
    %dma_start3A_327 = arith.constant 0 : i32
    %dma_start3A_328 = tpu.memref_slice %arg5[%add3A_319, %dma_start3A_327] : memref<4096x4096xf32, #tpu.memory_space<hbm>> -> memref<8x4096xf32, #tpu.memory_space<hbm>>
    %dma_start3A_329 = arith.constant 0 : i32
    %dma_start3A_330 = arith.constant 0 : i32
    %dma_start3A_331 = tpu.memref_slice %arg8[%dma_start3A_320, %dma_start3A_329, %dma_start3A_330] : memref<3x8x4096xf32, #tpu.memory_space<vmem>> -> memref<1x8x4096xf32, #tpu.memory_space<vmem>>
    %dma_start3A_332 = tpu.memref_squeeze %dma_start3A_331 : memref<1x8x4096xf32, #tpu.memory_space<vmem>> -> memref<8x4096xf32, #tpu.memory_space<vmem>>
    tpu.enqueue_dma source(%dma_start3A_332 : memref<8x4096xf32, #tpu.memory_space<vmem>>) target(%dma_start3A_328 : memref<8x4096xf32, #tpu.memory_space<hbm>>) target_semaphore(%arg14 : memref<!tpu.dma_semaphore, #tpu.memory_space<semaphore_mem>>)
    %dma_wait3A_333 = arith.constant 1 : i32
    %dma_wait3A_334 = arith.constant 0 : i32
    %dma_wait3A_335 = arith.constant 0 : i32
    %dma_wait3A_336 = tpu.memref_slice %arg8[%dma_wait3A_333, %dma_wait3A_334, %dma_wait3A_335] : memref<3x8x4096xf32, #tpu.memory_space<vmem>> -> memref<1x8x4096xf32, #tpu.memory_space<vmem>>
    %dma_wait3A_337 = tpu.memref_squeeze %dma_wait3A_336 : memref<1x8x4096xf32, #tpu.memory_space<vmem>> -> memref<8x4096xf32, #tpu.memory_space<vmem>>
    %dma_wait3A_338 = arith.constant 0 : i32
    %dma_wait3A_339 = tpu.memref_slice %arg5[%add3A_261, %dma_wait3A_338] : memref<4096x4096xf32, #tpu.memory_space<hbm>> -> memref<8x4096xf32, #tpu.memory_space<hbm>>
    %dma_wait3A_340 = arith.constant 0 : i32
    %dma_wait3A_341 = tpu.memref_slice %arg5[%add3A_261, %dma_wait3A_340] : memref<4096x4096xf32, #tpu.memory_space<hbm>> -> memref<8x4096xf32, #tpu.memory_space<hbm>>
    %dma_wait3A_342 = arith.constant 0 : i32
    %dma_wait3A_343 = arith.constant 0 : i32
    %dma_wait3A_344 = tpu.memref_slice %arg8[%dma_wait3A_333, %dma_wait3A_342, %dma_wait3A_343] : memref<3x8x4096xf32, #tpu.memory_space<vmem>> -> memref<1x8x4096xf32, #tpu.memory_space<vmem>>
    %dma_wait3A_345 = tpu.memref_squeeze %dma_wait3A_344 : memref<1x8x4096xf32, #tpu.memory_space<vmem>> -> memref<8x4096xf32, #tpu.memory_space<vmem>>
    tpu.wait_dma2 semaphore(%arg13 : memref<!tpu.dma_semaphore, #tpu.memory_space<semaphore_mem>>) src(%dma_wait3A_345 : memref<8x4096xf32, #tpu.memory_space<vmem>>) dst(%dma_wait3A_341 : memref<8x4096xf32, #tpu.memory_space<hbm>>)
    %dma_start3A_346 = arith.constant 1 : i32
    %dma_start3A_347 = arith.constant 0 : i32
    %dma_start3A_348 = arith.constant 0 : i32
    %dma_start3A_349 = tpu.memref_slice %arg8[%dma_start3A_346, %dma_start3A_347, %dma_start3A_348] : memref<3x8x4096xf32, #tpu.memory_space<vmem>> -> memref<1x8x4096xf32, #tpu.memory_space<vmem>>
    %dma_start3A_350 = tpu.memref_squeeze %dma_start3A_349 : memref<1x8x4096xf32, #tpu.memory_space<vmem>> -> memref<8x4096xf32, #tpu.memory_space<vmem>>
    %dma_start3A_351 = arith.constant 56 : i32
    %dma_start3A_352 = tpu.memref_slice %arg6[%dma_start3A_351] : memref<160xi32, #tpu.memory_space<vmem>> -> memref<8xi32, #tpu.memory_space<vmem>>
    %dma_start3A_353 = arith.constant 0 : i32
    %dma_start3A_354 = arith.constant 0 : i32
    %dma_start3A_355 = tpu.memref_slice %arg2[%dma_start3A_353, %dma_start3A_354] : memref<4096x4096xf32, #tpu.memory_space<hbm>> -> memref<4096x4096xf32, #tpu.memory_space<hbm>>
    tpu.enqueue_indirect_dma source(%dma_start3A_355 : memref<4096x4096xf32, #tpu.memory_space<hbm>>) target(%dma_start3A_350 : memref<8x4096xf32, #tpu.memory_space<vmem>>) offsets(%dma_start3A_352 : memref<8xi32, #tpu.memory_space<vmem>>) semaphore(%arg10 : memref<!tpu.dma_semaphore, #tpu.memory_space<semaphore_mem>>)
    %dma_wait3A_356 = arith.constant 0 : i32
    %dma_wait3A_357 = arith.constant 0 : i32
    %dma_wait3A_358 = arith.constant 0 : i32
    %dma_wait3A_359 = tpu.memref_slice %arg8[%dma_wait3A_356, %dma_wait3A_357, %dma_wait3A_358] : memref<3x8x4096xf32, #tpu.memory_space<vmem>> -> memref<1x8x4096xf32, #tpu.memory_space<vmem>>
    %dma_wait3A_360 = tpu.memref_squeeze %dma_wait3A_359 : memref<1x8x4096xf32, #tpu.memory_space<vmem>> -> memref<8x4096xf32, #tpu.memory_space<vmem>>
    %dma_wait3A_361 = arith.constant 48 : i32
    %dma_wait3A_362 = tpu.memref_slice %arg6[%dma_wait3A_361] : memref<160xi32, #tpu.memory_space<vmem>> -> memref<8xi32, #tpu.memory_space<vmem>>
    %dma_wait3A_363 = arith.constant 0 : i32
    %dma_wait3A_364 = arith.constant 0 : i32
    %dma_wait3A_365 = tpu.memref_slice %arg2[%dma_wait3A_363, %dma_wait3A_364] : memref<4096x4096xf32, #tpu.memory_space<hbm>> -> memref<4096x4096xf32, #tpu.memory_space<hbm>>
    tpu.wait_indirect_dma semaphore(%arg9 : memref<!tpu.dma_semaphore, #tpu.memory_space<semaphore_mem>>) src(%dma_wait3A_365 : memref<4096x4096xf32, #tpu.memory_space<hbm>>) dst(%dma_wait3A_360 : memref<8x4096xf32, #tpu.memory_space<vmem>>)
    %get3A_366 = arith.constant 128 : index
    %get3A_367 = tpu.vector_load %arg6[%get3A_366] {strides = array<i32>} : memref<160xi32, #tpu.memory_space<vmem>>, vector<16xi32>,
    %get3A_368 = vector.shape_cast %get3A_367 : vector<16xi32> to vector<16xi32>
    %slice3A_369 = vector.extract_strided_slice %get3A_368 {offsets = [6], sizes = [1], strides = [1]} : vector<16xi32> to vector<1xi32>
    %squeeze3A_370 = vector.extract %slice3A_369[0] : i32 from vector<1xi32>
    %ne3A_371 = arith.constant 0 : i32
    %ne3A_372 = arith.cmpi ne, %squeeze3A_370, %ne3A_371 : i32
    %convert_element_type3A_373 = arith.extui %ne3A_372 : i1 to i32
    %cond3A_374 = arith.constant 0 : i32
    %cond3A_375 = arith.cmpi ne, %convert_element_type3A_373, %cond3A_374 : i32
    scf.if %cond3A_375 {
      %scan3A = arith.constant 0 : i32
      %scan3A_929 = arith.constant 0 : i32
      %scan3A_930 = arith.constant 8 : i32
      %scan3A_931 = arith.addi %scan3A_929, %scan3A_930 : i32
      %scan3A_932 = arith.constant 1 : i32
      scf.for %scan3A_934 = %scan3A_929 to %scan3A_931 step %scan3A_932  : i32 {
        %add3A_935 = arith.constant 48 : i32
        %add3A_936 = arith.addi %add3A_935, %scan3A_934 : i32
        %mul3A_937 = arith.constant 16 : i32
        %mul3A_938 = arith.muli %add3A_936, %mul3A_937 : i32
        %get3A_939 = arith.index_cast %mul3A_938 : i32 to index
        %get3A_940 = tpu.vector_load %arg7[%get3A_939] {strides = array<i32>} : memref<2048xf32, #tpu.memory_space<vmem>>, vector<16xf32>,
        %get3A_941 = vector.shape_cast %get3A_940 : vector<16xf32> to vector<16xf32>
        %scan3A_942 = arith.constant 0 : i32
        %scan3A_943 = arith.constant 64 : i32
        %scan3A_944 = arith.addi %scan3A_942, %scan3A_943 : i32
        %scan3A_945 = arith.constant 1 : i32
        scf.for %scan3A_947 = %scan3A_942 to %scan3A_944 step %scan3A_945  : i32 {
          %mul3A_948 = arith.constant 64 : i32
          %mul3A_949 = arith.muli %scan3A_947, %mul3A_948 : i32
          %add3A_950 = arith.constant 0 : i32
          %add3A_951 = arith.addi %mul3A_949, %add3A_950 : i32
          %get3A_952 = arith.constant 0 : i32
          %get3A_953 = arith.index_cast %get3A_952 : i32 to index
          %get3A_954 = arith.index_cast %scan3A_934 : i32 to index
          %get3A_955 = arith.index_cast %add3A_951 : i32 to index
          %get3A_956 = tpu.vector_load %arg8[%get3A_953, %get3A_954, %get3A_955] {strides = array<i32>} : memref<3x8x4096xf32, #tpu.memory_space<vmem>>, vector<1x1x16xf32>,
          %get3A_957 = vector.shape_cast %get3A_956 : vector<1x1x16xf32> to vector<16xf32>
          %mul3A_958 = arith.mulf %get3A_957, %get3A_941 : vector<16xf32>
          %swap3A = arith.constant 0 : i32
          %swap3A_959 = arith.index_cast %swap3A : i32 to index
          %swap3A_960 = arith.index_cast %scan3A_934 : i32 to index
          %swap3A_961 = arith.index_cast %add3A_951 : i32 to index
          %swap3A_962 = tpu.vector_load %arg8[%swap3A_959, %swap3A_960, %swap3A_961] {strides = array<i32>} : memref<3x8x4096xf32, #tpu.memory_space<vmem>>, vector<1x1x16xf32>,
          %swap3A_963 = vector.shape_cast %swap3A_962 : vector<1x1x16xf32> to vector<16xf32>
          %swap3A_964 = vector.shape_cast %mul3A_958 : vector<16xf32> to vector<1x1x16xf32>
          tpu.vector_store %arg8[%swap3A_959, %swap3A_960, %swap3A_961], %swap3A_964 {strides = array<i32>} : memref<3x8x4096xf32, #tpu.memory_space<vmem>>, vector<1x1x16xf32>,
          %add3A_965 = arith.constant 16 : i32
          %add3A_966 = arith.addi %mul3A_949, %add3A_965 : i32
          %get3A_967 = arith.constant 0 : i32
          %get3A_968 = arith.index_cast %get3A_967 : i32 to index
          %get3A_969 = arith.index_cast %scan3A_934 : i32 to index
          %get3A_970 = arith.index_cast %add3A_966 : i32 to index
          %get3A_971 = tpu.vector_load %arg8[%get3A_968, %get3A_969, %get3A_970] {strides = array<i32>} : memref<3x8x4096xf32, #tpu.memory_space<vmem>>, vector<1x1x16xf32>,
          %get3A_972 = vector.shape_cast %get3A_971 : vector<1x1x16xf32> to vector<16xf32>
          %mul3A_973 = arith.mulf %get3A_972, %get3A_941 : vector<16xf32>
          %swap3A_974 = arith.constant 0 : i32
          %swap3A_975 = arith.index_cast %swap3A_974 : i32 to index
          %swap3A_976 = arith.index_cast %scan3A_934 : i32 to index
          %swap3A_977 = arith.index_cast %add3A_966 : i32 to index
          %swap3A_978 = tpu.vector_load %arg8[%swap3A_975, %swap3A_976, %swap3A_977] {strides = array<i32>} : memref<3x8x4096xf32, #tpu.memory_space<vmem>>, vector<1x1x16xf32>,
          %swap3A_979 = vector.shape_cast %swap3A_978 : vector<1x1x16xf32> to vector<16xf32>
          %swap3A_980 = vector.shape_cast %mul3A_973 : vector<16xf32> to vector<1x1x16xf32>
          tpu.vector_store %arg8[%swap3A_975, %swap3A_976, %swap3A_977], %swap3A_980 {strides = array<i32>} : memref<3x8x4096xf32, #tpu.memory_space<vmem>>, vector<1x1x16xf32>,
          %add3A_981 = arith.constant 32 : i32
          %add3A_982 = arith.addi %mul3A_949, %add3A_981 : i32
          %get3A_983 = arith.constant 0 : i32
          %get3A_984 = arith.index_cast %get3A_983 : i32 to index
          %get3A_985 = arith.index_cast %scan3A_934 : i32 to index
          %get3A_986 = arith.index_cast %add3A_982 : i32 to index
          %get3A_987 = tpu.vector_load %arg8[%get3A_984, %get3A_985, %get3A_986] {strides = array<i32>} : memref<3x8x4096xf32, #tpu.memory_space<vmem>>, vector<1x1x16xf32>,
          %get3A_988 = vector.shape_cast %get3A_987 : vector<1x1x16xf32> to vector<16xf32>
          %mul3A_989 = arith.mulf %get3A_988, %get3A_941 : vector<16xf32>
          %swap3A_990 = arith.constant 0 : i32
          %swap3A_991 = arith.index_cast %swap3A_990 : i32 to index
          %swap3A_992 = arith.index_cast %scan3A_934 : i32 to index
          %swap3A_993 = arith.index_cast %add3A_982 : i32 to index
          %swap3A_994 = tpu.vector_load %arg8[%swap3A_991, %swap3A_992, %swap3A_993] {strides = array<i32>} : memref<3x8x4096xf32, #tpu.memory_space<vmem>>, vector<1x1x16xf32>,
          %swap3A_995 = vector.shape_cast %swap3A_994 : vector<1x1x16xf32> to vector<16xf32>
          %swap3A_996 = vector.shape_cast %mul3A_989 : vector<16xf32> to vector<1x1x16xf32>
          tpu.vector_store %arg8[%swap3A_991, %swap3A_992, %swap3A_993], %swap3A_996 {strides = array<i32>} : memref<3x8x4096xf32, #tpu.memory_space<vmem>>, vector<1x1x16xf32>,
          %add3A_997 = arith.constant 48 : i32
          %add3A_998 = arith.addi %mul3A_949, %add3A_997 : i32
          %get3A_999 = arith.constant 0 : i32
          %get3A_1000 = arith.index_cast %get3A_999 : i32 to index
          %get3A_1001 = arith.index_cast %scan3A_934 : i32 to index
          %get3A_1002 = arith.index_cast %add3A_998 : i32 to index
          %get3A_1003 = tpu.vector_load %arg8[%get3A_1000, %get3A_1001, %get3A_1002] {strides = array<i32>} : memref<3x8x4096xf32, #tpu.memory_space<vmem>>, vector<1x1x16xf32>,
          %get3A_1004 = vector.shape_cast %get3A_1003 : vector<1x1x16xf32> to vector<16xf32>
          %mul3A_1005 = arith.mulf %get3A_1004, %get3A_941 : vector<16xf32>
          %swap3A_1006 = arith.constant 0 : i32
          %swap3A_1007 = arith.index_cast %swap3A_1006 : i32 to index
          %swap3A_1008 = arith.index_cast %scan3A_934 : i32 to index
          %swap3A_1009 = arith.index_cast %add3A_998 : i32 to index
          %swap3A_1010 = tpu.vector_load %arg8[%swap3A_1007, %swap3A_1008, %swap3A_1009] {strides = array<i32>} : memref<3x8x4096xf32, #tpu.memory_space<vmem>>, vector<1x1x16xf32>,
          %swap3A_1011 = vector.shape_cast %swap3A_1010 : vector<1x1x16xf32> to vector<16xf32>
          %swap3A_1012 = vector.shape_cast %mul3A_1005 : vector<16xf32> to vector<1x1x16xf32>
          tpu.vector_store %arg8[%swap3A_1007, %swap3A_1008, %swap3A_1009], %swap3A_1012 {strides = array<i32>} : memref<3x8x4096xf32, #tpu.memory_space<vmem>>, vector<1x1x16xf32>,
        }
        %scan3A_946 = arith.constant 64 : i32
      }
      %scan3A_933 = arith.constant 8 : i32
    } else {
    }
    %add3A_376 = arith.constant 48 : i32
    %add3A_377 = arith.addi %mul3A_2, %add3A_376 : i32
    %dma_start3A_378 = arith.constant 0 : i32
    %dma_start3A_379 = arith.constant 0 : i32
    %dma_start3A_380 = arith.constant 0 : i32
    %dma_start3A_381 = tpu.memref_slice %arg8[%dma_start3A_378, %dma_start3A_379, %dma_start3A_380] : memref<3x8x4096xf32, #tpu.memory_space<vmem>> -> memref<1x8x4096xf32, #tpu.memory_space<vmem>>
    %dma_start3A_382 = tpu.memref_squeeze %dma_start3A_381 : memref<1x8x4096xf32, #tpu.memory_space<vmem>> -> memref<8x4096xf32, #tpu.memory_space<vmem>>
    %dma_start3A_383 = arith.constant 0 : i32
    %dma_start3A_384 = tpu.memref_slice %arg5[%add3A_377, %dma_start3A_383] : memref<4096x4096xf32, #tpu.memory_space<hbm>> -> memref<8x4096xf32, #tpu.memory_space<hbm>>
    %dma_start3A_385 = arith.constant 0 : i32
    %dma_start3A_386 = tpu.memref_slice %arg5[%add3A_377, %dma_start3A_385] : memref<4096x4096xf32, #tpu.memory_space<hbm>> -> memref<8x4096xf32, #tpu.memory_space<hbm>>
    %dma_start3A_387 = arith.constant 0 : i32
    %dma_start3A_388 = arith.constant 0 : i32
    %dma_start3A_389 = tpu.memref_slice %arg8[%dma_start3A_378, %dma_start3A_387, %dma_start3A_388] : memref<3x8x4096xf32, #tpu.memory_space<vmem>> -> memref<1x8x4096xf32, #tpu.memory_space<vmem>>
    %dma_start3A_390 = tpu.memref_squeeze %dma_start3A_389 : memref<1x8x4096xf32, #tpu.memory_space<vmem>> -> memref<8x4096xf32, #tpu.memory_space<vmem>>
    tpu.enqueue_dma source(%dma_start3A_390 : memref<8x4096xf32, #tpu.memory_space<vmem>>) target(%dma_start3A_386 : memref<8x4096xf32, #tpu.memory_space<hbm>>) target_semaphore(%arg12 : memref<!tpu.dma_semaphore, #tpu.memory_space<semaphore_mem>>)
    %dma_wait3A_391 = arith.constant 2 : i32
    %dma_wait3A_392 = arith.constant 0 : i32
    %dma_wait3A_393 = arith.constant 0 : i32
    %dma_wait3A_394 = tpu.memref_slice %arg8[%dma_wait3A_391, %dma_wait3A_392, %dma_wait3A_393] : memref<3x8x4096xf32, #tpu.memory_space<vmem>> -> memref<1x8x4096xf32, #tpu.memory_space<vmem>>
    %dma_wait3A_395 = tpu.memref_squeeze %dma_wait3A_394 : memref<1x8x4096xf32, #tpu.memory_space<vmem>> -> memref<8x4096xf32, #tpu.memory_space<vmem>>
    %dma_wait3A_396 = arith.constant 0 : i32
    %dma_wait3A_397 = tpu.memref_slice %arg5[%add3A_319, %dma_wait3A_396] : memref<4096x4096xf32, #tpu.memory_space<hbm>> -> memref<8x4096xf32, #tpu.memory_space<hbm>>
    %dma_wait3A_398 = arith.constant 0 : i32
    %dma_wait3A_399 = tpu.memref_slice %arg5[%add3A_319, %dma_wait3A_398] : memref<4096x4096xf32, #tpu.memory_space<hbm>> -> memref<8x4096xf32, #tpu.memory_space<hbm>>
    %dma_wait3A_400 = arith.constant 0 : i32
    %dma_wait3A_401 = arith.constant 0 : i32
    %dma_wait3A_402 = tpu.memref_slice %arg8[%dma_wait3A_391, %dma_wait3A_400, %dma_wait3A_401] : memref<3x8x4096xf32, #tpu.memory_space<vmem>> -> memref<1x8x4096xf32, #tpu.memory_space<vmem>>
    %dma_wait3A_403 = tpu.memref_squeeze %dma_wait3A_402 : memref<1x8x4096xf32, #tpu.memory_space<vmem>> -> memref<8x4096xf32, #tpu.memory_space<vmem>>
    tpu.wait_dma2 semaphore(%arg14 : memref<!tpu.dma_semaphore, #tpu.memory_space<semaphore_mem>>) src(%dma_wait3A_403 : memref<8x4096xf32, #tpu.memory_space<vmem>>) dst(%dma_wait3A_399 : memref<8x4096xf32, #tpu.memory_space<hbm>>)
    %dma_start3A_404 = arith.constant 2 : i32
    %dma_start3A_405 = arith.constant 0 : i32
    %dma_start3A_406 = arith.constant 0 : i32
    %dma_start3A_407 = tpu.memref_slice %arg8[%dma_start3A_404, %dma_start3A_405, %dma_start3A_406] : memref<3x8x4096xf32, #tpu.memory_space<vmem>> -> memref<1x8x4096xf32, #tpu.memory_space<vmem>>
    %dma_start3A_408 = tpu.memref_squeeze %dma_start3A_407 : memref<1x8x4096xf32, #tpu.memory_space<vmem>> -> memref<8x4096xf32, #tpu.memory_space<vmem>>
    %dma_start3A_409 = arith.constant 64 : i32
    %dma_start3A_410 = tpu.memref_slice %arg6[%dma_start3A_409] : memref<160xi32, #tpu.memory_space<vmem>> -> memref<8xi32, #tpu.memory_space<vmem>>
    %dma_start3A_411 = arith.constant 0 : i32
    %dma_start3A_412 = arith.constant 0 : i32
    %dma_start3A_413 = tpu.memref_slice %arg2[%dma_start3A_411, %dma_start3A_412] : memref<4096x4096xf32, #tpu.memory_space<hbm>> -> memref<4096x4096xf32, #tpu.memory_space<hbm>>
    tpu.enqueue_indirect_dma source(%dma_start3A_413 : memref<4096x4096xf32, #tpu.memory_space<hbm>>) target(%dma_start3A_408 : memref<8x4096xf32, #tpu.memory_space<vmem>>) offsets(%dma_start3A_410 : memref<8xi32, #tpu.memory_space<vmem>>) semaphore(%arg11 : memref<!tpu.dma_semaphore, #tpu.memory_space<semaphore_mem>>)
    %dma_wait3A_414 = arith.constant 1 : i32
    %dma_wait3A_415 = arith.constant 0 : i32
    %dma_wait3A_416 = arith.constant 0 : i32
    %dma_wait3A_417 = tpu.memref_slice %arg8[%dma_wait3A_414, %dma_wait3A_415, %dma_wait3A_416] : memref<3x8x4096xf32, #tpu.memory_space<vmem>> -> memref<1x8x4096xf32, #tpu.memory_space<vmem>>
    %dma_wait3A_418 = tpu.memref_squeeze %dma_wait3A_417 : memref<1x8x4096xf32, #tpu.memory_space<vmem>> -> memref<8x4096xf32, #tpu.memory_space<vmem>>
    %dma_wait3A_419 = arith.constant 56 : i32
    %dma_wait3A_420 = tpu.memref_slice %arg6[%dma_wait3A_419] : memref<160xi32, #tpu.memory_space<vmem>> -> memref<8xi32, #tpu.memory_space<vmem>>
    %dma_wait3A_421 = arith.constant 0 : i32
    %dma_wait3A_422 = arith.constant 0 : i32
    %dma_wait3A_423 = tpu.memref_slice %arg2[%dma_wait3A_421, %dma_wait3A_422] : memref<4096x4096xf32, #tpu.memory_space<hbm>> -> memref<4096x4096xf32, #tpu.memory_space<hbm>>
    tpu.wait_indirect_dma semaphore(%arg10 : memref<!tpu.dma_semaphore, #tpu.memory_space<semaphore_mem>>) src(%dma_wait3A_423 : memref<4096x4096xf32, #tpu.memory_space<hbm>>) dst(%dma_wait3A_418 : memref<8x4096xf32, #tpu.memory_space<vmem>>)
    %get3A_424 = arith.constant 128 : index
    %get3A_425 = tpu.vector_load %arg6[%get3A_424] {strides = array<i32>} : memref<160xi32, #tpu.memory_space<vmem>>, vector<16xi32>,
    %get3A_426 = vector.shape_cast %get3A_425 : vector<16xi32> to vector<16xi32>
    %slice3A_427 = vector.extract_strided_slice %get3A_426 {offsets = [7], sizes = [1], strides = [1]} : vector<16xi32> to vector<1xi32>
    %squeeze3A_428 = vector.extract %slice3A_427[0] : i32 from vector<1xi32>
    %ne3A_429 = arith.constant 0 : i32
    %ne3A_430 = arith.cmpi ne, %squeeze3A_428, %ne3A_429 : i32
    %convert_element_type3A_431 = arith.extui %ne3A_430 : i1 to i32
    %cond3A_432 = arith.constant 0 : i32
    %cond3A_433 = arith.cmpi ne, %convert_element_type3A_431, %cond3A_432 : i32
    scf.if %cond3A_433 {
      %scan3A = arith.constant 0 : i32
      %scan3A_929 = arith.constant 0 : i32
      %scan3A_930 = arith.constant 8 : i32
      %scan3A_931 = arith.addi %scan3A_929, %scan3A_930 : i32
      %scan3A_932 = arith.constant 1 : i32
      scf.for %scan3A_934 = %scan3A_929 to %scan3A_931 step %scan3A_932  : i32 {
        %add3A_935 = arith.constant 56 : i32
        %add3A_936 = arith.addi %add3A_935, %scan3A_934 : i32
        %mul3A_937 = arith.constant 16 : i32
        %mul3A_938 = arith.muli %add3A_936, %mul3A_937 : i32
        %get3A_939 = arith.index_cast %mul3A_938 : i32 to index
        %get3A_940 = tpu.vector_load %arg7[%get3A_939] {strides = array<i32>} : memref<2048xf32, #tpu.memory_space<vmem>>, vector<16xf32>,
        %get3A_941 = vector.shape_cast %get3A_940 : vector<16xf32> to vector<16xf32>
        %scan3A_942 = arith.constant 0 : i32
        %scan3A_943 = arith.constant 64 : i32
        %scan3A_944 = arith.addi %scan3A_942, %scan3A_943 : i32
        %scan3A_945 = arith.constant 1 : i32
        scf.for %scan3A_947 = %scan3A_942 to %scan3A_944 step %scan3A_945  : i32 {
          %mul3A_948 = arith.constant 64 : i32
          %mul3A_949 = arith.muli %scan3A_947, %mul3A_948 : i32
          %add3A_950 = arith.constant 0 : i32
          %add3A_951 = arith.addi %mul3A_949, %add3A_950 : i32
          %get3A_952 = arith.constant 1 : i32
          %get3A_953 = arith.index_cast %get3A_952 : i32 to index
          %get3A_954 = arith.index_cast %scan3A_934 : i32 to index
          %get3A_955 = arith.index_cast %add3A_951 : i32 to index
          %get3A_956 = tpu.vector_load %arg8[%get3A_953, %get3A_954, %get3A_955] {strides = array<i32>} : memref<3x8x4096xf32, #tpu.memory_space<vmem>>, vector<1x1x16xf32>,
          %get3A_957 = vector.shape_cast %get3A_956 : vector<1x1x16xf32> to vector<16xf32>
          %mul3A_958 = arith.mulf %get3A_957, %get3A_941 : vector<16xf32>
          %swap3A = arith.constant 1 : i32
          %swap3A_959 = arith.index_cast %swap3A : i32 to index
          %swap3A_960 = arith.index_cast %scan3A_934 : i32 to index
          %swap3A_961 = arith.index_cast %add3A_951 : i32 to index
          %swap3A_962 = tpu.vector_load %arg8[%swap3A_959, %swap3A_960, %swap3A_961] {strides = array<i32>} : memref<3x8x4096xf32, #tpu.memory_space<vmem>>, vector<1x1x16xf32>,
          %swap3A_963 = vector.shape_cast %swap3A_962 : vector<1x1x16xf32> to vector<16xf32>
          %swap3A_964 = vector.shape_cast %mul3A_958 : vector<16xf32> to vector<1x1x16xf32>
          tpu.vector_store %arg8[%swap3A_959, %swap3A_960, %swap3A_961], %swap3A_964 {strides = array<i32>} : memref<3x8x4096xf32, #tpu.memory_space<vmem>>, vector<1x1x16xf32>,
          %add3A_965 = arith.constant 16 : i32
          %add3A_966 = arith.addi %mul3A_949, %add3A_965 : i32
          %get3A_967 = arith.constant 1 : i32
          %get3A_968 = arith.index_cast %get3A_967 : i32 to index
          %get3A_969 = arith.index_cast %scan3A_934 : i32 to index
          %get3A_970 = arith.index_cast %add3A_966 : i32 to index
          %get3A_971 = tpu.vector_load %arg8[%get3A_968, %get3A_969, %get3A_970] {strides = array<i32>} : memref<3x8x4096xf32, #tpu.memory_space<vmem>>, vector<1x1x16xf32>,
          %get3A_972 = vector.shape_cast %get3A_971 : vector<1x1x16xf32> to vector<16xf32>
          %mul3A_973 = arith.mulf %get3A_972, %get3A_941 : vector<16xf32>
          %swap3A_974 = arith.constant 1 : i32
          %swap3A_975 = arith.index_cast %swap3A_974 : i32 to index
          %swap3A_976 = arith.index_cast %scan3A_934 : i32 to index
          %swap3A_977 = arith.index_cast %add3A_966 : i32 to index
          %swap3A_978 = tpu.vector_load %arg8[%swap3A_975, %swap3A_976, %swap3A_977] {strides = array<i32>} : memref<3x8x4096xf32, #tpu.memory_space<vmem>>, vector<1x1x16xf32>,
          %swap3A_979 = vector.shape_cast %swap3A_978 : vector<1x1x16xf32> to vector<16xf32>
          %swap3A_980 = vector.shape_cast %mul3A_973 : vector<16xf32> to vector<1x1x16xf32>
          tpu.vector_store %arg8[%swap3A_975, %swap3A_976, %swap3A_977], %swap3A_980 {strides = array<i32>} : memref<3x8x4096xf32, #tpu.memory_space<vmem>>, vector<1x1x16xf32>,
          %add3A_981 = arith.constant 32 : i32
          %add3A_982 = arith.addi %mul3A_949, %add3A_981 : i32
          %get3A_983 = arith.constant 1 : i32
          %get3A_984 = arith.index_cast %get3A_983 : i32 to index
          %get3A_985 = arith.index_cast %scan3A_934 : i32 to index
          %get3A_986 = arith.index_cast %add3A_982 : i32 to index
          %get3A_987 = tpu.vector_load %arg8[%get3A_984, %get3A_985, %get3A_986] {strides = array<i32>} : memref<3x8x4096xf32, #tpu.memory_space<vmem>>, vector<1x1x16xf32>,
          %get3A_988 = vector.shape_cast %get3A_987 : vector<1x1x16xf32> to vector<16xf32>
          %mul3A_989 = arith.mulf %get3A_988, %get3A_941 : vector<16xf32>
          %swap3A_990 = arith.constant 1 : i32
          %swap3A_991 = arith.index_cast %swap3A_990 : i32 to index
          %swap3A_992 = arith.index_cast %scan3A_934 : i32 to index
          %swap3A_993 = arith.index_cast %add3A_982 : i32 to index
          %swap3A_994 = tpu.vector_load %arg8[%swap3A_991, %swap3A_992, %swap3A_993] {strides = array<i32>} : memref<3x8x4096xf32, #tpu.memory_space<vmem>>, vector<1x1x16xf32>,
          %swap3A_995 = vector.shape_cast %swap3A_994 : vector<1x1x16xf32> to vector<16xf32>
          %swap3A_996 = vector.shape_cast %mul3A_989 : vector<16xf32> to vector<1x1x16xf32>
          tpu.vector_store %arg8[%swap3A_991, %swap3A_992, %swap3A_993], %swap3A_996 {strides = array<i32>} : memref<3x8x4096xf32, #tpu.memory_space<vmem>>, vector<1x1x16xf32>,
          %add3A_997 = arith.constant 48 : i32
          %add3A_998 = arith.addi %mul3A_949, %add3A_997 : i32
          %get3A_999 = arith.constant 1 : i32
          %get3A_1000 = arith.index_cast %get3A_999 : i32 to index
          %get3A_1001 = arith.index_cast %scan3A_934 : i32 to index
          %get3A_1002 = arith.index_cast %add3A_998 : i32 to index
          %get3A_1003 = tpu.vector_load %arg8[%get3A_1000, %get3A_1001, %get3A_1002] {strides = array<i32>} : memref<3x8x4096xf32, #tpu.memory_space<vmem>>, vector<1x1x16xf32>,
          %get3A_1004 = vector.shape_cast %get3A_1003 : vector<1x1x16xf32> to vector<16xf32>
          %mul3A_1005 = arith.mulf %get3A_1004, %get3A_941 : vector<16xf32>
          %swap3A_1006 = arith.constant 1 : i32
          %swap3A_1007 = arith.index_cast %swap3A_1006 : i32 to index
          %swap3A_1008 = arith.index_cast %scan3A_934 : i32 to index
          %swap3A_1009 = arith.index_cast %add3A_998 : i32 to index
          %swap3A_1010 = tpu.vector_load %arg8[%swap3A_1007, %swap3A_1008, %swap3A_1009] {strides = array<i32>} : memref<3x8x4096xf32, #tpu.memory_space<vmem>>, vector<1x1x16xf32>,
          %swap3A_1011 = vector.shape_cast %swap3A_1010 : vector<1x1x16xf32> to vector<16xf32>
          %swap3A_1012 = vector.shape_cast %mul3A_1005 : vector<16xf32> to vector<1x1x16xf32>
          tpu.vector_store %arg8[%swap3A_1007, %swap3A_1008, %swap3A_1009], %swap3A_1012 {strides = array<i32>} : memref<3x8x4096xf32, #tpu.memory_space<vmem>>, vector<1x1x16xf32>,
        }
        %scan3A_946 = arith.constant 64 : i32
      }
      %scan3A_933 = arith.constant 8 : i32
    } else {
    }
    %add3A_434 = arith.constant 56 : i32
    %add3A_435 = arith.addi %mul3A_2, %add3A_434 : i32
    %dma_start3A_436 = arith.constant 1 : i32
    %dma_start3A_437 = arith.constant 0 : i32
    %dma_start3A_438 = arith.constant 0 : i32
    %dma_start3A_439 = tpu.memref_slice %arg8[%dma_start3A_436, %dma_start3A_437, %dma_start3A_438] : memref<3x8x4096xf32, #tpu.memory_space<vmem>> -> memref<1x8x4096xf32, #tpu.memory_space<vmem>>
    %dma_start3A_440 = tpu.memref_squeeze %dma_start3A_439 : memref<1x8x4096xf32, #tpu.memory_space<vmem>> -> memref<8x4096xf32, #tpu.memory_space<vmem>>
    %dma_start3A_441 = arith.constant 0 : i32
    %dma_start3A_442 = tpu.memref_slice %arg5[%add3A_435, %dma_start3A_441] : memref<4096x4096xf32, #tpu.memory_space<hbm>> -> memref<8x4096xf32, #tpu.memory_space<hbm>>
    %dma_start3A_443 = arith.constant 0 : i32
    %dma_start3A_444 = tpu.memref_slice %arg5[%add3A_435, %dma_start3A_443] : memref<4096x4096xf32, #tpu.memory_space<hbm>> -> memref<8x4096xf32, #tpu.memory_space<hbm>>
    %dma_start3A_445 = arith.constant 0 : i32
    %dma_start3A_446 = arith.constant 0 : i32
    %dma_start3A_447 = tpu.memref_slice %arg8[%dma_start3A_436, %dma_start3A_445, %dma_start3A_446] : memref<3x8x4096xf32, #tpu.memory_space<vmem>> -> memref<1x8x4096xf32, #tpu.memory_space<vmem>>
    %dma_start3A_448 = tpu.memref_squeeze %dma_start3A_447 : memref<1x8x4096xf32, #tpu.memory_space<vmem>> -> memref<8x4096xf32, #tpu.memory_space<vmem>>
    tpu.enqueue_dma source(%dma_start3A_448 : memref<8x4096xf32, #tpu.memory_space<vmem>>) target(%dma_start3A_444 : memref<8x4096xf32, #tpu.memory_space<hbm>>) target_semaphore(%arg13 : memref<!tpu.dma_semaphore, #tpu.memory_space<semaphore_mem>>)
    %dma_wait3A_449 = arith.constant 0 : i32
    %dma_wait3A_450 = arith.constant 0 : i32
    %dma_wait3A_451 = arith.constant 0 : i32
    %dma_wait3A_452 = tpu.memref_slice %arg8[%dma_wait3A_449, %dma_wait3A_450, %dma_wait3A_451] : memref<3x8x4096xf32, #tpu.memory_space<vmem>> -> memref<1x8x4096xf32, #tpu.memory_space<vmem>>
    %dma_wait3A_453 = tpu.memref_squeeze %dma_wait3A_452 : memref<1x8x4096xf32, #tpu.memory_space<vmem>> -> memref<8x4096xf32, #tpu.memory_space<vmem>>
    %dma_wait3A_454 = arith.constant 0 : i32
    %dma_wait3A_455 = tpu.memref_slice %arg5[%add3A_377, %dma_wait3A_454] : memref<4096x4096xf32, #tpu.memory_space<hbm>> -> memref<8x4096xf32, #tpu.memory_space<hbm>>
    %dma_wait3A_456 = arith.constant 0 : i32
    %dma_wait3A_457 = tpu.memref_slice %arg5[%add3A_377, %dma_wait3A_456] : memref<4096x4096xf32, #tpu.memory_space<hbm>> -> memref<8x4096xf32, #tpu.memory_space<hbm>>
    %dma_wait3A_458 = arith.constant 0 : i32
    %dma_wait3A_459 = arith.constant 0 : i32
    %dma_wait3A_460 = tpu.memref_slice %arg8[%dma_wait3A_449, %dma_wait3A_458, %dma_wait3A_459] : memref<3x8x4096xf32, #tpu.memory_space<vmem>> -> memref<1x8x4096xf32, #tpu.memory_space<vmem>>
    %dma_wait3A_461 = tpu.memref_squeeze %dma_wait3A_460 : memref<1x8x4096xf32, #tpu.memory_space<vmem>> -> memref<8x4096xf32, #tpu.memory_space<vmem>>
    tpu.wait_dma2 semaphore(%arg12 : memref<!tpu.dma_semaphore, #tpu.memory_space<semaphore_mem>>) src(%dma_wait3A_461 : memref<8x4096xf32, #tpu.memory_space<vmem>>) dst(%dma_wait3A_457 : memref<8x4096xf32, #tpu.memory_space<hbm>>)
    %dma_start3A_462 = arith.constant 0 : i32
    %dma_start3A_463 = arith.constant 0 : i32
    %dma_start3A_464 = arith.constant 0 : i32
    %dma_start3A_465 = tpu.memref_slice %arg8[%dma_start3A_462, %dma_start3A_463, %dma_start3A_464] : memref<3x8x4096xf32, #tpu.memory_space<vmem>> -> memref<1x8x4096xf32, #tpu.memory_space<vmem>>
    %dma_start3A_466 = tpu.memref_squeeze %dma_start3A_465 : memref<1x8x4096xf32, #tpu.memory_space<vmem>> -> memref<8x4096xf32, #tpu.memory_space<vmem>>
    %dma_start3A_467 = arith.constant 72 : i32
    %dma_start3A_468 = tpu.memref_slice %arg6[%dma_start3A_467] : memref<160xi32, #tpu.memory_space<vmem>> -> memref<8xi32, #tpu.memory_space<vmem>>
    %dma_start3A_469 = arith.constant 0 : i32
    %dma_start3A_470 = arith.constant 0 : i32
    %dma_start3A_471 = tpu.memref_slice %arg2[%dma_start3A_469, %dma_start3A_470] : memref<4096x4096xf32, #tpu.memory_space<hbm>> -> memref<4096x4096xf32, #tpu.memory_space<hbm>>
    tpu.enqueue_indirect_dma source(%dma_start3A_471 : memref<4096x4096xf32, #tpu.memory_space<hbm>>) target(%dma_start3A_466 : memref<8x4096xf32, #tpu.memory_space<vmem>>) offsets(%dma_start3A_468 : memref<8xi32, #tpu.memory_space<vmem>>) semaphore(%arg9 : memref<!tpu.dma_semaphore, #tpu.memory_space<semaphore_mem>>)
    %dma_wait3A_472 = arith.constant 2 : i32
    %dma_wait3A_473 = arith.constant 0 : i32
    %dma_wait3A_474 = arith.constant 0 : i32
    %dma_wait3A_475 = tpu.memref_slice %arg8[%dma_wait3A_472, %dma_wait3A_473, %dma_wait3A_474] : memref<3x8x4096xf32, #tpu.memory_space<vmem>> -> memref<1x8x4096xf32, #tpu.memory_space<vmem>>
    %dma_wait3A_476 = tpu.memref_squeeze %dma_wait3A_475 : memref<1x8x4096xf32, #tpu.memory_space<vmem>> -> memref<8x4096xf32, #tpu.memory_space<vmem>>
    %dma_wait3A_477 = arith.constant 64 : i32
    %dma_wait3A_478 = tpu.memref_slice %arg6[%dma_wait3A_477] : memref<160xi32, #tpu.memory_space<vmem>> -> memref<8xi32, #tpu.memory_space<vmem>>
    %dma_wait3A_479 = arith.constant 0 : i32
    %dma_wait3A_480 = arith.constant 0 : i32
    %dma_wait3A_481 = tpu.memref_slice %arg2[%dma_wait3A_479, %dma_wait3A_480] : memref<4096x4096xf32, #tpu.memory_space<hbm>> -> memref<4096x4096xf32, #tpu.memory_space<hbm>>
    tpu.wait_indirect_dma semaphore(%arg11 : memref<!tpu.dma_semaphore, #tpu.memory_space<semaphore_mem>>) src(%dma_wait3A_481 : memref<4096x4096xf32, #tpu.memory_space<hbm>>) dst(%dma_wait3A_476 : memref<8x4096xf32, #tpu.memory_space<vmem>>)
    %get3A_482 = arith.constant 128 : index
    %get3A_483 = tpu.vector_load %arg6[%get3A_482] {strides = array<i32>} : memref<160xi32, #tpu.memory_space<vmem>>, vector<16xi32>,
    %get3A_484 = vector.shape_cast %get3A_483 : vector<16xi32> to vector<16xi32>
    %slice3A_485 = vector.extract_strided_slice %get3A_484 {offsets = [8], sizes = [1], strides = [1]} : vector<16xi32> to vector<1xi32>
    %squeeze3A_486 = vector.extract %slice3A_485[0] : i32 from vector<1xi32>
    %ne3A_487 = arith.constant 0 : i32
    %ne3A_488 = arith.cmpi ne, %squeeze3A_486, %ne3A_487 : i32
    %convert_element_type3A_489 = arith.extui %ne3A_488 : i1 to i32
    %cond3A_490 = arith.constant 0 : i32
    %cond3A_491 = arith.cmpi ne, %convert_element_type3A_489, %cond3A_490 : i32
    scf.if %cond3A_491 {
      %scan3A = arith.constant 0 : i32
      %scan3A_929 = arith.constant 0 : i32
      %scan3A_930 = arith.constant 8 : i32
      %scan3A_931 = arith.addi %scan3A_929, %scan3A_930 : i32
      %scan3A_932 = arith.constant 1 : i32
      scf.for %scan3A_934 = %scan3A_929 to %scan3A_931 step %scan3A_932  : i32 {
        %add3A_935 = arith.constant 64 : i32
        %add3A_936 = arith.addi %add3A_935, %scan3A_934 : i32
        %mul3A_937 = arith.constant 16 : i32
        %mul3A_938 = arith.muli %add3A_936, %mul3A_937 : i32
        %get3A_939 = arith.index_cast %mul3A_938 : i32 to index
        %get3A_940 = tpu.vector_load %arg7[%get3A_939] {strides = array<i32>} : memref<2048xf32, #tpu.memory_space<vmem>>, vector<16xf32>,
        %get3A_941 = vector.shape_cast %get3A_940 : vector<16xf32> to vector<16xf32>
        %scan3A_942 = arith.constant 0 : i32
        %scan3A_943 = arith.constant 64 : i32
        %scan3A_944 = arith.addi %scan3A_942, %scan3A_943 : i32
        %scan3A_945 = arith.constant 1 : i32
        scf.for %scan3A_947 = %scan3A_942 to %scan3A_944 step %scan3A_945  : i32 {
          %mul3A_948 = arith.constant 64 : i32
          %mul3A_949 = arith.muli %scan3A_947, %mul3A_948 : i32
          %add3A_950 = arith.constant 0 : i32
          %add3A_951 = arith.addi %mul3A_949, %add3A_950 : i32
          %get3A_952 = arith.constant 2 : i32
          %get3A_953 = arith.index_cast %get3A_952 : i32 to index
          %get3A_954 = arith.index_cast %scan3A_934 : i32 to index
          %get3A_955 = arith.index_cast %add3A_951 : i32 to index
          %get3A_956 = tpu.vector_load %arg8[%get3A_953, %get3A_954, %get3A_955] {strides = array<i32>} : memref<3x8x4096xf32, #tpu.memory_space<vmem>>, vector<1x1x16xf32>,
          %get3A_957 = vector.shape_cast %get3A_956 : vector<1x1x16xf32> to vector<16xf32>
          %mul3A_958 = arith.mulf %get3A_957, %get3A_941 : vector<16xf32>
          %swap3A = arith.constant 2 : i32
          %swap3A_959 = arith.index_cast %swap3A : i32 to index
          %swap3A_960 = arith.index_cast %scan3A_934 : i32 to index
          %swap3A_961 = arith.index_cast %add3A_951 : i32 to index
          %swap3A_962 = tpu.vector_load %arg8[%swap3A_959, %swap3A_960, %swap3A_961] {strides = array<i32>} : memref<3x8x4096xf32, #tpu.memory_space<vmem>>, vector<1x1x16xf32>,
          %swap3A_963 = vector.shape_cast %swap3A_962 : vector<1x1x16xf32> to vector<16xf32>
          %swap3A_964 = vector.shape_cast %mul3A_958 : vector<16xf32> to vector<1x1x16xf32>
          tpu.vector_store %arg8[%swap3A_959, %swap3A_960, %swap3A_961], %swap3A_964 {strides = array<i32>} : memref<3x8x4096xf32, #tpu.memory_space<vmem>>, vector<1x1x16xf32>,
          %add3A_965 = arith.constant 16 : i32
          %add3A_966 = arith.addi %mul3A_949, %add3A_965 : i32
          %get3A_967 = arith.constant 2 : i32
          %get3A_968 = arith.index_cast %get3A_967 : i32 to index
          %get3A_969 = arith.index_cast %scan3A_934 : i32 to index
          %get3A_970 = arith.index_cast %add3A_966 : i32 to index
          %get3A_971 = tpu.vector_load %arg8[%get3A_968, %get3A_969, %get3A_970] {strides = array<i32>} : memref<3x8x4096xf32, #tpu.memory_space<vmem>>, vector<1x1x16xf32>,
          %get3A_972 = vector.shape_cast %get3A_971 : vector<1x1x16xf32> to vector<16xf32>
          %mul3A_973 = arith.mulf %get3A_972, %get3A_941 : vector<16xf32>
          %swap3A_974 = arith.constant 2 : i32
          %swap3A_975 = arith.index_cast %swap3A_974 : i32 to index
          %swap3A_976 = arith.index_cast %scan3A_934 : i32 to index
          %swap3A_977 = arith.index_cast %add3A_966 : i32 to index
          %swap3A_978 = tpu.vector_load %arg8[%swap3A_975, %swap3A_976, %swap3A_977] {strides = array<i32>} : memref<3x8x4096xf32, #tpu.memory_space<vmem>>, vector<1x1x16xf32>,
          %swap3A_979 = vector.shape_cast %swap3A_978 : vector<1x1x16xf32> to vector<16xf32>
          %swap3A_980 = vector.shape_cast %mul3A_973 : vector<16xf32> to vector<1x1x16xf32>
          tpu.vector_store %arg8[%swap3A_975, %swap3A_976, %swap3A_977], %swap3A_980 {strides = array<i32>} : memref<3x8x4096xf32, #tpu.memory_space<vmem>>, vector<1x1x16xf32>,
          %add3A_981 = arith.constant 32 : i32
          %add3A_982 = arith.addi %mul3A_949, %add3A_981 : i32
          %get3A_983 = arith.constant 2 : i32
          %get3A_984 = arith.index_cast %get3A_983 : i32 to index
          %get3A_985 = arith.index_cast %scan3A_934 : i32 to index
          %get3A_986 = arith.index_cast %add3A_982 : i32 to index
          %get3A_987 = tpu.vector_load %arg8[%get3A_984, %get3A_985, %get3A_986] {strides = array<i32>} : memref<3x8x4096xf32, #tpu.memory_space<vmem>>, vector<1x1x16xf32>,
          %get3A_988 = vector.shape_cast %get3A_987 : vector<1x1x16xf32> to vector<16xf32>
          %mul3A_989 = arith.mulf %get3A_988, %get3A_941 : vector<16xf32>
          %swap3A_990 = arith.constant 2 : i32
          %swap3A_991 = arith.index_cast %swap3A_990 : i32 to index
          %swap3A_992 = arith.index_cast %scan3A_934 : i32 to index
          %swap3A_993 = arith.index_cast %add3A_982 : i32 to index
          %swap3A_994 = tpu.vector_load %arg8[%swap3A_991, %swap3A_992, %swap3A_993] {strides = array<i32>} : memref<3x8x4096xf32, #tpu.memory_space<vmem>>, vector<1x1x16xf32>,
          %swap3A_995 = vector.shape_cast %swap3A_994 : vector<1x1x16xf32> to vector<16xf32>
          %swap3A_996 = vector.shape_cast %mul3A_989 : vector<16xf32> to vector<1x1x16xf32>
          tpu.vector_store %arg8[%swap3A_991, %swap3A_992, %swap3A_993], %swap3A_996 {strides = array<i32>} : memref<3x8x4096xf32, #tpu.memory_space<vmem>>, vector<1x1x16xf32>,
          %add3A_997 = arith.constant 48 : i32
          %add3A_998 = arith.addi %mul3A_949, %add3A_997 : i32
          %get3A_999 = arith.constant 2 : i32
          %get3A_1000 = arith.index_cast %get3A_999 : i32 to index
          %get3A_1001 = arith.index_cast %scan3A_934 : i32 to index
          %get3A_1002 = arith.index_cast %add3A_998 : i32 to index
          %get3A_1003 = tpu.vector_load %arg8[%get3A_1000, %get3A_1001, %get3A_1002] {strides = array<i32>} : memref<3x8x4096xf32, #tpu.memory_space<vmem>>, vector<1x1x16xf32>,
          %get3A_1004 = vector.shape_cast %get3A_1003 : vector<1x1x16xf32> to vector<16xf32>
          %mul3A_1005 = arith.mulf %get3A_1004, %get3A_941 : vector<16xf32>
          %swap3A_1006 = arith.constant 2 : i32
          %swap3A_1007 = arith.index_cast %swap3A_1006 : i32 to index
          %swap3A_1008 = arith.index_cast %scan3A_934 : i32 to index
          %swap3A_1009 = arith.index_cast %add3A_998 : i32 to index
          %swap3A_1010 = tpu.vector_load %arg8[%swap3A_1007, %swap3A_1008, %swap3A_1009] {strides = array<i32>} : memref<3x8x4096xf32, #tpu.memory_space<vmem>>, vector<1x1x16xf32>,
          %swap3A_1011 = vector.shape_cast %swap3A_1010 : vector<1x1x16xf32> to vector<16xf32>
          %swap3A_1012 = vector.shape_cast %mul3A_1005 : vector<16xf32> to vector<1x1x16xf32>
          tpu.vector_store %arg8[%swap3A_1007, %swap3A_1008, %swap3A_1009], %swap3A_1012 {strides = array<i32>} : memref<3x8x4096xf32, #tpu.memory_space<vmem>>, vector<1x1x16xf32>,
        }
        %scan3A_946 = arith.constant 64 : i32
      }
      %scan3A_933 = arith.constant 8 : i32
    } else {
    }
    %add3A_492 = arith.constant 64 : i32
    %add3A_493 = arith.addi %mul3A_2, %add3A_492 : i32
    %dma_start3A_494 = arith.constant 2 : i32
    %dma_start3A_495 = arith.constant 0 : i32
    %dma_start3A_496 = arith.constant 0 : i32
    %dma_start3A_497 = tpu.memref_slice %arg8[%dma_start3A_494, %dma_start3A_495, %dma_start3A_496] : memref<3x8x4096xf32, #tpu.memory_space<vmem>> -> memref<1x8x4096xf32, #tpu.memory_space<vmem>>
    %dma_start3A_498 = tpu.memref_squeeze %dma_start3A_497 : memref<1x8x4096xf32, #tpu.memory_space<vmem>> -> memref<8x4096xf32, #tpu.memory_space<vmem>>
    %dma_start3A_499 = arith.constant 0 : i32
    %dma_start3A_500 = tpu.memref_slice %arg5[%add3A_493, %dma_start3A_499] : memref<4096x4096xf32, #tpu.memory_space<hbm>> -> memref<8x4096xf32, #tpu.memory_space<hbm>>
    %dma_start3A_501 = arith.constant 0 : i32
    %dma_start3A_502 = tpu.memref_slice %arg5[%add3A_493, %dma_start3A_501] : memref<4096x4096xf32, #tpu.memory_space<hbm>> -> memref<8x4096xf32, #tpu.memory_space<hbm>>
    %dma_start3A_503 = arith.constant 0 : i32
    %dma_start3A_504 = arith.constant 0 : i32
    %dma_start3A_505 = tpu.memref_slice %arg8[%dma_start3A_494, %dma_start3A_503, %dma_start3A_504] : memref<3x8x4096xf32, #tpu.memory_space<vmem>> -> memref<1x8x4096xf32, #tpu.memory_space<vmem>>
    %dma_start3A_506 = tpu.memref_squeeze %dma_start3A_505 : memref<1x8x4096xf32, #tpu.memory_space<vmem>> -> memref<8x4096xf32, #tpu.memory_space<vmem>>
    tpu.enqueue_dma source(%dma_start3A_506 : memref<8x4096xf32, #tpu.memory_space<vmem>>) target(%dma_start3A_502 : memref<8x4096xf32, #tpu.memory_space<hbm>>) target_semaphore(%arg14 : memref<!tpu.dma_semaphore, #tpu.memory_space<semaphore_mem>>)
    %dma_wait3A_507 = arith.constant 1 : i32
    %dma_wait3A_508 = arith.constant 0 : i32
    %dma_wait3A_509 = arith.constant 0 : i32
    %dma_wait3A_510 = tpu.memref_slice %arg8[%dma_wait3A_507, %dma_wait3A_508, %dma_wait3A_509] : memref<3x8x4096xf32, #tpu.memory_space<vmem>> -> memref<1x8x4096xf32, #tpu.memory_space<vmem>>
    %dma_wait3A_511 = tpu.memref_squeeze %dma_wait3A_510 : memref<1x8x4096xf32, #tpu.memory_space<vmem>> -> memref<8x4096xf32, #tpu.memory_space<vmem>>
    %dma_wait3A_512 = arith.constant 0 : i32
    %dma_wait3A_513 = tpu.memref_slice %arg5[%add3A_435, %dma_wait3A_512] : memref<4096x4096xf32, #tpu.memory_space<hbm>> -> memref<8x4096xf32, #tpu.memory_space<hbm>>
    %dma_wait3A_514 = arith.constant 0 : i32
    %dma_wait3A_515 = tpu.memref_slice %arg5[%add3A_435, %dma_wait3A_514] : memref<4096x4096xf32, #tpu.memory_space<hbm>> -> memref<8x4096xf32, #tpu.memory_space<hbm>>
    %dma_wait3A_516 = arith.constant 0 : i32
    %dma_wait3A_517 = arith.constant 0 : i32
    %dma_wait3A_518 = tpu.memref_slice %arg8[%dma_wait3A_507, %dma_wait3A_516, %dma_wait3A_517] : memref<3x8x4096xf32, #tpu.memory_space<vmem>> -> memref<1x8x4096xf32, #tpu.memory_space<vmem>>
    %dma_wait3A_519 = tpu.memref_squeeze %dma_wait3A_518 : memref<1x8x4096xf32, #tpu.memory_space<vmem>> -> memref<8x4096xf32, #tpu.memory_space<vmem>>
    tpu.wait_dma2 semaphore(%arg13 : memref<!tpu.dma_semaphore, #tpu.memory_space<semaphore_mem>>) src(%dma_wait3A_519 : memref<8x4096xf32, #tpu.memory_space<vmem>>) dst(%dma_wait3A_515 : memref<8x4096xf32, #tpu.memory_space<hbm>>)
    %dma_start3A_520 = arith.constant 1 : i32
    %dma_start3A_521 = arith.constant 0 : i32
    %dma_start3A_522 = arith.constant 0 : i32
    %dma_start3A_523 = tpu.memref_slice %arg8[%dma_start3A_520, %dma_start3A_521, %dma_start3A_522] : memref<3x8x4096xf32, #tpu.memory_space<vmem>> -> memref<1x8x4096xf32, #tpu.memory_space<vmem>>
    %dma_start3A_524 = tpu.memref_squeeze %dma_start3A_523 : memref<1x8x4096xf32, #tpu.memory_space<vmem>> -> memref<8x4096xf32, #tpu.memory_space<vmem>>
    %dma_start3A_525 = arith.constant 80 : i32
    %dma_start3A_526 = tpu.memref_slice %arg6[%dma_start3A_525] : memref<160xi32, #tpu.memory_space<vmem>> -> memref<8xi32, #tpu.memory_space<vmem>>
    %dma_start3A_527 = arith.constant 0 : i32
    %dma_start3A_528 = arith.constant 0 : i32
    %dma_start3A_529 = tpu.memref_slice %arg2[%dma_start3A_527, %dma_start3A_528] : memref<4096x4096xf32, #tpu.memory_space<hbm>> -> memref<4096x4096xf32, #tpu.memory_space<hbm>>
    tpu.enqueue_indirect_dma source(%dma_start3A_529 : memref<4096x4096xf32, #tpu.memory_space<hbm>>) target(%dma_start3A_524 : memref<8x4096xf32, #tpu.memory_space<vmem>>) offsets(%dma_start3A_526 : memref<8xi32, #tpu.memory_space<vmem>>) semaphore(%arg10 : memref<!tpu.dma_semaphore, #tpu.memory_space<semaphore_mem>>)
    %dma_wait3A_530 = arith.constant 0 : i32
    %dma_wait3A_531 = arith.constant 0 : i32
    %dma_wait3A_532 = arith.constant 0 : i32
    %dma_wait3A_533 = tpu.memref_slice %arg8[%dma_wait3A_530, %dma_wait3A_531, %dma_wait3A_532] : memref<3x8x4096xf32, #tpu.memory_space<vmem>> -> memref<1x8x4096xf32, #tpu.memory_space<vmem>>
    %dma_wait3A_534 = tpu.memref_squeeze %dma_wait3A_533 : memref<1x8x4096xf32, #tpu.memory_space<vmem>> -> memref<8x4096xf32, #tpu.memory_space<vmem>>
    %dma_wait3A_535 = arith.constant 72 : i32
    %dma_wait3A_536 = tpu.memref_slice %arg6[%dma_wait3A_535] : memref<160xi32, #tpu.memory_space<vmem>> -> memref<8xi32, #tpu.memory_space<vmem>>
    %dma_wait3A_537 = arith.constant 0 : i32
    %dma_wait3A_538 = arith.constant 0 : i32
    %dma_wait3A_539 = tpu.memref_slice %arg2[%dma_wait3A_537, %dma_wait3A_538] : memref<4096x4096xf32, #tpu.memory_space<hbm>> -> memref<4096x4096xf32, #tpu.memory_space<hbm>>
    tpu.wait_indirect_dma semaphore(%arg9 : memref<!tpu.dma_semaphore, #tpu.memory_space<semaphore_mem>>) src(%dma_wait3A_539 : memref<4096x4096xf32, #tpu.memory_space<hbm>>) dst(%dma_wait3A_534 : memref<8x4096xf32, #tpu.memory_space<vmem>>)
    %get3A_540 = arith.constant 128 : index
    %get3A_541 = tpu.vector_load %arg6[%get3A_540] {strides = array<i32>} : memref<160xi32, #tpu.memory_space<vmem>>, vector<16xi32>,
    %get3A_542 = vector.shape_cast %get3A_541 : vector<16xi32> to vector<16xi32>
    %slice3A_543 = vector.extract_strided_slice %get3A_542 {offsets = [9], sizes = [1], strides = [1]} : vector<16xi32> to vector<1xi32>
    %squeeze3A_544 = vector.extract %slice3A_543[0] : i32 from vector<1xi32>
    %ne3A_545 = arith.constant 0 : i32
    %ne3A_546 = arith.cmpi ne, %squeeze3A_544, %ne3A_545 : i32
    %convert_element_type3A_547 = arith.extui %ne3A_546 : i1 to i32
    %cond3A_548 = arith.constant 0 : i32
    %cond3A_549 = arith.cmpi ne, %convert_element_type3A_547, %cond3A_548 : i32
    scf.if %cond3A_549 {
      %scan3A = arith.constant 0 : i32
      %scan3A_929 = arith.constant 0 : i32
      %scan3A_930 = arith.constant 8 : i32
      %scan3A_931 = arith.addi %scan3A_929, %scan3A_930 : i32
      %scan3A_932 = arith.constant 1 : i32
      scf.for %scan3A_934 = %scan3A_929 to %scan3A_931 step %scan3A_932  : i32 {
        %add3A_935 = arith.constant 72 : i32
        %add3A_936 = arith.addi %add3A_935, %scan3A_934 : i32
        %mul3A_937 = arith.constant 16 : i32
        %mul3A_938 = arith.muli %add3A_936, %mul3A_937 : i32
        %get3A_939 = arith.index_cast %mul3A_938 : i32 to index
        %get3A_940 = tpu.vector_load %arg7[%get3A_939] {strides = array<i32>} : memref<2048xf32, #tpu.memory_space<vmem>>, vector<16xf32>,
        %get3A_941 = vector.shape_cast %get3A_940 : vector<16xf32> to vector<16xf32>
        %scan3A_942 = arith.constant 0 : i32
        %scan3A_943 = arith.constant 64 : i32
        %scan3A_944 = arith.addi %scan3A_942, %scan3A_943 : i32
        %scan3A_945 = arith.constant 1 : i32
        scf.for %scan3A_947 = %scan3A_942 to %scan3A_944 step %scan3A_945  : i32 {
          %mul3A_948 = arith.constant 64 : i32
          %mul3A_949 = arith.muli %scan3A_947, %mul3A_948 : i32
          %add3A_950 = arith.constant 0 : i32
          %add3A_951 = arith.addi %mul3A_949, %add3A_950 : i32
          %get3A_952 = arith.constant 0 : i32
          %get3A_953 = arith.index_cast %get3A_952 : i32 to index
          %get3A_954 = arith.index_cast %scan3A_934 : i32 to index
          %get3A_955 = arith.index_cast %add3A_951 : i32 to index
          %get3A_956 = tpu.vector_load %arg8[%get3A_953, %get3A_954, %get3A_955] {strides = array<i32>} : memref<3x8x4096xf32, #tpu.memory_space<vmem>>, vector<1x1x16xf32>,
          %get3A_957 = vector.shape_cast %get3A_956 : vector<1x1x16xf32> to vector<16xf32>
          %mul3A_958 = arith.mulf %get3A_957, %get3A_941 : vector<16xf32>
          %swap3A = arith.constant 0 : i32
          %swap3A_959 = arith.index_cast %swap3A : i32 to index
          %swap3A_960 = arith.index_cast %scan3A_934 : i32 to index
          %swap3A_961 = arith.index_cast %add3A_951 : i32 to index
          %swap3A_962 = tpu.vector_load %arg8[%swap3A_959, %swap3A_960, %swap3A_961] {strides = array<i32>} : memref<3x8x4096xf32, #tpu.memory_space<vmem>>, vector<1x1x16xf32>,
          %swap3A_963 = vector.shape_cast %swap3A_962 : vector<1x1x16xf32> to vector<16xf32>
          %swap3A_964 = vector.shape_cast %mul3A_958 : vector<16xf32> to vector<1x1x16xf32>
          tpu.vector_store %arg8[%swap3A_959, %swap3A_960, %swap3A_961], %swap3A_964 {strides = array<i32>} : memref<3x8x4096xf32, #tpu.memory_space<vmem>>, vector<1x1x16xf32>,
          %add3A_965 = arith.constant 16 : i32
          %add3A_966 = arith.addi %mul3A_949, %add3A_965 : i32
          %get3A_967 = arith.constant 0 : i32
          %get3A_968 = arith.index_cast %get3A_967 : i32 to index
          %get3A_969 = arith.index_cast %scan3A_934 : i32 to index
          %get3A_970 = arith.index_cast %add3A_966 : i32 to index
          %get3A_971 = tpu.vector_load %arg8[%get3A_968, %get3A_969, %get3A_970] {strides = array<i32>} : memref<3x8x4096xf32, #tpu.memory_space<vmem>>, vector<1x1x16xf32>,
          %get3A_972 = vector.shape_cast %get3A_971 : vector<1x1x16xf32> to vector<16xf32>
          %mul3A_973 = arith.mulf %get3A_972, %get3A_941 : vector<16xf32>
          %swap3A_974 = arith.constant 0 : i32
          %swap3A_975 = arith.index_cast %swap3A_974 : i32 to index
          %swap3A_976 = arith.index_cast %scan3A_934 : i32 to index
          %swap3A_977 = arith.index_cast %add3A_966 : i32 to index
          %swap3A_978 = tpu.vector_load %arg8[%swap3A_975, %swap3A_976, %swap3A_977] {strides = array<i32>} : memref<3x8x4096xf32, #tpu.memory_space<vmem>>, vector<1x1x16xf32>,
          %swap3A_979 = vector.shape_cast %swap3A_978 : vector<1x1x16xf32> to vector<16xf32>
          %swap3A_980 = vector.shape_cast %mul3A_973 : vector<16xf32> to vector<1x1x16xf32>
          tpu.vector_store %arg8[%swap3A_975, %swap3A_976, %swap3A_977], %swap3A_980 {strides = array<i32>} : memref<3x8x4096xf32, #tpu.memory_space<vmem>>, vector<1x1x16xf32>,
          %add3A_981 = arith.constant 32 : i32
          %add3A_982 = arith.addi %mul3A_949, %add3A_981 : i32
          %get3A_983 = arith.constant 0 : i32
          %get3A_984 = arith.index_cast %get3A_983 : i32 to index
          %get3A_985 = arith.index_cast %scan3A_934 : i32 to index
          %get3A_986 = arith.index_cast %add3A_982 : i32 to index
          %get3A_987 = tpu.vector_load %arg8[%get3A_984, %get3A_985, %get3A_986] {strides = array<i32>} : memref<3x8x4096xf32, #tpu.memory_space<vmem>>, vector<1x1x16xf32>,
          %get3A_988 = vector.shape_cast %get3A_987 : vector<1x1x16xf32> to vector<16xf32>
          %mul3A_989 = arith.mulf %get3A_988, %get3A_941 : vector<16xf32>
          %swap3A_990 = arith.constant 0 : i32
          %swap3A_991 = arith.index_cast %swap3A_990 : i32 to index
          %swap3A_992 = arith.index_cast %scan3A_934 : i32 to index
          %swap3A_993 = arith.index_cast %add3A_982 : i32 to index
          %swap3A_994 = tpu.vector_load %arg8[%swap3A_991, %swap3A_992, %swap3A_993] {strides = array<i32>} : memref<3x8x4096xf32, #tpu.memory_space<vmem>>, vector<1x1x16xf32>,
          %swap3A_995 = vector.shape_cast %swap3A_994 : vector<1x1x16xf32> to vector<16xf32>
          %swap3A_996 = vector.shape_cast %mul3A_989 : vector<16xf32> to vector<1x1x16xf32>
          tpu.vector_store %arg8[%swap3A_991, %swap3A_992, %swap3A_993], %swap3A_996 {strides = array<i32>} : memref<3x8x4096xf32, #tpu.memory_space<vmem>>, vector<1x1x16xf32>,
          %add3A_997 = arith.constant 48 : i32
          %add3A_998 = arith.addi %mul3A_949, %add3A_997 : i32
          %get3A_999 = arith.constant 0 : i32
          %get3A_1000 = arith.index_cast %get3A_999 : i32 to index
          %get3A_1001 = arith.index_cast %scan3A_934 : i32 to index
          %get3A_1002 = arith.index_cast %add3A_998 : i32 to index
          %get3A_1003 = tpu.vector_load %arg8[%get3A_1000, %get3A_1001, %get3A_1002] {strides = array<i32>} : memref<3x8x4096xf32, #tpu.memory_space<vmem>>, vector<1x1x16xf32>,
          %get3A_1004 = vector.shape_cast %get3A_1003 : vector<1x1x16xf32> to vector<16xf32>
          %mul3A_1005 = arith.mulf %get3A_1004, %get3A_941 : vector<16xf32>
          %swap3A_1006 = arith.constant 0 : i32
          %swap3A_1007 = arith.index_cast %swap3A_1006 : i32 to index
          %swap3A_1008 = arith.index_cast %scan3A_934 : i32 to index
          %swap3A_1009 = arith.index_cast %add3A_998 : i32 to index
          %swap3A_1010 = tpu.vector_load %arg8[%swap3A_1007, %swap3A_1008, %swap3A_1009] {strides = array<i32>} : memref<3x8x4096xf32, #tpu.memory_space<vmem>>, vector<1x1x16xf32>,
          %swap3A_1011 = vector.shape_cast %swap3A_1010 : vector<1x1x16xf32> to vector<16xf32>
          %swap3A_1012 = vector.shape_cast %mul3A_1005 : vector<16xf32> to vector<1x1x16xf32>
          tpu.vector_store %arg8[%swap3A_1007, %swap3A_1008, %swap3A_1009], %swap3A_1012 {strides = array<i32>} : memref<3x8x4096xf32, #tpu.memory_space<vmem>>, vector<1x1x16xf32>,
        }
        %scan3A_946 = arith.constant 64 : i32
      }
      %scan3A_933 = arith.constant 8 : i32
    } else {
    }
    %add3A_550 = arith.constant 72 : i32
    %add3A_551 = arith.addi %mul3A_2, %add3A_550 : i32
    %dma_start3A_552 = arith.constant 0 : i32
    %dma_start3A_553 = arith.constant 0 : i32
    %dma_start3A_554 = arith.constant 0 : i32
    %dma_start3A_555 = tpu.memref_slice %arg8[%dma_start3A_552, %dma_start3A_553, %dma_start3A_554] : memref<3x8x4096xf32, #tpu.memory_space<vmem>> -> memref<1x8x4096xf32, #tpu.memory_space<vmem>>
    %dma_start3A_556 = tpu.memref_squeeze %dma_start3A_555 : memref<1x8x4096xf32, #tpu.memory_space<vmem>> -> memref<8x4096xf32, #tpu.memory_space<vmem>>
    %dma_start3A_557 = arith.constant 0 : i32
    %dma_start3A_558 = tpu.memref_slice %arg5[%add3A_551, %dma_start3A_557] : memref<4096x4096xf32, #tpu.memory_space<hbm>> -> memref<8x4096xf32, #tpu.memory_space<hbm>>
    %dma_start3A_559 = arith.constant 0 : i32
    %dma_start3A_560 = tpu.memref_slice %arg5[%add3A_551, %dma_start3A_559] : memref<4096x4096xf32, #tpu.memory_space<hbm>> -> memref<8x4096xf32, #tpu.memory_space<hbm>>
    %dma_start3A_561 = arith.constant 0 : i32
    %dma_start3A_562 = arith.constant 0 : i32
    %dma_start3A_563 = tpu.memref_slice %arg8[%dma_start3A_552, %dma_start3A_561, %dma_start3A_562] : memref<3x8x4096xf32, #tpu.memory_space<vmem>> -> memref<1x8x4096xf32, #tpu.memory_space<vmem>>
    %dma_start3A_564 = tpu.memref_squeeze %dma_start3A_563 : memref<1x8x4096xf32, #tpu.memory_space<vmem>> -> memref<8x4096xf32, #tpu.memory_space<vmem>>
    tpu.enqueue_dma source(%dma_start3A_564 : memref<8x4096xf32, #tpu.memory_space<vmem>>) target(%dma_start3A_560 : memref<8x4096xf32, #tpu.memory_space<hbm>>) target_semaphore(%arg12 : memref<!tpu.dma_semaphore, #tpu.memory_space<semaphore_mem>>)
    %dma_wait3A_565 = arith.constant 2 : i32
    %dma_wait3A_566 = arith.constant 0 : i32
    %dma_wait3A_567 = arith.constant 0 : i32
    %dma_wait3A_568 = tpu.memref_slice %arg8[%dma_wait3A_565, %dma_wait3A_566, %dma_wait3A_567] : memref<3x8x4096xf32, #tpu.memory_space<vmem>> -> memref<1x8x4096xf32, #tpu.memory_space<vmem>>
    %dma_wait3A_569 = tpu.memref_squeeze %dma_wait3A_568 : memref<1x8x4096xf32, #tpu.memory_space<vmem>> -> memref<8x4096xf32, #tpu.memory_space<vmem>>
    %dma_wait3A_570 = arith.constant 0 : i32
    %dma_wait3A_571 = tpu.memref_slice %arg5[%add3A_493, %dma_wait3A_570] : memref<4096x4096xf32, #tpu.memory_space<hbm>> -> memref<8x4096xf32, #tpu.memory_space<hbm>>
    %dma_wait3A_572 = arith.constant 0 : i32
    %dma_wait3A_573 = tpu.memref_slice %arg5[%add3A_493, %dma_wait3A_572] : memref<4096x4096xf32, #tpu.memory_space<hbm>> -> memref<8x4096xf32, #tpu.memory_space<hbm>>
    %dma_wait3A_574 = arith.constant 0 : i32
    %dma_wait3A_575 = arith.constant 0 : i32
    %dma_wait3A_576 = tpu.memref_slice %arg8[%dma_wait3A_565, %dma_wait3A_574, %dma_wait3A_575] : memref<3x8x4096xf32, #tpu.memory_space<vmem>> -> memref<1x8x4096xf32, #tpu.memory_space<vmem>>
    %dma_wait3A_577 = tpu.memref_squeeze %dma_wait3A_576 : memref<1x8x4096xf32, #tpu.memory_space<vmem>> -> memref<8x4096xf32, #tpu.memory_space<vmem>>
    tpu.wait_dma2 semaphore(%arg14 : memref<!tpu.dma_semaphore, #tpu.memory_space<semaphore_mem>>) src(%dma_wait3A_577 : memref<8x4096xf32, #tpu.memory_space<vmem>>) dst(%dma_wait3A_573 : memref<8x4096xf32, #tpu.memory_space<hbm>>)
    %dma_start3A_578 = arith.constant 2 : i32
    %dma_start3A_579 = arith.constant 0 : i32
    %dma_start3A_580 = arith.constant 0 : i32
    %dma_start3A_581 = tpu.memref_slice %arg8[%dma_start3A_578, %dma_start3A_579, %dma_start3A_580] : memref<3x8x4096xf32, #tpu.memory_space<vmem>> -> memref<1x8x4096xf32, #tpu.memory_space<vmem>>
    %dma_start3A_582 = tpu.memref_squeeze %dma_start3A_581 : memref<1x8x4096xf32, #tpu.memory_space<vmem>> -> memref<8x4096xf32, #tpu.memory_space<vmem>>
    %dma_start3A_583 = arith.constant 88 : i32
    %dma_start3A_584 = tpu.memref_slice %arg6[%dma_start3A_583] : memref<160xi32, #tpu.memory_space<vmem>> -> memref<8xi32, #tpu.memory_space<vmem>>
    %dma_start3A_585 = arith.constant 0 : i32
    %dma_start3A_586 = arith.constant 0 : i32
    %dma_start3A_587 = tpu.memref_slice %arg2[%dma_start3A_585, %dma_start3A_586] : memref<4096x4096xf32, #tpu.memory_space<hbm>> -> memref<4096x4096xf32, #tpu.memory_space<hbm>>
    tpu.enqueue_indirect_dma source(%dma_start3A_587 : memref<4096x4096xf32, #tpu.memory_space<hbm>>) target(%dma_start3A_582 : memref<8x4096xf32, #tpu.memory_space<vmem>>) offsets(%dma_start3A_584 : memref<8xi32, #tpu.memory_space<vmem>>) semaphore(%arg11 : memref<!tpu.dma_semaphore, #tpu.memory_space<semaphore_mem>>)
    %dma_wait3A_588 = arith.constant 1 : i32
    %dma_wait3A_589 = arith.constant 0 : i32
    %dma_wait3A_590 = arith.constant 0 : i32
    %dma_wait3A_591 = tpu.memref_slice %arg8[%dma_wait3A_588, %dma_wait3A_589, %dma_wait3A_590] : memref<3x8x4096xf32, #tpu.memory_space<vmem>> -> memref<1x8x4096xf32, #tpu.memory_space<vmem>>
    %dma_wait3A_592 = tpu.memref_squeeze %dma_wait3A_591 : memref<1x8x4096xf32, #tpu.memory_space<vmem>> -> memref<8x4096xf32, #tpu.memory_space<vmem>>
    %dma_wait3A_593 = arith.constant 80 : i32
    %dma_wait3A_594 = tpu.memref_slice %arg6[%dma_wait3A_593] : memref<160xi32, #tpu.memory_space<vmem>> -> memref<8xi32, #tpu.memory_space<vmem>>
    %dma_wait3A_595 = arith.constant 0 : i32
    %dma_wait3A_596 = arith.constant 0 : i32
    %dma_wait3A_597 = tpu.memref_slice %arg2[%dma_wait3A_595, %dma_wait3A_596] : memref<4096x4096xf32, #tpu.memory_space<hbm>> -> memref<4096x4096xf32, #tpu.memory_space<hbm>>
    tpu.wait_indirect_dma semaphore(%arg10 : memref<!tpu.dma_semaphore, #tpu.memory_space<semaphore_mem>>) src(%dma_wait3A_597 : memref<4096x4096xf32, #tpu.memory_space<hbm>>) dst(%dma_wait3A_592 : memref<8x4096xf32, #tpu.memory_space<vmem>>)
    %get3A_598 = arith.constant 128 : index
    %get3A_599 = tpu.vector_load %arg6[%get3A_598] {strides = array<i32>} : memref<160xi32, #tpu.memory_space<vmem>>, vector<16xi32>,
    %get3A_600 = vector.shape_cast %get3A_599 : vector<16xi32> to vector<16xi32>
    %slice3A_601 = vector.extract_strided_slice %get3A_600 {offsets = [10], sizes = [1], strides = [1]} : vector<16xi32> to vector<1xi32>
    %squeeze3A_602 = vector.extract %slice3A_601[0] : i32 from vector<1xi32>
    %ne3A_603 = arith.constant 0 : i32
    %ne3A_604 = arith.cmpi ne, %squeeze3A_602, %ne3A_603 : i32
    %convert_element_type3A_605 = arith.extui %ne3A_604 : i1 to i32
    %cond3A_606 = arith.constant 0 : i32
    %cond3A_607 = arith.cmpi ne, %convert_element_type3A_605, %cond3A_606 : i32
    scf.if %cond3A_607 {
      %scan3A = arith.constant 0 : i32
      %scan3A_929 = arith.constant 0 : i32
      %scan3A_930 = arith.constant 8 : i32
      %scan3A_931 = arith.addi %scan3A_929, %scan3A_930 : i32
      %scan3A_932 = arith.constant 1 : i32
      scf.for %scan3A_934 = %scan3A_929 to %scan3A_931 step %scan3A_932  : i32 {
        %add3A_935 = arith.constant 80 : i32
        %add3A_936 = arith.addi %add3A_935, %scan3A_934 : i32
        %mul3A_937 = arith.constant 16 : i32
        %mul3A_938 = arith.muli %add3A_936, %mul3A_937 : i32
        %get3A_939 = arith.index_cast %mul3A_938 : i32 to index
        %get3A_940 = tpu.vector_load %arg7[%get3A_939] {strides = array<i32>} : memref<2048xf32, #tpu.memory_space<vmem>>, vector<16xf32>,
        %get3A_941 = vector.shape_cast %get3A_940 : vector<16xf32> to vector<16xf32>
        %scan3A_942 = arith.constant 0 : i32
        %scan3A_943 = arith.constant 64 : i32
        %scan3A_944 = arith.addi %scan3A_942, %scan3A_943 : i32
        %scan3A_945 = arith.constant 1 : i32
        scf.for %scan3A_947 = %scan3A_942 to %scan3A_944 step %scan3A_945  : i32 {
          %mul3A_948 = arith.constant 64 : i32
          %mul3A_949 = arith.muli %scan3A_947, %mul3A_948 : i32
          %add3A_950 = arith.constant 0 : i32
          %add3A_951 = arith.addi %mul3A_949, %add3A_950 : i32
          %get3A_952 = arith.constant 1 : i32
          %get3A_953 = arith.index_cast %get3A_952 : i32 to index
          %get3A_954 = arith.index_cast %scan3A_934 : i32 to index
          %get3A_955 = arith.index_cast %add3A_951 : i32 to index
          %get3A_956 = tpu.vector_load %arg8[%get3A_953, %get3A_954, %get3A_955] {strides = array<i32>} : memref<3x8x4096xf32, #tpu.memory_space<vmem>>, vector<1x1x16xf32>,
          %get3A_957 = vector.shape_cast %get3A_956 : vector<1x1x16xf32> to vector<16xf32>
          %mul3A_958 = arith.mulf %get3A_957, %get3A_941 : vector<16xf32>
          %swap3A = arith.constant 1 : i32
          %swap3A_959 = arith.index_cast %swap3A : i32 to index
          %swap3A_960 = arith.index_cast %scan3A_934 : i32 to index
          %swap3A_961 = arith.index_cast %add3A_951 : i32 to index
          %swap3A_962 = tpu.vector_load %arg8[%swap3A_959, %swap3A_960, %swap3A_961] {strides = array<i32>} : memref<3x8x4096xf32, #tpu.memory_space<vmem>>, vector<1x1x16xf32>,
          %swap3A_963 = vector.shape_cast %swap3A_962 : vector<1x1x16xf32> to vector<16xf32>
          %swap3A_964 = vector.shape_cast %mul3A_958 : vector<16xf32> to vector<1x1x16xf32>
          tpu.vector_store %arg8[%swap3A_959, %swap3A_960, %swap3A_961], %swap3A_964 {strides = array<i32>} : memref<3x8x4096xf32, #tpu.memory_space<vmem>>, vector<1x1x16xf32>,
          %add3A_965 = arith.constant 16 : i32
          %add3A_966 = arith.addi %mul3A_949, %add3A_965 : i32
          %get3A_967 = arith.constant 1 : i32
          %get3A_968 = arith.index_cast %get3A_967 : i32 to index
          %get3A_969 = arith.index_cast %scan3A_934 : i32 to index
          %get3A_970 = arith.index_cast %add3A_966 : i32 to index
          %get3A_971 = tpu.vector_load %arg8[%get3A_968, %get3A_969, %get3A_970] {strides = array<i32>} : memref<3x8x4096xf32, #tpu.memory_space<vmem>>, vector<1x1x16xf32>,
          %get3A_972 = vector.shape_cast %get3A_971 : vector<1x1x16xf32> to vector<16xf32>
          %mul3A_973 = arith.mulf %get3A_972, %get3A_941 : vector<16xf32>
          %swap3A_974 = arith.constant 1 : i32
          %swap3A_975 = arith.index_cast %swap3A_974 : i32 to index
          %swap3A_976 = arith.index_cast %scan3A_934 : i32 to index
          %swap3A_977 = arith.index_cast %add3A_966 : i32 to index
          %swap3A_978 = tpu.vector_load %arg8[%swap3A_975, %swap3A_976, %swap3A_977] {strides = array<i32>} : memref<3x8x4096xf32, #tpu.memory_space<vmem>>, vector<1x1x16xf32>,
          %swap3A_979 = vector.shape_cast %swap3A_978 : vector<1x1x16xf32> to vector<16xf32>
          %swap3A_980 = vector.shape_cast %mul3A_973 : vector<16xf32> to vector<1x1x16xf32>
          tpu.vector_store %arg8[%swap3A_975, %swap3A_976, %swap3A_977], %swap3A_980 {strides = array<i32>} : memref<3x8x4096xf32, #tpu.memory_space<vmem>>, vector<1x1x16xf32>,
          %add3A_981 = arith.constant 32 : i32
          %add3A_982 = arith.addi %mul3A_949, %add3A_981 : i32
          %get3A_983 = arith.constant 1 : i32
          %get3A_984 = arith.index_cast %get3A_983 : i32 to index
          %get3A_985 = arith.index_cast %scan3A_934 : i32 to index
          %get3A_986 = arith.index_cast %add3A_982 : i32 to index
          %get3A_987 = tpu.vector_load %arg8[%get3A_984, %get3A_985, %get3A_986] {strides = array<i32>} : memref<3x8x4096xf32, #tpu.memory_space<vmem>>, vector<1x1x16xf32>,
          %get3A_988 = vector.shape_cast %get3A_987 : vector<1x1x16xf32> to vector<16xf32>
          %mul3A_989 = arith.mulf %get3A_988, %get3A_941 : vector<16xf32>
          %swap3A_990 = arith.constant 1 : i32
          %swap3A_991 = arith.index_cast %swap3A_990 : i32 to index
          %swap3A_992 = arith.index_cast %scan3A_934 : i32 to index
          %swap3A_993 = arith.index_cast %add3A_982 : i32 to index
          %swap3A_994 = tpu.vector_load %arg8[%swap3A_991, %swap3A_992, %swap3A_993] {strides = array<i32>} : memref<3x8x4096xf32, #tpu.memory_space<vmem>>, vector<1x1x16xf32>,
          %swap3A_995 = vector.shape_cast %swap3A_994 : vector<1x1x16xf32> to vector<16xf32>
          %swap3A_996 = vector.shape_cast %mul3A_989 : vector<16xf32> to vector<1x1x16xf32>
          tpu.vector_store %arg8[%swap3A_991, %swap3A_992, %swap3A_993], %swap3A_996 {strides = array<i32>} : memref<3x8x4096xf32, #tpu.memory_space<vmem>>, vector<1x1x16xf32>,
          %add3A_997 = arith.constant 48 : i32
          %add3A_998 = arith.addi %mul3A_949, %add3A_997 : i32
          %get3A_999 = arith.constant 1 : i32
          %get3A_1000 = arith.index_cast %get3A_999 : i32 to index
          %get3A_1001 = arith.index_cast %scan3A_934 : i32 to index
          %get3A_1002 = arith.index_cast %add3A_998 : i32 to index
          %get3A_1003 = tpu.vector_load %arg8[%get3A_1000, %get3A_1001, %get3A_1002] {strides = array<i32>} : memref<3x8x4096xf32, #tpu.memory_space<vmem>>, vector<1x1x16xf32>,
          %get3A_1004 = vector.shape_cast %get3A_1003 : vector<1x1x16xf32> to vector<16xf32>
          %mul3A_1005 = arith.mulf %get3A_1004, %get3A_941 : vector<16xf32>
          %swap3A_1006 = arith.constant 1 : i32
          %swap3A_1007 = arith.index_cast %swap3A_1006 : i32 to index
          %swap3A_1008 = arith.index_cast %scan3A_934 : i32 to index
          %swap3A_1009 = arith.index_cast %add3A_998 : i32 to index
          %swap3A_1010 = tpu.vector_load %arg8[%swap3A_1007, %swap3A_1008, %swap3A_1009] {strides = array<i32>} : memref<3x8x4096xf32, #tpu.memory_space<vmem>>, vector<1x1x16xf32>,
          %swap3A_1011 = vector.shape_cast %swap3A_1010 : vector<1x1x16xf32> to vector<16xf32>
          %swap3A_1012 = vector.shape_cast %mul3A_1005 : vector<16xf32> to vector<1x1x16xf32>
          tpu.vector_store %arg8[%swap3A_1007, %swap3A_1008, %swap3A_1009], %swap3A_1012 {strides = array<i32>} : memref<3x8x4096xf32, #tpu.memory_space<vmem>>, vector<1x1x16xf32>,
        }
        %scan3A_946 = arith.constant 64 : i32
      }
      %scan3A_933 = arith.constant 8 : i32
    } else {
    }
    %add3A_608 = arith.constant 80 : i32
    %add3A_609 = arith.addi %mul3A_2, %add3A_608 : i32
    %dma_start3A_610 = arith.constant 1 : i32
    %dma_start3A_611 = arith.constant 0 : i32
    %dma_start3A_612 = arith.constant 0 : i32
    %dma_start3A_613 = tpu.memref_slice %arg8[%dma_start3A_610, %dma_start3A_611, %dma_start3A_612] : memref<3x8x4096xf32, #tpu.memory_space<vmem>> -> memref<1x8x4096xf32, #tpu.memory_space<vmem>>
    %dma_start3A_614 = tpu.memref_squeeze %dma_start3A_613 : memref<1x8x4096xf32, #tpu.memory_space<vmem>> -> memref<8x4096xf32, #tpu.memory_space<vmem>>
    %dma_start3A_615 = arith.constant 0 : i32
    %dma_start3A_616 = tpu.memref_slice %arg5[%add3A_609, %dma_start3A_615] : memref<4096x4096xf32, #tpu.memory_space<hbm>> -> memref<8x4096xf32, #tpu.memory_space<hbm>>
    %dma_start3A_617 = arith.constant 0 : i32
    %dma_start3A_618 = tpu.memref_slice %arg5[%add3A_609, %dma_start3A_617] : memref<4096x4096xf32, #tpu.memory_space<hbm>> -> memref<8x4096xf32, #tpu.memory_space<hbm>>
    %dma_start3A_619 = arith.constant 0 : i32
    %dma_start3A_620 = arith.constant 0 : i32
    %dma_start3A_621 = tpu.memref_slice %arg8[%dma_start3A_610, %dma_start3A_619, %dma_start3A_620] : memref<3x8x4096xf32, #tpu.memory_space<vmem>> -> memref<1x8x4096xf32, #tpu.memory_space<vmem>>
    %dma_start3A_622 = tpu.memref_squeeze %dma_start3A_621 : memref<1x8x4096xf32, #tpu.memory_space<vmem>> -> memref<8x4096xf32, #tpu.memory_space<vmem>>
    tpu.enqueue_dma source(%dma_start3A_622 : memref<8x4096xf32, #tpu.memory_space<vmem>>) target(%dma_start3A_618 : memref<8x4096xf32, #tpu.memory_space<hbm>>) target_semaphore(%arg13 : memref<!tpu.dma_semaphore, #tpu.memory_space<semaphore_mem>>)
    %dma_wait3A_623 = arith.constant 0 : i32
    %dma_wait3A_624 = arith.constant 0 : i32
    %dma_wait3A_625 = arith.constant 0 : i32
    %dma_wait3A_626 = tpu.memref_slice %arg8[%dma_wait3A_623, %dma_wait3A_624, %dma_wait3A_625] : memref<3x8x4096xf32, #tpu.memory_space<vmem>> -> memref<1x8x4096xf32, #tpu.memory_space<vmem>>
    %dma_wait3A_627 = tpu.memref_squeeze %dma_wait3A_626 : memref<1x8x4096xf32, #tpu.memory_space<vmem>> -> memref<8x4096xf32, #tpu.memory_space<vmem>>
    %dma_wait3A_628 = arith.constant 0 : i32
    %dma_wait3A_629 = tpu.memref_slice %arg5[%add3A_551, %dma_wait3A_628] : memref<4096x4096xf32, #tpu.memory_space<hbm>> -> memref<8x4096xf32, #tpu.memory_space<hbm>>
    %dma_wait3A_630 = arith.constant 0 : i32
    %dma_wait3A_631 = tpu.memref_slice %arg5[%add3A_551, %dma_wait3A_630] : memref<4096x4096xf32, #tpu.memory_space<hbm>> -> memref<8x4096xf32, #tpu.memory_space<hbm>>
    %dma_wait3A_632 = arith.constant 0 : i32
    %dma_wait3A_633 = arith.constant 0 : i32
    %dma_wait3A_634 = tpu.memref_slice %arg8[%dma_wait3A_623, %dma_wait3A_632, %dma_wait3A_633] : memref<3x8x4096xf32, #tpu.memory_space<vmem>> -> memref<1x8x4096xf32, #tpu.memory_space<vmem>>
    %dma_wait3A_635 = tpu.memref_squeeze %dma_wait3A_634 : memref<1x8x4096xf32, #tpu.memory_space<vmem>> -> memref<8x4096xf32, #tpu.memory_space<vmem>>
    tpu.wait_dma2 semaphore(%arg12 : memref<!tpu.dma_semaphore, #tpu.memory_space<semaphore_mem>>) src(%dma_wait3A_635 : memref<8x4096xf32, #tpu.memory_space<vmem>>) dst(%dma_wait3A_631 : memref<8x4096xf32, #tpu.memory_space<hbm>>)
    %dma_start3A_636 = arith.constant 0 : i32
    %dma_start3A_637 = arith.constant 0 : i32
    %dma_start3A_638 = arith.constant 0 : i32
    %dma_start3A_639 = tpu.memref_slice %arg8[%dma_start3A_636, %dma_start3A_637, %dma_start3A_638] : memref<3x8x4096xf32, #tpu.memory_space<vmem>> -> memref<1x8x4096xf32, #tpu.memory_space<vmem>>
    %dma_start3A_640 = tpu.memref_squeeze %dma_start3A_639 : memref<1x8x4096xf32, #tpu.memory_space<vmem>> -> memref<8x4096xf32, #tpu.memory_space<vmem>>
    %dma_start3A_641 = arith.constant 96 : i32
    %dma_start3A_642 = tpu.memref_slice %arg6[%dma_start3A_641] : memref<160xi32, #tpu.memory_space<vmem>> -> memref<8xi32, #tpu.memory_space<vmem>>
    %dma_start3A_643 = arith.constant 0 : i32
    %dma_start3A_644 = arith.constant 0 : i32
    %dma_start3A_645 = tpu.memref_slice %arg2[%dma_start3A_643, %dma_start3A_644] : memref<4096x4096xf32, #tpu.memory_space<hbm>> -> memref<4096x4096xf32, #tpu.memory_space<hbm>>
    tpu.enqueue_indirect_dma source(%dma_start3A_645 : memref<4096x4096xf32, #tpu.memory_space<hbm>>) target(%dma_start3A_640 : memref<8x4096xf32, #tpu.memory_space<vmem>>) offsets(%dma_start3A_642 : memref<8xi32, #tpu.memory_space<vmem>>) semaphore(%arg9 : memref<!tpu.dma_semaphore, #tpu.memory_space<semaphore_mem>>)
    %dma_wait3A_646 = arith.constant 2 : i32
    %dma_wait3A_647 = arith.constant 0 : i32
    %dma_wait3A_648 = arith.constant 0 : i32
    %dma_wait3A_649 = tpu.memref_slice %arg8[%dma_wait3A_646, %dma_wait3A_647, %dma_wait3A_648] : memref<3x8x4096xf32, #tpu.memory_space<vmem>> -> memref<1x8x4096xf32, #tpu.memory_space<vmem>>
    %dma_wait3A_650 = tpu.memref_squeeze %dma_wait3A_649 : memref<1x8x4096xf32, #tpu.memory_space<vmem>> -> memref<8x4096xf32, #tpu.memory_space<vmem>>
    %dma_wait3A_651 = arith.constant 88 : i32
    %dma_wait3A_652 = tpu.memref_slice %arg6[%dma_wait3A_651] : memref<160xi32, #tpu.memory_space<vmem>> -> memref<8xi32, #tpu.memory_space<vmem>>
    %dma_wait3A_653 = arith.constant 0 : i32
    %dma_wait3A_654 = arith.constant 0 : i32
    %dma_wait3A_655 = tpu.memref_slice %arg2[%dma_wait3A_653, %dma_wait3A_654] : memref<4096x4096xf32, #tpu.memory_space<hbm>> -> memref<4096x4096xf32, #tpu.memory_space<hbm>>
    tpu.wait_indirect_dma semaphore(%arg11 : memref<!tpu.dma_semaphore, #tpu.memory_space<semaphore_mem>>) src(%dma_wait3A_655 : memref<4096x4096xf32, #tpu.memory_space<hbm>>) dst(%dma_wait3A_650 : memref<8x4096xf32, #tpu.memory_space<vmem>>)
    %get3A_656 = arith.constant 128 : index
    %get3A_657 = tpu.vector_load %arg6[%get3A_656] {strides = array<i32>} : memref<160xi32, #tpu.memory_space<vmem>>, vector<16xi32>,
    %get3A_658 = vector.shape_cast %get3A_657 : vector<16xi32> to vector<16xi32>
    %slice3A_659 = vector.extract_strided_slice %get3A_658 {offsets = [11], sizes = [1], strides = [1]} : vector<16xi32> to vector<1xi32>
    %squeeze3A_660 = vector.extract %slice3A_659[0] : i32 from vector<1xi32>
    %ne3A_661 = arith.constant 0 : i32
    %ne3A_662 = arith.cmpi ne, %squeeze3A_660, %ne3A_661 : i32
    %convert_element_type3A_663 = arith.extui %ne3A_662 : i1 to i32
    %cond3A_664 = arith.constant 0 : i32
    %cond3A_665 = arith.cmpi ne, %convert_element_type3A_663, %cond3A_664 : i32
    scf.if %cond3A_665 {
      %scan3A = arith.constant 0 : i32
      %scan3A_929 = arith.constant 0 : i32
      %scan3A_930 = arith.constant 8 : i32
      %scan3A_931 = arith.addi %scan3A_929, %scan3A_930 : i32
      %scan3A_932 = arith.constant 1 : i32
      scf.for %scan3A_934 = %scan3A_929 to %scan3A_931 step %scan3A_932  : i32 {
        %add3A_935 = arith.constant 88 : i32
        %add3A_936 = arith.addi %add3A_935, %scan3A_934 : i32
        %mul3A_937 = arith.constant 16 : i32
        %mul3A_938 = arith.muli %add3A_936, %mul3A_937 : i32
        %get3A_939 = arith.index_cast %mul3A_938 : i32 to index
        %get3A_940 = tpu.vector_load %arg7[%get3A_939] {strides = array<i32>} : memref<2048xf32, #tpu.memory_space<vmem>>, vector<16xf32>,
        %get3A_941 = vector.shape_cast %get3A_940 : vector<16xf32> to vector<16xf32>
        %scan3A_942 = arith.constant 0 : i32
        %scan3A_943 = arith.constant 64 : i32
        %scan3A_944 = arith.addi %scan3A_942, %scan3A_943 : i32
        %scan3A_945 = arith.constant 1 : i32
        scf.for %scan3A_947 = %scan3A_942 to %scan3A_944 step %scan3A_945  : i32 {
          %mul3A_948 = arith.constant 64 : i32
          %mul3A_949 = arith.muli %scan3A_947, %mul3A_948 : i32
          %add3A_950 = arith.constant 0 : i32
          %add3A_951 = arith.addi %mul3A_949, %add3A_950 : i32
          %get3A_952 = arith.constant 2 : i32
          %get3A_953 = arith.index_cast %get3A_952 : i32 to index
          %get3A_954 = arith.index_cast %scan3A_934 : i32 to index
          %get3A_955 = arith.index_cast %add3A_951 : i32 to index
          %get3A_956 = tpu.vector_load %arg8[%get3A_953, %get3A_954, %get3A_955] {strides = array<i32>} : memref<3x8x4096xf32, #tpu.memory_space<vmem>>, vector<1x1x16xf32>,
          %get3A_957 = vector.shape_cast %get3A_956 : vector<1x1x16xf32> to vector<16xf32>
          %mul3A_958 = arith.mulf %get3A_957, %get3A_941 : vector<16xf32>
          %swap3A = arith.constant 2 : i32
          %swap3A_959 = arith.index_cast %swap3A : i32 to index
          %swap3A_960 = arith.index_cast %scan3A_934 : i32 to index
          %swap3A_961 = arith.index_cast %add3A_951 : i32 to index
          %swap3A_962 = tpu.vector_load %arg8[%swap3A_959, %swap3A_960, %swap3A_961] {strides = array<i32>} : memref<3x8x4096xf32, #tpu.memory_space<vmem>>, vector<1x1x16xf32>,
          %swap3A_963 = vector.shape_cast %swap3A_962 : vector<1x1x16xf32> to vector<16xf32>
          %swap3A_964 = vector.shape_cast %mul3A_958 : vector<16xf32> to vector<1x1x16xf32>
          tpu.vector_store %arg8[%swap3A_959, %swap3A_960, %swap3A_961], %swap3A_964 {strides = array<i32>} : memref<3x8x4096xf32, #tpu.memory_space<vmem>>, vector<1x1x16xf32>,
          %add3A_965 = arith.constant 16 : i32
          %add3A_966 = arith.addi %mul3A_949, %add3A_965 : i32
          %get3A_967 = arith.constant 2 : i32
          %get3A_968 = arith.index_cast %get3A_967 : i32 to index
          %get3A_969 = arith.index_cast %scan3A_934 : i32 to index
          %get3A_970 = arith.index_cast %add3A_966 : i32 to index
          %get3A_971 = tpu.vector_load %arg8[%get3A_968, %get3A_969, %get3A_970] {strides = array<i32>} : memref<3x8x4096xf32, #tpu.memory_space<vmem>>, vector<1x1x16xf32>,
          %get3A_972 = vector.shape_cast %get3A_971 : vector<1x1x16xf32> to vector<16xf32>
          %mul3A_973 = arith.mulf %get3A_972, %get3A_941 : vector<16xf32>
          %swap3A_974 = arith.constant 2 : i32
          %swap3A_975 = arith.index_cast %swap3A_974 : i32 to index
          %swap3A_976 = arith.index_cast %scan3A_934 : i32 to index
          %swap3A_977 = arith.index_cast %add3A_966 : i32 to index
          %swap3A_978 = tpu.vector_load %arg8[%swap3A_975, %swap3A_976, %swap3A_977] {strides = array<i32>} : memref<3x8x4096xf32, #tpu.memory_space<vmem>>, vector<1x1x16xf32>,
          %swap3A_979 = vector.shape_cast %swap3A_978 : vector<1x1x16xf32> to vector<16xf32>
          %swap3A_980 = vector.shape_cast %mul3A_973 : vector<16xf32> to vector<1x1x16xf32>
          tpu.vector_store %arg8[%swap3A_975, %swap3A_976, %swap3A_977], %swap3A_980 {strides = array<i32>} : memref<3x8x4096xf32, #tpu.memory_space<vmem>>, vector<1x1x16xf32>,
          %add3A_981 = arith.constant 32 : i32
          %add3A_982 = arith.addi %mul3A_949, %add3A_981 : i32
          %get3A_983 = arith.constant 2 : i32
          %get3A_984 = arith.index_cast %get3A_983 : i32 to index
          %get3A_985 = arith.index_cast %scan3A_934 : i32 to index
          %get3A_986 = arith.index_cast %add3A_982 : i32 to index
          %get3A_987 = tpu.vector_load %arg8[%get3A_984, %get3A_985, %get3A_986] {strides = array<i32>} : memref<3x8x4096xf32, #tpu.memory_space<vmem>>, vector<1x1x16xf32>,
          %get3A_988 = vector.shape_cast %get3A_987 : vector<1x1x16xf32> to vector<16xf32>
          %mul3A_989 = arith.mulf %get3A_988, %get3A_941 : vector<16xf32>
          %swap3A_990 = arith.constant 2 : i32
          %swap3A_991 = arith.index_cast %swap3A_990 : i32 to index
          %swap3A_992 = arith.index_cast %scan3A_934 : i32 to index
          %swap3A_993 = arith.index_cast %add3A_982 : i32 to index
          %swap3A_994 = tpu.vector_load %arg8[%swap3A_991, %swap3A_992, %swap3A_993] {strides = array<i32>} : memref<3x8x4096xf32, #tpu.memory_space<vmem>>, vector<1x1x16xf32>,
          %swap3A_995 = vector.shape_cast %swap3A_994 : vector<1x1x16xf32> to vector<16xf32>
          %swap3A_996 = vector.shape_cast %mul3A_989 : vector<16xf32> to vector<1x1x16xf32>
          tpu.vector_store %arg8[%swap3A_991, %swap3A_992, %swap3A_993], %swap3A_996 {strides = array<i32>} : memref<3x8x4096xf32, #tpu.memory_space<vmem>>, vector<1x1x16xf32>,
          %add3A_997 = arith.constant 48 : i32
          %add3A_998 = arith.addi %mul3A_949, %add3A_997 : i32
          %get3A_999 = arith.constant 2 : i32
          %get3A_1000 = arith.index_cast %get3A_999 : i32 to index
          %get3A_1001 = arith.index_cast %scan3A_934 : i32 to index
          %get3A_1002 = arith.index_cast %add3A_998 : i32 to index
          %get3A_1003 = tpu.vector_load %arg8[%get3A_1000, %get3A_1001, %get3A_1002] {strides = array<i32>} : memref<3x8x4096xf32, #tpu.memory_space<vmem>>, vector<1x1x16xf32>,
          %get3A_1004 = vector.shape_cast %get3A_1003 : vector<1x1x16xf32> to vector<16xf32>
          %mul3A_1005 = arith.mulf %get3A_1004, %get3A_941 : vector<16xf32>
          %swap3A_1006 = arith.constant 2 : i32
          %swap3A_1007 = arith.index_cast %swap3A_1006 : i32 to index
          %swap3A_1008 = arith.index_cast %scan3A_934 : i32 to index
          %swap3A_1009 = arith.index_cast %add3A_998 : i32 to index
          %swap3A_1010 = tpu.vector_load %arg8[%swap3A_1007, %swap3A_1008, %swap3A_1009] {strides = array<i32>} : memref<3x8x4096xf32, #tpu.memory_space<vmem>>, vector<1x1x16xf32>,
          %swap3A_1011 = vector.shape_cast %swap3A_1010 : vector<1x1x16xf32> to vector<16xf32>
          %swap3A_1012 = vector.shape_cast %mul3A_1005 : vector<16xf32> to vector<1x1x16xf32>
          tpu.vector_store %arg8[%swap3A_1007, %swap3A_1008, %swap3A_1009], %swap3A_1012 {strides = array<i32>} : memref<3x8x4096xf32, #tpu.memory_space<vmem>>, vector<1x1x16xf32>,
        }
        %scan3A_946 = arith.constant 64 : i32
      }
      %scan3A_933 = arith.constant 8 : i32
    } else {
    }
    %add3A_666 = arith.constant 88 : i32
    %add3A_667 = arith.addi %mul3A_2, %add3A_666 : i32
    %dma_start3A_668 = arith.constant 2 : i32
    %dma_start3A_669 = arith.constant 0 : i32
    %dma_start3A_670 = arith.constant 0 : i32
    %dma_start3A_671 = tpu.memref_slice %arg8[%dma_start3A_668, %dma_start3A_669, %dma_start3A_670] : memref<3x8x4096xf32, #tpu.memory_space<vmem>> -> memref<1x8x4096xf32, #tpu.memory_space<vmem>>
    %dma_start3A_672 = tpu.memref_squeeze %dma_start3A_671 : memref<1x8x4096xf32, #tpu.memory_space<vmem>> -> memref<8x4096xf32, #tpu.memory_space<vmem>>
    %dma_start3A_673 = arith.constant 0 : i32
    %dma_start3A_674 = tpu.memref_slice %arg5[%add3A_667, %dma_start3A_673] : memref<4096x4096xf32, #tpu.memory_space<hbm>> -> memref<8x4096xf32, #tpu.memory_space<hbm>>
    %dma_start3A_675 = arith.constant 0 : i32
    %dma_start3A_676 = tpu.memref_slice %arg5[%add3A_667, %dma_start3A_675] : memref<4096x4096xf32, #tpu.memory_space<hbm>> -> memref<8x4096xf32, #tpu.memory_space<hbm>>
    %dma_start3A_677 = arith.constant 0 : i32
    %dma_start3A_678 = arith.constant 0 : i32
    %dma_start3A_679 = tpu.memref_slice %arg8[%dma_start3A_668, %dma_start3A_677, %dma_start3A_678] : memref<3x8x4096xf32, #tpu.memory_space<vmem>> -> memref<1x8x4096xf32, #tpu.memory_space<vmem>>
    %dma_start3A_680 = tpu.memref_squeeze %dma_start3A_679 : memref<1x8x4096xf32, #tpu.memory_space<vmem>> -> memref<8x4096xf32, #tpu.memory_space<vmem>>
    tpu.enqueue_dma source(%dma_start3A_680 : memref<8x4096xf32, #tpu.memory_space<vmem>>) target(%dma_start3A_676 : memref<8x4096xf32, #tpu.memory_space<hbm>>) target_semaphore(%arg14 : memref<!tpu.dma_semaphore, #tpu.memory_space<semaphore_mem>>)
    %dma_wait3A_681 = arith.constant 1 : i32
    %dma_wait3A_682 = arith.constant 0 : i32
    %dma_wait3A_683 = arith.constant 0 : i32
    %dma_wait3A_684 = tpu.memref_slice %arg8[%dma_wait3A_681, %dma_wait3A_682, %dma_wait3A_683] : memref<3x8x4096xf32, #tpu.memory_space<vmem>> -> memref<1x8x4096xf32, #tpu.memory_space<vmem>>
    %dma_wait3A_685 = tpu.memref_squeeze %dma_wait3A_684 : memref<1x8x4096xf32, #tpu.memory_space<vmem>> -> memref<8x4096xf32, #tpu.memory_space<vmem>>
    %dma_wait3A_686 = arith.constant 0 : i32
    %dma_wait3A_687 = tpu.memref_slice %arg5[%add3A_609, %dma_wait3A_686] : memref<4096x4096xf32, #tpu.memory_space<hbm>> -> memref<8x4096xf32, #tpu.memory_space<hbm>>
    %dma_wait3A_688 = arith.constant 0 : i32
    %dma_wait3A_689 = tpu.memref_slice %arg5[%add3A_609, %dma_wait3A_688] : memref<4096x4096xf32, #tpu.memory_space<hbm>> -> memref<8x4096xf32, #tpu.memory_space<hbm>>
    %dma_wait3A_690 = arith.constant 0 : i32
    %dma_wait3A_691 = arith.constant 0 : i32
    %dma_wait3A_692 = tpu.memref_slice %arg8[%dma_wait3A_681, %dma_wait3A_690, %dma_wait3A_691] : memref<3x8x4096xf32, #tpu.memory_space<vmem>> -> memref<1x8x4096xf32, #tpu.memory_space<vmem>>
    %dma_wait3A_693 = tpu.memref_squeeze %dma_wait3A_692 : memref<1x8x4096xf32, #tpu.memory_space<vmem>> -> memref<8x4096xf32, #tpu.memory_space<vmem>>
    tpu.wait_dma2 semaphore(%arg13 : memref<!tpu.dma_semaphore, #tpu.memory_space<semaphore_mem>>) src(%dma_wait3A_693 : memref<8x4096xf32, #tpu.memory_space<vmem>>) dst(%dma_wait3A_689 : memref<8x4096xf32, #tpu.memory_space<hbm>>)
    %dma_start3A_694 = arith.constant 1 : i32
    %dma_start3A_695 = arith.constant 0 : i32
    %dma_start3A_696 = arith.constant 0 : i32
    %dma_start3A_697 = tpu.memref_slice %arg8[%dma_start3A_694, %dma_start3A_695, %dma_start3A_696] : memref<3x8x4096xf32, #tpu.memory_space<vmem>> -> memref<1x8x4096xf32, #tpu.memory_space<vmem>>
    %dma_start3A_698 = tpu.memref_squeeze %dma_start3A_697 : memref<1x8x4096xf32, #tpu.memory_space<vmem>> -> memref<8x4096xf32, #tpu.memory_space<vmem>>
    %dma_start3A_699 = arith.constant 104 : i32
    %dma_start3A_700 = tpu.memref_slice %arg6[%dma_start3A_699] : memref<160xi32, #tpu.memory_space<vmem>> -> memref<8xi32, #tpu.memory_space<vmem>>
    %dma_start3A_701 = arith.constant 0 : i32
    %dma_start3A_702 = arith.constant 0 : i32
    %dma_start3A_703 = tpu.memref_slice %arg2[%dma_start3A_701, %dma_start3A_702] : memref<4096x4096xf32, #tpu.memory_space<hbm>> -> memref<4096x4096xf32, #tpu.memory_space<hbm>>
    tpu.enqueue_indirect_dma source(%dma_start3A_703 : memref<4096x4096xf32, #tpu.memory_space<hbm>>) target(%dma_start3A_698 : memref<8x4096xf32, #tpu.memory_space<vmem>>) offsets(%dma_start3A_700 : memref<8xi32, #tpu.memory_space<vmem>>) semaphore(%arg10 : memref<!tpu.dma_semaphore, #tpu.memory_space<semaphore_mem>>)
    %dma_wait3A_704 = arith.constant 0 : i32
    %dma_wait3A_705 = arith.constant 0 : i32
    %dma_wait3A_706 = arith.constant 0 : i32
    %dma_wait3A_707 = tpu.memref_slice %arg8[%dma_wait3A_704, %dma_wait3A_705, %dma_wait3A_706] : memref<3x8x4096xf32, #tpu.memory_space<vmem>> -> memref<1x8x4096xf32, #tpu.memory_space<vmem>>
    %dma_wait3A_708 = tpu.memref_squeeze %dma_wait3A_707 : memref<1x8x4096xf32, #tpu.memory_space<vmem>> -> memref<8x4096xf32, #tpu.memory_space<vmem>>
    %dma_wait3A_709 = arith.constant 96 : i32
    %dma_wait3A_710 = tpu.memref_slice %arg6[%dma_wait3A_709] : memref<160xi32, #tpu.memory_space<vmem>> -> memref<8xi32, #tpu.memory_space<vmem>>
    %dma_wait3A_711 = arith.constant 0 : i32
    %dma_wait3A_712 = arith.constant 0 : i32
    %dma_wait3A_713 = tpu.memref_slice %arg2[%dma_wait3A_711, %dma_wait3A_712] : memref<4096x4096xf32, #tpu.memory_space<hbm>> -> memref<4096x4096xf32, #tpu.memory_space<hbm>>
    tpu.wait_indirect_dma semaphore(%arg9 : memref<!tpu.dma_semaphore, #tpu.memory_space<semaphore_mem>>) src(%dma_wait3A_713 : memref<4096x4096xf32, #tpu.memory_space<hbm>>) dst(%dma_wait3A_708 : memref<8x4096xf32, #tpu.memory_space<vmem>>)
    %get3A_714 = arith.constant 128 : index
    %get3A_715 = tpu.vector_load %arg6[%get3A_714] {strides = array<i32>} : memref<160xi32, #tpu.memory_space<vmem>>, vector<16xi32>,
    %get3A_716 = vector.shape_cast %get3A_715 : vector<16xi32> to vector<16xi32>
    %slice3A_717 = vector.extract_strided_slice %get3A_716 {offsets = [12], sizes = [1], strides = [1]} : vector<16xi32> to vector<1xi32>
    %squeeze3A_718 = vector.extract %slice3A_717[0] : i32 from vector<1xi32>
    %ne3A_719 = arith.constant 0 : i32
    %ne3A_720 = arith.cmpi ne, %squeeze3A_718, %ne3A_719 : i32
    %convert_element_type3A_721 = arith.extui %ne3A_720 : i1 to i32
    %cond3A_722 = arith.constant 0 : i32
    %cond3A_723 = arith.cmpi ne, %convert_element_type3A_721, %cond3A_722 : i32
    scf.if %cond3A_723 {
      %scan3A = arith.constant 0 : i32
      %scan3A_929 = arith.constant 0 : i32
      %scan3A_930 = arith.constant 8 : i32
      %scan3A_931 = arith.addi %scan3A_929, %scan3A_930 : i32
      %scan3A_932 = arith.constant 1 : i32
      scf.for %scan3A_934 = %scan3A_929 to %scan3A_931 step %scan3A_932  : i32 {
        %add3A_935 = arith.constant 96 : i32
        %add3A_936 = arith.addi %add3A_935, %scan3A_934 : i32
        %mul3A_937 = arith.constant 16 : i32
        %mul3A_938 = arith.muli %add3A_936, %mul3A_937 : i32
        %get3A_939 = arith.index_cast %mul3A_938 : i32 to index
        %get3A_940 = tpu.vector_load %arg7[%get3A_939] {strides = array<i32>} : memref<2048xf32, #tpu.memory_space<vmem>>, vector<16xf32>,
        %get3A_941 = vector.shape_cast %get3A_940 : vector<16xf32> to vector<16xf32>
        %scan3A_942 = arith.constant 0 : i32
        %scan3A_943 = arith.constant 64 : i32
        %scan3A_944 = arith.addi %scan3A_942, %scan3A_943 : i32
        %scan3A_945 = arith.constant 1 : i32
        scf.for %scan3A_947 = %scan3A_942 to %scan3A_944 step %scan3A_945  : i32 {
          %mul3A_948 = arith.constant 64 : i32
          %mul3A_949 = arith.muli %scan3A_947, %mul3A_948 : i32
          %add3A_950 = arith.constant 0 : i32
          %add3A_951 = arith.addi %mul3A_949, %add3A_950 : i32
          %get3A_952 = arith.constant 0 : i32
          %get3A_953 = arith.index_cast %get3A_952 : i32 to index
          %get3A_954 = arith.index_cast %scan3A_934 : i32 to index
          %get3A_955 = arith.index_cast %add3A_951 : i32 to index
          %get3A_956 = tpu.vector_load %arg8[%get3A_953, %get3A_954, %get3A_955] {strides = array<i32>} : memref<3x8x4096xf32, #tpu.memory_space<vmem>>, vector<1x1x16xf32>,
          %get3A_957 = vector.shape_cast %get3A_956 : vector<1x1x16xf32> to vector<16xf32>
          %mul3A_958 = arith.mulf %get3A_957, %get3A_941 : vector<16xf32>
          %swap3A = arith.constant 0 : i32
          %swap3A_959 = arith.index_cast %swap3A : i32 to index
          %swap3A_960 = arith.index_cast %scan3A_934 : i32 to index
          %swap3A_961 = arith.index_cast %add3A_951 : i32 to index
          %swap3A_962 = tpu.vector_load %arg8[%swap3A_959, %swap3A_960, %swap3A_961] {strides = array<i32>} : memref<3x8x4096xf32, #tpu.memory_space<vmem>>, vector<1x1x16xf32>,
          %swap3A_963 = vector.shape_cast %swap3A_962 : vector<1x1x16xf32> to vector<16xf32>
          %swap3A_964 = vector.shape_cast %mul3A_958 : vector<16xf32> to vector<1x1x16xf32>
          tpu.vector_store %arg8[%swap3A_959, %swap3A_960, %swap3A_961], %swap3A_964 {strides = array<i32>} : memref<3x8x4096xf32, #tpu.memory_space<vmem>>, vector<1x1x16xf32>,
          %add3A_965 = arith.constant 16 : i32
          %add3A_966 = arith.addi %mul3A_949, %add3A_965 : i32
          %get3A_967 = arith.constant 0 : i32
          %get3A_968 = arith.index_cast %get3A_967 : i32 to index
          %get3A_969 = arith.index_cast %scan3A_934 : i32 to index
          %get3A_970 = arith.index_cast %add3A_966 : i32 to index
          %get3A_971 = tpu.vector_load %arg8[%get3A_968, %get3A_969, %get3A_970] {strides = array<i32>} : memref<3x8x4096xf32, #tpu.memory_space<vmem>>, vector<1x1x16xf32>,
          %get3A_972 = vector.shape_cast %get3A_971 : vector<1x1x16xf32> to vector<16xf32>
          %mul3A_973 = arith.mulf %get3A_972, %get3A_941 : vector<16xf32>
          %swap3A_974 = arith.constant 0 : i32
          %swap3A_975 = arith.index_cast %swap3A_974 : i32 to index
          %swap3A_976 = arith.index_cast %scan3A_934 : i32 to index
          %swap3A_977 = arith.index_cast %add3A_966 : i32 to index
          %swap3A_978 = tpu.vector_load %arg8[%swap3A_975, %swap3A_976, %swap3A_977] {strides = array<i32>} : memref<3x8x4096xf32, #tpu.memory_space<vmem>>, vector<1x1x16xf32>,
          %swap3A_979 = vector.shape_cast %swap3A_978 : vector<1x1x16xf32> to vector<16xf32>
          %swap3A_980 = vector.shape_cast %mul3A_973 : vector<16xf32> to vector<1x1x16xf32>
          tpu.vector_store %arg8[%swap3A_975, %swap3A_976, %swap3A_977], %swap3A_980 {strides = array<i32>} : memref<3x8x4096xf32, #tpu.memory_space<vmem>>, vector<1x1x16xf32>,
          %add3A_981 = arith.constant 32 : i32
          %add3A_982 = arith.addi %mul3A_949, %add3A_981 : i32
          %get3A_983 = arith.constant 0 : i32
          %get3A_984 = arith.index_cast %get3A_983 : i32 to index
          %get3A_985 = arith.index_cast %scan3A_934 : i32 to index
          %get3A_986 = arith.index_cast %add3A_982 : i32 to index
          %get3A_987 = tpu.vector_load %arg8[%get3A_984, %get3A_985, %get3A_986] {strides = array<i32>} : memref<3x8x4096xf32, #tpu.memory_space<vmem>>, vector<1x1x16xf32>,
          %get3A_988 = vector.shape_cast %get3A_987 : vector<1x1x16xf32> to vector<16xf32>
          %mul3A_989 = arith.mulf %get3A_988, %get3A_941 : vector<16xf32>
          %swap3A_990 = arith.constant 0 : i32
          %swap3A_991 = arith.index_cast %swap3A_990 : i32 to index
          %swap3A_992 = arith.index_cast %scan3A_934 : i32 to index
          %swap3A_993 = arith.index_cast %add3A_982 : i32 to index
          %swap3A_994 = tpu.vector_load %arg8[%swap3A_991, %swap3A_992, %swap3A_993] {strides = array<i32>} : memref<3x8x4096xf32, #tpu.memory_space<vmem>>, vector<1x1x16xf32>,
          %swap3A_995 = vector.shape_cast %swap3A_994 : vector<1x1x16xf32> to vector<16xf32>
          %swap3A_996 = vector.shape_cast %mul3A_989 : vector<16xf32> to vector<1x1x16xf32>
          tpu.vector_store %arg8[%swap3A_991, %swap3A_992, %swap3A_993], %swap3A_996 {strides = array<i32>} : memref<3x8x4096xf32, #tpu.memory_space<vmem>>, vector<1x1x16xf32>,
          %add3A_997 = arith.constant 48 : i32
          %add3A_998 = arith.addi %mul3A_949, %add3A_997 : i32
          %get3A_999 = arith.constant 0 : i32
          %get3A_1000 = arith.index_cast %get3A_999 : i32 to index
          %get3A_1001 = arith.index_cast %scan3A_934 : i32 to index
          %get3A_1002 = arith.index_cast %add3A_998 : i32 to index
          %get3A_1003 = tpu.vector_load %arg8[%get3A_1000, %get3A_1001, %get3A_1002] {strides = array<i32>} : memref<3x8x4096xf32, #tpu.memory_space<vmem>>, vector<1x1x16xf32>,
          %get3A_1004 = vector.shape_cast %get3A_1003 : vector<1x1x16xf32> to vector<16xf32>
          %mul3A_1005 = arith.mulf %get3A_1004, %get3A_941 : vector<16xf32>
          %swap3A_1006 = arith.constant 0 : i32
          %swap3A_1007 = arith.index_cast %swap3A_1006 : i32 to index
          %swap3A_1008 = arith.index_cast %scan3A_934 : i32 to index
          %swap3A_1009 = arith.index_cast %add3A_998 : i32 to index
          %swap3A_1010 = tpu.vector_load %arg8[%swap3A_1007, %swap3A_1008, %swap3A_1009] {strides = array<i32>} : memref<3x8x4096xf32, #tpu.memory_space<vmem>>, vector<1x1x16xf32>,
          %swap3A_1011 = vector.shape_cast %swap3A_1010 : vector<1x1x16xf32> to vector<16xf32>
          %swap3A_1012 = vector.shape_cast %mul3A_1005 : vector<16xf32> to vector<1x1x16xf32>
          tpu.vector_store %arg8[%swap3A_1007, %swap3A_1008, %swap3A_1009], %swap3A_1012 {strides = array<i32>} : memref<3x8x4096xf32, #tpu.memory_space<vmem>>, vector<1x1x16xf32>,
        }
        %scan3A_946 = arith.constant 64 : i32
      }
      %scan3A_933 = arith.constant 8 : i32
    } else {
    }
    %add3A_724 = arith.constant 96 : i32
    %add3A_725 = arith.addi %mul3A_2, %add3A_724 : i32
    %dma_start3A_726 = arith.constant 0 : i32
    %dma_start3A_727 = arith.constant 0 : i32
    %dma_start3A_728 = arith.constant 0 : i32
    %dma_start3A_729 = tpu.memref_slice %arg8[%dma_start3A_726, %dma_start3A_727, %dma_start3A_728] : memref<3x8x4096xf32, #tpu.memory_space<vmem>> -> memref<1x8x4096xf32, #tpu.memory_space<vmem>>
    %dma_start3A_730 = tpu.memref_squeeze %dma_start3A_729 : memref<1x8x4096xf32, #tpu.memory_space<vmem>> -> memref<8x4096xf32, #tpu.memory_space<vmem>>
    %dma_start3A_731 = arith.constant 0 : i32
    %dma_start3A_732 = tpu.memref_slice %arg5[%add3A_725, %dma_start3A_731] : memref<4096x4096xf32, #tpu.memory_space<hbm>> -> memref<8x4096xf32, #tpu.memory_space<hbm>>
    %dma_start3A_733 = arith.constant 0 : i32
    %dma_start3A_734 = tpu.memref_slice %arg5[%add3A_725, %dma_start3A_733] : memref<4096x4096xf32, #tpu.memory_space<hbm>> -> memref<8x4096xf32, #tpu.memory_space<hbm>>
    %dma_start3A_735 = arith.constant 0 : i32
    %dma_start3A_736 = arith.constant 0 : i32
    %dma_start3A_737 = tpu.memref_slice %arg8[%dma_start3A_726, %dma_start3A_735, %dma_start3A_736] : memref<3x8x4096xf32, #tpu.memory_space<vmem>> -> memref<1x8x4096xf32, #tpu.memory_space<vmem>>
    %dma_start3A_738 = tpu.memref_squeeze %dma_start3A_737 : memref<1x8x4096xf32, #tpu.memory_space<vmem>> -> memref<8x4096xf32, #tpu.memory_space<vmem>>
    tpu.enqueue_dma source(%dma_start3A_738 : memref<8x4096xf32, #tpu.memory_space<vmem>>) target(%dma_start3A_734 : memref<8x4096xf32, #tpu.memory_space<hbm>>) target_semaphore(%arg12 : memref<!tpu.dma_semaphore, #tpu.memory_space<semaphore_mem>>)
    %dma_wait3A_739 = arith.constant 2 : i32
    %dma_wait3A_740 = arith.constant 0 : i32
    %dma_wait3A_741 = arith.constant 0 : i32
    %dma_wait3A_742 = tpu.memref_slice %arg8[%dma_wait3A_739, %dma_wait3A_740, %dma_wait3A_741] : memref<3x8x4096xf32, #tpu.memory_space<vmem>> -> memref<1x8x4096xf32, #tpu.memory_space<vmem>>
    %dma_wait3A_743 = tpu.memref_squeeze %dma_wait3A_742 : memref<1x8x4096xf32, #tpu.memory_space<vmem>> -> memref<8x4096xf32, #tpu.memory_space<vmem>>
    %dma_wait3A_744 = arith.constant 0 : i32
    %dma_wait3A_745 = tpu.memref_slice %arg5[%add3A_667, %dma_wait3A_744] : memref<4096x4096xf32, #tpu.memory_space<hbm>> -> memref<8x4096xf32, #tpu.memory_space<hbm>>
    %dma_wait3A_746 = arith.constant 0 : i32
    %dma_wait3A_747 = tpu.memref_slice %arg5[%add3A_667, %dma_wait3A_746] : memref<4096x4096xf32, #tpu.memory_space<hbm>> -> memref<8x4096xf32, #tpu.memory_space<hbm>>
    %dma_wait3A_748 = arith.constant 0 : i32
    %dma_wait3A_749 = arith.constant 0 : i32
    %dma_wait3A_750 = tpu.memref_slice %arg8[%dma_wait3A_739, %dma_wait3A_748, %dma_wait3A_749] : memref<3x8x4096xf32, #tpu.memory_space<vmem>> -> memref<1x8x4096xf32, #tpu.memory_space<vmem>>
    %dma_wait3A_751 = tpu.memref_squeeze %dma_wait3A_750 : memref<1x8x4096xf32, #tpu.memory_space<vmem>> -> memref<8x4096xf32, #tpu.memory_space<vmem>>
    tpu.wait_dma2 semaphore(%arg14 : memref<!tpu.dma_semaphore, #tpu.memory_space<semaphore_mem>>) src(%dma_wait3A_751 : memref<8x4096xf32, #tpu.memory_space<vmem>>) dst(%dma_wait3A_747 : memref<8x4096xf32, #tpu.memory_space<hbm>>)
    %dma_start3A_752 = arith.constant 2 : i32
    %dma_start3A_753 = arith.constant 0 : i32
    %dma_start3A_754 = arith.constant 0 : i32
    %dma_start3A_755 = tpu.memref_slice %arg8[%dma_start3A_752, %dma_start3A_753, %dma_start3A_754] : memref<3x8x4096xf32, #tpu.memory_space<vmem>> -> memref<1x8x4096xf32, #tpu.memory_space<vmem>>
    %dma_start3A_756 = tpu.memref_squeeze %dma_start3A_755 : memref<1x8x4096xf32, #tpu.memory_space<vmem>> -> memref<8x4096xf32, #tpu.memory_space<vmem>>
    %dma_start3A_757 = arith.constant 112 : i32
    %dma_start3A_758 = tpu.memref_slice %arg6[%dma_start3A_757] : memref<160xi32, #tpu.memory_space<vmem>> -> memref<8xi32, #tpu.memory_space<vmem>>
    %dma_start3A_759 = arith.constant 0 : i32
    %dma_start3A_760 = arith.constant 0 : i32
    %dma_start3A_761 = tpu.memref_slice %arg2[%dma_start3A_759, %dma_start3A_760] : memref<4096x4096xf32, #tpu.memory_space<hbm>> -> memref<4096x4096xf32, #tpu.memory_space<hbm>>
    tpu.enqueue_indirect_dma source(%dma_start3A_761 : memref<4096x4096xf32, #tpu.memory_space<hbm>>) target(%dma_start3A_756 : memref<8x4096xf32, #tpu.memory_space<vmem>>) offsets(%dma_start3A_758 : memref<8xi32, #tpu.memory_space<vmem>>) semaphore(%arg11 : memref<!tpu.dma_semaphore, #tpu.memory_space<semaphore_mem>>)
    %dma_wait3A_762 = arith.constant 1 : i32
    %dma_wait3A_763 = arith.constant 0 : i32
    %dma_wait3A_764 = arith.constant 0 : i32
    %dma_wait3A_765 = tpu.memref_slice %arg8[%dma_wait3A_762, %dma_wait3A_763, %dma_wait3A_764] : memref<3x8x4096xf32, #tpu.memory_space<vmem>> -> memref<1x8x4096xf32, #tpu.memory_space<vmem>>
    %dma_wait3A_766 = tpu.memref_squeeze %dma_wait3A_765 : memref<1x8x4096xf32, #tpu.memory_space<vmem>> -> memref<8x4096xf32, #tpu.memory_space<vmem>>
    %dma_wait3A_767 = arith.constant 104 : i32
    %dma_wait3A_768 = tpu.memref_slice %arg6[%dma_wait3A_767] : memref<160xi32, #tpu.memory_space<vmem>> -> memref<8xi32, #tpu.memory_space<vmem>>
    %dma_wait3A_769 = arith.constant 0 : i32
    %dma_wait3A_770 = arith.constant 0 : i32
    %dma_wait3A_771 = tpu.memref_slice %arg2[%dma_wait3A_769, %dma_wait3A_770] : memref<4096x4096xf32, #tpu.memory_space<hbm>> -> memref<4096x4096xf32, #tpu.memory_space<hbm>>
    tpu.wait_indirect_dma semaphore(%arg10 : memref<!tpu.dma_semaphore, #tpu.memory_space<semaphore_mem>>) src(%dma_wait3A_771 : memref<4096x4096xf32, #tpu.memory_space<hbm>>) dst(%dma_wait3A_766 : memref<8x4096xf32, #tpu.memory_space<vmem>>)
    %get3A_772 = arith.constant 128 : index
    %get3A_773 = tpu.vector_load %arg6[%get3A_772] {strides = array<i32>} : memref<160xi32, #tpu.memory_space<vmem>>, vector<16xi32>,
    %get3A_774 = vector.shape_cast %get3A_773 : vector<16xi32> to vector<16xi32>
    %slice3A_775 = vector.extract_strided_slice %get3A_774 {offsets = [13], sizes = [1], strides = [1]} : vector<16xi32> to vector<1xi32>
    %squeeze3A_776 = vector.extract %slice3A_775[0] : i32 from vector<1xi32>
    %ne3A_777 = arith.constant 0 : i32
    %ne3A_778 = arith.cmpi ne, %squeeze3A_776, %ne3A_777 : i32
    %convert_element_type3A_779 = arith.extui %ne3A_778 : i1 to i32
    %cond3A_780 = arith.constant 0 : i32
    %cond3A_781 = arith.cmpi ne, %convert_element_type3A_779, %cond3A_780 : i32
    scf.if %cond3A_781 {
      %scan3A = arith.constant 0 : i32
      %scan3A_929 = arith.constant 0 : i32
      %scan3A_930 = arith.constant 8 : i32
      %scan3A_931 = arith.addi %scan3A_929, %scan3A_930 : i32
      %scan3A_932 = arith.constant 1 : i32
      scf.for %scan3A_934 = %scan3A_929 to %scan3A_931 step %scan3A_932  : i32 {
        %add3A_935 = arith.constant 104 : i32
        %add3A_936 = arith.addi %add3A_935, %scan3A_934 : i32
        %mul3A_937 = arith.constant 16 : i32
        %mul3A_938 = arith.muli %add3A_936, %mul3A_937 : i32
        %get3A_939 = arith.index_cast %mul3A_938 : i32 to index
        %get3A_940 = tpu.vector_load %arg7[%get3A_939] {strides = array<i32>} : memref<2048xf32, #tpu.memory_space<vmem>>, vector<16xf32>,
        %get3A_941 = vector.shape_cast %get3A_940 : vector<16xf32> to vector<16xf32>
        %scan3A_942 = arith.constant 0 : i32
        %scan3A_943 = arith.constant 64 : i32
        %scan3A_944 = arith.addi %scan3A_942, %scan3A_943 : i32
        %scan3A_945 = arith.constant 1 : i32
        scf.for %scan3A_947 = %scan3A_942 to %scan3A_944 step %scan3A_945  : i32 {
          %mul3A_948 = arith.constant 64 : i32
          %mul3A_949 = arith.muli %scan3A_947, %mul3A_948 : i32
          %add3A_950 = arith.constant 0 : i32
          %add3A_951 = arith.addi %mul3A_949, %add3A_950 : i32
          %get3A_952 = arith.constant 1 : i32
          %get3A_953 = arith.index_cast %get3A_952 : i32 to index
          %get3A_954 = arith.index_cast %scan3A_934 : i32 to index
          %get3A_955 = arith.index_cast %add3A_951 : i32 to index
          %get3A_956 = tpu.vector_load %arg8[%get3A_953, %get3A_954, %get3A_955] {strides = array<i32>} : memref<3x8x4096xf32, #tpu.memory_space<vmem>>, vector<1x1x16xf32>,
          %get3A_957 = vector.shape_cast %get3A_956 : vector<1x1x16xf32> to vector<16xf32>
          %mul3A_958 = arith.mulf %get3A_957, %get3A_941 : vector<16xf32>
          %swap3A = arith.constant 1 : i32
          %swap3A_959 = arith.index_cast %swap3A : i32 to index
          %swap3A_960 = arith.index_cast %scan3A_934 : i32 to index
          %swap3A_961 = arith.index_cast %add3A_951 : i32 to index
          %swap3A_962 = tpu.vector_load %arg8[%swap3A_959, %swap3A_960, %swap3A_961] {strides = array<i32>} : memref<3x8x4096xf32, #tpu.memory_space<vmem>>, vector<1x1x16xf32>,
          %swap3A_963 = vector.shape_cast %swap3A_962 : vector<1x1x16xf32> to vector<16xf32>
          %swap3A_964 = vector.shape_cast %mul3A_958 : vector<16xf32> to vector<1x1x16xf32>
          tpu.vector_store %arg8[%swap3A_959, %swap3A_960, %swap3A_961], %swap3A_964 {strides = array<i32>} : memref<3x8x4096xf32, #tpu.memory_space<vmem>>, vector<1x1x16xf32>,
          %add3A_965 = arith.constant 16 : i32
          %add3A_966 = arith.addi %mul3A_949, %add3A_965 : i32
          %get3A_967 = arith.constant 1 : i32
          %get3A_968 = arith.index_cast %get3A_967 : i32 to index
          %get3A_969 = arith.index_cast %scan3A_934 : i32 to index
          %get3A_970 = arith.index_cast %add3A_966 : i32 to index
          %get3A_971 = tpu.vector_load %arg8[%get3A_968, %get3A_969, %get3A_970] {strides = array<i32>} : memref<3x8x4096xf32, #tpu.memory_space<vmem>>, vector<1x1x16xf32>,
          %get3A_972 = vector.shape_cast %get3A_971 : vector<1x1x16xf32> to vector<16xf32>
          %mul3A_973 = arith.mulf %get3A_972, %get3A_941 : vector<16xf32>
          %swap3A_974 = arith.constant 1 : i32
          %swap3A_975 = arith.index_cast %swap3A_974 : i32 to index
          %swap3A_976 = arith.index_cast %scan3A_934 : i32 to index
          %swap3A_977 = arith.index_cast %add3A_966 : i32 to index
          %swap3A_978 = tpu.vector_load %arg8[%swap3A_975, %swap3A_976, %swap3A_977] {strides = array<i32>} : memref<3x8x4096xf32, #tpu.memory_space<vmem>>, vector<1x1x16xf32>,
          %swap3A_979 = vector.shape_cast %swap3A_978 : vector<1x1x16xf32> to vector<16xf32>
          %swap3A_980 = vector.shape_cast %mul3A_973 : vector<16xf32> to vector<1x1x16xf32>
          tpu.vector_store %arg8[%swap3A_975, %swap3A_976, %swap3A_977], %swap3A_980 {strides = array<i32>} : memref<3x8x4096xf32, #tpu.memory_space<vmem>>, vector<1x1x16xf32>,
          %add3A_981 = arith.constant 32 : i32
          %add3A_982 = arith.addi %mul3A_949, %add3A_981 : i32
          %get3A_983 = arith.constant 1 : i32
          %get3A_984 = arith.index_cast %get3A_983 : i32 to index
          %get3A_985 = arith.index_cast %scan3A_934 : i32 to index
          %get3A_986 = arith.index_cast %add3A_982 : i32 to index
          %get3A_987 = tpu.vector_load %arg8[%get3A_984, %get3A_985, %get3A_986] {strides = array<i32>} : memref<3x8x4096xf32, #tpu.memory_space<vmem>>, vector<1x1x16xf32>,
          %get3A_988 = vector.shape_cast %get3A_987 : vector<1x1x16xf32> to vector<16xf32>
          %mul3A_989 = arith.mulf %get3A_988, %get3A_941 : vector<16xf32>
          %swap3A_990 = arith.constant 1 : i32
          %swap3A_991 = arith.index_cast %swap3A_990 : i32 to index
          %swap3A_992 = arith.index_cast %scan3A_934 : i32 to index
          %swap3A_993 = arith.index_cast %add3A_982 : i32 to index
          %swap3A_994 = tpu.vector_load %arg8[%swap3A_991, %swap3A_992, %swap3A_993] {strides = array<i32>} : memref<3x8x4096xf32, #tpu.memory_space<vmem>>, vector<1x1x16xf32>,
          %swap3A_995 = vector.shape_cast %swap3A_994 : vector<1x1x16xf32> to vector<16xf32>
          %swap3A_996 = vector.shape_cast %mul3A_989 : vector<16xf32> to vector<1x1x16xf32>
          tpu.vector_store %arg8[%swap3A_991, %swap3A_992, %swap3A_993], %swap3A_996 {strides = array<i32>} : memref<3x8x4096xf32, #tpu.memory_space<vmem>>, vector<1x1x16xf32>,
          %add3A_997 = arith.constant 48 : i32
          %add3A_998 = arith.addi %mul3A_949, %add3A_997 : i32
          %get3A_999 = arith.constant 1 : i32
          %get3A_1000 = arith.index_cast %get3A_999 : i32 to index
          %get3A_1001 = arith.index_cast %scan3A_934 : i32 to index
          %get3A_1002 = arith.index_cast %add3A_998 : i32 to index
          %get3A_1003 = tpu.vector_load %arg8[%get3A_1000, %get3A_1001, %get3A_1002] {strides = array<i32>} : memref<3x8x4096xf32, #tpu.memory_space<vmem>>, vector<1x1x16xf32>,
          %get3A_1004 = vector.shape_cast %get3A_1003 : vector<1x1x16xf32> to vector<16xf32>
          %mul3A_1005 = arith.mulf %get3A_1004, %get3A_941 : vector<16xf32>
          %swap3A_1006 = arith.constant 1 : i32
          %swap3A_1007 = arith.index_cast %swap3A_1006 : i32 to index
          %swap3A_1008 = arith.index_cast %scan3A_934 : i32 to index
          %swap3A_1009 = arith.index_cast %add3A_998 : i32 to index
          %swap3A_1010 = tpu.vector_load %arg8[%swap3A_1007, %swap3A_1008, %swap3A_1009] {strides = array<i32>} : memref<3x8x4096xf32, #tpu.memory_space<vmem>>, vector<1x1x16xf32>,
          %swap3A_1011 = vector.shape_cast %swap3A_1010 : vector<1x1x16xf32> to vector<16xf32>
          %swap3A_1012 = vector.shape_cast %mul3A_1005 : vector<16xf32> to vector<1x1x16xf32>
          tpu.vector_store %arg8[%swap3A_1007, %swap3A_1008, %swap3A_1009], %swap3A_1012 {strides = array<i32>} : memref<3x8x4096xf32, #tpu.memory_space<vmem>>, vector<1x1x16xf32>,
        }
        %scan3A_946 = arith.constant 64 : i32
      }
      %scan3A_933 = arith.constant 8 : i32
    } else {
    }
    %add3A_782 = arith.constant 104 : i32
    %add3A_783 = arith.addi %mul3A_2, %add3A_782 : i32
    %dma_start3A_784 = arith.constant 1 : i32
    %dma_start3A_785 = arith.constant 0 : i32
    %dma_start3A_786 = arith.constant 0 : i32
    %dma_start3A_787 = tpu.memref_slice %arg8[%dma_start3A_784, %dma_start3A_785, %dma_start3A_786] : memref<3x8x4096xf32, #tpu.memory_space<vmem>> -> memref<1x8x4096xf32, #tpu.memory_space<vmem>>
    %dma_start3A_788 = tpu.memref_squeeze %dma_start3A_787 : memref<1x8x4096xf32, #tpu.memory_space<vmem>> -> memref<8x4096xf32, #tpu.memory_space<vmem>>
    %dma_start3A_789 = arith.constant 0 : i32
    %dma_start3A_790 = tpu.memref_slice %arg5[%add3A_783, %dma_start3A_789] : memref<4096x4096xf32, #tpu.memory_space<hbm>> -> memref<8x4096xf32, #tpu.memory_space<hbm>>
    %dma_start3A_791 = arith.constant 0 : i32
    %dma_start3A_792 = tpu.memref_slice %arg5[%add3A_783, %dma_start3A_791] : memref<4096x4096xf32, #tpu.memory_space<hbm>> -> memref<8x4096xf32, #tpu.memory_space<hbm>>
    %dma_start3A_793 = arith.constant 0 : i32
    %dma_start3A_794 = arith.constant 0 : i32
    %dma_start3A_795 = tpu.memref_slice %arg8[%dma_start3A_784, %dma_start3A_793, %dma_start3A_794] : memref<3x8x4096xf32, #tpu.memory_space<vmem>> -> memref<1x8x4096xf32, #tpu.memory_space<vmem>>
    %dma_start3A_796 = tpu.memref_squeeze %dma_start3A_795 : memref<1x8x4096xf32, #tpu.memory_space<vmem>> -> memref<8x4096xf32, #tpu.memory_space<vmem>>
    tpu.enqueue_dma source(%dma_start3A_796 : memref<8x4096xf32, #tpu.memory_space<vmem>>) target(%dma_start3A_792 : memref<8x4096xf32, #tpu.memory_space<hbm>>) target_semaphore(%arg13 : memref<!tpu.dma_semaphore, #tpu.memory_space<semaphore_mem>>)
    %dma_wait3A_797 = arith.constant 0 : i32
    %dma_wait3A_798 = arith.constant 0 : i32
    %dma_wait3A_799 = arith.constant 0 : i32
    %dma_wait3A_800 = tpu.memref_slice %arg8[%dma_wait3A_797, %dma_wait3A_798, %dma_wait3A_799] : memref<3x8x4096xf32, #tpu.memory_space<vmem>> -> memref<1x8x4096xf32, #tpu.memory_space<vmem>>
    %dma_wait3A_801 = tpu.memref_squeeze %dma_wait3A_800 : memref<1x8x4096xf32, #tpu.memory_space<vmem>> -> memref<8x4096xf32, #tpu.memory_space<vmem>>
    %dma_wait3A_802 = arith.constant 0 : i32
    %dma_wait3A_803 = tpu.memref_slice %arg5[%add3A_725, %dma_wait3A_802] : memref<4096x4096xf32, #tpu.memory_space<hbm>> -> memref<8x4096xf32, #tpu.memory_space<hbm>>
    %dma_wait3A_804 = arith.constant 0 : i32
    %dma_wait3A_805 = tpu.memref_slice %arg5[%add3A_725, %dma_wait3A_804] : memref<4096x4096xf32, #tpu.memory_space<hbm>> -> memref<8x4096xf32, #tpu.memory_space<hbm>>
    %dma_wait3A_806 = arith.constant 0 : i32
    %dma_wait3A_807 = arith.constant 0 : i32
    %dma_wait3A_808 = tpu.memref_slice %arg8[%dma_wait3A_797, %dma_wait3A_806, %dma_wait3A_807] : memref<3x8x4096xf32, #tpu.memory_space<vmem>> -> memref<1x8x4096xf32, #tpu.memory_space<vmem>>
    %dma_wait3A_809 = tpu.memref_squeeze %dma_wait3A_808 : memref<1x8x4096xf32, #tpu.memory_space<vmem>> -> memref<8x4096xf32, #tpu.memory_space<vmem>>
    tpu.wait_dma2 semaphore(%arg12 : memref<!tpu.dma_semaphore, #tpu.memory_space<semaphore_mem>>) src(%dma_wait3A_809 : memref<8x4096xf32, #tpu.memory_space<vmem>>) dst(%dma_wait3A_805 : memref<8x4096xf32, #tpu.memory_space<hbm>>)
    %dma_start3A_810 = arith.constant 0 : i32
    %dma_start3A_811 = arith.constant 0 : i32
    %dma_start3A_812 = arith.constant 0 : i32
    %dma_start3A_813 = tpu.memref_slice %arg8[%dma_start3A_810, %dma_start3A_811, %dma_start3A_812] : memref<3x8x4096xf32, #tpu.memory_space<vmem>> -> memref<1x8x4096xf32, #tpu.memory_space<vmem>>
    %dma_start3A_814 = tpu.memref_squeeze %dma_start3A_813 : memref<1x8x4096xf32, #tpu.memory_space<vmem>> -> memref<8x4096xf32, #tpu.memory_space<vmem>>
    %dma_start3A_815 = arith.constant 120 : i32
    %dma_start3A_816 = tpu.memref_slice %arg6[%dma_start3A_815] : memref<160xi32, #tpu.memory_space<vmem>> -> memref<8xi32, #tpu.memory_space<vmem>>
    %dma_start3A_817 = arith.constant 0 : i32
    %dma_start3A_818 = arith.constant 0 : i32
    %dma_start3A_819 = tpu.memref_slice %arg2[%dma_start3A_817, %dma_start3A_818] : memref<4096x4096xf32, #tpu.memory_space<hbm>> -> memref<4096x4096xf32, #tpu.memory_space<hbm>>
    tpu.enqueue_indirect_dma source(%dma_start3A_819 : memref<4096x4096xf32, #tpu.memory_space<hbm>>) target(%dma_start3A_814 : memref<8x4096xf32, #tpu.memory_space<vmem>>) offsets(%dma_start3A_816 : memref<8xi32, #tpu.memory_space<vmem>>) semaphore(%arg9 : memref<!tpu.dma_semaphore, #tpu.memory_space<semaphore_mem>>)
    %dma_wait3A_820 = arith.constant 2 : i32
    %dma_wait3A_821 = arith.constant 0 : i32
    %dma_wait3A_822 = arith.constant 0 : i32
    %dma_wait3A_823 = tpu.memref_slice %arg8[%dma_wait3A_820, %dma_wait3A_821, %dma_wait3A_822] : memref<3x8x4096xf32, #tpu.memory_space<vmem>> -> memref<1x8x4096xf32, #tpu.memory_space<vmem>>
    %dma_wait3A_824 = tpu.memref_squeeze %dma_wait3A_823 : memref<1x8x4096xf32, #tpu.memory_space<vmem>> -> memref<8x4096xf32, #tpu.memory_space<vmem>>
    %dma_wait3A_825 = arith.constant 112 : i32
    %dma_wait3A_826 = tpu.memref_slice %arg6[%dma_wait3A_825] : memref<160xi32, #tpu.memory_space<vmem>> -> memref<8xi32, #tpu.memory_space<vmem>>
    %dma_wait3A_827 = arith.constant 0 : i32
    %dma_wait3A_828 = arith.constant 0 : i32
    %dma_wait3A_829 = tpu.memref_slice %arg2[%dma_wait3A_827, %dma_wait3A_828] : memref<4096x4096xf32, #tpu.memory_space<hbm>> -> memref<4096x4096xf32, #tpu.memory_space<hbm>>
    tpu.wait_indirect_dma semaphore(%arg11 : memref<!tpu.dma_semaphore, #tpu.memory_space<semaphore_mem>>) src(%dma_wait3A_829 : memref<4096x4096xf32, #tpu.memory_space<hbm>>) dst(%dma_wait3A_824 : memref<8x4096xf32, #tpu.memory_space<vmem>>)
    %get3A_830 = arith.constant 128 : index
    %get3A_831 = tpu.vector_load %arg6[%get3A_830] {strides = array<i32>} : memref<160xi32, #tpu.memory_space<vmem>>, vector<16xi32>,
    %get3A_832 = vector.shape_cast %get3A_831 : vector<16xi32> to vector<16xi32>
    %slice3A_833 = vector.extract_strided_slice %get3A_832 {offsets = [14], sizes = [1], strides = [1]} : vector<16xi32> to vector<1xi32>
    %squeeze3A_834 = vector.extract %slice3A_833[0] : i32 from vector<1xi32>
    %ne3A_835 = arith.constant 0 : i32
    %ne3A_836 = arith.cmpi ne, %squeeze3A_834, %ne3A_835 : i32
    %convert_element_type3A_837 = arith.extui %ne3A_836 : i1 to i32
    %cond3A_838 = arith.constant 0 : i32
    %cond3A_839 = arith.cmpi ne, %convert_element_type3A_837, %cond3A_838 : i32
    scf.if %cond3A_839 {
      %scan3A = arith.constant 0 : i32
      %scan3A_929 = arith.constant 0 : i32
      %scan3A_930 = arith.constant 8 : i32
      %scan3A_931 = arith.addi %scan3A_929, %scan3A_930 : i32
      %scan3A_932 = arith.constant 1 : i32
      scf.for %scan3A_934 = %scan3A_929 to %scan3A_931 step %scan3A_932  : i32 {
        %add3A_935 = arith.constant 112 : i32
        %add3A_936 = arith.addi %add3A_935, %scan3A_934 : i32
        %mul3A_937 = arith.constant 16 : i32
        %mul3A_938 = arith.muli %add3A_936, %mul3A_937 : i32
        %get3A_939 = arith.index_cast %mul3A_938 : i32 to index
        %get3A_940 = tpu.vector_load %arg7[%get3A_939] {strides = array<i32>} : memref<2048xf32, #tpu.memory_space<vmem>>, vector<16xf32>,
        %get3A_941 = vector.shape_cast %get3A_940 : vector<16xf32> to vector<16xf32>
        %scan3A_942 = arith.constant 0 : i32
        %scan3A_943 = arith.constant 64 : i32
        %scan3A_944 = arith.addi %scan3A_942, %scan3A_943 : i32
        %scan3A_945 = arith.constant 1 : i32
        scf.for %scan3A_947 = %scan3A_942 to %scan3A_944 step %scan3A_945  : i32 {
          %mul3A_948 = arith.constant 64 : i32
          %mul3A_949 = arith.muli %scan3A_947, %mul3A_948 : i32
          %add3A_950 = arith.constant 0 : i32
          %add3A_951 = arith.addi %mul3A_949, %add3A_950 : i32
          %get3A_952 = arith.constant 2 : i32
          %get3A_953 = arith.index_cast %get3A_952 : i32 to index
          %get3A_954 = arith.index_cast %scan3A_934 : i32 to index
          %get3A_955 = arith.index_cast %add3A_951 : i32 to index
          %get3A_956 = tpu.vector_load %arg8[%get3A_953, %get3A_954, %get3A_955] {strides = array<i32>} : memref<3x8x4096xf32, #tpu.memory_space<vmem>>, vector<1x1x16xf32>,
          %get3A_957 = vector.shape_cast %get3A_956 : vector<1x1x16xf32> to vector<16xf32>
          %mul3A_958 = arith.mulf %get3A_957, %get3A_941 : vector<16xf32>
          %swap3A = arith.constant 2 : i32
          %swap3A_959 = arith.index_cast %swap3A : i32 to index
          %swap3A_960 = arith.index_cast %scan3A_934 : i32 to index
          %swap3A_961 = arith.index_cast %add3A_951 : i32 to index
          %swap3A_962 = tpu.vector_load %arg8[%swap3A_959, %swap3A_960, %swap3A_961] {strides = array<i32>} : memref<3x8x4096xf32, #tpu.memory_space<vmem>>, vector<1x1x16xf32>,
          %swap3A_963 = vector.shape_cast %swap3A_962 : vector<1x1x16xf32> to vector<16xf32>
          %swap3A_964 = vector.shape_cast %mul3A_958 : vector<16xf32> to vector<1x1x16xf32>
          tpu.vector_store %arg8[%swap3A_959, %swap3A_960, %swap3A_961], %swap3A_964 {strides = array<i32>} : memref<3x8x4096xf32, #tpu.memory_space<vmem>>, vector<1x1x16xf32>,
          %add3A_965 = arith.constant 16 : i32
          %add3A_966 = arith.addi %mul3A_949, %add3A_965 : i32
          %get3A_967 = arith.constant 2 : i32
          %get3A_968 = arith.index_cast %get3A_967 : i32 to index
          %get3A_969 = arith.index_cast %scan3A_934 : i32 to index
          %get3A_970 = arith.index_cast %add3A_966 : i32 to index
          %get3A_971 = tpu.vector_load %arg8[%get3A_968, %get3A_969, %get3A_970] {strides = array<i32>} : memref<3x8x4096xf32, #tpu.memory_space<vmem>>, vector<1x1x16xf32>,
          %get3A_972 = vector.shape_cast %get3A_971 : vector<1x1x16xf32> to vector<16xf32>
          %mul3A_973 = arith.mulf %get3A_972, %get3A_941 : vector<16xf32>
          %swap3A_974 = arith.constant 2 : i32
          %swap3A_975 = arith.index_cast %swap3A_974 : i32 to index
          %swap3A_976 = arith.index_cast %scan3A_934 : i32 to index
          %swap3A_977 = arith.index_cast %add3A_966 : i32 to index
          %swap3A_978 = tpu.vector_load %arg8[%swap3A_975, %swap3A_976, %swap3A_977] {strides = array<i32>} : memref<3x8x4096xf32, #tpu.memory_space<vmem>>, vector<1x1x16xf32>,
          %swap3A_979 = vector.shape_cast %swap3A_978 : vector<1x1x16xf32> to vector<16xf32>
          %swap3A_980 = vector.shape_cast %mul3A_973 : vector<16xf32> to vector<1x1x16xf32>
          tpu.vector_store %arg8[%swap3A_975, %swap3A_976, %swap3A_977], %swap3A_980 {strides = array<i32>} : memref<3x8x4096xf32, #tpu.memory_space<vmem>>, vector<1x1x16xf32>,
          %add3A_981 = arith.constant 32 : i32
          %add3A_982 = arith.addi %mul3A_949, %add3A_981 : i32
          %get3A_983 = arith.constant 2 : i32
          %get3A_984 = arith.index_cast %get3A_983 : i32 to index
          %get3A_985 = arith.index_cast %scan3A_934 : i32 to index
          %get3A_986 = arith.index_cast %add3A_982 : i32 to index
          %get3A_987 = tpu.vector_load %arg8[%get3A_984, %get3A_985, %get3A_986] {strides = array<i32>} : memref<3x8x4096xf32, #tpu.memory_space<vmem>>, vector<1x1x16xf32>,
          %get3A_988 = vector.shape_cast %get3A_987 : vector<1x1x16xf32> to vector<16xf32>
          %mul3A_989 = arith.mulf %get3A_988, %get3A_941 : vector<16xf32>
          %swap3A_990 = arith.constant 2 : i32
          %swap3A_991 = arith.index_cast %swap3A_990 : i32 to index
          %swap3A_992 = arith.index_cast %scan3A_934 : i32 to index
          %swap3A_993 = arith.index_cast %add3A_982 : i32 to index
          %swap3A_994 = tpu.vector_load %arg8[%swap3A_991, %swap3A_992, %swap3A_993] {strides = array<i32>} : memref<3x8x4096xf32, #tpu.memory_space<vmem>>, vector<1x1x16xf32>,
          %swap3A_995 = vector.shape_cast %swap3A_994 : vector<1x1x16xf32> to vector<16xf32>
          %swap3A_996 = vector.shape_cast %mul3A_989 : vector<16xf32> to vector<1x1x16xf32>
          tpu.vector_store %arg8[%swap3A_991, %swap3A_992, %swap3A_993], %swap3A_996 {strides = array<i32>} : memref<3x8x4096xf32, #tpu.memory_space<vmem>>, vector<1x1x16xf32>,
          %add3A_997 = arith.constant 48 : i32
          %add3A_998 = arith.addi %mul3A_949, %add3A_997 : i32
          %get3A_999 = arith.constant 2 : i32
          %get3A_1000 = arith.index_cast %get3A_999 : i32 to index
          %get3A_1001 = arith.index_cast %scan3A_934 : i32 to index
          %get3A_1002 = arith.index_cast %add3A_998 : i32 to index
          %get3A_1003 = tpu.vector_load %arg8[%get3A_1000, %get3A_1001, %get3A_1002] {strides = array<i32>} : memref<3x8x4096xf32, #tpu.memory_space<vmem>>, vector<1x1x16xf32>,
          %get3A_1004 = vector.shape_cast %get3A_1003 : vector<1x1x16xf32> to vector<16xf32>
          %mul3A_1005 = arith.mulf %get3A_1004, %get3A_941 : vector<16xf32>
          %swap3A_1006 = arith.constant 2 : i32
          %swap3A_1007 = arith.index_cast %swap3A_1006 : i32 to index
          %swap3A_1008 = arith.index_cast %scan3A_934 : i32 to index
          %swap3A_1009 = arith.index_cast %add3A_998 : i32 to index
          %swap3A_1010 = tpu.vector_load %arg8[%swap3A_1007, %swap3A_1008, %swap3A_1009] {strides = array<i32>} : memref<3x8x4096xf32, #tpu.memory_space<vmem>>, vector<1x1x16xf32>,
          %swap3A_1011 = vector.shape_cast %swap3A_1010 : vector<1x1x16xf32> to vector<16xf32>
          %swap3A_1012 = vector.shape_cast %mul3A_1005 : vector<16xf32> to vector<1x1x16xf32>
          tpu.vector_store %arg8[%swap3A_1007, %swap3A_1008, %swap3A_1009], %swap3A_1012 {strides = array<i32>} : memref<3x8x4096xf32, #tpu.memory_space<vmem>>, vector<1x1x16xf32>,
        }
        %scan3A_946 = arith.constant 64 : i32
      }
      %scan3A_933 = arith.constant 8 : i32
    } else {
    }
    %add3A_840 = arith.constant 112 : i32
    %add3A_841 = arith.addi %mul3A_2, %add3A_840 : i32
    %dma_start3A_842 = arith.constant 2 : i32
    %dma_start3A_843 = arith.constant 0 : i32
    %dma_start3A_844 = arith.constant 0 : i32
    %dma_start3A_845 = tpu.memref_slice %arg8[%dma_start3A_842, %dma_start3A_843, %dma_start3A_844] : memref<3x8x4096xf32, #tpu.memory_space<vmem>> -> memref<1x8x4096xf32, #tpu.memory_space<vmem>>
    %dma_start3A_846 = tpu.memref_squeeze %dma_start3A_845 : memref<1x8x4096xf32, #tpu.memory_space<vmem>> -> memref<8x4096xf32, #tpu.memory_space<vmem>>
    %dma_start3A_847 = arith.constant 0 : i32
    %dma_start3A_848 = tpu.memref_slice %arg5[%add3A_841, %dma_start3A_847] : memref<4096x4096xf32, #tpu.memory_space<hbm>> -> memref<8x4096xf32, #tpu.memory_space<hbm>>
    %dma_start3A_849 = arith.constant 0 : i32
    %dma_start3A_850 = tpu.memref_slice %arg5[%add3A_841, %dma_start3A_849] : memref<4096x4096xf32, #tpu.memory_space<hbm>> -> memref<8x4096xf32, #tpu.memory_space<hbm>>
    %dma_start3A_851 = arith.constant 0 : i32
    %dma_start3A_852 = arith.constant 0 : i32
    %dma_start3A_853 = tpu.memref_slice %arg8[%dma_start3A_842, %dma_start3A_851, %dma_start3A_852] : memref<3x8x4096xf32, #tpu.memory_space<vmem>> -> memref<1x8x4096xf32, #tpu.memory_space<vmem>>
    %dma_start3A_854 = tpu.memref_squeeze %dma_start3A_853 : memref<1x8x4096xf32, #tpu.memory_space<vmem>> -> memref<8x4096xf32, #tpu.memory_space<vmem>>
    tpu.enqueue_dma source(%dma_start3A_854 : memref<8x4096xf32, #tpu.memory_space<vmem>>) target(%dma_start3A_850 : memref<8x4096xf32, #tpu.memory_space<hbm>>) target_semaphore(%arg14 : memref<!tpu.dma_semaphore, #tpu.memory_space<semaphore_mem>>)
    %dma_wait3A_855 = arith.constant 0 : i32
    %dma_wait3A_856 = arith.constant 0 : i32
    %dma_wait3A_857 = arith.constant 0 : i32
    %dma_wait3A_858 = tpu.memref_slice %arg8[%dma_wait3A_855, %dma_wait3A_856, %dma_wait3A_857] : memref<3x8x4096xf32, #tpu.memory_space<vmem>> -> memref<1x8x4096xf32, #tpu.memory_space<vmem>>
    %dma_wait3A_859 = tpu.memref_squeeze %dma_wait3A_858 : memref<1x8x4096xf32, #tpu.memory_space<vmem>> -> memref<8x4096xf32, #tpu.memory_space<vmem>>
    %dma_wait3A_860 = arith.constant 120 : i32
    %dma_wait3A_861 = tpu.memref_slice %arg6[%dma_wait3A_860] : memref<160xi32, #tpu.memory_space<vmem>> -> memref<8xi32, #tpu.memory_space<vmem>>
    %dma_wait3A_862 = arith.constant 0 : i32
    %dma_wait3A_863 = arith.constant 0 : i32
    %dma_wait3A_864 = tpu.memref_slice %arg2[%dma_wait3A_862, %dma_wait3A_863] : memref<4096x4096xf32, #tpu.memory_space<hbm>> -> memref<4096x4096xf32, #tpu.memory_space<hbm>>
    tpu.wait_indirect_dma semaphore(%arg9 : memref<!tpu.dma_semaphore, #tpu.memory_space<semaphore_mem>>) src(%dma_wait3A_864 : memref<4096x4096xf32, #tpu.memory_space<hbm>>) dst(%dma_wait3A_859 : memref<8x4096xf32, #tpu.memory_space<vmem>>)
    %get3A_865 = arith.constant 128 : index
    %get3A_866 = tpu.vector_load %arg6[%get3A_865] {strides = array<i32>} : memref<160xi32, #tpu.memory_space<vmem>>, vector<16xi32>,
    %get3A_867 = vector.shape_cast %get3A_866 : vector<16xi32> to vector<16xi32>
    %slice3A_868 = vector.extract_strided_slice %get3A_867 {offsets = [15], sizes = [1], strides = [1]} : vector<16xi32> to vector<1xi32>
    %squeeze3A_869 = vector.extract %slice3A_868[0] : i32 from vector<1xi32>
    %ne3A_870 = arith.constant 0 : i32
    %ne3A_871 = arith.cmpi ne, %squeeze3A_869, %ne3A_870 : i32
    %convert_element_type3A_872 = arith.extui %ne3A_871 : i1 to i32
    %cond3A_873 = arith.constant 0 : i32
    %cond3A_874 = arith.cmpi ne, %convert_element_type3A_872, %cond3A_873 : i32
    scf.if %cond3A_874 {
      %scan3A = arith.constant 0 : i32
      %scan3A_929 = arith.constant 0 : i32
      %scan3A_930 = arith.constant 8 : i32
      %scan3A_931 = arith.addi %scan3A_929, %scan3A_930 : i32
      %scan3A_932 = arith.constant 1 : i32
      scf.for %scan3A_934 = %scan3A_929 to %scan3A_931 step %scan3A_932  : i32 {
        %add3A_935 = arith.constant 120 : i32
        %add3A_936 = arith.addi %add3A_935, %scan3A_934 : i32
        %mul3A_937 = arith.constant 16 : i32
        %mul3A_938 = arith.muli %add3A_936, %mul3A_937 : i32
        %get3A_939 = arith.index_cast %mul3A_938 : i32 to index
        %get3A_940 = tpu.vector_load %arg7[%get3A_939] {strides = array<i32>} : memref<2048xf32, #tpu.memory_space<vmem>>, vector<16xf32>,
        %get3A_941 = vector.shape_cast %get3A_940 : vector<16xf32> to vector<16xf32>
        %scan3A_942 = arith.constant 0 : i32
        %scan3A_943 = arith.constant 64 : i32
        %scan3A_944 = arith.addi %scan3A_942, %scan3A_943 : i32
        %scan3A_945 = arith.constant 1 : i32
        scf.for %scan3A_947 = %scan3A_942 to %scan3A_944 step %scan3A_945  : i32 {
          %mul3A_948 = arith.constant 64 : i32
          %mul3A_949 = arith.muli %scan3A_947, %mul3A_948 : i32
          %add3A_950 = arith.constant 0 : i32
          %add3A_951 = arith.addi %mul3A_949, %add3A_950 : i32
          %get3A_952 = arith.constant 0 : i32
          %get3A_953 = arith.index_cast %get3A_952 : i32 to index
          %get3A_954 = arith.index_cast %scan3A_934 : i32 to index
          %get3A_955 = arith.index_cast %add3A_951 : i32 to index
          %get3A_956 = tpu.vector_load %arg8[%get3A_953, %get3A_954, %get3A_955] {strides = array<i32>} : memref<3x8x4096xf32, #tpu.memory_space<vmem>>, vector<1x1x16xf32>,
          %get3A_957 = vector.shape_cast %get3A_956 : vector<1x1x16xf32> to vector<16xf32>
          %mul3A_958 = arith.mulf %get3A_957, %get3A_941 : vector<16xf32>
          %swap3A = arith.constant 0 : i32
          %swap3A_959 = arith.index_cast %swap3A : i32 to index
          %swap3A_960 = arith.index_cast %scan3A_934 : i32 to index
          %swap3A_961 = arith.index_cast %add3A_951 : i32 to index
          %swap3A_962 = tpu.vector_load %arg8[%swap3A_959, %swap3A_960, %swap3A_961] {strides = array<i32>} : memref<3x8x4096xf32, #tpu.memory_space<vmem>>, vector<1x1x16xf32>,
          %swap3A_963 = vector.shape_cast %swap3A_962 : vector<1x1x16xf32> to vector<16xf32>
          %swap3A_964 = vector.shape_cast %mul3A_958 : vector<16xf32> to vector<1x1x16xf32>
          tpu.vector_store %arg8[%swap3A_959, %swap3A_960, %swap3A_961], %swap3A_964 {strides = array<i32>} : memref<3x8x4096xf32, #tpu.memory_space<vmem>>, vector<1x1x16xf32>,
          %add3A_965 = arith.constant 16 : i32
          %add3A_966 = arith.addi %mul3A_949, %add3A_965 : i32
          %get3A_967 = arith.constant 0 : i32
          %get3A_968 = arith.index_cast %get3A_967 : i32 to index
          %get3A_969 = arith.index_cast %scan3A_934 : i32 to index
          %get3A_970 = arith.index_cast %add3A_966 : i32 to index
          %get3A_971 = tpu.vector_load %arg8[%get3A_968, %get3A_969, %get3A_970] {strides = array<i32>} : memref<3x8x4096xf32, #tpu.memory_space<vmem>>, vector<1x1x16xf32>,
          %get3A_972 = vector.shape_cast %get3A_971 : vector<1x1x16xf32> to vector<16xf32>
          %mul3A_973 = arith.mulf %get3A_972, %get3A_941 : vector<16xf32>
          %swap3A_974 = arith.constant 0 : i32
          %swap3A_975 = arith.index_cast %swap3A_974 : i32 to index
          %swap3A_976 = arith.index_cast %scan3A_934 : i32 to index
          %swap3A_977 = arith.index_cast %add3A_966 : i32 to index
          %swap3A_978 = tpu.vector_load %arg8[%swap3A_975, %swap3A_976, %swap3A_977] {strides = array<i32>} : memref<3x8x4096xf32, #tpu.memory_space<vmem>>, vector<1x1x16xf32>,
          %swap3A_979 = vector.shape_cast %swap3A_978 : vector<1x1x16xf32> to vector<16xf32>
          %swap3A_980 = vector.shape_cast %mul3A_973 : vector<16xf32> to vector<1x1x16xf32>
          tpu.vector_store %arg8[%swap3A_975, %swap3A_976, %swap3A_977], %swap3A_980 {strides = array<i32>} : memref<3x8x4096xf32, #tpu.memory_space<vmem>>, vector<1x1x16xf32>,
          %add3A_981 = arith.constant 32 : i32
          %add3A_982 = arith.addi %mul3A_949, %add3A_981 : i32
          %get3A_983 = arith.constant 0 : i32
          %get3A_984 = arith.index_cast %get3A_983 : i32 to index
          %get3A_985 = arith.index_cast %scan3A_934 : i32 to index
          %get3A_986 = arith.index_cast %add3A_982 : i32 to index
          %get3A_987 = tpu.vector_load %arg8[%get3A_984, %get3A_985, %get3A_986] {strides = array<i32>} : memref<3x8x4096xf32, #tpu.memory_space<vmem>>, vector<1x1x16xf32>,
          %get3A_988 = vector.shape_cast %get3A_987 : vector<1x1x16xf32> to vector<16xf32>
          %mul3A_989 = arith.mulf %get3A_988, %get3A_941 : vector<16xf32>
          %swap3A_990 = arith.constant 0 : i32
          %swap3A_991 = arith.index_cast %swap3A_990 : i32 to index
          %swap3A_992 = arith.index_cast %scan3A_934 : i32 to index
          %swap3A_993 = arith.index_cast %add3A_982 : i32 to index
          %swap3A_994 = tpu.vector_load %arg8[%swap3A_991, %swap3A_992, %swap3A_993] {strides = array<i32>} : memref<3x8x4096xf32, #tpu.memory_space<vmem>>, vector<1x1x16xf32>,
          %swap3A_995 = vector.shape_cast %swap3A_994 : vector<1x1x16xf32> to vector<16xf32>
          %swap3A_996 = vector.shape_cast %mul3A_989 : vector<16xf32> to vector<1x1x16xf32>
          tpu.vector_store %arg8[%swap3A_991, %swap3A_992, %swap3A_993], %swap3A_996 {strides = array<i32>} : memref<3x8x4096xf32, #tpu.memory_space<vmem>>, vector<1x1x16xf32>,
          %add3A_997 = arith.constant 48 : i32
          %add3A_998 = arith.addi %mul3A_949, %add3A_997 : i32
          %get3A_999 = arith.constant 0 : i32
          %get3A_1000 = arith.index_cast %get3A_999 : i32 to index
          %get3A_1001 = arith.index_cast %scan3A_934 : i32 to index
          %get3A_1002 = arith.index_cast %add3A_998 : i32 to index
          %get3A_1003 = tpu.vector_load %arg8[%get3A_1000, %get3A_1001, %get3A_1002] {strides = array<i32>} : memref<3x8x4096xf32, #tpu.memory_space<vmem>>, vector<1x1x16xf32>,
          %get3A_1004 = vector.shape_cast %get3A_1003 : vector<1x1x16xf32> to vector<16xf32>
          %mul3A_1005 = arith.mulf %get3A_1004, %get3A_941 : vector<16xf32>
          %swap3A_1006 = arith.constant 0 : i32
          %swap3A_1007 = arith.index_cast %swap3A_1006 : i32 to index
          %swap3A_1008 = arith.index_cast %scan3A_934 : i32 to index
          %swap3A_1009 = arith.index_cast %add3A_998 : i32 to index
          %swap3A_1010 = tpu.vector_load %arg8[%swap3A_1007, %swap3A_1008, %swap3A_1009] {strides = array<i32>} : memref<3x8x4096xf32, #tpu.memory_space<vmem>>, vector<1x1x16xf32>,
          %swap3A_1011 = vector.shape_cast %swap3A_1010 : vector<1x1x16xf32> to vector<16xf32>
          %swap3A_1012 = vector.shape_cast %mul3A_1005 : vector<16xf32> to vector<1x1x16xf32>
          tpu.vector_store %arg8[%swap3A_1007, %swap3A_1008, %swap3A_1009], %swap3A_1012 {strides = array<i32>} : memref<3x8x4096xf32, #tpu.memory_space<vmem>>, vector<1x1x16xf32>,
        }
        %scan3A_946 = arith.constant 64 : i32
      }
      %scan3A_933 = arith.constant 8 : i32
    } else {
    }
    %add3A_875 = arith.constant 120 : i32
    %add3A_876 = arith.addi %mul3A_2, %add3A_875 : i32
    %dma_start3A_877 = arith.constant 0 : i32
    %dma_start3A_878 = arith.constant 0 : i32
    %dma_start3A_879 = arith.constant 0 : i32
    %dma_start3A_880 = tpu.memref_slice %arg8[%dma_start3A_877, %dma_start3A_878, %dma_start3A_879] : memref<3x8x4096xf32, #tpu.memory_space<vmem>> -> memref<1x8x4096xf32, #tpu.memory_space<vmem>>
    %dma_start3A_881 = tpu.memref_squeeze %dma_start3A_880 : memref<1x8x4096xf32, #tpu.memory_space<vmem>> -> memref<8x4096xf32, #tpu.memory_space<vmem>>
    %dma_start3A_882 = arith.constant 0 : i32
    %dma_start3A_883 = tpu.memref_slice %arg5[%add3A_876, %dma_start3A_882] : memref<4096x4096xf32, #tpu.memory_space<hbm>> -> memref<8x4096xf32, #tpu.memory_space<hbm>>
    %dma_start3A_884 = arith.constant 0 : i32
    %dma_start3A_885 = tpu.memref_slice %arg5[%add3A_876, %dma_start3A_884] : memref<4096x4096xf32, #tpu.memory_space<hbm>> -> memref<8x4096xf32, #tpu.memory_space<hbm>>
    %dma_start3A_886 = arith.constant 0 : i32
    %dma_start3A_887 = arith.constant 0 : i32
    %dma_start3A_888 = tpu.memref_slice %arg8[%dma_start3A_877, %dma_start3A_886, %dma_start3A_887] : memref<3x8x4096xf32, #tpu.memory_space<vmem>> -> memref<1x8x4096xf32, #tpu.memory_space<vmem>>
    %dma_start3A_889 = tpu.memref_squeeze %dma_start3A_888 : memref<1x8x4096xf32, #tpu.memory_space<vmem>> -> memref<8x4096xf32, #tpu.memory_space<vmem>>
    tpu.enqueue_dma source(%dma_start3A_889 : memref<8x4096xf32, #tpu.memory_space<vmem>>) target(%dma_start3A_885 : memref<8x4096xf32, #tpu.memory_space<hbm>>) target_semaphore(%arg12 : memref<!tpu.dma_semaphore, #tpu.memory_space<semaphore_mem>>)
    %dma_wait3A_890 = arith.constant 1 : i32
    %dma_wait3A_891 = arith.constant 0 : i32
    %dma_wait3A_892 = arith.constant 0 : i32
    %dma_wait3A_893 = tpu.memref_slice %arg8[%dma_wait3A_890, %dma_wait3A_891, %dma_wait3A_892] : memref<3x8x4096xf32, #tpu.memory_space<vmem>> -> memref<1x8x4096xf32, #tpu.memory_space<vmem>>
    %dma_wait3A_894 = tpu.memref_squeeze %dma_wait3A_893 : memref<1x8x4096xf32, #tpu.memory_space<vmem>> -> memref<8x4096xf32, #tpu.memory_space<vmem>>
    %dma_wait3A_895 = arith.constant 0 : i32
    %dma_wait3A_896 = tpu.memref_slice %arg5[%add3A_783, %dma_wait3A_895] : memref<4096x4096xf32, #tpu.memory_space<hbm>> -> memref<8x4096xf32, #tpu.memory_space<hbm>>
    %dma_wait3A_897 = arith.constant 0 : i32
    %dma_wait3A_898 = tpu.memref_slice %arg5[%add3A_783, %dma_wait3A_897] : memref<4096x4096xf32, #tpu.memory_space<hbm>> -> memref<8x4096xf32, #tpu.memory_space<hbm>>
    %dma_wait3A_899 = arith.constant 0 : i32
    %dma_wait3A_900 = arith.constant 0 : i32
    %dma_wait3A_901 = tpu.memref_slice %arg8[%dma_wait3A_890, %dma_wait3A_899, %dma_wait3A_900] : memref<3x8x4096xf32, #tpu.memory_space<vmem>> -> memref<1x8x4096xf32, #tpu.memory_space<vmem>>
    %dma_wait3A_902 = tpu.memref_squeeze %dma_wait3A_901 : memref<1x8x4096xf32, #tpu.memory_space<vmem>> -> memref<8x4096xf32, #tpu.memory_space<vmem>>
    tpu.wait_dma2 semaphore(%arg13 : memref<!tpu.dma_semaphore, #tpu.memory_space<semaphore_mem>>) src(%dma_wait3A_902 : memref<8x4096xf32, #tpu.memory_space<vmem>>) dst(%dma_wait3A_898 : memref<8x4096xf32, #tpu.memory_space<hbm>>)
    %dma_wait3A_903 = arith.constant 2 : i32
    %dma_wait3A_904 = arith.constant 0 : i32
    %dma_wait3A_905 = arith.constant 0 : i32
    %dma_wait3A_906 = tpu.memref_slice %arg8[%dma_wait3A_903, %dma_wait3A_904, %dma_wait3A_905] : memref<3x8x4096xf32, #tpu.memory_space<vmem>> -> memref<1x8x4096xf32, #tpu.memory_space<vmem>>
    %dma_wait3A_907 = tpu.memref_squeeze %dma_wait3A_906 : memref<1x8x4096xf32, #tpu.memory_space<vmem>> -> memref<8x4096xf32, #tpu.memory_space<vmem>>
    %dma_wait3A_908 = arith.constant 0 : i32
    %dma_wait3A_909 = tpu.memref_slice %arg5[%add3A_841, %dma_wait3A_908] : memref<4096x4096xf32, #tpu.memory_space<hbm>> -> memref<8x4096xf32, #tpu.memory_space<hbm>>
    %dma_wait3A_910 = arith.constant 0 : i32
    %dma_wait3A_911 = tpu.memref_slice %arg5[%add3A_841, %dma_wait3A_910] : memref<4096x4096xf32, #tpu.memory_space<hbm>> -> memref<8x4096xf32, #tpu.memory_space<hbm>>
    %dma_wait3A_912 = arith.constant 0 : i32
    %dma_wait3A_913 = arith.constant 0 : i32
    %dma_wait3A_914 = tpu.memref_slice %arg8[%dma_wait3A_903, %dma_wait3A_912, %dma_wait3A_913] : memref<3x8x4096xf32, #tpu.memory_space<vmem>> -> memref<1x8x4096xf32, #tpu.memory_space<vmem>>
    %dma_wait3A_915 = tpu.memref_squeeze %dma_wait3A_914 : memref<1x8x4096xf32, #tpu.memory_space<vmem>> -> memref<8x4096xf32, #tpu.memory_space<vmem>>
    tpu.wait_dma2 semaphore(%arg14 : memref<!tpu.dma_semaphore, #tpu.memory_space<semaphore_mem>>) src(%dma_wait3A_915 : memref<8x4096xf32, #tpu.memory_space<vmem>>) dst(%dma_wait3A_911 : memref<8x4096xf32, #tpu.memory_space<hbm>>)
    %dma_wait3A_916 = arith.constant 0 : i32
    %dma_wait3A_917 = arith.constant 0 : i32
    %dma_wait3A_918 = arith.constant 0 : i32
    %dma_wait3A_919 = tpu.memref_slice %arg8[%dma_wait3A_916, %dma_wait3A_917, %dma_wait3A_918] : memref<3x8x4096xf32, #tpu.memory_space<vmem>> -> memref<1x8x4096xf32, #tpu.memory_space<vmem>>
    %dma_wait3A_920 = tpu.memref_squeeze %dma_wait3A_919 : memref<1x8x4096xf32, #tpu.memory_space<vmem>> -> memref<8x4096xf32, #tpu.memory_space<vmem>>
    %dma_wait3A_921 = arith.constant 0 : i32
    %dma_wait3A_922 = tpu.memref_slice %arg5[%add3A_876, %dma_wait3A_921] : memref<4096x4096xf32, #tpu.memory_space<hbm>> -> memref<8x4096xf32, #tpu.memory_space<hbm>>
    %dma_wait3A_923 = arith.constant 0 : i32
    %dma_wait3A_924 = tpu.memref_slice %arg5[%add3A_876, %dma_wait3A_923] : memref<4096x4096xf32, #tpu.memory_space<hbm>> -> memref<8x4096xf32, #tpu.memory_space<hbm>>
    %dma_wait3A_925 = arith.constant 0 : i32
    %dma_wait3A_926 = arith.constant 0 : i32
    %dma_wait3A_927 = tpu.memref_slice %arg8[%dma_wait3A_916, %dma_wait3A_925, %dma_wait3A_926] : memref<3x8x4096xf32, #tpu.memory_space<vmem>> -> memref<1x8x4096xf32, #tpu.memory_space<vmem>>
    %dma_wait3A_928 = tpu.memref_squeeze %dma_wait3A_927 : memref<1x8x4096xf32, #tpu.memory_space<vmem>> -> memref<8x4096xf32, #tpu.memory_space<vmem>>
    tpu.wait_dma2 semaphore(%arg12 : memref<!tpu.dma_semaphore, #tpu.memory_space<semaphore_mem>>) src(%dma_wait3A_928 : memref<8x4096xf32, #tpu.memory_space<vmem>>) dst(%dma_wait3A_924 : memref<8x4096xf32, #tpu.memory_space<hbm>>)
    return
  }
}

</mosaic_0001>

<sc_bundles>
// kernel: kernel.5.cloned.1.call-start
scs
__scs_entry_jumppad:
0x0: {  	(pc) =	sbr.rel $0x88, $3  }
0x1: {  	(tag) =	ssettag $0x0;
	lr =	simm.s32 $0x1  }
0x2: {  	[smem:$0x3FA0] =	sst lr;
	_ =	strace $0xD0000000  }
0x3: {  	_ = 	snop  }
0x4: {  	_ = 	snop  }
0x5: {  	_ = 	snop  }
0x6: {  	_ = 	snop  }
0x7: {  	_ = 	snop  }
__scs_overlays_trampoline_lowered:
0x8: {  	[smem:$0x3FAF] =	sst s0  }
0x9: {  	[smem:$0x3FB0] =	sst s1  }
0xa: {  	[smem:$0x3FB1] =	sst s2  }
0xb: {  	[smem:$0x3FB2] =	sst s3  }
0xc: {  	[smem:$0x3FB3] =	sst s4  }
0xd: {  	[smem:$0x3FB4] =	sst s5  }
0xe: {  	[smem:$0x3FB5] =	sst s6  }
0xf: {  	[smem:$0x3FB6] =	sst s7  }
0x10: {  	[smem:$0x3FB7] =	sst s8  }
0x11: {  	[smem:$0x3FB8] =	sst s9;
	s0 =	simm.s32 @!p0 $0x0  }
0x12: {  	s1 =	sld [smem:$0x3F9E];
	s0 =	simm.s32 @p0 $0x1  }
0x13: {  	[smem:$0x3FB9] =	sst s0;
	s0 =	simm.s32 @!p1 $0x0  }
0x14: {  	s2 =	sld [smem:$0x3F9D];
	s0 =	simm.s32 @p1 $0x1  }
0x15: {  	[smem:$0x3FBA] =	sst s0;
	s0 =	simm.s32 @!p2 $0x0  }
0x16: {  	s3 =	sld [smem:$0x3FDB];
	s0 =	simm.s32 @p2 $0x1  }
0x17: {  	s4 =	simm.s32 $0x1BF5;
	[smem:$0x3FBC] =	sst s0  }
0x18: {  	s0 =	sld [smem:$0x3F9F];
	_ =	swait.ge [sflag:s4], $0x0  }
0x19: {  	s7 =	sld [smem:$0x3FA0]  }
0x1a: {  	s8 =	sadd.s32 $0xFFFFE003, lr  }
0x1b: {  	s9 =	sadd.s32 $0xFFFFFEF7, lr;
	s5 =	simm.s32 $0xFFFFFFFF;
	p2 =	slt.u32 s8, $0xFFFFF086  }
0x1c: {  	p1 =	slt.u32 s9, $0xF7A;
	s5 =	simm.s32 @!p2 $0x0  }
0x1d: {  	s5 =	simm.s32 @p1 $0x1;
	p0 =	seq.s32 s7, s2  }
0x1e: {  	s7 =	smul.u32 @!p0 $0xF7A, s2;
	p2 =	seq.s32 @!p0 s5, $0x0  }
0x1f: {  	s9 =	smul.u32 $0xF7A, s1;
	s8 =	simm.s32 @!p0 $0x1BF5;
	p2 =	por !p2, p0  }
0x20: {  	[sflag:s8] =	ssyncset.s32 @!p0 $0xFFFFF086;
	s6 =	sadd.s32 @!p0 s3, s7;
	s7 =	simm.s32 @!p0 $0x108  }
0x21: {  	s3 =	sadd.s32 s3, s9;
	s6 =	sadd.s32 @!p0 $0x88, s6;
	s7 =	simm.s32 @p2 $0x1082  }
0x22: {  	[simem:s7], [sflag:s8] =	dma.local @!p0 [hbm:s6], $0xF7A  }
0x23: {  	s9 =	sor.u32 $0xD0000000, s2;
	s6 =	simm.s32 $0x108;
	_ =	swait.ge @!p0 [sflag:s8], $0x0  }
0x24: {  	s3 =	sadd.s32 $0x88, s3;
	s6 =	simm.s32 @!p1 $0x1082;
	[sflag:s4] =	ssyncset.s32 $0xFFFFF086  }
0x25: {  	[simem:s6], [sflag:s4] =	dma.local [hbm:s3], $0xF7A  }
0x26: {  	[smem:$0x3FA0] =	sst s1;
	(tag) =	ssettag s2;
	_ =	strace s9  }
0x27: {  	s1 =	sld [smem:$0x3FB0]  }
0x28: {  	s2 =	sld [smem:$0x3FB1]  }
0x29: {  	s4 =	sld [smem:$0x3FB3]  }
0x2a: {  	p0 =	seq.s32 s5, $0x0;
	s5 =	sld [smem:$0x3FB4]  }
0x2b: {  	s6 =	sld [smem:$0x3FB5]  }
0x2c: {  	s7 =	sld [smem:$0x3FB6]  }
0x2d: {  	s3 =	simm.s32 $0x108;
	s8 =	sld [smem:$0x3FB7]  }
0x2e: {  	s3 =	simm.s32 @!p0 $0x1082;
	s9 =	sld [smem:$0x3FB8]  }
0x2f: {  	lr =	sadd.s32 s0, s3;
	s0 =	sld [smem:$0x3FAF]  }
0x30: {  	s3 =	sld [smem:$0x3FB2]  }
0x31: {  	[smem:$0x3FBB] =	sst s10  }
0x32: {  	s10 =	sld [smem:$0x3FB9];
	_ =	sdelay $0x3  }
0x33: {  	p0 =	seq.s32 s10, $0x1;
	s10 =	sld [smem:$0x3FBB];
	_ =	sdelay $0x3  }
0x34: {  	[smem:$0x3FBB] =	sst s10  }
0x35: {  	s10 =	sld [smem:$0x3FBA];
	_ =	sdelay $0x3  }
0x36: {  	p1 =	seq.s32 s10, $0x1;
	s10 =	sld [smem:$0x3FBB];
	_ =	sdelay $0x3  }
0x37: {  	[smem:$0x3FBB] =	sst s10  }
0x38: {  	s10 =	sld [smem:$0x3FBC]  }
0x39: {  	_ = 	snop;
	(pc) =	sbr.ind lr, $3  }
0x3a: {  	_ = 	snop  }
0x3b: {  	_ = 	snop  }
0x3c: {  	p2 =	seq.s32 s10, $0x1;
	s10 =	sld [smem:$0x3FBB]  }
0x3d: {  	_ =	shalt  }
0x3e: {  	_ =	shalt  }
0x3f: {  	_ =	shalt  }
0x40: {  	_ =	shalt  }
0x41: {  	_ =	shalt  }
0x42: {  	_ =	shalt  }
0x43: {  	_ =	shalt  }
0x44: {  	_ =	shalt  }
0x45: {  	_ =	shalt  }
0x46: {  	_ =	shalt  }
0x47: {  	_ =	shalt  }
0x48: {  	_ =	shalt  }
0x49: {  	_ =	shalt  }
0x4a: {  	_ =	shalt  }
0x4b: {  	_ =	shalt  }
0x4c: {  	_ =	shalt  }
0x4d: {  	_ =	shalt  }
0x4e: {  	_ =	shalt  }
0x4f: {  	_ =	shalt  }
0x50: {  	_ =	shalt  }
0x51: {  	_ =	shalt  }
0x52: {  	_ =	shalt  }
0x53: {  	_ =	shalt  }
0x54: {  	_ =	shalt  }
0x55: {  	_ =	shalt  }
0x56: {  	_ =	shalt  }
0x57: {  	_ =	shalt  }
0x58: {  	_ =	shalt  }
0x59: {  	_ =	shalt  }
0x5a: {  	_ =	shalt  }
0x5b: {  	_ =	shalt  }
0x5c: {  	_ =	shalt  }
0x5d: {  	_ =	shalt  }
0x5e: {  	_ =	shalt  }
0x5f: {  	_ =	shalt  }
0x60: {  	_ =	shalt  }
0x61: {  	_ =	shalt  }
0x62: {  	_ =	shalt  }
0x63: {  	_ =	shalt  }
0x64: {  	_ =	shalt  }
0x65: {  	_ =	shalt  }
0x66: {  	_ =	shalt  }
0x67: {  	_ =	shalt  }
0x68: {  	_ =	shalt  }
0x69: {  	_ =	shalt  }
0x6a: {  	_ =	shalt  }
0x6b: {  	_ =	shalt  }
0x6c: {  	_ =	shalt  }
0x6d: {  	_ =	shalt  }
0x6e: {  	_ =	shalt  }
0x6f: {  	_ =	shalt  }
0x70: {  	_ =	shalt  }
0x71: {  	_ =	shalt  }
0x72: {  	_ =	shalt  }
0x73: {  	_ =	shalt  }
0x74: {  	_ =	shalt  }
0x75: {  	_ =	shalt  }
0x76: {  	_ =	shalt  }
0x77: {  	_ =	shalt  }
0x78: {  	_ =	shalt  }
0x79: {  	_ =	shalt  }
0x7a: {  	_ =	shalt  }
0x7b: {  	_ =	shalt  }
0x7c: {  	_ =	shalt  }
0x7d: {  	_ =	shalt  }
0x7e: {  	_ =	shalt  }
0x7f: {  	_ =	shalt  }
0x80: {  	_ =	shalt  }
0x81: {  	_ =	shalt  }
0x82: {  	_ =	shalt  }
0x83: {  	_ =	shalt  }
0x84: {  	_ =	shalt  }
0x85: {  	_ =	shalt  }
0x86: {  	_ =	shalt  }
0x87: {  	_ =	shalt  }
.Lfunc_end0:
.L_simem_size_0:
called_computation_lowered:
.L_overlay_start_0:
0x88: {  	s2 =	sld [smem:$0x3FD9]  }
0x89: {  	s3 =	sld [smem:$0x3FFE];
	_ =	sdelay $0x1  }
0x8a: {  	s1 =	srdreg.scid  }
0x8b: {  	s0 =	sand.u32 $0x1, s1  }
0x8c: {  	s17 =	sshll.u32 s0, $0xA;
	s2 =	sadd.s32 s3, s2  }
0x8d: {  	s2 =	sadd.s32 s2, s17  }
0x8e: {  	[smem:$0x3FC7] =	sst s2  }
0x8f: {  	_ = 	snop  }
0x90: {  	s2 =	sld [smem:$0x3FC9]  }
0x91: {  	s18 =	sld [smem:$0x3FD0];
	(tm) =	ssettm $0x1  }
0x92: {  	s4 =	sld [smem:$0x3FFB];
	_ =	sdelay $0x3  }
0x93: {  	_ =	strace s4  }
0x94: {  	s4 =	sld [smem:$0x3FFC];
	_ =	sdelay $0x3  }
0x95: {  	_ =	strace s4  }
0x96: {  	s4 =	sld [smem:$0x3FFD];
	_ =	sdelay $0x3  }
0x97: {  	_ =	strace s4  }
0x98: {  	_ =	strace $0x8FFFFFFF  }
0x99: {  	s19 =	sld [smem:$0x3FDB];
	_ =	sdelay $0x1  }
0x9a: {  	s5 =	simm.s32 $_scs_section_size  }
0x9b: {  	s6 =	simm.s32 $_size__tile_overlayer_lowered;
	s7 =	simm.s32 $_tile_overlayer_lowered  }
0x9c: {  	s22 =	simm.s32 $0x1BFF;
	s21 =	sshll.u32 s7, $0x1;
	s4 =	sadd.s32 s5, s19  }
0x9d: {  	s8 =	simm.s32 $0x0;
	s20 =	sshll.u32 s6, $0x1;
	s6 =	sadd.s32 s21, s4  }
0x9e: {  	[timem:s8], [sflag:s22] =	dma.local [hbm:s6], s20  }
0x9f: {  	_ =	swait.ge [sflag:s22], s20  }
0xa0: {  	s5 =	ssub.s32 $0x0, s20;
	[sflag:s22] =	ssyncset.done $0x0  }
0xa1: {  	[sflag:s22] =	ssyncadd.s32 s5;
	_ =	sdelay $0x1  }
0xa2: {  	s23 =	simm.s32 $0x1B8B  }
0xa3: {  	_ =	swait.ge [sflag:s23], $0x1  }
0xa4: {  	[sflag:s23] =	ssyncset.done $0x0  }
0xa5: {  	s25 =	simm.s32 $0x1B8E;
	s24 =	sld [smem:$0x3FFE];
	[sflag:s23] =	ssyncadd.s32 $0xFFFFFFFF  }
0xa6: {  	s26 =	simm.s32 $execute0_lowered;
	[smem:$0x3FD2] =	sst s25  }
0xa7: {  	s6 =	sshll.u32 s26, $0x1;
	_ =	strace $0x80000046;
	[dreg:$0x1] =	wrdreg $0xFFFFFFFF  }
0xa8: {  	s28 =	simm.s32 $_size_execute0_lowered;
	s4 =	sadd.s32 s4, s6;
	[dreg:$0x0] =	wrdreg $0x0  }
0xa9: {  	s6 =	sshll.u32 s28, $0x1;
	[dreg:$0x2] =	wrdreg s4  }
0xaa: {  	[dreg:$0x3] =	wrdreg s6  }
0xab: {  	[dreg:$0x4] =	wrdreg $0xC0  }
0xac: {  	_ =	task [dreg:s8], $0x5FFFF  }
0xad: {  	[dreg:$0x1] =	wrdreg $0xFFFFFFFF  }
0xae: {  	[dreg:$0x0] =	wrdreg $0x60  }
0xaf: {  	[dreg:$0x2] =	wrdreg s2  }
0xb0: {  	[dreg:$0x3] =	wrdreg s24  }
0xb1: {  	[dreg:$0x4] =	wrdreg s18  }
0xb2: {  	[dreg:$0x5] =	wrdreg $0x9  }
0xb3: {  	_ =	task.clear_ibuf [dreg:s8], $0x6FFFF;
	_ =	strace $0x90000046  }
0xb4: {  	s29 =	simm.s32 $0x9;
	_ =	strace $0x80000048  }
0xb5: {  	_ =	swait.ge [sflag:s29], $0x1  }
0xb6: {  	[sflag:s29] =	ssyncadd.s32 $0xFFFFFFFF  }
0xb7: {  	_ =	strace $0x90000048  }
0xb8: {  	_ =	sfence  }
0xb9: {  	s30 =	sld [smem:$0x0];
	_ =	sdelay $0x2  }
0xba: {  	s31 =	sshll.u32 s1, $0xD;
	s1 =	sshrl.u32 s1, $0x2  }
0xbb: {  	s3 =	sand.u32 $0x4000, s31;
	s1 =	sadd.s32 s1, s30  }
0xbc: {  	s0 =	sor.u32 s3, s0;
	s1 =	sshll.u32 s1, $0x11  }
0xbd: {  	s0 =	sor.u32 s1, s0  }
0xbe: {  	s0 =	sadd.s32 $0x8F2B, s0  }
0xbf: {  	[sflag:s0] =	ssyncadd.remote.s32 $0x1  }
0xc0: {  	_ =	sfence.sel $0xFFFF  }
0xc1: {  	[dreg:$0x0] =	wrdreg $0xFFFFFFFF;
	(pc) =	sbr.abs _section_cstart, $3  }
0xc2: {  	[dreg:$0x1] =	wrdreg $0xFFFFFFFF  }
0xc3: {  	_ =	task.clear_ibuf [dreg:s8], $0x2FFFF;
	_ =	strace $0x9FFFFFFF  }
0xc4: {  	(tm) =	ssettm $0x7FFFFFFF  }
0xc5: {  	_ =	shalt  }
tec
execute0_lowered:
.L_overlay_start_1:
0x0: {  	(tag) =	ssettag $0x1  }
0x1: {  	s0 =	srdreg.scid  }
0x2: {  	s1 =	stileid.u32;
	s4 =	rddreg [dreg:$0x1]  }
0x3: {  	s19 =	rddreg [dreg:$0x2];
	s0 =	sand.u32 $0x1, s0;
	s2 =	sshll.u32 s1, $0x1  }
0x4: {  	s28 =	simm.s32 $0x900;
	s1 =	rddreg [dreg:$0x0];
	s2 =	sor.u32 s0, s2  }
0x5: {  	s0 =	ssub.s32 $0x2, s0;
	s8 =	sadd.s32 $0x300, s1;
	s9 =	sadd.s32 $0x400, s1  }
0x6: {  	s10 =	sadd.s32 $0x500, s1;
	s11 =	sadd.s32 $0x600, s1;
	s12 =	sadd.s32 $0x700, s1  }
0x7: {  	s13 =	sadd.s32 $0x800, s1;
	s14 =	sadd.s32 $0x900, s1;
	s15 =	sadd.s32 $0xA00, s1  }
0x8: {  	s5 =	sshll.u32 s2, $0x8;
	s3 =	sshll.u32 s2, $0x7;
	s2 =	sshll.u32 s2, $0x10  }
0x9: {  	s7 =	sand.u32 $0x380, s3;
	s3 =	simm.s32 $0x0;
	s2 =	sadd.s32 s19, s2  }
0xa: {  	s25 =	sshrl.u32 s0, $0x1;
	[smem:$0x7FF] =	sst s3;
	s26 =	sadd.s32 $0x1000, s2  }
0xb: {  	s29 =	sadd.s32 $0x2000, s2;
	_ =	strace $0x80000047;
	[dreg:$0x7] =	wrdreg s26  }
0xc: {  	s0 =	ssub.s32 s0, s25;
	s30 =	sadd.s32 $0x3000, s2;
	[dreg:$0x8] =	wrdreg s29  }
0xd: {  	s16 =	sadd.s32 $0xB00, s1;
	s0 =	smax.u32 s0, $0x1;
	[dreg:$0x9] =	wrdreg s30  }
0xe: {  	s17 =	sadd.s32 $0xC00, s1;
	s31 =	sadd.s32 $0x4000, s2;
	[dreg:$0xa] =	wrdreg s0  }
0xf: {  	s18 =	sadd.s32 $0xD00, s1;
	s19 =	sadd.s32 $0x7000, s2;
	[dreg:$0xb] =	wrdreg s31  }
0x10: {  	s20 =	sadd.s32 $0xE00, s1;
	s22 =	sadd.s32 $0x8000, s2;
	[dreg:$0xe] =	wrdreg s19  }
0x11: {  	s21 =	sadd.s32 $0xF00, s1;
	s23 =	sadd.s32 $0x9000, s2;
	[dreg:$0xf] =	wrdreg s22  }
0x12: {  	s6 =	sand.u32 $0x1800, s5;
	s24 =	sadd.s32 $0xA000, s2;
	[dreg:$0x10] =	wrdreg s23  }
0x13: {  	s6 =	sor.u32 s7, s6;
	s25 =	sadd.s32 $0xB000, s2;
	[dreg:$0x11] =	wrdreg s24  }
0x14: {  	s7 =	sadd.s32 $0x200, s1;
	s6 =	sshrl.u32 s6, $0x3;
	[dreg:$0x12] =	wrdreg s25  }
0x15: {  	s26 =	sadd.s32 $0xC000, s2;
	s29 =	sadd.s32 $0xD000, s2;
	[dreg:$0x6] =	wrdreg s2  }
0x16: {  	s30 =	sadd.s32 $0xE000, s2;
	s31 =	sadd.s32 $0xF000, s2;
	[dreg:$0x13] =	wrdreg s26  }
0x17: {  	s0 =	simm.s32 $0x2;
	s22 =	simm.s32 $0x5;
	[dreg:$0x14] =	wrdreg s29  }
0x18: {  	s23 =	simm.s32 $0x6;
	s6 =	sadd.s32 s6, s4;
	[dreg:$0x15] =	wrdreg s30  }
.Ltmp0:
0x19: {  	s4 =	sadd.s32 s4, s5;
	[dreg:$0x16] =	wrdreg s31;
	(pc) =	sbr.rel .LBB2_1-.Ltmp0, $4  }
0x1a: {  	s24 =	simm.s32 $0x0;
	s5 =	sadd.s32 $0x6000, s2;
	[dreg:$0x5] =	wrdreg s4  }
0x1b: {  	v0 =	vlaneseq.u32;
	s6 =	sadd.s32 $0x2000, s6;
	s4 =	sadd.s32 $0x5000, s2;
	[dreg:$0xd] =	wrdreg s5  }
0x1c: {  	v1 =	vshrl.u32 v0, $0x3;
	s2 =	simm.s32 $0x1;
	s5 =	simm.s32 $0x3;
	[dreg:$0x4] =	wrdreg s6  }
0x1d: {  	vm0 =	vmmov $0xffff;
	v0 =	vand.u32 $0x7, v0;
	v1 =	vmul.u32 $0x8, v1;
	s6 =	sadd.s32 $0x100, s1;
	[dreg:$0xc] =	wrdreg s4;
	s4 =	simm.s32 $0x4  }
.LBB2_65:
0x1e: {  	s19 =	rddreg [dreg:$0x16];
	s28 =	simm.s32 $0x900  }
0x1f: {  	[hbm4b:s19+s3] =	stream.linear.scatter [tilespmem:s28], [sflag:$0x4], $0x8000, $0x38;
	[tilespmem:$0x18900] =	vst v63  }
0x20: {  	_ =	swait.ge [sflag:s22], $0x8000  }
0x21: {  	[sflag:s22] =	ssyncset.done $0x0  }
0x22: {  	[sflag:s22] =	ssyncadd.s32 $0xFFFF8000  }
0x23: {  	_ =	swait.ge [sflag:s23], $0x8000  }
0x24: {  	[sflag:s23] =	ssyncset.done $0x0  }
0x25: {  	[sflag:s23] =	ssyncadd.s32 $0xFFFF8000  }
0x26: {  	_ =	swait.ge [sflag:s4], $0x8000  }
0x27: {  	s24 =	sadd.s32 $0x1, s24;
	s31 =	rddreg [dreg:$0xa]  }
0x28: {  	p0 =	sne.s32 s24, s31  }
.Ltmp1:
0x29: {  	_ = 	snop;
	(pc) =	sbr.rel @!p0 .LBB2_66-.Ltmp1, $3  }
0x2a: {  	_ =	sdelay $0x1  }
0x2b: {  	[sflag:s4] =	ssyncset.done $0x0  }
0x2c: {  	[sflag:s4] =	ssyncadd.s32 $0xFFFF8000  }
.LBB2_1:
0x2d: {  	s19 =	rddreg [dreg:$0x4];
	s25 =	simm.s32 $0x80;
	s26 =	simm.s32 $0x400  }
0x2e: {  	[tilespmem:s3], [sflag:$0x8] =	stream.strided.gather [hbm4b:s19+s25], $0x100, s26, s25, $0x38;
	[tilespmem:$0x18900] =	vst v63  }
0x2f: {  	s26 =	simm.s32 $0x8  }
0x30: {  	_ =	swait.ge [sflag:s26], $0x100  }
0x31: {  	[sflag:s26] =	ssyncset.done $0x0  }
0x32: {  	s30 =	simm.s32 $0x100;
	s29 =	rddreg [dreg:$0x5];
	[sflag:s26] =	ssyncadd.s32 $0xFFFFFF00  }
0x33: {  	[tilespmem:s30], [sflag:$0x7] =	stream.linear.gather [hbm4b:s29+s3], $0x800, $0x38;
	[tilespmem:$0x18900] =	vst v63  }
0x34: {  	v2 =	vld.msk [tilespmem:$0x0], $0xff;
	_ =	sdelay $0x4  }
0x35: {  	v3 =	vshll.u32 v2, $0x5  }
0x36: {  	v2 =	vand.u32 $0x7, v2;
	v3 =	vand.u32 $0xFFFFFF00, v3  }
0x37: {  	v2 =	vor.u32 v2, v3  }
0x38: {  	v2 =	vperm.xlane v2, v0;
	_ =	sdelay $0x1  }
0x39: {  	v2 =	vadd.s32 v1, v2;
	_ =	sdelay $0x4  }
0x3a: {  	[tilespmem:s28], [sflag:$0x1] =	stream.indirect_vreg.gather [hbm4b:s1+s3], $0x80, v2, vm0, $0xb8;
	[tilespmem:$0x18900] =	vst v63  }
0x3b: {  	s31 =	simm.s32 $0x1100  }
0x3c: {  	[tilespmem:s31], [sflag:$0x1] =	stream.indirect_vreg.gather [hbm4b:s6+s3], $0x80, v2, vm0, $0xb8;
	[tilespmem:$0x18900] =	vst v63  }
0x3d: {  	s25 =	simm.s32 $0x1900  }
0x3e: {  	[tilespmem:s25], [sflag:$0x1] =	stream.indirect_vreg.gather [hbm4b:s7+s3], $0x80, v2, vm0, $0xb8;
	[tilespmem:$0x18900] =	vst v63  }
0x3f: {  	s26 =	simm.s32 $0x2100  }
0x40: {  	[tilespmem:s26], [sflag:$0x1] =	stream.indirect_vreg.gather [hbm4b:s8+s3], $0x80, v2, vm0, $0xb8;
	[tilespmem:$0x18900] =	vst v63  }
0x41: {  	s28 =	simm.s32 $0x2900  }
0x42: {  	[tilespmem:s28], [sflag:$0x1] =	stream.indirect_vreg.gather [hbm4b:s9+s3], $0x80, v2, vm0, $0xb8;
	[tilespmem:$0x18900] =	vst v63  }
0x43: {  	s29 =	simm.s32 $0x3100  }
0x44: {  	[tilespmem:s29], [sflag:$0x1] =	stream.indirect_vreg.gather [hbm4b:s10+s3], $0x80, v2, vm0, $0xb8;
	[tilespmem:$0x18900] =	vst v63  }
0x45: {  	s30 =	simm.s32 $0x3900  }
0x46: {  	[tilespmem:s30], [sflag:$0x1] =	stream.indirect_vreg.gather [hbm4b:s11+s3], $0x80, v2, vm0, $0xb8;
	[tilespmem:$0x18900] =	vst v63  }
0x47: {  	s31 =	simm.s32 $0x4100  }
0x48: {  	[tilespmem:s31], [sflag:$0x1] =	stream.indirect_vreg.gather [hbm4b:s12+s3], $0x80, v2, vm0, $0xb8;
	[tilespmem:$0x18900] =	vst v63  }
0x49: {  	s25 =	simm.s32 $0x4900  }
0x4a: {  	[tilespmem:s25], [sflag:$0x1] =	stream.indirect_vreg.gather [hbm4b:s13+s3], $0x80, v2, vm0, $0xb8;
	[tilespmem:$0x18900] =	vst v63  }
0x4b: {  	s26 =	simm.s32 $0x5100  }
0x4c: {  	[tilespmem:s26], [sflag:$0x1] =	stream.indirect_vreg.gather [hbm4b:s14+s3], $0x80, v2, vm0, $0xb8;
	[tilespmem:$0x18900] =	vst v63  }
0x4d: {  	s28 =	simm.s32 $0x5900  }
0x4e: {  	[tilespmem:s28], [sflag:$0x1] =	stream.indirect_vreg.gather [hbm4b:s15+s3], $0x80, v2, vm0, $0xb8;
	[tilespmem:$0x18900] =	vst v63  }
0x4f: {  	s29 =	simm.s32 $0x6100  }
0x50: {  	[tilespmem:s29], [sflag:$0x1] =	stream.indirect_vreg.gather [hbm4b:s16+s3], $0x80, v2, vm0, $0xb8;
	[tilespmem:$0x18900] =	vst v63  }
0x51: {  	s30 =	simm.s32 $0x6900  }
0x52: {  	[tilespmem:s30], [sflag:$0x1] =	stream.indirect_vreg.gather [hbm4b:s17+s3], $0x80, v2, vm0, $0xb8;
	[tilespmem:$0x18900] =	vst v63  }
0x53: {  	s31 =	simm.s32 $0x7100  }
0x54: {  	[tilespmem:s31], [sflag:$0x1] =	stream.indirect_vreg.gather [hbm4b:s18+s3], $0x80, v2, vm0, $0xb8;
	[tilespmem:$0x18900] =	vst v63  }
0x55: {  	s25 =	simm.s32 $0x7900  }
0x56: {  	[tilespmem:s25], [sflag:$0x1] =	stream.indirect_vreg.gather [hbm4b:s20+s3], $0x80, v2, vm0, $0xb8;
	[tilespmem:$0x18900] =	vst v63  }
0x57: {  	s26 =	simm.s32 $0x8100  }
0x58: {  	[tilespmem:s26], [sflag:$0x1] =	stream.indirect_vreg.gather [hbm4b:s21+s3], $0x80, v2, vm0, $0xb8;
	[tilespmem:$0x18900] =	vst v63  }
0x59: {  	v2 =	vld.msk [tilespmem:$0x8], $0xff;
	_ =	sdelay $0x4  }
0x5a: {  	v3 =	vshll.u32 v2, $0x5  }
0x5b: {  	v2 =	vand.u32 $0x7, v2;
	v3 =	vand.u32 $0xFFFFFF00, v3  }
0x5c: {  	v2 =	vor.u32 v2, v3  }
0x5d: {  	v2 =	vperm.xlane v2, v0;
	_ =	sdelay $0x1  }
0x5e: {  	v2 =	vadd.s32 v1, v2;
	_ =	sdelay $0x3  }
0x5f: {  	s28 =	simm.s32 $0x8900  }
0x60: {  	[tilespmem:s28], [sflag:$0x2] =	stream.indirect_vreg.gather [hbm4b:s1+s3], $0x80, v2, vm0, $0xb8;
	[tilespmem:$0x18900] =	vst v63  }
0x61: {  	s29 =	simm.s32 $0x9100  }
0x62: {  	[tilespmem:s29], [sflag:$0x2] =	stream.indirect_vreg.gather [hbm4b:s6+s3], $0x80, v2, vm0, $0xb8;
	[tilespmem:$0x18900] =	vst v63  }
0x63: {  	s30 =	simm.s32 $0x9900  }
0x64: {  	[tilespmem:s30], [sflag:$0x2] =	stream.indirect_vreg.gather [hbm4b:s7+s3], $0x80, v2, vm0, $0xb8;
	[tilespmem:$0x18900] =	vst v63  }
0x65: {  	s31 =	simm.s32 $0xA100  }
0x66: {  	[tilespmem:s31], [sflag:$0x2] =	stream.indirect_vreg.gather [hbm4b:s8+s3], $0x80, v2, vm0, $0xb8;
	[tilespmem:$0x18900] =	vst v63  }
0x67: {  	s25 =	simm.s32 $0xA900  }
0x68: {  	[tilespmem:s25], [sflag:$0x2] =	stream.indirect_vreg.gather [hbm4b:s9+s3], $0x80, v2, vm0, $0xb8;
	[tilespmem:$0x18900] =	vst v63  }
0x69: {  	s26 =	simm.s32 $0xB100  }
0x6a: {  	[tilespmem:s26], [sflag:$0x2] =	stream.indirect_vreg.gather [hbm4b:s10+s3], $0x80, v2, vm0, $0xb8;
	[tilespmem:$0x18900] =	vst v63  }
0x6b: {  	s28 =	simm.s32 $0xB900  }
0x6c: {  	[tilespmem:s28], [sflag:$0x2] =	stream.indirect_vreg.gather [hbm4b:s11+s3], $0x80, v2, vm0, $0xb8;
	[tilespmem:$0x18900] =	vst v63  }
0x6d: {  	s29 =	simm.s32 $0xC100  }
0x6e: {  	[tilespmem:s29], [sflag:$0x2] =	stream.indirect_vreg.gather [hbm4b:s12+s3], $0x80, v2, vm0, $0xb8;
	[tilespmem:$0x18900] =	vst v63  }
0x6f: {  	s30 =	simm.s32 $0xC900  }
0x70: {  	[tilespmem:s30], [sflag:$0x2] =	stream.indirect_vreg.gather [hbm4b:s13+s3], $0x80, v2, vm0, $0xb8;
	[tilespmem:$0x18900] =	vst v63  }
0x71: {  	s31 =	simm.s32 $0xD100  }
0x72: {  	[tilespmem:s31], [sflag:$0x2] =	stream.indirect_vreg.gather [hbm4b:s14+s3], $0x80, v2, vm0, $0xb8;
	[tilespmem:$0x18900] =	vst v63  }
0x73: {  	s25 =	simm.s32 $0xD900  }
0x74: {  	[tilespmem:s25], [sflag:$0x2] =	stream.indirect_vreg.gather [hbm4b:s15+s3], $0x80, v2, vm0, $0xb8;
	[tilespmem:$0x18900] =	vst v63  }
0x75: {  	s26 =	simm.s32 $0xE100  }
0x76: {  	[tilespmem:s26], [sflag:$0x2] =	stream.indirect_vreg.gather [hbm4b:s16+s3], $0x80, v2, vm0, $0xb8;
	[tilespmem:$0x18900] =	vst v63  }
0x77: {  	s28 =	simm.s32 $0xE900  }
0x78: {  	[tilespmem:s28], [sflag:$0x2] =	stream.indirect_vreg.gather [hbm4b:s17+s3], $0x80, v2, vm0, $0xb8;
	[tilespmem:$0x18900] =	vst v63  }
0x79: {  	s29 =	simm.s32 $0xF100  }
0x7a: {  	[tilespmem:s29], [sflag:$0x2] =	stream.indirect_vreg.gather [hbm4b:s18+s3], $0x80, v2, vm0, $0xb8;
	[tilespmem:$0x18900] =	vst v63  }
0x7b: {  	s30 =	simm.s32 $0xF900  }
0x7c: {  	[tilespmem:s30], [sflag:$0x2] =	stream.indirect_vreg.gather [hbm4b:s20+s3], $0x80, v2, vm0, $0xb8;
	[tilespmem:$0x18900] =	vst v63  }
0x7d: {  	s31 =	simm.s32 $0x10100  }
0x7e: {  	[tilespmem:s31], [sflag:$0x2] =	stream.indirect_vreg.gather [hbm4b:s21+s3], $0x80, v2, vm0, $0xb8;
	[tilespmem:$0x18900] =	vst v63  }
0x7f: {  	v2 =	vld.msk [tilespmem:$0x10], $0xff;
	_ =	sdelay $0x4  }
0x80: {  	v3 =	vshll.u32 v2, $0x5  }
0x81: {  	v2 =	vand.u32 $0x7, v2;
	v3 =	vand.u32 $0xFFFFFF00, v3  }
0x82: {  	v2 =	vor.u32 v2, v3  }
0x83: {  	v2 =	vperm.xlane v2, v0;
	_ =	sdelay $0x1  }
0x84: {  	v2 =	vadd.s32 v1, v2;
	_ =	sdelay $0x3  }
0x85: {  	s25 =	simm.s32 $0x10900  }
0x86: {  	[tilespmem:s25], [sflag:$0x3] =	stream.indirect_vreg.gather [hbm4b:s1+s3], $0x80, v2, vm0, $0xb8;
	[tilespmem:$0x18900] =	vst v63  }
0x87: {  	s26 =	simm.s32 $0x11100  }
0x88: {  	[tilespmem:s26], [sflag:$0x3] =	stream.indirect_vreg.gather [hbm4b:s6+s3], $0x80, v2, vm0, $0xb8;
	[tilespmem:$0x18900] =	vst v63  }
0x89: {  	s28 =	simm.s32 $0x11900  }
0x8a: {  	[tilespmem:s28], [sflag:$0x3] =	stream.indirect_vreg.gather [hbm4b:s7+s3], $0x80, v2, vm0, $0xb8;
	[tilespmem:$0x18900] =	vst v63  }
0x8b: {  	s29 =	simm.s32 $0x12100  }
0x8c: {  	[tilespmem:s29], [sflag:$0x3] =	stream.indirect_vreg.gather [hbm4b:s8+s3], $0x80, v2, vm0, $0xb8;
	[tilespmem:$0x18900] =	vst v63  }
0x8d: {  	s30 =	simm.s32 $0x12900  }
0x8e: {  	[tilespmem:s30], [sflag:$0x3] =	stream.indirect_vreg.gather [hbm4b:s9+s3], $0x80, v2, vm0, $0xb8;
	[tilespmem:$0x18900] =	vst v63  }
0x8f: {  	s31 =	simm.s32 $0x13100  }
0x90: {  	[tilespmem:s31], [sflag:$0x3] =	stream.indirect_vreg.gather [hbm4b:s10+s3], $0x80, v2, vm0, $0xb8;
	[tilespmem:$0x18900] =	vst v63  }
0x91: {  	s25 =	simm.s32 $0x13900  }
0x92: {  	[tilespmem:s25], [sflag:$0x3] =	stream.indirect_vreg.gather [hbm4b:s11+s3], $0x80, v2, vm0, $0xb8;
	[tilespmem:$0x18900] =	vst v63  }
0x93: {  	s26 =	simm.s32 $0x14100  }
0x94: {  	[tilespmem:s26], [sflag:$0x3] =	stream.indirect_vreg.gather [hbm4b:s12+s3], $0x80, v2, vm0, $0xb8;
	[tilespmem:$0x18900] =	vst v63  }
0x95: {  	s28 =	simm.s32 $0x14900  }
0x96: {  	[tilespmem:s28], [sflag:$0x3] =	stream.indirect_vreg.gather [hbm4b:s13+s3], $0x80, v2, vm0, $0xb8;
	[tilespmem:$0x18900] =	vst v63  }
0x97: {  	s29 =	simm.s32 $0x15100  }
0x98: {  	[tilespmem:s29], [sflag:$0x3] =	stream.indirect_vreg.gather [hbm4b:s14+s3], $0x80, v2, vm0, $0xb8;
	[tilespmem:$0x18900] =	vst v63  }
0x99: {  	s30 =	simm.s32 $0x15900  }
0x9a: {  	[tilespmem:s30], [sflag:$0x3] =	stream.indirect_vreg.gather [hbm4b:s15+s3], $0x80, v2, vm0, $0xb8;
	[tilespmem:$0x18900] =	vst v63  }
0x9b: {  	s31 =	simm.s32 $0x16100  }
0x9c: {  	[tilespmem:s31], [sflag:$0x3] =	stream.indirect_vreg.gather [hbm4b:s16+s3], $0x80, v2, vm0, $0xb8;
	[tilespmem:$0x18900] =	vst v63  }
0x9d: {  	s25 =	simm.s32 $0x16900  }
0x9e: {  	[tilespmem:s25], [sflag:$0x3] =	stream.indirect_vreg.gather [hbm4b:s17+s3], $0x80, v2, vm0, $0xb8;
	[tilespmem:$0x18900] =	vst v63  }
0x9f: {  	s26 =	simm.s32 $0x17100  }
0xa0: {  	[tilespmem:s26], [sflag:$0x3] =	stream.indirect_vreg.gather [hbm4b:s18+s3], $0x80, v2, vm0, $0xb8;
	[tilespmem:$0x18900] =	vst v63  }
0xa1: {  	s28 =	simm.s32 $0x17900  }
0xa2: {  	[tilespmem:s28], [sflag:$0x3] =	stream.indirect_vreg.gather [hbm4b:s20+s3], $0x80, v2, vm0, $0xb8;
	[tilespmem:$0x18900] =	vst v63  }
0xa3: {  	s29 =	simm.s32 $0x18100;
	s30 =	simm.s32 $0x7  }
0xa4: {  	[tilespmem:s29], [sflag:$0x3] =	stream.indirect_vreg.gather [hbm4b:s21+s3], $0x80, v2, vm0, $0xb8;
	[tilespmem:$0x18900] =	vst v63  }
0xa5: {  	_ =	swait.ge [sflag:s30], $0x800  }
0xa6: {  	[sflag:s30] =	ssyncset.done $0x0  }
0xa7: {  	[sflag:s30] =	ssyncadd.s32 $0xFFFFF800  }
0xa8: {  	_ =	swait.ge [sflag:s2], $0x8000  }
0xa9: {  	[sflag:s2] =	ssyncset.done $0x0  }
0xaa: {  	[sflag:s2] =	ssyncadd.s32 $0xFFFF8000  }
0xab: {  	v2 =	vld [tilespmem:$0x80];
	_ =	sdelay $0x4  }
0xac: {  	(v2sf) =	vpush v2, $0x0;
	_ =	sdelay $0xe  }
0xad: {  	s31 =	spop (v2sf)  }
0xae: {  	p0 =	seq.s32 s31, $0x0  }
.Ltmp2:
0xaf: {  	_ = 	snop;
	(pc) =	sbr.rel @p0 .LBB2_5-.Ltmp2, $2  }
0xb0: {  	_ =	sdelay $0x2  }
0xb1: {  	s19 =	simm.s32 $0x0  }
.LBB2_2:
0xb2: {  	s25 =	sshll.u32 s19, $0x7  }
0xb3: {  	v2 =	vmov s25;
	_ =	sdelay $0x1  }
0xb4: {  	s26 =	simm.s32 $0x0;
	s25 =	sshll.u32 s19, $0x4  }
0xb5: {  	s28 =	sand.u32 $0x40, s26;
	s26 =	sand.u32 $0x7C00, s26;
	s25 =	sand.u32 $0x3FFFFFF0, s25  }
0xb6: {  	v3 =	vld [tilespmem:s25+$0x100];
	s25 =	sor.u32 s28, s26  }
0xb7: {  	v4 =	vld.idx.msk [tilespmem:v2+s25+$0x900 ss:$0x1], $0xffff;
	_ =	sdelay $0x4  }
0xb8: {  	v4 =	vmul.f32 v4, v3;
	_ =	sdelay $0x1  }
0xb9: {  	[tilespmem:v2+s25+$0x900 ss:$0x1] =	vst.idx.msk $0xffff, v4  }
0xba: {  	v4 =	vld.idx.msk [tilespmem:v2+s25+$0x910 ss:$0x1], $0xffff;
	_ =	sdelay $0x4  }
0xbb: {  	v4 =	vmul.f32 v4, v3;
	_ =	sdelay $0x1  }
0xbc: {  	[tilespmem:v2+s25+$0x910 ss:$0x1] =	vst.idx.msk $0xffff, v4  }
0xbd: {  	v4 =	vld.idx.msk [tilespmem:v2+s25+$0x920 ss:$0x1], $0xffff;
	_ =	sdelay $0x4  }
0xbe: {  	v4 =	vmul.f32 v4, v3;
	_ =	sdelay $0x1  }
0xbf: {  	[tilespmem:v2+s25+$0x920 ss:$0x1] =	vst.idx.msk $0xffff, v4  }
0xc0: {  	v4 =	vld.idx.msk [tilespmem:v2+s25+$0x930 ss:$0x1], $0xffff;
	_ =	sdelay $0x3  }
0xc1: {  	s26 =	simm.s32 $0x40;
	s28 =	simm.s32 $0x200  }
0xc2: {  	s29 =	simm.s32 $0x80;
	s30 =	sand.u32 $0x40, s26;
	s31 =	sand.u32 $0x7C00, s28;
	v4 =	vmul.f32 v4, v3  }
.LBB2_3:
0xc3: {  	p0 =	sne.s32 s29, $0xFC0  }
0xc4: {  	[tilespmem:v2+s25+$0x930 ss:$0x1] =	vst.idx.msk $0xffff, v4;
	s25 =	sor.u32 s30, s31;
	s26 =	smov.u32 s29;
	s29 =	sadd.s32 $0x40, s29  }
0xc5: {  	v4 =	vld.idx.msk [tilespmem:v2+s25+$0x900 ss:$0x1], $0xffff;
	_ =	sdelay $0x5  }
0xc6: {  	v4 =	vmul.f32 v4, v3;
	_ =	sdelay $0x1  }
0xc7: {  	[tilespmem:v2+s25+$0x900 ss:$0x1] =	vst.idx.msk $0xffff, v4  }
0xc8: {  	v4 =	vld.idx.msk [tilespmem:v2+s25+$0x910 ss:$0x1], $0xffff;
	_ =	sdelay $0x5  }
0xc9: {  	v4 =	vmul.f32 v4, v3;
	_ =	sdelay $0x1  }
0xca: {  	[tilespmem:v2+s25+$0x910 ss:$0x1] =	vst.idx.msk $0xffff, v4  }
0xcb: {  	v4 =	vld.idx.msk [tilespmem:v2+s25+$0x920 ss:$0x1], $0xffff;
	_ =	sdelay $0x5  }
0xcc: {  	v4 =	vmul.f32 v4, v3;
	_ =	sdelay $0x1  }
0xcd: {  	[tilespmem:v2+s25+$0x920 ss:$0x1] =	vst.idx.msk $0xffff, v4  }
0xce: {  	v4 =	vld.idx.msk [tilespmem:v2+s25+$0x930 ss:$0x1], $0xffff;
	_ =	sdelay $0x2  }
.Ltmp3:
0xcf: {  	(pc) =	sbr.rel @p0 .LBB2_3-.Ltmp3, $3  }
0xd0: {  	_ =	sdelay $0x1  }
0xd1: {  	s28 =	sadd.s32 $0x200, s28;
	v4 =	vmul.f32 v4, v3  }
0xd2: {  	s30 =	sand.u32 $0x40, s26;
	s31 =	sand.u32 $0x7C00, s28  }
0xd3: {  	_ =	sdelay $0x3  }
0xd4: {  	s26 =	sor.u32 s30, s31;
	[tilespmem:v2+s25+$0x930 ss:$0x1] =	vst.idx.msk $0xffff, v4  }
0xd5: {  	v4 =	vld.idx.msk [tilespmem:v2+s26+$0x900 ss:$0x1], $0xffff;
	_ =	sdelay $0x4  }
0xd6: {  	v4 =	vmul.f32 v4, v3;
	_ =	sdelay $0x1  }
0xd7: {  	[tilespmem:v2+s26+$0x900 ss:$0x1] =	vst.idx.msk $0xffff, v4  }
0xd8: {  	v4 =	vld.idx.msk [tilespmem:v2+s26+$0x910 ss:$0x1], $0xffff;
	_ =	sdelay $0x4  }
0xd9: {  	v4 =	vmul.f32 v4, v3;
	_ =	sdelay $0x1  }
0xda: {  	[tilespmem:v2+s26+$0x910 ss:$0x1] =	vst.idx.msk $0xffff, v4  }
0xdb: {  	v4 =	vld.idx.msk [tilespmem:v2+s26+$0x920 ss:$0x1], $0xffff;
	_ =	sdelay $0x4  }
0xdc: {  	v4 =	vmul.f32 v4, v3;
	_ =	sdelay $0x1  }
0xdd: {  	[tilespmem:v2+s26+$0x920 ss:$0x1] =	vst.idx.msk $0xffff, v4  }
0xde: {  	v4 =	vld.idx.msk [tilespmem:v2+s26+$0x930 ss:$0x1], $0xffff  }
0xdf: {  	s19 =	sadd.s32 $0x1, s19  }
0xe0: {  	p0 =	sne.s32 s19, $0x8  }
.Ltmp4:
0xe1: {  	_ = 	snop;
	(pc) =	sbr.rel @p0 .LBB2_2-.Ltmp4, $3  }
0xe2: {  	_ = 	snop  }
0xe3: {  	v3 =	vmul.f32 v4, v3;
	_ =	sdelay $0x1  }
0xe4: {  	[tilespmem:v2+s26+$0x930 ss:$0x1] =	vst.idx.msk $0xffff, v3  }
.LBB2_5:
0xe5: {  	s19 =	simm.s32 $0x0;
	s25 =	rddreg [dreg:$0x6];
	s26 =	simm.s32 $0x900  }
0xe6: {  	[hbm4b:s25+s19] =	stream.linear.scatter [tilespmem:s26], [sflag:$0x4], $0x8000, $0x38;
	[tilespmem:$0x18900] =	vst v63  }
0xe7: {  	_ =	swait.ge [sflag:s0], $0x8000  }
0xe8: {  	[sflag:s0] =	ssyncset.done $0x0  }
0xe9: {  	[sflag:s0] =	ssyncadd.s32 $0xFFFF8000  }
0xea: {  	v2 =	vld [tilespmem:$0x80];
	_ =	sdelay $0x4  }
0xeb: {  	(v2sf) =	vpush v2, $0x1;
	_ =	sdelay $0xe  }
0xec: {  	s31 =	spop (v2sf)  }
0xed: {  	p0 =	seq.s32 s31, $0x0  }
.Ltmp5:
0xee: {  	_ = 	snop;
	(pc) =	sbr.rel @p0 .LBB2_9-.Ltmp5, $2  }
0xef: {  	_ =	sdelay $0x2  }
0xf0: {  	s25 =	simm.s32 $0x0  }
.LBB2_6:
0xf1: {  	s26 =	sshll.u32 s25, $0x7  }
0xf2: {  	v2 =	vmov s26;
	_ =	sdelay $0x1  }
0xf3: {  	s26 =	sshll.u32 s25, $0x4  }
0xf4: {  	s28 =	sand.u32 $0x40, s19;
	s29 =	sand.u32 $0x7C00, s19;
	s26 =	sand.u32 $0x3FFFFFF0, s26  }
0xf5: {  	s28 =	sor.u32 s28, s29;
	v3 =	vld [tilespmem:s26+$0x180]  }
0xf6: {  	v4 =	vld.idx.msk [tilespmem:v2+s28+$0x8900 ss:$0x1], $0xffff;
	_ =	sdelay $0x4  }
0xf7: {  	v4 =	vmul.f32 v4, v3;
	_ =	sdelay $0x1  }
0xf8: {  	[tilespmem:v2+s28+$0x8900 ss:$0x1] =	vst.idx.msk $0xffff, v4  }
0xf9: {  	v4 =	vld.idx.msk [tilespmem:v2+s28+$0x8910 ss:$0x1], $0xffff;
	_ =	sdelay $0x4  }
0xfa: {  	v4 =	vmul.f32 v4, v3;
	_ =	sdelay $0x1  }
0xfb: {  	[tilespmem:v2+s28+$0x8910 ss:$0x1] =	vst.idx.msk $0xffff, v4  }
0xfc: {  	v4 =	vld.idx.msk [tilespmem:v2+s28+$0x8920 ss:$0x1], $0xffff;
	_ =	sdelay $0x4  }
0xfd: {  	v4 =	vmul.f32 v4, v3;
	_ =	sdelay $0x1  }
0xfe: {  	[tilespmem:v2+s28+$0x8920 ss:$0x1] =	vst.idx.msk $0xffff, v4  }
0xff: {  	v4 =	vld.idx.msk [tilespmem:v2+s28+$0x8930 ss:$0x1], $0xffff;
	_ =	sdelay $0x3  }
0x100: {  	s29 =	simm.s32 $0x200;
	s26 =	simm.s32 $0x40  }
0x101: {  	s30 =	simm.s32 $0x80;
	s31 =	sand.u32 $0x40, s26;
	s26 =	sand.u32 $0x7C00, s29;
	v4 =	vmul.f32 v4, v3  }
.LBB2_7:
0x102: {  	p0 =	sne.s32 s30, $0xFC0  }
0x103: {  	[tilespmem:v2+s28+$0x8930 ss:$0x1] =	vst.idx.msk $0xffff, v4;
	s28 =	sor.u32 s31, s26;
	s26 =	smov.u32 s30;
	s30 =	sadd.s32 $0x40, s30  }
0x104: {  	v4 =	vld.idx.msk [tilespmem:v2+s28+$0x8900 ss:$0x1], $0xffff;
	_ =	sdelay $0x5  }
0x105: {  	v4 =	vmul.f32 v4, v3;
	_ =	sdelay $0x1  }
0x106: {  	[tilespmem:v2+s28+$0x8900 ss:$0x1] =	vst.idx.msk $0xffff, v4  }
0x107: {  	v4 =	vld.idx.msk [tilespmem:v2+s28+$0x8910 ss:$0x1], $0xffff;
	_ =	sdelay $0x5  }
0x108: {  	v4 =	vmul.f32 v4, v3;
	_ =	sdelay $0x1  }
0x109: {  	[tilespmem:v2+s28+$0x8910 ss:$0x1] =	vst.idx.msk $0xffff, v4  }
0x10a: {  	v4 =	vld.idx.msk [tilespmem:v2+s28+$0x8920 ss:$0x1], $0xffff;
	_ =	sdelay $0x5  }
0x10b: {  	v4 =	vmul.f32 v4, v3;
	_ =	sdelay $0x1  }
0x10c: {  	[tilespmem:v2+s28+$0x8920 ss:$0x1] =	vst.idx.msk $0xffff, v4  }
0x10d: {  	v4 =	vld.idx.msk [tilespmem:v2+s28+$0x8930 ss:$0x1], $0xffff;
	_ =	sdelay $0x2  }
.Ltmp6:
0x10e: {  	(pc) =	sbr.rel @p0 .LBB2_7-.Ltmp6, $3  }
0x10f: {  	_ =	sdelay $0x1  }
0x110: {  	s29 =	sadd.s32 $0x200, s29;
	v4 =	vmul.f32 v4, v3  }
0x111: {  	s31 =	sand.u32 $0x40, s26;
	s26 =	sand.u32 $0x7C00, s29  }
0x112: {  	_ =	sdelay $0x3  }
0x113: {  	s26 =	sor.u32 s31, s26;
	[tilespmem:v2+s28+$0x8930 ss:$0x1] =	vst.idx.msk $0xffff, v4  }
0x114: {  	v4 =	vld.idx.msk [tilespmem:v2+s26+$0x8900 ss:$0x1], $0xffff;
	_ =	sdelay $0x4  }
0x115: {  	v4 =	vmul.f32 v4, v3;
	_ =	sdelay $0x1  }
0x116: {  	[tilespmem:v2+s26+$0x8900 ss:$0x1] =	vst.idx.msk $0xffff, v4  }
0x117: {  	v4 =	vld.idx.msk [tilespmem:v2+s26+$0x8910 ss:$0x1], $0xffff;
	_ =	sdelay $0x4  }
0x118: {  	v4 =	vmul.f32 v4, v3;
	_ =	sdelay $0x1  }
0x119: {  	[tilespmem:v2+s26+$0x8910 ss:$0x1] =	vst.idx.msk $0xffff, v4  }
0x11a: {  	v4 =	vld.idx.msk [tilespmem:v2+s26+$0x8920 ss:$0x1], $0xffff;
	_ =	sdelay $0x4  }
0x11b: {  	v4 =	vmul.f32 v4, v3;
	_ =	sdelay $0x1  }
0x11c: {  	[tilespmem:v2+s26+$0x8920 ss:$0x1] =	vst.idx.msk $0xffff, v4  }
0x11d: {  	v4 =	vld.idx.msk [tilespmem:v2+s26+$0x8930 ss:$0x1], $0xffff  }
0x11e: {  	s25 =	sadd.s32 $0x1, s25  }
0x11f: {  	p0 =	sne.s32 s25, $0x8  }
.Ltmp7:
0x120: {  	_ = 	snop;
	(pc) =	sbr.rel @p0 .LBB2_6-.Ltmp7, $3  }
0x121: {  	_ = 	snop  }
0x122: {  	v3 =	vmul.f32 v4, v3;
	_ =	sdelay $0x1  }
0x123: {  	[tilespmem:v2+s26+$0x8930 ss:$0x1] =	vst.idx.msk $0xffff, v3  }
.LBB2_9:
0x124: {  	s19 =	simm.s32 $0x0;
	s25 =	rddreg [dreg:$0x7];
	s26 =	simm.s32 $0x8900  }
0x125: {  	[hbm4b:s25+s19] =	stream.linear.scatter [tilespmem:s26], [sflag:$0x5], $0x8000, $0x38;
	[tilespmem:$0x18900] =	vst v63  }
0x126: {  	_ =	swait.ge [sflag:s4], $0x8000  }
0x127: {  	[sflag:s4] =	ssyncset.done $0x0  }
0x128: {  	[sflag:s4] =	ssyncadd.s32 $0xFFFF8000  }
0x129: {  	v2 =	vld.msk [tilespmem:$0x18], $0xff;
	_ =	sdelay $0x4  }
0x12a: {  	v3 =	vshll.u32 v2, $0x5  }
0x12b: {  	v2 =	vand.u32 $0x7, v2;
	v3 =	vand.u32 $0xFFFFFF00, v3  }
0x12c: {  	v2 =	vor.u32 v2, v3  }
0x12d: {  	v2 =	vperm.xlane v2, v0;
	_ =	sdelay $0x1  }
0x12e: {  	v2 =	vadd.s32 v1, v2;
	_ =	sdelay $0x3  }
0x12f: {  	s30 =	simm.s32 $0x900  }
0x130: {  	[tilespmem:s30], [sflag:$0x1] =	stream.indirect_vreg.gather [hbm4b:s1+s19], $0x80, v2, vm0, $0xb8;
	[tilespmem:$0x18900] =	vst v63  }
0x131: {  	s31 =	simm.s32 $0x1100  }
0x132: {  	[tilespmem:s31], [sflag:$0x1] =	stream.indirect_vreg.gather [hbm4b:s6+s19], $0x80, v2, vm0, $0xb8;
	[tilespmem:$0x18900] =	vst v63  }
0x133: {  	s26 =	simm.s32 $0x1900  }
0x134: {  	[tilespmem:s26], [sflag:$0x1] =	stream.indirect_vreg.gather [hbm4b:s7+s19], $0x80, v2, vm0, $0xb8;
	[tilespmem:$0x18900] =	vst v63  }
0x135: {  	s28 =	simm.s32 $0x2100  }
0x136: {  	[tilespmem:s28], [sflag:$0x1] =	stream.indirect_vreg.gather [hbm4b:s8+s19], $0x80, v2, vm0, $0xb8;
	[tilespmem:$0x18900] =	vst v63  }
0x137: {  	s29 =	simm.s32 $0x2900  }
0x138: {  	[tilespmem:s29], [sflag:$0x1] =	stream.indirect_vreg.gather [hbm4b:s9+s19], $0x80, v2, vm0, $0xb8;
	[tilespmem:$0x18900] =	vst v63  }
0x139: {  	s30 =	simm.s32 $0x3100  }
0x13a: {  	[tilespmem:s30], [sflag:$0x1] =	stream.indirect_vreg.gather [hbm4b:s10+s19], $0x80, v2, vm0, $0xb8;
	[tilespmem:$0x18900] =	vst v63  }
0x13b: {  	s31 =	simm.s32 $0x3900  }
0x13c: {  	[tilespmem:s31], [sflag:$0x1] =	stream.indirect_vreg.gather [hbm4b:s11+s19], $0x80, v2, vm0, $0xb8;
	[tilespmem:$0x18900] =	vst v63  }
0x13d: {  	s26 =	simm.s32 $0x4100  }
0x13e: {  	[tilespmem:s26], [sflag:$0x1] =	stream.indirect_vreg.gather [hbm4b:s12+s19], $0x80, v2, vm0, $0xb8;
	[tilespmem:$0x18900] =	vst v63  }
0x13f: {  	s28 =	simm.s32 $0x4900  }
0x140: {  	[tilespmem:s28], [sflag:$0x1] =	stream.indirect_vreg.gather [hbm4b:s13+s19], $0x80, v2, vm0, $0xb8;
	[tilespmem:$0x18900] =	vst v63  }
0x141: {  	s29 =	simm.s32 $0x5100  }
0x142: {  	[tilespmem:s29], [sflag:$0x1] =	stream.indirect_vreg.gather [hbm4b:s14+s19], $0x80, v2, vm0, $0xb8;
	[tilespmem:$0x18900] =	vst v63  }
0x143: {  	s30 =	simm.s32 $0x5900  }
0x144: {  	[tilespmem:s30], [sflag:$0x1] =	stream.indirect_vreg.gather [hbm4b:s15+s19], $0x80, v2, vm0, $0xb8;
	[tilespmem:$0x18900] =	vst v63  }
0x145: {  	s31 =	simm.s32 $0x6100  }
0x146: {  	[tilespmem:s31], [sflag:$0x1] =	stream.indirect_vreg.gather [hbm4b:s16+s19], $0x80, v2, vm0, $0xb8;
	[tilespmem:$0x18900] =	vst v63  }
0x147: {  	s26 =	simm.s32 $0x6900  }
0x148: {  	[tilespmem:s26], [sflag:$0x1] =	stream.indirect_vreg.gather [hbm4b:s17+s19], $0x80, v2, vm0, $0xb8;
	[tilespmem:$0x18900] =	vst v63  }
0x149: {  	s28 =	simm.s32 $0x7100  }
0x14a: {  	[tilespmem:s28], [sflag:$0x1] =	stream.indirect_vreg.gather [hbm4b:s18+s19], $0x80, v2, vm0, $0xb8;
	[tilespmem:$0x18900] =	vst v63  }
0x14b: {  	s29 =	simm.s32 $0x7900  }
0x14c: {  	[tilespmem:s29], [sflag:$0x1] =	stream.indirect_vreg.gather [hbm4b:s20+s19], $0x80, v2, vm0, $0xb8;
	[tilespmem:$0x18900] =	vst v63  }
0x14d: {  	s30 =	simm.s32 $0x8100  }
0x14e: {  	[tilespmem:s30], [sflag:$0x1] =	stream.indirect_vreg.gather [hbm4b:s21+s19], $0x80, v2, vm0, $0xb8;
	[tilespmem:$0x18900] =	vst v63  }
0x14f: {  	_ =	swait.ge [sflag:s5], $0x8000  }
0x150: {  	[sflag:s5] =	ssyncset.done $0x0  }
0x151: {  	[sflag:s5] =	ssyncadd.s32 $0xFFFF8000  }
0x152: {  	v2 =	vld [tilespmem:$0x80];
	_ =	sdelay $0x4  }
0x153: {  	(v2sf) =	vpush v2, $0x2;
	_ =	sdelay $0xe  }
0x154: {  	s31 =	spop (v2sf)  }
0x155: {  	p0 =	seq.s32 s31, $0x0  }
.Ltmp8:
0x156: {  	_ = 	snop;
	(pc) =	sbr.rel @p0 .LBB2_13-.Ltmp8, $2  }
0x157: {  	_ =	sdelay $0x2  }
0x158: {  	s25 =	simm.s32 $0x0  }
.LBB2_10:
0x159: {  	s26 =	sshll.u32 s25, $0x7  }
0x15a: {  	v2 =	vmov s26;
	_ =	sdelay $0x1  }
0x15b: {  	s26 =	sshll.u32 s25, $0x4  }
0x15c: {  	s28 =	sand.u32 $0x40, s19;
	s29 =	sand.u32 $0x7C00, s19;
	s26 =	sand.u32 $0x3FFFFFF0, s26  }
0x15d: {  	s28 =	sor.u32 s28, s29;
	v3 =	vld [tilespmem:s26+$0x200]  }
0x15e: {  	v4 =	vld.idx.msk [tilespmem:v2+s28+$0x10900 ss:$0x1], $0xffff;
	_ =	sdelay $0x4  }
0x15f: {  	v4 =	vmul.f32 v4, v3;
	_ =	sdelay $0x1  }
0x160: {  	[tilespmem:v2+s28+$0x10900 ss:$0x1] =	vst.idx.msk $0xffff, v4  }
0x161: {  	v4 =	vld.idx.msk [tilespmem:v2+s28+$0x10910 ss:$0x1], $0xffff;
	_ =	sdelay $0x4  }
0x162: {  	v4 =	vmul.f32 v4, v3;
	_ =	sdelay $0x1  }
0x163: {  	[tilespmem:v2+s28+$0x10910 ss:$0x1] =	vst.idx.msk $0xffff, v4  }
0x164: {  	v4 =	vld.idx.msk [tilespmem:v2+s28+$0x10920 ss:$0x1], $0xffff;
	_ =	sdelay $0x4  }
0x165: {  	v4 =	vmul.f32 v4, v3;
	_ =	sdelay $0x1  }
0x166: {  	[tilespmem:v2+s28+$0x10920 ss:$0x1] =	vst.idx.msk $0xffff, v4  }
0x167: {  	v4 =	vld.idx.msk [tilespmem:v2+s28+$0x10930 ss:$0x1], $0xffff;
	_ =	sdelay $0x3  }
0x168: {  	s29 =	simm.s32 $0x200;
	s26 =	simm.s32 $0x40  }
0x169: {  	s30 =	simm.s32 $0x80;
	s31 =	sand.u32 $0x40, s26;
	s26 =	sand.u32 $0x7C00, s29;
	v4 =	vmul.f32 v4, v3  }
.LBB2_11:
0x16a: {  	p0 =	sne.s32 s30, $0xFC0  }
0x16b: {  	[tilespmem:v2+s28+$0x10930 ss:$0x1] =	vst.idx.msk $0xffff, v4;
	s28 =	sor.u32 s31, s26;
	s26 =	smov.u32 s30;
	s30 =	sadd.s32 $0x40, s30  }
0x16c: {  	v4 =	vld.idx.msk [tilespmem:v2+s28+$0x10900 ss:$0x1], $0xffff;
	_ =	sdelay $0x5  }
0x16d: {  	v4 =	vmul.f32 v4, v3;
	_ =	sdelay $0x1  }
0x16e: {  	[tilespmem:v2+s28+$0x10900 ss:$0x1] =	vst.idx.msk $0xffff, v4  }
0x16f: {  	v4 =	vld.idx.msk [tilespmem:v2+s28+$0x10910 ss:$0x1], $0xffff;
	_ =	sdelay $0x5  }
0x170: {  	v4 =	vmul.f32 v4, v3;
	_ =	sdelay $0x1  }
0x171: {  	[tilespmem:v2+s28+$0x10910 ss:$0x1] =	vst.idx.msk $0xffff, v4  }
0x172: {  	v4 =	vld.idx.msk [tilespmem:v2+s28+$0x10920 ss:$0x1], $0xffff;
	_ =	sdelay $0x5  }
0x173: {  	v4 =	vmul.f32 v4, v3;
	_ =	sdelay $0x1  }
0x174: {  	[tilespmem:v2+s28+$0x10920 ss:$0x1] =	vst.idx.msk $0xffff, v4  }
0x175: {  	v4 =	vld.idx.msk [tilespmem:v2+s28+$0x10930 ss:$0x1], $0xffff;
	_ =	sdelay $0x2  }
.Ltmp9:
0x176: {  	(pc) =	sbr.rel @p0 .LBB2_11-.Ltmp9, $3  }
0x177: {  	_ =	sdelay $0x1  }
0x178: {  	s29 =	sadd.s32 $0x200, s29;
	v4 =	vmul.f32 v4, v3  }
0x179: {  	s31 =	sand.u32 $0x40, s26;
	s26 =	sand.u32 $0x7C00, s29  }
0x17a: {  	_ =	sdelay $0x3  }
0x17b: {  	s26 =	sor.u32 s31, s26;
	[tilespmem:v2+s28+$0x10930 ss:$0x1] =	vst.idx.msk $0xffff, v4  }
0x17c: {  	v4 =	vld.idx.msk [tilespmem:v2+s26+$0x10900 ss:$0x1], $0xffff;
	_ =	sdelay $0x4  }
0x17d: {  	v4 =	vmul.f32 v4, v3;
	_ =	sdelay $0x1  }
0x17e: {  	[tilespmem:v2+s26+$0x10900 ss:$0x1] =	vst.idx.msk $0xffff, v4  }
0x17f: {  	v4 =	vld.idx.msk [tilespmem:v2+s26+$0x10910 ss:$0x1], $0xffff;
	_ =	sdelay $0x4  }
0x180: {  	v4 =	vmul.f32 v4, v3;
	_ =	sdelay $0x1  }
0x181: {  	[tilespmem:v2+s26+$0x10910 ss:$0x1] =	vst.idx.msk $0xffff, v4  }
0x182: {  	v4 =	vld.idx.msk [tilespmem:v2+s26+$0x10920 ss:$0x1], $0xffff;
	_ =	sdelay $0x4  }
0x183: {  	v4 =	vmul.f32 v4, v3;
	_ =	sdelay $0x1  }
0x184: {  	[tilespmem:v2+s26+$0x10920 ss:$0x1] =	vst.idx.msk $0xffff, v4  }
0x185: {  	v4 =	vld.idx.msk [tilespmem:v2+s26+$0x10930 ss:$0x1], $0xffff  }
0x186: {  	s25 =	sadd.s32 $0x1, s25  }
0x187: {  	p0 =	sne.s32 s25, $0x8  }
.Ltmp10:
0x188: {  	_ = 	snop;
	(pc) =	sbr.rel @p0 .LBB2_10-.Ltmp10, $3  }
0x189: {  	_ = 	snop  }
0x18a: {  	v3 =	vmul.f32 v4, v3;
	_ =	sdelay $0x1  }
0x18b: {  	[tilespmem:v2+s26+$0x10930 ss:$0x1] =	vst.idx.msk $0xffff, v3  }
.LBB2_13:
0x18c: {  	s19 =	simm.s32 $0x0;
	s25 =	rddreg [dreg:$0x8];
	s26 =	simm.s32 $0x10900  }
0x18d: {  	[hbm4b:s25+s19] =	stream.linear.scatter [tilespmem:s26], [sflag:$0x6], $0x8000, $0x38;
	[tilespmem:$0x18900] =	vst v63  }
0x18e: {  	_ =	swait.ge [sflag:s22], $0x8000  }
0x18f: {  	[sflag:s22] =	ssyncset.done $0x0  }
0x190: {  	[sflag:s22] =	ssyncadd.s32 $0xFFFF8000  }
0x191: {  	v2 =	vld.msk [tilespmem:$0x20], $0xff;
	_ =	sdelay $0x4  }
0x192: {  	v3 =	vshll.u32 v2, $0x5  }
0x193: {  	v2 =	vand.u32 $0x7, v2;
	v3 =	vand.u32 $0xFFFFFF00, v3  }
0x194: {  	v2 =	vor.u32 v2, v3  }
0x195: {  	v2 =	vperm.xlane v2, v0;
	_ =	sdelay $0x1  }
0x196: {  	v2 =	vadd.s32 v1, v2;
	_ =	sdelay $0x3  }
0x197: {  	s30 =	simm.s32 $0x8900  }
0x198: {  	[tilespmem:s30], [sflag:$0x2] =	stream.indirect_vreg.gather [hbm4b:s1+s19], $0x80, v2, vm0, $0xb8;
	[tilespmem:$0x18900] =	vst v63  }
0x199: {  	s31 =	simm.s32 $0x9100  }
0x19a: {  	[tilespmem:s31], [sflag:$0x2] =	stream.indirect_vreg.gather [hbm4b:s6+s19], $0x80, v2, vm0, $0xb8;
	[tilespmem:$0x18900] =	vst v63  }
0x19b: {  	s26 =	simm.s32 $0x9900  }
0x19c: {  	[tilespmem:s26], [sflag:$0x2] =	stream.indirect_vreg.gather [hbm4b:s7+s19], $0x80, v2, vm0, $0xb8;
	[tilespmem:$0x18900] =	vst v63  }
0x19d: {  	s28 =	simm.s32 $0xA100  }
0x19e: {  	[tilespmem:s28], [sflag:$0x2] =	stream.indirect_vreg.gather [hbm4b:s8+s19], $0x80, v2, vm0, $0xb8;
	[tilespmem:$0x18900] =	vst v63  }
0x19f: {  	s29 =	simm.s32 $0xA900  }
0x1a0: {  	[tilespmem:s29], [sflag:$0x2] =	stream.indirect_vreg.gather [hbm4b:s9+s19], $0x80, v2, vm0, $0xb8;
	[tilespmem:$0x18900] =	vst v63  }
0x1a1: {  	s30 =	simm.s32 $0xB100  }
0x1a2: {  	[tilespmem:s30], [sflag:$0x2] =	stream.indirect_vreg.gather [hbm4b:s10+s19], $0x80, v2, vm0, $0xb8;
	[tilespmem:$0x18900] =	vst v63  }
0x1a3: {  	s31 =	simm.s32 $0xB900  }
0x1a4: {  	[tilespmem:s31], [sflag:$0x2] =	stream.indirect_vreg.gather [hbm4b:s11+s19], $0x80, v2, vm0, $0xb8;
	[tilespmem:$0x18900] =	vst v63  }
0x1a5: {  	s26 =	simm.s32 $0xC100  }
0x1a6: {  	[tilespmem:s26], [sflag:$0x2] =	stream.indirect_vreg.gather [hbm4b:s12+s19], $0x80, v2, vm0, $0xb8;
	[tilespmem:$0x18900] =	vst v63  }
0x1a7: {  	s28 =	simm.s32 $0xC900  }
0x1a8: {  	[tilespmem:s28], [sflag:$0x2] =	stream.indirect_vreg.gather [hbm4b:s13+s19], $0x80, v2, vm0, $0xb8;
	[tilespmem:$0x18900] =	vst v63  }
0x1a9: {  	s29 =	simm.s32 $0xD100  }
0x1aa: {  	[tilespmem:s29], [sflag:$0x2] =	stream.indirect_vreg.gather [hbm4b:s14+s19], $0x80, v2, vm0, $0xb8;
	[tilespmem:$0x18900] =	vst v63  }
0x1ab: {  	s30 =	simm.s32 $0xD900  }
0x1ac: {  	[tilespmem:s30], [sflag:$0x2] =	stream.indirect_vreg.gather [hbm4b:s15+s19], $0x80, v2, vm0, $0xb8;
	[tilespmem:$0x18900] =	vst v63  }
0x1ad: {  	s31 =	simm.s32 $0xE100  }
0x1ae: {  	[tilespmem:s31], [sflag:$0x2] =	stream.indirect_vreg.gather [hbm4b:s16+s19], $0x80, v2, vm0, $0xb8;
	[tilespmem:$0x18900] =	vst v63  }
0x1af: {  	s26 =	simm.s32 $0xE900  }
0x1b0: {  	[tilespmem:s26], [sflag:$0x2] =	stream.indirect_vreg.gather [hbm4b:s17+s19], $0x80, v2, vm0, $0xb8;
	[tilespmem:$0x18900] =	vst v63  }
0x1b1: {  	s28 =	simm.s32 $0xF100  }
0x1b2: {  	[tilespmem:s28], [sflag:$0x2] =	stream.indirect_vreg.gather [hbm4b:s18+s19], $0x80, v2, vm0, $0xb8;
	[tilespmem:$0x18900] =	vst v63  }
0x1b3: {  	s29 =	simm.s32 $0xF900  }
0x1b4: {  	[tilespmem:s29], [sflag:$0x2] =	stream.indirect_vreg.gather [hbm4b:s20+s19], $0x80, v2, vm0, $0xb8;
	[tilespmem:$0x18900] =	vst v63  }
0x1b5: {  	s30 =	simm.s32 $0x10100  }
0x1b6: {  	[tilespmem:s30], [sflag:$0x2] =	stream.indirect_vreg.gather [hbm4b:s21+s19], $0x80, v2, vm0, $0xb8;
	[tilespmem:$0x18900] =	vst v63  }
0x1b7: {  	_ =	swait.ge [sflag:s2], $0x8000  }
0x1b8: {  	[sflag:s2] =	ssyncset.done $0x0  }
0x1b9: {  	[sflag:s2] =	ssyncadd.s32 $0xFFFF8000  }
0x1ba: {  	v2 =	vld [tilespmem:$0x80];
	_ =	sdelay $0x4  }
0x1bb: {  	(v2sf) =	vpush v2, $0x3;
	_ =	sdelay $0xe  }
0x1bc: {  	s31 =	spop (v2sf)  }
0x1bd: {  	p0 =	seq.s32 s31, $0x0  }
.Ltmp11:
0x1be: {  	_ = 	snop;
	(pc) =	sbr.rel @p0 .LBB2_17-.Ltmp11, $2  }
0x1bf: {  	_ =	sdelay $0x2  }
0x1c0: {  	s25 =	simm.s32 $0x0  }
.LBB2_14:
0x1c1: {  	s26 =	sshll.u32 s25, $0x7  }
0x1c2: {  	v2 =	vmov s26;
	_ =	sdelay $0x1  }
0x1c3: {  	s26 =	sshll.u32 s25, $0x4  }
0x1c4: {  	s28 =	sand.u32 $0x40, s19;
	s29 =	sand.u32 $0x7C00, s19;
	s26 =	sand.u32 $0x3FFFFFF0, s26  }
0x1c5: {  	s28 =	sor.u32 s28, s29;
	v3 =	vld [tilespmem:s26+$0x280]  }
0x1c6: {  	v4 =	vld.idx.msk [tilespmem:v2+s28+$0x900 ss:$0x1], $0xffff;
	_ =	sdelay $0x4  }
0x1c7: {  	v4 =	vmul.f32 v4, v3;
	_ =	sdelay $0x1  }
0x1c8: {  	[tilespmem:v2+s28+$0x900 ss:$0x1] =	vst.idx.msk $0xffff, v4  }
0x1c9: {  	v4 =	vld.idx.msk [tilespmem:v2+s28+$0x910 ss:$0x1], $0xffff;
	_ =	sdelay $0x4  }
0x1ca: {  	v4 =	vmul.f32 v4, v3;
	_ =	sdelay $0x1  }
0x1cb: {  	[tilespmem:v2+s28+$0x910 ss:$0x1] =	vst.idx.msk $0xffff, v4  }
0x1cc: {  	v4 =	vld.idx.msk [tilespmem:v2+s28+$0x920 ss:$0x1], $0xffff;
	_ =	sdelay $0x4  }
0x1cd: {  	v4 =	vmul.f32 v4, v3;
	_ =	sdelay $0x1  }
0x1ce: {  	[tilespmem:v2+s28+$0x920 ss:$0x1] =	vst.idx.msk $0xffff, v4  }
0x1cf: {  	v4 =	vld.idx.msk [tilespmem:v2+s28+$0x930 ss:$0x1], $0xffff;
	_ =	sdelay $0x3  }
0x1d0: {  	s29 =	simm.s32 $0x200;
	s26 =	simm.s32 $0x40  }
0x1d1: {  	s30 =	simm.s32 $0x80;
	s31 =	sand.u32 $0x40, s26;
	s26 =	sand.u32 $0x7C00, s29;
	v4 =	vmul.f32 v4, v3  }
.LBB2_15:
0x1d2: {  	p0 =	sne.s32 s30, $0xFC0  }
0x1d3: {  	[tilespmem:v2+s28+$0x930 ss:$0x1] =	vst.idx.msk $0xffff, v4;
	s28 =	sor.u32 s31, s26;
	s26 =	smov.u32 s30;
	s30 =	sadd.s32 $0x40, s30  }
0x1d4: {  	v4 =	vld.idx.msk [tilespmem:v2+s28+$0x900 ss:$0x1], $0xffff;
	_ =	sdelay $0x5  }
0x1d5: {  	v4 =	vmul.f32 v4, v3;
	_ =	sdelay $0x1  }
0x1d6: {  	[tilespmem:v2+s28+$0x900 ss:$0x1] =	vst.idx.msk $0xffff, v4  }
0x1d7: {  	v4 =	vld.idx.msk [tilespmem:v2+s28+$0x910 ss:$0x1], $0xffff;
	_ =	sdelay $0x5  }
0x1d8: {  	v4 =	vmul.f32 v4, v3;
	_ =	sdelay $0x1  }
0x1d9: {  	[tilespmem:v2+s28+$0x910 ss:$0x1] =	vst.idx.msk $0xffff, v4  }
0x1da: {  	v4 =	vld.idx.msk [tilespmem:v2+s28+$0x920 ss:$0x1], $0xffff;
	_ =	sdelay $0x5  }
0x1db: {  	v4 =	vmul.f32 v4, v3;
	_ =	sdelay $0x1  }
0x1dc: {  	[tilespmem:v2+s28+$0x920 ss:$0x1] =	vst.idx.msk $0xffff, v4  }
0x1dd: {  	v4 =	vld.idx.msk [tilespmem:v2+s28+$0x930 ss:$0x1], $0xffff;
	_ =	sdelay $0x2  }
.Ltmp12:
0x1de: {  	(pc) =	sbr.rel @p0 .LBB2_15-.Ltmp12, $3  }
0x1df: {  	_ =	sdelay $0x1  }
0x1e0: {  	s29 =	sadd.s32 $0x200, s29;
	v4 =	vmul.f32 v4, v3  }
0x1e1: {  	s31 =	sand.u32 $0x40, s26;
	s26 =	sand.u32 $0x7C00, s29  }
0x1e2: {  	_ =	sdelay $0x3  }
0x1e3: {  	s26 =	sor.u32 s31, s26;
	[tilespmem:v2+s28+$0x930 ss:$0x1] =	vst.idx.msk $0xffff, v4  }
0x1e4: {  	v4 =	vld.idx.msk [tilespmem:v2+s26+$0x900 ss:$0x1], $0xffff;
	_ =	sdelay $0x4  }
0x1e5: {  	v4 =	vmul.f32 v4, v3;
	_ =	sdelay $0x1  }
0x1e6: {  	[tilespmem:v2+s26+$0x900 ss:$0x1] =	vst.idx.msk $0xffff, v4  }
0x1e7: {  	v4 =	vld.idx.msk [tilespmem:v2+s26+$0x910 ss:$0x1], $0xffff;
	_ =	sdelay $0x4  }
0x1e8: {  	v4 =	vmul.f32 v4, v3;
	_ =	sdelay $0x1  }
0x1e9: {  	[tilespmem:v2+s26+$0x910 ss:$0x1] =	vst.idx.msk $0xffff, v4  }
0x1ea: {  	v4 =	vld.idx.msk [tilespmem:v2+s26+$0x920 ss:$0x1], $0xffff;
	_ =	sdelay $0x4  }
0x1eb: {  	v4 =	vmul.f32 v4, v3;
	_ =	sdelay $0x1  }
0x1ec: {  	[tilespmem:v2+s26+$0x920 ss:$0x1] =	vst.idx.msk $0xffff, v4  }
0x1ed: {  	v4 =	vld.idx.msk [tilespmem:v2+s26+$0x930 ss:$0x1], $0xffff  }
0x1ee: {  	s25 =	sadd.s32 $0x1, s25  }
0x1ef: {  	p0 =	sne.s32 s25, $0x8  }
.Ltmp13:
0x1f0: {  	_ = 	snop;
	(pc) =	sbr.rel @p0 .LBB2_14-.Ltmp13, $3  }
0x1f1: {  	_ = 	snop  }
0x1f2: {  	v3 =	vmul.f32 v4, v3;
	_ =	sdelay $0x1  }
0x1f3: {  	[tilespmem:v2+s26+$0x930 ss:$0x1] =	vst.idx.msk $0xffff, v3  }
.LBB2_17:
0x1f4: {  	s19 =	simm.s32 $0x0;
	s25 =	rddreg [dreg:$0x9];
	s26 =	simm.s32 $0x900  }
0x1f5: {  	[hbm4b:s25+s19] =	stream.linear.scatter [tilespmem:s26], [sflag:$0x4], $0x8000, $0x38;
	[tilespmem:$0x18900] =	vst v63  }
0x1f6: {  	_ =	swait.ge [sflag:s23], $0x8000  }
0x1f7: {  	[sflag:s23] =	ssyncset.done $0x0  }
0x1f8: {  	[sflag:s23] =	ssyncadd.s32 $0xFFFF8000  }
0x1f9: {  	v2 =	vld.msk [tilespmem:$0x28], $0xff;
	_ =	sdelay $0x4  }
0x1fa: {  	v3 =	vshll.u32 v2, $0x5  }
0x1fb: {  	v2 =	vand.u32 $0x7, v2;
	v3 =	vand.u32 $0xFFFFFF00, v3  }
0x1fc: {  	v2 =	vor.u32 v2, v3  }
0x1fd: {  	v2 =	vperm.xlane v2, v0;
	_ =	sdelay $0x1  }
0x1fe: {  	v2 =	vadd.s32 v1, v2;
	_ =	sdelay $0x3  }
0x1ff: {  	s30 =	simm.s32 $0x10900  }
0x200: {  	[tilespmem:s30], [sflag:$0x3] =	stream.indirect_vreg.gather [hbm4b:s1+s19], $0x80, v2, vm0, $0xb8;
	[tilespmem:$0x18900] =	vst v63  }
0x201: {  	s31 =	simm.s32 $0x11100  }
0x202: {  	[tilespmem:s31], [sflag:$0x3] =	stream.indirect_vreg.gather [hbm4b:s6+s19], $0x80, v2, vm0, $0xb8;
	[tilespmem:$0x18900] =	vst v63  }
0x203: {  	s26 =	simm.s32 $0x11900  }
0x204: {  	[tilespmem:s26], [sflag:$0x3] =	stream.indirect_vreg.gather [hbm4b:s7+s19], $0x80, v2, vm0, $0xb8;
	[tilespmem:$0x18900] =	vst v63  }
0x205: {  	s28 =	simm.s32 $0x12100  }
0x206: {  	[tilespmem:s28], [sflag:$0x3] =	stream.indirect_vreg.gather [hbm4b:s8+s19], $0x80, v2, vm0, $0xb8;
	[tilespmem:$0x18900] =	vst v63  }
0x207: {  	s29 =	simm.s32 $0x12900  }
0x208: {  	[tilespmem:s29], [sflag:$0x3] =	stream.indirect_vreg.gather [hbm4b:s9+s19], $0x80, v2, vm0, $0xb8;
	[tilespmem:$0x18900] =	vst v63  }
0x209: {  	s30 =	simm.s32 $0x13100  }
0x20a: {  	[tilespmem:s30], [sflag:$0x3] =	stream.indirect_vreg.gather [hbm4b:s10+s19], $0x80, v2, vm0, $0xb8;
	[tilespmem:$0x18900] =	vst v63  }
0x20b: {  	s31 =	simm.s32 $0x13900  }
0x20c: {  	[tilespmem:s31], [sflag:$0x3] =	stream.indirect_vreg.gather [hbm4b:s11+s19], $0x80, v2, vm0, $0xb8;
	[tilespmem:$0x18900] =	vst v63  }
0x20d: {  	s26 =	simm.s32 $0x14100  }
0x20e: {  	[tilespmem:s26], [sflag:$0x3] =	stream.indirect_vreg.gather [hbm4b:s12+s19], $0x80, v2, vm0, $0xb8;
	[tilespmem:$0x18900] =	vst v63  }
0x20f: {  	s28 =	simm.s32 $0x14900  }
0x210: {  	[tilespmem:s28], [sflag:$0x3] =	stream.indirect_vreg.gather [hbm4b:s13+s19], $0x80, v2, vm0, $0xb8;
	[tilespmem:$0x18900] =	vst v63  }
0x211: {  	s29 =	simm.s32 $0x15100  }
0x212: {  	[tilespmem:s29], [sflag:$0x3] =	stream.indirect_vreg.gather [hbm4b:s14+s19], $0x80, v2, vm0, $0xb8;
	[tilespmem:$0x18900] =	vst v63  }
0x213: {  	s30 =	simm.s32 $0x15900  }
0x214: {  	[tilespmem:s30], [sflag:$0x3] =	stream.indirect_vreg.gather [hbm4b:s15+s19], $0x80, v2, vm0, $0xb8;
	[tilespmem:$0x18900] =	vst v63  }
0x215: {  	s31 =	simm.s32 $0x16100  }
0x216: {  	[tilespmem:s31], [sflag:$0x3] =	stream.indirect_vreg.gather [hbm4b:s16+s19], $0x80, v2, vm0, $0xb8;
	[tilespmem:$0x18900] =	vst v63  }
0x217: {  	s26 =	simm.s32 $0x16900  }
0x218: {  	[tilespmem:s26], [sflag:$0x3] =	stream.indirect_vreg.gather [hbm4b:s17+s19], $0x80, v2, vm0, $0xb8;
	[tilespmem:$0x18900] =	vst v63  }
0x219: {  	s28 =	simm.s32 $0x17100  }
0x21a: {  	[tilespmem:s28], [sflag:$0x3] =	stream.indirect_vreg.gather [hbm4b:s18+s19], $0x80, v2, vm0, $0xb8;
	[tilespmem:$0x18900] =	vst v63  }
0x21b: {  	s29 =	simm.s32 $0x17900  }
0x21c: {  	[tilespmem:s29], [sflag:$0x3] =	stream.indirect_vreg.gather [hbm4b:s20+s19], $0x80, v2, vm0, $0xb8;
	[tilespmem:$0x18900] =	vst v63  }
0x21d: {  	s30 =	simm.s32 $0x18100  }
0x21e: {  	[tilespmem:s30], [sflag:$0x3] =	stream.indirect_vreg.gather [hbm4b:s21+s19], $0x80, v2, vm0, $0xb8;
	[tilespmem:$0x18900] =	vst v63  }
0x21f: {  	_ =	swait.ge [sflag:s0], $0x8000  }
0x220: {  	[sflag:s0] =	ssyncset.done $0x0  }
0x221: {  	[sflag:s0] =	ssyncadd.s32 $0xFFFF8000  }
0x222: {  	v2 =	vld [tilespmem:$0x80];
	_ =	sdelay $0x4  }
0x223: {  	(v2sf) =	vpush v2, $0x4;
	_ =	sdelay $0xe  }
0x224: {  	s31 =	spop (v2sf)  }
0x225: {  	p0 =	seq.s32 s31, $0x0  }
.Ltmp14:
0x226: {  	_ = 	snop;
	(pc) =	sbr.rel @p0 .LBB2_21-.Ltmp14, $2  }
0x227: {  	_ =	sdelay $0x2  }
0x228: {  	s25 =	simm.s32 $0x0  }
.LBB2_18:
0x229: {  	s26 =	sshll.u32 s25, $0x7  }
0x22a: {  	v2 =	vmov s26;
	_ =	sdelay $0x1  }
0x22b: {  	s26 =	sshll.u32 s25, $0x4  }
0x22c: {  	s28 =	sand.u32 $0x40, s19;
	s29 =	sand.u32 $0x7C00, s19;
	s26 =	sand.u32 $0x3FFFFFF0, s26  }
0x22d: {  	s28 =	sor.u32 s28, s29;
	v3 =	vld [tilespmem:s26+$0x300]  }
0x22e: {  	v4 =	vld.idx.msk [tilespmem:v2+s28+$0x8900 ss:$0x1], $0xffff;
	_ =	sdelay $0x4  }
0x22f: {  	v4 =	vmul.f32 v4, v3;
	_ =	sdelay $0x1  }
0x230: {  	[tilespmem:v2+s28+$0x8900 ss:$0x1] =	vst.idx.msk $0xffff, v4  }
0x231: {  	v4 =	vld.idx.msk [tilespmem:v2+s28+$0x8910 ss:$0x1], $0xffff;
	_ =	sdelay $0x4  }
0x232: {  	v4 =	vmul.f32 v4, v3;
	_ =	sdelay $0x1  }
0x233: {  	[tilespmem:v2+s28+$0x8910 ss:$0x1] =	vst.idx.msk $0xffff, v4  }
0x234: {  	v4 =	vld.idx.msk [tilespmem:v2+s28+$0x8920 ss:$0x1], $0xffff;
	_ =	sdelay $0x4  }
0x235: {  	v4 =	vmul.f32 v4, v3;
	_ =	sdelay $0x1  }
0x236: {  	[tilespmem:v2+s28+$0x8920 ss:$0x1] =	vst.idx.msk $0xffff, v4  }
0x237: {  	v4 =	vld.idx.msk [tilespmem:v2+s28+$0x8930 ss:$0x1], $0xffff;
	_ =	sdelay $0x3  }
0x238: {  	s29 =	simm.s32 $0x200;
	s26 =	simm.s32 $0x40  }
0x239: {  	s30 =	simm.s32 $0x80;
	s31 =	sand.u32 $0x40, s26;
	s26 =	sand.u32 $0x7C00, s29;
	v4 =	vmul.f32 v4, v3  }
.LBB2_19:
0x23a: {  	p0 =	sne.s32 s30, $0xFC0  }
0x23b: {  	[tilespmem:v2+s28+$0x8930 ss:$0x1] =	vst.idx.msk $0xffff, v4;
	s28 =	sor.u32 s31, s26;
	s26 =	smov.u32 s30;
	s30 =	sadd.s32 $0x40, s30  }
0x23c: {  	v4 =	vld.idx.msk [tilespmem:v2+s28+$0x8900 ss:$0x1], $0xffff;
	_ =	sdelay $0x5  }
0x23d: {  	v4 =	vmul.f32 v4, v3;
	_ =	sdelay $0x1  }
0x23e: {  	[tilespmem:v2+s28+$0x8900 ss:$0x1] =	vst.idx.msk $0xffff, v4  }
0x23f: {  	v4 =	vld.idx.msk [tilespmem:v2+s28+$0x8910 ss:$0x1], $0xffff;
	_ =	sdelay $0x5  }
0x240: {  	v4 =	vmul.f32 v4, v3;
	_ =	sdelay $0x1  }
0x241: {  	[tilespmem:v2+s28+$0x8910 ss:$0x1] =	vst.idx.msk $0xffff, v4  }
0x242: {  	v4 =	vld.idx.msk [tilespmem:v2+s28+$0x8920 ss:$0x1], $0xffff;
	_ =	sdelay $0x5  }
0x243: {  	v4 =	vmul.f32 v4, v3;
	_ =	sdelay $0x1  }
0x244: {  	[tilespmem:v2+s28+$0x8920 ss:$0x1] =	vst.idx.msk $0xffff, v4  }
0x245: {  	v4 =	vld.idx.msk [tilespmem:v2+s28+$0x8930 ss:$0x1], $0xffff;
	_ =	sdelay $0x2  }
.Ltmp15:
0x246: {  	(pc) =	sbr.rel @p0 .LBB2_19-.Ltmp15, $3  }
0x247: {  	_ =	sdelay $0x1  }
0x248: {  	s29 =	sadd.s32 $0x200, s29;
	v4 =	vmul.f32 v4, v3  }
0x249: {  	s31 =	sand.u32 $0x40, s26;
	s26 =	sand.u32 $0x7C00, s29  }
0x24a: {  	_ =	sdelay $0x3  }
0x24b: {  	s26 =	sor.u32 s31, s26;
	[tilespmem:v2+s28+$0x8930 ss:$0x1] =	vst.idx.msk $0xffff, v4  }
0x24c: {  	v4 =	vld.idx.msk [tilespmem:v2+s26+$0x8900 ss:$0x1], $0xffff;
	_ =	sdelay $0x4  }
0x24d: {  	v4 =	vmul.f32 v4, v3;
	_ =	sdelay $0x1  }
0x24e: {  	[tilespmem:v2+s26+$0x8900 ss:$0x1] =	vst.idx.msk $0xffff, v4  }
0x24f: {  	v4 =	vld.idx.msk [tilespmem:v2+s26+$0x8910 ss:$0x1], $0xffff;
	_ =	sdelay $0x4  }
0x250: {  	v4 =	vmul.f32 v4, v3;
	_ =	sdelay $0x1  }
0x251: {  	[tilespmem:v2+s26+$0x8910 ss:$0x1] =	vst.idx.msk $0xffff, v4  }
0x252: {  	v4 =	vld.idx.msk [tilespmem:v2+s26+$0x8920 ss:$0x1], $0xffff;
	_ =	sdelay $0x4  }
0x253: {  	v4 =	vmul.f32 v4, v3;
	_ =	sdelay $0x1  }
0x254: {  	[tilespmem:v2+s26+$0x8920 ss:$0x1] =	vst.idx.msk $0xffff, v4  }
0x255: {  	v4 =	vld.idx.msk [tilespmem:v2+s26+$0x8930 ss:$0x1], $0xffff  }
0x256: {  	s25 =	sadd.s32 $0x1, s25  }
0x257: {  	p0 =	sne.s32 s25, $0x8  }
.Ltmp16:
0x258: {  	_ = 	snop;
	(pc) =	sbr.rel @p0 .LBB2_18-.Ltmp16, $3  }
0x259: {  	_ = 	snop  }
0x25a: {  	v3 =	vmul.f32 v4, v3;
	_ =	sdelay $0x1  }
0x25b: {  	[tilespmem:v2+s26+$0x8930 ss:$0x1] =	vst.idx.msk $0xffff, v3  }
.LBB2_21:
0x25c: {  	s19 =	simm.s32 $0x0;
	s25 =	rddreg [dreg:$0xb];
	s26 =	simm.s32 $0x8900  }
0x25d: {  	[hbm4b:s25+s19] =	stream.linear.scatter [tilespmem:s26], [sflag:$0x5], $0x8000, $0x38;
	[tilespmem:$0x18900] =	vst v63  }
0x25e: {  	_ =	swait.ge [sflag:s4], $0x8000  }
0x25f: {  	[sflag:s4] =	ssyncset.done $0x0  }
0x260: {  	[sflag:s4] =	ssyncadd.s32 $0xFFFF8000  }
0x261: {  	v2 =	vld.msk [tilespmem:$0x30], $0xff;
	_ =	sdelay $0x4  }
0x262: {  	v3 =	vshll.u32 v2, $0x5  }
0x263: {  	v2 =	vand.u32 $0x7, v2;
	v3 =	vand.u32 $0xFFFFFF00, v3  }
0x264: {  	v2 =	vor.u32 v2, v3  }
0x265: {  	v2 =	vperm.xlane v2, v0;
	_ =	sdelay $0x1  }
0x266: {  	v2 =	vadd.s32 v1, v2;
	_ =	sdelay $0x3  }
0x267: {  	s30 =	simm.s32 $0x900  }
0x268: {  	[tilespmem:s30], [sflag:$0x1] =	stream.indirect_vreg.gather [hbm4b:s1+s19], $0x80, v2, vm0, $0xb8;
	[tilespmem:$0x18900] =	vst v63  }
0x269: {  	s31 =	simm.s32 $0x1100  }
0x26a: {  	[tilespmem:s31], [sflag:$0x1] =	stream.indirect_vreg.gather [hbm4b:s6+s19], $0x80, v2, vm0, $0xb8;
	[tilespmem:$0x18900] =	vst v63  }
0x26b: {  	s26 =	simm.s32 $0x1900  }
0x26c: {  	[tilespmem:s26], [sflag:$0x1] =	stream.indirect_vreg.gather [hbm4b:s7+s19], $0x80, v2, vm0, $0xb8;
	[tilespmem:$0x18900] =	vst v63  }
0x26d: {  	s28 =	simm.s32 $0x2100  }
0x26e: {  	[tilespmem:s28], [sflag:$0x1] =	stream.indirect_vreg.gather [hbm4b:s8+s19], $0x80, v2, vm0, $0xb8;
	[tilespmem:$0x18900] =	vst v63  }
0x26f: {  	s29 =	simm.s32 $0x2900  }
0x270: {  	[tilespmem:s29], [sflag:$0x1] =	stream.indirect_vreg.gather [hbm4b:s9+s19], $0x80, v2, vm0, $0xb8;
	[tilespmem:$0x18900] =	vst v63  }
0x271: {  	s30 =	simm.s32 $0x3100  }
0x272: {  	[tilespmem:s30], [sflag:$0x1] =	stream.indirect_vreg.gather [hbm4b:s10+s19], $0x80, v2, vm0, $0xb8;
	[tilespmem:$0x18900] =	vst v63  }
0x273: {  	s31 =	simm.s32 $0x3900  }
0x274: {  	[tilespmem:s31], [sflag:$0x1] =	stream.indirect_vreg.gather [hbm4b:s11+s19], $0x80, v2, vm0, $0xb8;
	[tilespmem:$0x18900] =	vst v63  }
0x275: {  	s26 =	simm.s32 $0x4100  }
0x276: {  	[tilespmem:s26], [sflag:$0x1] =	stream.indirect_vreg.gather [hbm4b:s12+s19], $0x80, v2, vm0, $0xb8;
	[tilespmem:$0x18900] =	vst v63  }
0x277: {  	s28 =	simm.s32 $0x4900  }
0x278: {  	[tilespmem:s28], [sflag:$0x1] =	stream.indirect_vreg.gather [hbm4b:s13+s19], $0x80, v2, vm0, $0xb8;
	[tilespmem:$0x18900] =	vst v63  }
0x279: {  	s29 =	simm.s32 $0x5100  }
0x27a: {  	[tilespmem:s29], [sflag:$0x1] =	stream.indirect_vreg.gather [hbm4b:s14+s19], $0x80, v2, vm0, $0xb8;
	[tilespmem:$0x18900] =	vst v63  }
0x27b: {  	s30 =	simm.s32 $0x5900  }
0x27c: {  	[tilespmem:s30], [sflag:$0x1] =	stream.indirect_vreg.gather [hbm4b:s15+s19], $0x80, v2, vm0, $0xb8;
	[tilespmem:$0x18900] =	vst v63  }
0x27d: {  	s31 =	simm.s32 $0x6100  }
0x27e: {  	[tilespmem:s31], [sflag:$0x1] =	stream.indirect_vreg.gather [hbm4b:s16+s19], $0x80, v2, vm0, $0xb8;
	[tilespmem:$0x18900] =	vst v63  }
0x27f: {  	s26 =	simm.s32 $0x6900  }
0x280: {  	[tilespmem:s26], [sflag:$0x1] =	stream.indirect_vreg.gather [hbm4b:s17+s19], $0x80, v2, vm0, $0xb8;
	[tilespmem:$0x18900] =	vst v63  }
0x281: {  	s28 =	simm.s32 $0x7100  }
0x282: {  	[tilespmem:s28], [sflag:$0x1] =	stream.indirect_vreg.gather [hbm4b:s18+s19], $0x80, v2, vm0, $0xb8;
	[tilespmem:$0x18900] =	vst v63  }
0x283: {  	s29 =	simm.s32 $0x7900  }
0x284: {  	[tilespmem:s29], [sflag:$0x1] =	stream.indirect_vreg.gather [hbm4b:s20+s19], $0x80, v2, vm0, $0xb8;
	[tilespmem:$0x18900] =	vst v63  }
0x285: {  	s30 =	simm.s32 $0x8100  }
0x286: {  	[tilespmem:s30], [sflag:$0x1] =	stream.indirect_vreg.gather [hbm4b:s21+s19], $0x80, v2, vm0, $0xb8;
	[tilespmem:$0x18900] =	vst v63  }
0x287: {  	_ =	swait.ge [sflag:s5], $0x8000  }
0x288: {  	[sflag:s5] =	ssyncset.done $0x0  }
0x289: {  	[sflag:s5] =	ssyncadd.s32 $0xFFFF8000  }
0x28a: {  	v2 =	vld [tilespmem:$0x80];
	_ =	sdelay $0x4  }
0x28b: {  	(v2sf) =	vpush v2, $0x5;
	_ =	sdelay $0xe  }
0x28c: {  	s31 =	spop (v2sf)  }
0x28d: {  	p0 =	seq.s32 s31, $0x0  }
.Ltmp17:
0x28e: {  	_ = 	snop;
	(pc) =	sbr.rel @p0 .LBB2_25-.Ltmp17, $2  }
0x28f: {  	_ =	sdelay $0x2  }
0x290: {  	s25 =	simm.s32 $0x0  }
.LBB2_22:
0x291: {  	s26 =	sshll.u32 s25, $0x7  }
0x292: {  	v2 =	vmov s26;
	_ =	sdelay $0x1  }
0x293: {  	s26 =	sshll.u32 s25, $0x4  }
0x294: {  	s28 =	sand.u32 $0x40, s19;
	s29 =	sand.u32 $0x7C00, s19;
	s26 =	sand.u32 $0x3FFFFFF0, s26  }
0x295: {  	s28 =	sor.u32 s28, s29;
	v3 =	vld [tilespmem:s26+$0x380]  }
0x296: {  	v4 =	vld.idx.msk [tilespmem:v2+s28+$0x10900 ss:$0x1], $0xffff;
	_ =	sdelay $0x4  }
0x297: {  	v4 =	vmul.f32 v4, v3;
	_ =	sdelay $0x1  }
0x298: {  	[tilespmem:v2+s28+$0x10900 ss:$0x1] =	vst.idx.msk $0xffff, v4  }
0x299: {  	v4 =	vld.idx.msk [tilespmem:v2+s28+$0x10910 ss:$0x1], $0xffff;
	_ =	sdelay $0x4  }
0x29a: {  	v4 =	vmul.f32 v4, v3;
	_ =	sdelay $0x1  }
0x29b: {  	[tilespmem:v2+s28+$0x10910 ss:$0x1] =	vst.idx.msk $0xffff, v4  }
0x29c: {  	v4 =	vld.idx.msk [tilespmem:v2+s28+$0x10920 ss:$0x1], $0xffff;
	_ =	sdelay $0x4  }
0x29d: {  	v4 =	vmul.f32 v4, v3;
	_ =	sdelay $0x1  }
0x29e: {  	[tilespmem:v2+s28+$0x10920 ss:$0x1] =	vst.idx.msk $0xffff, v4  }
0x29f: {  	v4 =	vld.idx.msk [tilespmem:v2+s28+$0x10930 ss:$0x1], $0xffff;
	_ =	sdelay $0x3  }
0x2a0: {  	s29 =	simm.s32 $0x200;
	s26 =	simm.s32 $0x40  }
0x2a1: {  	s30 =	simm.s32 $0x80;
	s31 =	sand.u32 $0x40, s26;
	s26 =	sand.u32 $0x7C00, s29;
	v4 =	vmul.f32 v4, v3  }
.LBB2_23:
0x2a2: {  	p0 =	sne.s32 s30, $0xFC0  }
0x2a3: {  	[tilespmem:v2+s28+$0x10930 ss:$0x1] =	vst.idx.msk $0xffff, v4;
	s28 =	sor.u32 s31, s26;
	s26 =	smov.u32 s30;
	s30 =	sadd.s32 $0x40, s30  }
0x2a4: {  	v4 =	vld.idx.msk [tilespmem:v2+s28+$0x10900 ss:$0x1], $0xffff;
	_ =	sdelay $0x5  }
0x2a5: {  	v4 =	vmul.f32 v4, v3;
	_ =	sdelay $0x1  }
0x2a6: {  	[tilespmem:v2+s28+$0x10900 ss:$0x1] =	vst.idx.msk $0xffff, v4  }
0x2a7: {  	v4 =	vld.idx.msk [tilespmem:v2+s28+$0x10910 ss:$0x1], $0xffff;
	_ =	sdelay $0x5  }
0x2a8: {  	v4 =	vmul.f32 v4, v3;
	_ =	sdelay $0x1  }
0x2a9: {  	[tilespmem:v2+s28+$0x10910 ss:$0x1] =	vst.idx.msk $0xffff, v4  }
0x2aa: {  	v4 =	vld.idx.msk [tilespmem:v2+s28+$0x10920 ss:$0x1], $0xffff;
	_ =	sdelay $0x5  }
0x2ab: {  	v4 =	vmul.f32 v4, v3;
	_ =	sdelay $0x1  }
0x2ac: {  	[tilespmem:v2+s28+$0x10920 ss:$0x1] =	vst.idx.msk $0xffff, v4  }
0x2ad: {  	v4 =	vld.idx.msk [tilespmem:v2+s28+$0x10930 ss:$0x1], $0xffff;
	_ =	sdelay $0x2  }
.Ltmp18:
0x2ae: {  	(pc) =	sbr.rel @p0 .LBB2_23-.Ltmp18, $3  }
0x2af: {  	_ =	sdelay $0x1  }
0x2b0: {  	s29 =	sadd.s32 $0x200, s29;
	v4 =	vmul.f32 v4, v3  }
0x2b1: {  	s31 =	sand.u32 $0x40, s26;
	s26 =	sand.u32 $0x7C00, s29  }
0x2b2: {  	_ =	sdelay $0x3  }
0x2b3: {  	s26 =	sor.u32 s31, s26;
	[tilespmem:v2+s28+$0x10930 ss:$0x1] =	vst.idx.msk $0xffff, v4  }
0x2b4: {  	v4 =	vld.idx.msk [tilespmem:v2+s26+$0x10900 ss:$0x1], $0xffff;
	_ =	sdelay $0x4  }
0x2b5: {  	v4 =	vmul.f32 v4, v3;
	_ =	sdelay $0x1  }
0x2b6: {  	[tilespmem:v2+s26+$0x10900 ss:$0x1] =	vst.idx.msk $0xffff, v4  }
0x2b7: {  	v4 =	vld.idx.msk [tilespmem:v2+s26+$0x10910 ss:$0x1], $0xffff;
	_ =	sdelay $0x4  }
0x2b8: {  	v4 =	vmul.f32 v4, v3;
	_ =	sdelay $0x1  }
0x2b9: {  	[tilespmem:v2+s26+$0x10910 ss:$0x1] =	vst.idx.msk $0xffff, v4  }
0x2ba: {  	v4 =	vld.idx.msk [tilespmem:v2+s26+$0x10920 ss:$0x1], $0xffff;
	_ =	sdelay $0x4  }
0x2bb: {  	v4 =	vmul.f32 v4, v3;
	_ =	sdelay $0x1  }
0x2bc: {  	[tilespmem:v2+s26+$0x10920 ss:$0x1] =	vst.idx.msk $0xffff, v4  }
0x2bd: {  	v4 =	vld.idx.msk [tilespmem:v2+s26+$0x10930 ss:$0x1], $0xffff  }
0x2be: {  	s25 =	sadd.s32 $0x1, s25  }
0x2bf: {  	p0 =	sne.s32 s25, $0x8  }
.Ltmp19:
0x2c0: {  	_ = 	snop;
	(pc) =	sbr.rel @p0 .LBB2_22-.Ltmp19, $3  }
0x2c1: {  	_ = 	snop  }
0x2c2: {  	v3 =	vmul.f32 v4, v3;
	_ =	sdelay $0x1  }
0x2c3: {  	[tilespmem:v2+s26+$0x10930 ss:$0x1] =	vst.idx.msk $0xffff, v3  }
.LBB2_25:
0x2c4: {  	s19 =	simm.s32 $0x0;
	s25 =	rddreg [dreg:$0xc];
	s26 =	simm.s32 $0x10900  }
0x2c5: {  	[hbm4b:s25+s19] =	stream.linear.scatter [tilespmem:s26], [sflag:$0x6], $0x8000, $0x38;
	[tilespmem:$0x18900] =	vst v63  }
0x2c6: {  	_ =	swait.ge [sflag:s22], $0x8000  }
0x2c7: {  	[sflag:s22] =	ssyncset.done $0x0  }
0x2c8: {  	[sflag:s22] =	ssyncadd.s32 $0xFFFF8000  }
0x2c9: {  	v2 =	vld.msk [tilespmem:$0x38], $0xff;
	_ =	sdelay $0x4  }
0x2ca: {  	v3 =	vshll.u32 v2, $0x5  }
0x2cb: {  	v2 =	vand.u32 $0x7, v2;
	v3 =	vand.u32 $0xFFFFFF00, v3  }
0x2cc: {  	v2 =	vor.u32 v2, v3  }
0x2cd: {  	v2 =	vperm.xlane v2, v0;
	_ =	sdelay $0x1  }
0x2ce: {  	v2 =	vadd.s32 v1, v2;
	_ =	sdelay $0x3  }
0x2cf: {  	s30 =	simm.s32 $0x8900  }
0x2d0: {  	[tilespmem:s30], [sflag:$0x2] =	stream.indirect_vreg.gather [hbm4b:s1+s19], $0x80, v2, vm0, $0xb8;
	[tilespmem:$0x18900] =	vst v63  }
0x2d1: {  	s31 =	simm.s32 $0x9100  }
0x2d2: {  	[tilespmem:s31], [sflag:$0x2] =	stream.indirect_vreg.gather [hbm4b:s6+s19], $0x80, v2, vm0, $0xb8;
	[tilespmem:$0x18900] =	vst v63  }
0x2d3: {  	s26 =	simm.s32 $0x9900  }
0x2d4: {  	[tilespmem:s26], [sflag:$0x2] =	stream.indirect_vreg.gather [hbm4b:s7+s19], $0x80, v2, vm0, $0xb8;
	[tilespmem:$0x18900] =	vst v63  }
0x2d5: {  	s28 =	simm.s32 $0xA100  }
0x2d6: {  	[tilespmem:s28], [sflag:$0x2] =	stream.indirect_vreg.gather [hbm4b:s8+s19], $0x80, v2, vm0, $0xb8;
	[tilespmem:$0x18900] =	vst v63  }
0x2d7: {  	s29 =	simm.s32 $0xA900  }
0x2d8: {  	[tilespmem:s29], [sflag:$0x2] =	stream.indirect_vreg.gather [hbm4b:s9+s19], $0x80, v2, vm0, $0xb8;
	[tilespmem:$0x18900] =	vst v63  }
0x2d9: {  	s30 =	simm.s32 $0xB100  }
0x2da: {  	[tilespmem:s30], [sflag:$0x2] =	stream.indirect_vreg.gather [hbm4b:s10+s19], $0x80, v2, vm0, $0xb8;
	[tilespmem:$0x18900] =	vst v63  }
0x2db: {  	s31 =	simm.s32 $0xB900  }
0x2dc: {  	[tilespmem:s31], [sflag:$0x2] =	stream.indirect_vreg.gather [hbm4b:s11+s19], $0x80, v2, vm0, $0xb8;
	[tilespmem:$0x18900] =	vst v63  }
0x2dd: {  	s26 =	simm.s32 $0xC100  }
0x2de: {  	[tilespmem:s26], [sflag:$0x2] =	stream.indirect_vreg.gather [hbm4b:s12+s19], $0x80, v2, vm0, $0xb8;
	[tilespmem:$0x18900] =	vst v63  }
0x2df: {  	s28 =	simm.s32 $0xC900  }
0x2e0: {  	[tilespmem:s28], [sflag:$0x2] =	stream.indirect_vreg.gather [hbm4b:s13+s19], $0x80, v2, vm0, $0xb8;
	[tilespmem:$0x18900] =	vst v63  }
0x2e1: {  	s29 =	simm.s32 $0xD100  }
0x2e2: {  	[tilespmem:s29], [sflag:$0x2] =	stream.indirect_vreg.gather [hbm4b:s14+s19], $0x80, v2, vm0, $0xb8;
	[tilespmem:$0x18900] =	vst v63  }
0x2e3: {  	s30 =	simm.s32 $0xD900  }
0x2e4: {  	[tilespmem:s30], [sflag:$0x2] =	stream.indirect_vreg.gather [hbm4b:s15+s19], $0x80, v2, vm0, $0xb8;
	[tilespmem:$0x18900] =	vst v63  }
0x2e5: {  	s31 =	simm.s32 $0xE100  }
0x2e6: {  	[tilespmem:s31], [sflag:$0x2] =	stream.indirect_vreg.gather [hbm4b:s16+s19], $0x80, v2, vm0, $0xb8;
	[tilespmem:$0x18900] =	vst v63  }
0x2e7: {  	s26 =	simm.s32 $0xE900  }
0x2e8: {  	[tilespmem:s26], [sflag:$0x2] =	stream.indirect_vreg.gather [hbm4b:s17+s19], $0x80, v2, vm0, $0xb8;
	[tilespmem:$0x18900] =	vst v63  }
0x2e9: {  	s28 =	simm.s32 $0xF100  }
0x2ea: {  	[tilespmem:s28], [sflag:$0x2] =	stream.indirect_vreg.gather [hbm4b:s18+s19], $0x80, v2, vm0, $0xb8;
	[tilespmem:$0x18900] =	vst v63  }
0x2eb: {  	s29 =	simm.s32 $0xF900  }
0x2ec: {  	[tilespmem:s29], [sflag:$0x2] =	stream.indirect_vreg.gather [hbm4b:s20+s19], $0x80, v2, vm0, $0xb8;
	[tilespmem:$0x18900] =	vst v63  }
0x2ed: {  	s30 =	simm.s32 $0x10100  }
0x2ee: {  	[tilespmem:s30], [sflag:$0x2] =	stream.indirect_vreg.gather [hbm4b:s21+s19], $0x80, v2, vm0, $0xb8;
	[tilespmem:$0x18900] =	vst v63  }
0x2ef: {  	_ =	swait.ge [sflag:s2], $0x8000  }
0x2f0: {  	[sflag:s2] =	ssyncset.done $0x0  }
0x2f1: {  	[sflag:s2] =	ssyncadd.s32 $0xFFFF8000  }
0x2f2: {  	v2 =	vld [tilespmem:$0x80];
	_ =	sdelay $0x4  }
0x2f3: {  	(v2sf) =	vpush v2, $0x6;
	_ =	sdelay $0xe  }
0x2f4: {  	s31 =	spop (v2sf)  }
0x2f5: {  	p0 =	seq.s32 s31, $0x0  }
.Ltmp20:
0x2f6: {  	_ = 	snop;
	(pc) =	sbr.rel @p0 .LBB2_29-.Ltmp20, $2  }
0x2f7: {  	_ =	sdelay $0x2  }
0x2f8: {  	s25 =	simm.s32 $0x0  }
.LBB2_26:
0x2f9: {  	s26 =	sshll.u32 s25, $0x7  }
0x2fa: {  	v2 =	vmov s26;
	_ =	sdelay $0x1  }
0x2fb: {  	s26 =	sshll.u32 s25, $0x4  }
0x2fc: {  	s28 =	sand.u32 $0x40, s19;
	s29 =	sand.u32 $0x7C00, s19;
	s26 =	sand.u32 $0x3FFFFFF0, s26  }
0x2fd: {  	s28 =	sor.u32 s28, s29;
	v3 =	vld [tilespmem:s26+$0x400]  }
0x2fe: {  	v4 =	vld.idx.msk [tilespmem:v2+s28+$0x900 ss:$0x1], $0xffff;
	_ =	sdelay $0x4  }
0x2ff: {  	v4 =	vmul.f32 v4, v3;
	_ =	sdelay $0x1  }
0x300: {  	[tilespmem:v2+s28+$0x900 ss:$0x1] =	vst.idx.msk $0xffff, v4  }
0x301: {  	v4 =	vld.idx.msk [tilespmem:v2+s28+$0x910 ss:$0x1], $0xffff;
	_ =	sdelay $0x4  }
0x302: {  	v4 =	vmul.f32 v4, v3;
	_ =	sdelay $0x1  }
0x303: {  	[tilespmem:v2+s28+$0x910 ss:$0x1] =	vst.idx.msk $0xffff, v4  }
0x304: {  	v4 =	vld.idx.msk [tilespmem:v2+s28+$0x920 ss:$0x1], $0xffff;
	_ =	sdelay $0x4  }
0x305: {  	v4 =	vmul.f32 v4, v3;
	_ =	sdelay $0x1  }
0x306: {  	[tilespmem:v2+s28+$0x920 ss:$0x1] =	vst.idx.msk $0xffff, v4  }
0x307: {  	v4 =	vld.idx.msk [tilespmem:v2+s28+$0x930 ss:$0x1], $0xffff;
	_ =	sdelay $0x3  }
0x308: {  	s29 =	simm.s32 $0x200;
	s26 =	simm.s32 $0x40  }
0x309: {  	s30 =	simm.s32 $0x80;
	s31 =	sand.u32 $0x40, s26;
	s26 =	sand.u32 $0x7C00, s29;
	v4 =	vmul.f32 v4, v3  }
.LBB2_27:
0x30a: {  	p0 =	sne.s32 s30, $0xFC0  }
0x30b: {  	[tilespmem:v2+s28+$0x930 ss:$0x1] =	vst.idx.msk $0xffff, v4;
	s28 =	sor.u32 s31, s26;
	s26 =	smov.u32 s30;
	s30 =	sadd.s32 $0x40, s30  }
0x30c: {  	v4 =	vld.idx.msk [tilespmem:v2+s28+$0x900 ss:$0x1], $0xffff;
	_ =	sdelay $0x5  }
0x30d: {  	v4 =	vmul.f32 v4, v3;
	_ =	sdelay $0x1  }
0x30e: {  	[tilespmem:v2+s28+$0x900 ss:$0x1] =	vst.idx.msk $0xffff, v4  }
0x30f: {  	v4 =	vld.idx.msk [tilespmem:v2+s28+$0x910 ss:$0x1], $0xffff;
	_ =	sdelay $0x5  }
0x310: {  	v4 =	vmul.f32 v4, v3;
	_ =	sdelay $0x1  }
0x311: {  	[tilespmem:v2+s28+$0x910 ss:$0x1] =	vst.idx.msk $0xffff, v4  }
0x312: {  	v4 =	vld.idx.msk [tilespmem:v2+s28+$0x920 ss:$0x1], $0xffff;
	_ =	sdelay $0x5  }
0x313: {  	v4 =	vmul.f32 v4, v3;
	_ =	sdelay $0x1  }
0x314: {  	[tilespmem:v2+s28+$0x920 ss:$0x1] =	vst.idx.msk $0xffff, v4  }
0x315: {  	v4 =	vld.idx.msk [tilespmem:v2+s28+$0x930 ss:$0x1], $0xffff;
	_ =	sdelay $0x2  }
.Ltmp21:
0x316: {  	(pc) =	sbr.rel @p0 .LBB2_27-.Ltmp21, $3  }
0x317: {  	_ =	sdelay $0x1  }
0x318: {  	s29 =	sadd.s32 $0x200, s29;
	v4 =	vmul.f32 v4, v3  }
0x319: {  	s31 =	sand.u32 $0x40, s26;
	s26 =	sand.u32 $0x7C00, s29  }
0x31a: {  	_ =	sdelay $0x3  }
0x31b: {  	s26 =	sor.u32 s31, s26;
	[tilespmem:v2+s28+$0x930 ss:$0x1] =	vst.idx.msk $0xffff, v4  }
0x31c: {  	v4 =	vld.idx.msk [tilespmem:v2+s26+$0x900 ss:$0x1], $0xffff;
	_ =	sdelay $0x4  }
0x31d: {  	v4 =	vmul.f32 v4, v3;
	_ =	sdelay $0x1  }
0x31e: {  	[tilespmem:v2+s26+$0x900 ss:$0x1] =	vst.idx.msk $0xffff, v4  }
0x31f: {  	v4 =	vld.idx.msk [tilespmem:v2+s26+$0x910 ss:$0x1], $0xffff;
	_ =	sdelay $0x4  }
0x320: {  	v4 =	vmul.f32 v4, v3;
	_ =	sdelay $0x1  }
0x321: {  	[tilespmem:v2+s26+$0x910 ss:$0x1] =	vst.idx.msk $0xffff, v4  }
0x322: {  	v4 =	vld.idx.msk [tilespmem:v2+s26+$0x920 ss:$0x1], $0xffff;
	_ =	sdelay $0x4  }
0x323: {  	v4 =	vmul.f32 v4, v3;
	_ =	sdelay $0x1  }
0x324: {  	[tilespmem:v2+s26+$0x920 ss:$0x1] =	vst.idx.msk $0xffff, v4  }
0x325: {  	v4 =	vld.idx.msk [tilespmem:v2+s26+$0x930 ss:$0x1], $0xffff  }
0x326: {  	s25 =	sadd.s32 $0x1, s25  }
0x327: {  	p0 =	sne.s32 s25, $0x8  }
.Ltmp22:
0x328: {  	_ = 	snop;
	(pc) =	sbr.rel @p0 .LBB2_26-.Ltmp22, $3  }
0x329: {  	_ = 	snop  }
0x32a: {  	v3 =	vmul.f32 v4, v3;
	_ =	sdelay $0x1  }
0x32b: {  	[tilespmem:v2+s26+$0x930 ss:$0x1] =	vst.idx.msk $0xffff, v3  }
.LBB2_29:
0x32c: {  	s19 =	simm.s32 $0x0;
	s25 =	rddreg [dreg:$0xd];
	s26 =	simm.s32 $0x900  }
0x32d: {  	[hbm4b:s25+s19] =	stream.linear.scatter [tilespmem:s26], [sflag:$0x4], $0x8000, $0x38;
	[tilespmem:$0x18900] =	vst v63  }
0x32e: {  	_ =	swait.ge [sflag:s23], $0x8000  }
0x32f: {  	[sflag:s23] =	ssyncset.done $0x0  }
0x330: {  	[sflag:s23] =	ssyncadd.s32 $0xFFFF8000  }
0x331: {  	v2 =	vld.msk [tilespmem:$0x40], $0xff;
	_ =	sdelay $0x4  }
0x332: {  	v3 =	vshll.u32 v2, $0x5  }
0x333: {  	v2 =	vand.u32 $0x7, v2;
	v3 =	vand.u32 $0xFFFFFF00, v3  }
0x334: {  	v2 =	vor.u32 v2, v3  }
0x335: {  	v2 =	vperm.xlane v2, v0;
	_ =	sdelay $0x1  }
0x336: {  	v2 =	vadd.s32 v1, v2;
	_ =	sdelay $0x3  }
0x337: {  	s30 =	simm.s32 $0x10900  }
0x338: {  	[tilespmem:s30], [sflag:$0x3] =	stream.indirect_vreg.gather [hbm4b:s1+s19], $0x80, v2, vm0, $0xb8;
	[tilespmem:$0x18900] =	vst v63  }
0x339: {  	s31 =	simm.s32 $0x11100  }
0x33a: {  	[tilespmem:s31], [sflag:$0x3] =	stream.indirect_vreg.gather [hbm4b:s6+s19], $0x80, v2, vm0, $0xb8;
	[tilespmem:$0x18900] =	vst v63  }
0x33b: {  	s26 =	simm.s32 $0x11900  }
0x33c: {  	[tilespmem:s26], [sflag:$0x3] =	stream.indirect_vreg.gather [hbm4b:s7+s19], $0x80, v2, vm0, $0xb8;
	[tilespmem:$0x18900] =	vst v63  }
0x33d: {  	s28 =	simm.s32 $0x12100  }
0x33e: {  	[tilespmem:s28], [sflag:$0x3] =	stream.indirect_vreg.gather [hbm4b:s8+s19], $0x80, v2, vm0, $0xb8;
	[tilespmem:$0x18900] =	vst v63  }
0x33f: {  	s29 =	simm.s32 $0x12900  }
0x340: {  	[tilespmem:s29], [sflag:$0x3] =	stream.indirect_vreg.gather [hbm4b:s9+s19], $0x80, v2, vm0, $0xb8;
	[tilespmem:$0x18900] =	vst v63  }
0x341: {  	s30 =	simm.s32 $0x13100  }
0x342: {  	[tilespmem:s30], [sflag:$0x3] =	stream.indirect_vreg.gather [hbm4b:s10+s19], $0x80, v2, vm0, $0xb8;
	[tilespmem:$0x18900] =	vst v63  }
0x343: {  	s31 =	simm.s32 $0x13900  }
0x344: {  	[tilespmem:s31], [sflag:$0x3] =	stream.indirect_vreg.gather [hbm4b:s11+s19], $0x80, v2, vm0, $0xb8;
	[tilespmem:$0x18900] =	vst v63  }
0x345: {  	s26 =	simm.s32 $0x14100  }
0x346: {  	[tilespmem:s26], [sflag:$0x3] =	stream.indirect_vreg.gather [hbm4b:s12+s19], $0x80, v2, vm0, $0xb8;
	[tilespmem:$0x18900] =	vst v63  }
0x347: {  	s28 =	simm.s32 $0x14900  }
0x348: {  	[tilespmem:s28], [sflag:$0x3] =	stream.indirect_vreg.gather [hbm4b:s13+s19], $0x80, v2, vm0, $0xb8;
	[tilespmem:$0x18900] =	vst v63  }
0x349: {  	s29 =	simm.s32 $0x15100  }
0x34a: {  	[tilespmem:s29], [sflag:$0x3] =	stream.indirect_vreg.gather [hbm4b:s14+s19], $0x80, v2, vm0, $0xb8;
	[tilespmem:$0x18900] =	vst v63  }
0x34b: {  	s30 =	simm.s32 $0x15900  }
0x34c: {  	[tilespmem:s30], [sflag:$0x3] =	stream.indirect_vreg.gather [hbm4b:s15+s19], $0x80, v2, vm0, $0xb8;
	[tilespmem:$0x18900] =	vst v63  }
0x34d: {  	s31 =	simm.s32 $0x16100  }
0x34e: {  	[tilespmem:s31], [sflag:$0x3] =	stream.indirect_vreg.gather [hbm4b:s16+s19], $0x80, v2, vm0, $0xb8;
	[tilespmem:$0x18900] =	vst v63  }
0x34f: {  	s26 =	simm.s32 $0x16900  }
0x350: {  	[tilespmem:s26], [sflag:$0x3] =	stream.indirect_vreg.gather [hbm4b:s17+s19], $0x80, v2, vm0, $0xb8;
	[tilespmem:$0x18900] =	vst v63  }
0x351: {  	s28 =	simm.s32 $0x17100  }
0x352: {  	[tilespmem:s28], [sflag:$0x3] =	stream.indirect_vreg.gather [hbm4b:s18+s19], $0x80, v2, vm0, $0xb8;
	[tilespmem:$0x18900] =	vst v63  }
0x353: {  	s29 =	simm.s32 $0x17900  }
0x354: {  	[tilespmem:s29], [sflag:$0x3] =	stream.indirect_vreg.gather [hbm4b:s20+s19], $0x80, v2, vm0, $0xb8;
	[tilespmem:$0x18900] =	vst v63  }
0x355: {  	s30 =	simm.s32 $0x18100  }
0x356: {  	[tilespmem:s30], [sflag:$0x3] =	stream.indirect_vreg.gather [hbm4b:s21+s19], $0x80, v2, vm0, $0xb8;
	[tilespmem:$0x18900] =	vst v63  }
0x357: {  	_ =	swait.ge [sflag:s0], $0x8000  }
0x358: {  	[sflag:s0] =	ssyncset.done $0x0  }
0x359: {  	[sflag:s0] =	ssyncadd.s32 $0xFFFF8000  }
0x35a: {  	v2 =	vld [tilespmem:$0x80];
	_ =	sdelay $0x4  }
0x35b: {  	(v2sf) =	vpush v2, $0x7;
	_ =	sdelay $0xe  }
0x35c: {  	s31 =	spop (v2sf)  }
0x35d: {  	p0 =	seq.s32 s31, $0x0  }
.Ltmp23:
0x35e: {  	_ = 	snop;
	(pc) =	sbr.rel @p0 .LBB2_33-.Ltmp23, $2  }
0x35f: {  	_ =	sdelay $0x2  }
0x360: {  	s25 =	simm.s32 $0x0  }
.LBB2_30:
0x361: {  	s26 =	sshll.u32 s25, $0x7  }
0x362: {  	v2 =	vmov s26;
	_ =	sdelay $0x1  }
0x363: {  	s26 =	sshll.u32 s25, $0x4  }
0x364: {  	s28 =	sand.u32 $0x40, s19;
	s29 =	sand.u32 $0x7C00, s19;
	s26 =	sand.u32 $0x3FFFFFF0, s26  }
0x365: {  	s28 =	sor.u32 s28, s29;
	v3 =	vld [tilespmem:s26+$0x480]  }
0x366: {  	v4 =	vld.idx.msk [tilespmem:v2+s28+$0x8900 ss:$0x1], $0xffff;
	_ =	sdelay $0x4  }
0x367: {  	v4 =	vmul.f32 v4, v3;
	_ =	sdelay $0x1  }
0x368: {  	[tilespmem:v2+s28+$0x8900 ss:$0x1] =	vst.idx.msk $0xffff, v4  }
0x369: {  	v4 =	vld.idx.msk [tilespmem:v2+s28+$0x8910 ss:$0x1], $0xffff;
	_ =	sdelay $0x4  }
0x36a: {  	v4 =	vmul.f32 v4, v3;
	_ =	sdelay $0x1  }
0x36b: {  	[tilespmem:v2+s28+$0x8910 ss:$0x1] =	vst.idx.msk $0xffff, v4  }
0x36c: {  	v4 =	vld.idx.msk [tilespmem:v2+s28+$0x8920 ss:$0x1], $0xffff;
	_ =	sdelay $0x4  }
0x36d: {  	v4 =	vmul.f32 v4, v3;
	_ =	sdelay $0x1  }
0x36e: {  	[tilespmem:v2+s28+$0x8920 ss:$0x1] =	vst.idx.msk $0xffff, v4  }
0x36f: {  	v4 =	vld.idx.msk [tilespmem:v2+s28+$0x8930 ss:$0x1], $0xffff;
	_ =	sdelay $0x3  }
0x370: {  	s29 =	simm.s32 $0x200;
	s26 =	simm.s32 $0x40  }
0x371: {  	s30 =	simm.s32 $0x80;
	s31 =	sand.u32 $0x40, s26;
	s26 =	sand.u32 $0x7C00, s29;
	v4 =	vmul.f32 v4, v3  }
.LBB2_31:
0x372: {  	p0 =	sne.s32 s30, $0xFC0  }
0x373: {  	[tilespmem:v2+s28+$0x8930 ss:$0x1] =	vst.idx.msk $0xffff, v4;
	s28 =	sor.u32 s31, s26;
	s26 =	smov.u32 s30;
	s30 =	sadd.s32 $0x40, s30  }
0x374: {  	v4 =	vld.idx.msk [tilespmem:v2+s28+$0x8900 ss:$0x1], $0xffff;
	_ =	sdelay $0x5  }
0x375: {  	v4 =	vmul.f32 v4, v3;
	_ =	sdelay $0x1  }
0x376: {  	[tilespmem:v2+s28+$0x8900 ss:$0x1] =	vst.idx.msk $0xffff, v4  }
0x377: {  	v4 =	vld.idx.msk [tilespmem:v2+s28+$0x8910 ss:$0x1], $0xffff;
	_ =	sdelay $0x5  }
0x378: {  	v4 =	vmul.f32 v4, v3;
	_ =	sdelay $0x1  }
0x379: {  	[tilespmem:v2+s28+$0x8910 ss:$0x1] =	vst.idx.msk $0xffff, v4  }
0x37a: {  	v4 =	vld.idx.msk [tilespmem:v2+s28+$0x8920 ss:$0x1], $0xffff;
	_ =	sdelay $0x5  }
0x37b: {  	v4 =	vmul.f32 v4, v3;
	_ =	sdelay $0x1  }
0x37c: {  	[tilespmem:v2+s28+$0x8920 ss:$0x1] =	vst.idx.msk $0xffff, v4  }
0x37d: {  	v4 =	vld.idx.msk [tilespmem:v2+s28+$0x8930 ss:$0x1], $0xffff;
	_ =	sdelay $0x2  }
.Ltmp24:
0x37e: {  	(pc) =	sbr.rel @p0 .LBB2_31-.Ltmp24, $3  }
0x37f: {  	_ =	sdelay $0x1  }
0x380: {  	s29 =	sadd.s32 $0x200, s29;
	v4 =	vmul.f32 v4, v3  }
0x381: {  	s31 =	sand.u32 $0x40, s26;
	s26 =	sand.u32 $0x7C00, s29  }
0x382: {  	_ =	sdelay $0x3  }
0x383: {  	s26 =	sor.u32 s31, s26;
	[tilespmem:v2+s28+$0x8930 ss:$0x1] =	vst.idx.msk $0xffff, v4  }
0x384: {  	v4 =	vld.idx.msk [tilespmem:v2+s26+$0x8900 ss:$0x1], $0xffff;
	_ =	sdelay $0x4  }
0x385: {  	v4 =	vmul.f32 v4, v3;
	_ =	sdelay $0x1  }
0x386: {  	[tilespmem:v2+s26+$0x8900 ss:$0x1] =	vst.idx.msk $0xffff, v4  }
0x387: {  	v4 =	vld.idx.msk [tilespmem:v2+s26+$0x8910 ss:$0x1], $0xffff;
	_ =	sdelay $0x4  }
0x388: {  	v4 =	vmul.f32 v4, v3;
	_ =	sdelay $0x1  }
0x389: {  	[tilespmem:v2+s26+$0x8910 ss:$0x1] =	vst.idx.msk $0xffff, v4  }
0x38a: {  	v4 =	vld.idx.msk [tilespmem:v2+s26+$0x8920 ss:$0x1], $0xffff;
	_ =	sdelay $0x4  }
0x38b: {  	v4 =	vmul.f32 v4, v3;
	_ =	sdelay $0x1  }
0x38c: {  	[tilespmem:v2+s26+$0x8920 ss:$0x1] =	vst.idx.msk $0xffff, v4  }
0x38d: {  	v4 =	vld.idx.msk [tilespmem:v2+s26+$0x8930 ss:$0x1], $0xffff  }
0x38e: {  	s25 =	sadd.s32 $0x1, s25  }
0x38f: {  	p0 =	sne.s32 s25, $0x8  }
.Ltmp25:
0x390: {  	_ = 	snop;
	(pc) =	sbr.rel @p0 .LBB2_30-.Ltmp25, $3  }
0x391: {  	_ = 	snop  }
0x392: {  	v3 =	vmul.f32 v4, v3;
	_ =	sdelay $0x1  }
0x393: {  	[tilespmem:v2+s26+$0x8930 ss:$0x1] =	vst.idx.msk $0xffff, v3  }
.LBB2_33:
0x394: {  	s19 =	simm.s32 $0x0;
	s25 =	rddreg [dreg:$0xe];
	s26 =	simm.s32 $0x8900  }
0x395: {  	[hbm4b:s25+s19] =	stream.linear.scatter [tilespmem:s26], [sflag:$0x5], $0x8000, $0x38;
	[tilespmem:$0x18900] =	vst v63  }
0x396: {  	_ =	swait.ge [sflag:s4], $0x8000  }
0x397: {  	[sflag:s4] =	ssyncset.done $0x0  }
0x398: {  	[sflag:s4] =	ssyncadd.s32 $0xFFFF8000  }
0x399: {  	v2 =	vld.msk [tilespmem:$0x48], $0xff;
	_ =	sdelay $0x4  }
0x39a: {  	v3 =	vshll.u32 v2, $0x5  }
0x39b: {  	v2 =	vand.u32 $0x7, v2;
	v3 =	vand.u32 $0xFFFFFF00, v3  }
0x39c: {  	v2 =	vor.u32 v2, v3  }
0x39d: {  	v2 =	vperm.xlane v2, v0;
	_ =	sdelay $0x1  }
0x39e: {  	v2 =	vadd.s32 v1, v2;
	_ =	sdelay $0x3  }
0x39f: {  	s30 =	simm.s32 $0x900  }
0x3a0: {  	[tilespmem:s30], [sflag:$0x1] =	stream.indirect_vreg.gather [hbm4b:s1+s19], $0x80, v2, vm0, $0xb8;
	[tilespmem:$0x18900] =	vst v63  }
0x3a1: {  	s31 =	simm.s32 $0x1100  }
0x3a2: {  	[tilespmem:s31], [sflag:$0x1] =	stream.indirect_vreg.gather [hbm4b:s6+s19], $0x80, v2, vm0, $0xb8;
	[tilespmem:$0x18900] =	vst v63  }
0x3a3: {  	s26 =	simm.s32 $0x1900  }
0x3a4: {  	[tilespmem:s26], [sflag:$0x1] =	stream.indirect_vreg.gather [hbm4b:s7+s19], $0x80, v2, vm0, $0xb8;
	[tilespmem:$0x18900] =	vst v63  }
0x3a5: {  	s28 =	simm.s32 $0x2100  }
0x3a6: {  	[tilespmem:s28], [sflag:$0x1] =	stream.indirect_vreg.gather [hbm4b:s8+s19], $0x80, v2, vm0, $0xb8;
	[tilespmem:$0x18900] =	vst v63  }
0x3a7: {  	s29 =	simm.s32 $0x2900  }
0x3a8: {  	[tilespmem:s29], [sflag:$0x1] =	stream.indirect_vreg.gather [hbm4b:s9+s19], $0x80, v2, vm0, $0xb8;
	[tilespmem:$0x18900] =	vst v63  }
0x3a9: {  	s30 =	simm.s32 $0x3100  }
0x3aa: {  	[tilespmem:s30], [sflag:$0x1] =	stream.indirect_vreg.gather [hbm4b:s10+s19], $0x80, v2, vm0, $0xb8;
	[tilespmem:$0x18900] =	vst v63  }
0x3ab: {  	s31 =	simm.s32 $0x3900  }
0x3ac: {  	[tilespmem:s31], [sflag:$0x1] =	stream.indirect_vreg.gather [hbm4b:s11+s19], $0x80, v2, vm0, $0xb8;
	[tilespmem:$0x18900] =	vst v63  }
0x3ad: {  	s26 =	simm.s32 $0x4100  }
0x3ae: {  	[tilespmem:s26], [sflag:$0x1] =	stream.indirect_vreg.gather [hbm4b:s12+s19], $0x80, v2, vm0, $0xb8;
	[tilespmem:$0x18900] =	vst v63  }
0x3af: {  	s28 =	simm.s32 $0x4900  }
0x3b0: {  	[tilespmem:s28], [sflag:$0x1] =	stream.indirect_vreg.gather [hbm4b:s13+s19], $0x80, v2, vm0, $0xb8;
	[tilespmem:$0x18900] =	vst v63  }
0x3b1: {  	s29 =	simm.s32 $0x5100  }
0x3b2: {  	[tilespmem:s29], [sflag:$0x1] =	stream.indirect_vreg.gather [hbm4b:s14+s19], $0x80, v2, vm0, $0xb8;
	[tilespmem:$0x18900] =	vst v63  }
0x3b3: {  	s30 =	simm.s32 $0x5900  }
0x3b4: {  	[tilespmem:s30], [sflag:$0x1] =	stream.indirect_vreg.gather [hbm4b:s15+s19], $0x80, v2, vm0, $0xb8;
	[tilespmem:$0x18900] =	vst v63  }
0x3b5: {  	s31 =	simm.s32 $0x6100  }
0x3b6: {  	[tilespmem:s31], [sflag:$0x1] =	stream.indirect_vreg.gather [hbm4b:s16+s19], $0x80, v2, vm0, $0xb8;
	[tilespmem:$0x18900] =	vst v63  }
0x3b7: {  	s26 =	simm.s32 $0x6900  }
0x3b8: {  	[tilespmem:s26], [sflag:$0x1] =	stream.indirect_vreg.gather [hbm4b:s17+s19], $0x80, v2, vm0, $0xb8;
	[tilespmem:$0x18900] =	vst v63  }
0x3b9: {  	s28 =	simm.s32 $0x7100  }
0x3ba: {  	[tilespmem:s28], [sflag:$0x1] =	stream.indirect_vreg.gather [hbm4b:s18+s19], $0x80, v2, vm0, $0xb8;
	[tilespmem:$0x18900] =	vst v63  }
0x3bb: {  	s29 =	simm.s32 $0x7900  }
0x3bc: {  	[tilespmem:s29], [sflag:$0x1] =	stream.indirect_vreg.gather [hbm4b:s20+s19], $0x80, v2, vm0, $0xb8;
	[tilespmem:$0x18900] =	vst v63  }
0x3bd: {  	s30 =	simm.s32 $0x8100  }
0x3be: {  	[tilespmem:s30], [sflag:$0x1] =	stream.indirect_vreg.gather [hbm4b:s21+s19], $0x80, v2, vm0, $0xb8;
	[tilespmem:$0x18900] =	vst v63  }
0x3bf: {  	_ =	swait.ge [sflag:s5], $0x8000  }
0x3c0: {  	[sflag:s5] =	ssyncset.done $0x0  }
0x3c1: {  	[sflag:s5] =	ssyncadd.s32 $0xFFFF8000  }
0x3c2: {  	v2 =	vld [tilespmem:$0x80];
	_ =	sdelay $0x4  }
0x3c3: {  	(v2sf) =	vpush v2, $0x8;
	_ =	sdelay $0xe  }
0x3c4: {  	s31 =	spop (v2sf)  }
0x3c5: {  	p0 =	seq.s32 s31, $0x0  }
.Ltmp26:
0x3c6: {  	_ = 	snop;
	(pc) =	sbr.rel @p0 .LBB2_37-.Ltmp26, $2  }
0x3c7: {  	_ =	sdelay $0x2  }
0x3c8: {  	s25 =	simm.s32 $0x0  }
.LBB2_34:
0x3c9: {  	s26 =	sshll.u32 s25, $0x7  }
0x3ca: {  	v2 =	vmov s26;
	_ =	sdelay $0x1  }
0x3cb: {  	s26 =	sshll.u32 s25, $0x4  }
0x3cc: {  	s28 =	sand.u32 $0x40, s19;
	s29 =	sand.u32 $0x7C00, s19;
	s26 =	sand.u32 $0x3FFFFFF0, s26  }
0x3cd: {  	s28 =	sor.u32 s28, s29;
	v3 =	vld [tilespmem:s26+$0x500]  }
0x3ce: {  	v4 =	vld.idx.msk [tilespmem:v2+s28+$0x10900 ss:$0x1], $0xffff;
	_ =	sdelay $0x4  }
0x3cf: {  	v4 =	vmul.f32 v4, v3;
	_ =	sdelay $0x1  }
0x3d0: {  	[tilespmem:v2+s28+$0x10900 ss:$0x1] =	vst.idx.msk $0xffff, v4  }
0x3d1: {  	v4 =	vld.idx.msk [tilespmem:v2+s28+$0x10910 ss:$0x1], $0xffff;
	_ =	sdelay $0x4  }
0x3d2: {  	v4 =	vmul.f32 v4, v3;
	_ =	sdelay $0x1  }
0x3d3: {  	[tilespmem:v2+s28+$0x10910 ss:$0x1] =	vst.idx.msk $0xffff, v4  }
0x3d4: {  	v4 =	vld.idx.msk [tilespmem:v2+s28+$0x10920 ss:$0x1], $0xffff;
	_ =	sdelay $0x4  }
0x3d5: {  	v4 =	vmul.f32 v4, v3;
	_ =	sdelay $0x1  }
0x3d6: {  	[tilespmem:v2+s28+$0x10920 ss:$0x1] =	vst.idx.msk $0xffff, v4  }
0x3d7: {  	v4 =	vld.idx.msk [tilespmem:v2+s28+$0x10930 ss:$0x1], $0xffff;
	_ =	sdelay $0x3  }
0x3d8: {  	s29 =	simm.s32 $0x200;
	s26 =	simm.s32 $0x40  }
0x3d9: {  	s30 =	simm.s32 $0x80;
	s31 =	sand.u32 $0x40, s26;
	s26 =	sand.u32 $0x7C00, s29;
	v4 =	vmul.f32 v4, v3  }
.LBB2_35:
0x3da: {  	p0 =	sne.s32 s30, $0xFC0  }
0x3db: {  	[tilespmem:v2+s28+$0x10930 ss:$0x1] =	vst.idx.msk $0xffff, v4;
	s28 =	sor.u32 s31, s26;
	s26 =	smov.u32 s30;
	s30 =	sadd.s32 $0x40, s30  }
0x3dc: {  	v4 =	vld.idx.msk [tilespmem:v2+s28+$0x10900 ss:$0x1], $0xffff;
	_ =	sdelay $0x5  }
0x3dd: {  	v4 =	vmul.f32 v4, v3;
	_ =	sdelay $0x1  }
0x3de: {  	[tilespmem:v2+s28+$0x10900 ss:$0x1] =	vst.idx.msk $0xffff, v4  }
0x3df: {  	v4 =	vld.idx.msk [tilespmem:v2+s28+$0x10910 ss:$0x1], $0xffff;
	_ =	sdelay $0x5  }
0x3e0: {  	v4 =	vmul.f32 v4, v3;
	_ =	sdelay $0x1  }
0x3e1: {  	[tilespmem:v2+s28+$0x10910 ss:$0x1] =	vst.idx.msk $0xffff, v4  }
0x3e2: {  	v4 =	vld.idx.msk [tilespmem:v2+s28+$0x10920 ss:$0x1], $0xffff;
	_ =	sdelay $0x5  }
0x3e3: {  	v4 =	vmul.f32 v4, v3;
	_ =	sdelay $0x1  }
0x3e4: {  	[tilespmem:v2+s28+$0x10920 ss:$0x1] =	vst.idx.msk $0xffff, v4  }
0x3e5: {  	v4 =	vld.idx.msk [tilespmem:v2+s28+$0x10930 ss:$0x1], $0xffff;
	_ =	sdelay $0x2  }
.Ltmp27:
0x3e6: {  	(pc) =	sbr.rel @p0 .LBB2_35-.Ltmp27, $3  }
0x3e7: {  	_ =	sdelay $0x1  }
0x3e8: {  	s29 =	sadd.s32 $0x200, s29;
	v4 =	vmul.f32 v4, v3  }
0x3e9: {  	s31 =	sand.u32 $0x40, s26;
	s26 =	sand.u32 $0x7C00, s29  }
0x3ea: {  	_ =	sdelay $0x3  }
0x3eb: {  	s26 =	sor.u32 s31, s26;
	[tilespmem:v2+s28+$0x10930 ss:$0x1] =	vst.idx.msk $0xffff, v4  }
0x3ec: {  	v4 =	vld.idx.msk [tilespmem:v2+s26+$0x10900 ss:$0x1], $0xffff;
	_ =	sdelay $0x4  }
0x3ed: {  	v4 =	vmul.f32 v4, v3;
	_ =	sdelay $0x1  }
0x3ee: {  	[tilespmem:v2+s26+$0x10900 ss:$0x1] =	vst.idx.msk $0xffff, v4  }
0x3ef: {  	v4 =	vld.idx.msk [tilespmem:v2+s26+$0x10910 ss:$0x1], $0xffff;
	_ =	sdelay $0x4  }
0x3f0: {  	v4 =	vmul.f32 v4, v3;
	_ =	sdelay $0x1  }
0x3f1: {  	[tilespmem:v2+s26+$0x10910 ss:$0x1] =	vst.idx.msk $0xffff, v4  }
0x3f2: {  	v4 =	vld.idx.msk [tilespmem:v2+s26+$0x10920 ss:$0x1], $0xffff;
	_ =	sdelay $0x4  }
0x3f3: {  	v4 =	vmul.f32 v4, v3;
	_ =	sdelay $0x1  }
0x3f4: {  	[tilespmem:v2+s26+$0x10920 ss:$0x1] =	vst.idx.msk $0xffff, v4  }
0x3f5: {  	v4 =	vld.idx.msk [tilespmem:v2+s26+$0x10930 ss:$0x1], $0xffff  }
0x3f6: {  	s25 =	sadd.s32 $0x1, s25  }
0x3f7: {  	p0 =	sne.s32 s25, $0x8  }
.Ltmp28:
0x3f8: {  	_ = 	snop;
	(pc) =	sbr.rel @p0 .LBB2_34-.Ltmp28, $3  }
0x3f9: {  	_ = 	snop  }
0x3fa: {  	v3 =	vmul.f32 v4, v3;
	_ =	sdelay $0x1  }
0x3fb: {  	[tilespmem:v2+s26+$0x10930 ss:$0x1] =	vst.idx.msk $0xffff, v3  }
.LBB2_37:
0x3fc: {  	s19 =	simm.s32 $0x0;
	s25 =	rddreg [dreg:$0xf];
	s26 =	simm.s32 $0x10900  }
0x3fd: {  	[hbm4b:s25+s19] =	stream.linear.scatter [tilespmem:s26], [sflag:$0x6], $0x8000, $0x38;
	[tilespmem:$0x18900] =	vst v63  }
0x3fe: {  	_ =	swait.ge [sflag:s22], $0x8000  }
0x3ff: {  	[sflag:s22] =	ssyncset.done $0x0  }
0x400: {  	[sflag:s22] =	ssyncadd.s32 $0xFFFF8000  }
0x401: {  	v2 =	vld.msk [tilespmem:$0x50], $0xff;
	_ =	sdelay $0x4  }
0x402: {  	v3 =	vshll.u32 v2, $0x5  }
0x403: {  	v2 =	vand.u32 $0x7, v2;
	v3 =	vand.u32 $0xFFFFFF00, v3  }
0x404: {  	v2 =	vor.u32 v2, v3  }
0x405: {  	v2 =	vperm.xlane v2, v0;
	_ =	sdelay $0x1  }
0x406: {  	v2 =	vadd.s32 v1, v2;
	_ =	sdelay $0x3  }
0x407: {  	s30 =	simm.s32 $0x8900  }
0x408: {  	[tilespmem:s30], [sflag:$0x2] =	stream.indirect_vreg.gather [hbm4b:s1+s19], $0x80, v2, vm0, $0xb8;
	[tilespmem:$0x18900] =	vst v63  }
0x409: {  	s31 =	simm.s32 $0x9100  }
0x40a: {  	[tilespmem:s31], [sflag:$0x2] =	stream.indirect_vreg.gather [hbm4b:s6+s19], $0x80, v2, vm0, $0xb8;
	[tilespmem:$0x18900] =	vst v63  }
0x40b: {  	s26 =	simm.s32 $0x9900  }
0x40c: {  	[tilespmem:s26], [sflag:$0x2] =	stream.indirect_vreg.gather [hbm4b:s7+s19], $0x80, v2, vm0, $0xb8;
	[tilespmem:$0x18900] =	vst v63  }
0x40d: {  	s28 =	simm.s32 $0xA100  }
0x40e: {  	[tilespmem:s28], [sflag:$0x2] =	stream.indirect_vreg.gather [hbm4b:s8+s19], $0x80, v2, vm0, $0xb8;
	[tilespmem:$0x18900] =	vst v63  }
0x40f: {  	s29 =	simm.s32 $0xA900  }
0x410: {  	[tilespmem:s29], [sflag:$0x2] =	stream.indirect_vreg.gather [hbm4b:s9+s19], $0x80, v2, vm0, $0xb8;
	[tilespmem:$0x18900] =	vst v63  }
0x411: {  	s30 =	simm.s32 $0xB100  }
0x412: {  	[tilespmem:s30], [sflag:$0x2] =	stream.indirect_vreg.gather [hbm4b:s10+s19], $0x80, v2, vm0, $0xb8;
	[tilespmem:$0x18900] =	vst v63  }
0x413: {  	s31 =	simm.s32 $0xB900  }
0x414: {  	[tilespmem:s31], [sflag:$0x2] =	stream.indirect_vreg.gather [hbm4b:s11+s19], $0x80, v2, vm0, $0xb8;
	[tilespmem:$0x18900] =	vst v63  }
0x415: {  	s26 =	simm.s32 $0xC100  }
0x416: {  	[tilespmem:s26], [sflag:$0x2] =	stream.indirect_vreg.gather [hbm4b:s12+s19], $0x80, v2, vm0, $0xb8;
	[tilespmem:$0x18900] =	vst v63  }
0x417: {  	s28 =	simm.s32 $0xC900  }
0x418: {  	[tilespmem:s28], [sflag:$0x2] =	stream.indirect_vreg.gather [hbm4b:s13+s19], $0x80, v2, vm0, $0xb8;
	[tilespmem:$0x18900] =	vst v63  }
0x419: {  	s29 =	simm.s32 $0xD100  }
0x41a: {  	[tilespmem:s29], [sflag:$0x2] =	stream.indirect_vreg.gather [hbm4b:s14+s19], $0x80, v2, vm0, $0xb8;
	[tilespmem:$0x18900] =	vst v63  }
0x41b: {  	s30 =	simm.s32 $0xD900  }
0x41c: {  	[tilespmem:s30], [sflag:$0x2] =	stream.indirect_vreg.gather [hbm4b:s15+s19], $0x80, v2, vm0, $0xb8;
	[tilespmem:$0x18900] =	vst v63  }
0x41d: {  	s31 =	simm.s32 $0xE100  }
0x41e: {  	[tilespmem:s31], [sflag:$0x2] =	stream.indirect_vreg.gather [hbm4b:s16+s19], $0x80, v2, vm0, $0xb8;
	[tilespmem:$0x18900] =	vst v63  }
0x41f: {  	s26 =	simm.s32 $0xE900  }
0x420: {  	[tilespmem:s26], [sflag:$0x2] =	stream.indirect_vreg.gather [hbm4b:s17+s19], $0x80, v2, vm0, $0xb8;
	[tilespmem:$0x18900] =	vst v63  }
0x421: {  	s28 =	simm.s32 $0xF100  }
0x422: {  	[tilespmem:s28], [sflag:$0x2] =	stream.indirect_vreg.gather [hbm4b:s18+s19], $0x80, v2, vm0, $0xb8;
	[tilespmem:$0x18900] =	vst v63  }
0x423: {  	s29 =	simm.s32 $0xF900  }
0x424: {  	[tilespmem:s29], [sflag:$0x2] =	stream.indirect_vreg.gather [hbm4b:s20+s19], $0x80, v2, vm0, $0xb8;
	[tilespmem:$0x18900] =	vst v63  }
0x425: {  	s30 =	simm.s32 $0x10100  }
0x426: {  	[tilespmem:s30], [sflag:$0x2] =	stream.indirect_vreg.gather [hbm4b:s21+s19], $0x80, v2, vm0, $0xb8;
	[tilespmem:$0x18900] =	vst v63  }
0x427: {  	_ =	swait.ge [sflag:s2], $0x8000  }
0x428: {  	[sflag:s2] =	ssyncset.done $0x0  }
0x429: {  	[sflag:s2] =	ssyncadd.s32 $0xFFFF8000  }
0x42a: {  	v2 =	vld [tilespmem:$0x80];
	_ =	sdelay $0x4  }
0x42b: {  	(v2sf) =	vpush v2, $0x9;
	_ =	sdelay $0xe  }
0x42c: {  	s31 =	spop (v2sf)  }
0x42d: {  	p0 =	seq.s32 s31, $0x0  }
.Ltmp29:
0x42e: {  	_ = 	snop;
	(pc) =	sbr.rel @p0 .LBB2_41-.Ltmp29, $2  }
0x42f: {  	_ =	sdelay $0x2  }
0x430: {  	s25 =	simm.s32 $0x0  }
.LBB2_38:
0x431: {  	s26 =	sshll.u32 s25, $0x7  }
0x432: {  	v2 =	vmov s26;
	_ =	sdelay $0x1  }
0x433: {  	s26 =	sshll.u32 s25, $0x4  }
0x434: {  	s28 =	sand.u32 $0x40, s19;
	s29 =	sand.u32 $0x7C00, s19;
	s26 =	sand.u32 $0x3FFFFFF0, s26  }
0x435: {  	s28 =	sor.u32 s28, s29;
	v3 =	vld [tilespmem:s26+$0x580]  }
0x436: {  	v4 =	vld.idx.msk [tilespmem:v2+s28+$0x900 ss:$0x1], $0xffff;
	_ =	sdelay $0x4  }
0x437: {  	v4 =	vmul.f32 v4, v3;
	_ =	sdelay $0x1  }
0x438: {  	[tilespmem:v2+s28+$0x900 ss:$0x1] =	vst.idx.msk $0xffff, v4  }
0x439: {  	v4 =	vld.idx.msk [tilespmem:v2+s28+$0x910 ss:$0x1], $0xffff;
	_ =	sdelay $0x4  }
0x43a: {  	v4 =	vmul.f32 v4, v3;
	_ =	sdelay $0x1  }
0x43b: {  	[tilespmem:v2+s28+$0x910 ss:$0x1] =	vst.idx.msk $0xffff, v4  }
0x43c: {  	v4 =	vld.idx.msk [tilespmem:v2+s28+$0x920 ss:$0x1], $0xffff;
	_ =	sdelay $0x4  }
0x43d: {  	v4 =	vmul.f32 v4, v3;
	_ =	sdelay $0x1  }
0x43e: {  	[tilespmem:v2+s28+$0x920 ss:$0x1] =	vst.idx.msk $0xffff, v4  }
0x43f: {  	v4 =	vld.idx.msk [tilespmem:v2+s28+$0x930 ss:$0x1], $0xffff;
	_ =	sdelay $0x3  }
0x440: {  	s29 =	simm.s32 $0x200;
	s26 =	simm.s32 $0x40  }
0x441: {  	s30 =	simm.s32 $0x80;
	s31 =	sand.u32 $0x40, s26;
	s26 =	sand.u32 $0x7C00, s29;
	v4 =	vmul.f32 v4, v3  }
.LBB2_39:
0x442: {  	p0 =	sne.s32 s30, $0xFC0  }
0x443: {  	[tilespmem:v2+s28+$0x930 ss:$0x1] =	vst.idx.msk $0xffff, v4;
	s28 =	sor.u32 s31, s26;
	s26 =	smov.u32 s30;
	s30 =	sadd.s32 $0x40, s30  }
0x444: {  	v4 =	vld.idx.msk [tilespmem:v2+s28+$0x900 ss:$0x1], $0xffff;
	_ =	sdelay $0x5  }
0x445: {  	v4 =	vmul.f32 v4, v3;
	_ =	sdelay $0x1  }
0x446: {  	[tilespmem:v2+s28+$0x900 ss:$0x1] =	vst.idx.msk $0xffff, v4  }
0x447: {  	v4 =	vld.idx.msk [tilespmem:v2+s28+$0x910 ss:$0x1], $0xffff;
	_ =	sdelay $0x5  }
0x448: {  	v4 =	vmul.f32 v4, v3;
	_ =	sdelay $0x1  }
0x449: {  	[tilespmem:v2+s28+$0x910 ss:$0x1] =	vst.idx.msk $0xffff, v4  }
0x44a: {  	v4 =	vld.idx.msk [tilespmem:v2+s28+$0x920 ss:$0x1], $0xffff;
	_ =	sdelay $0x5  }
0x44b: {  	v4 =	vmul.f32 v4, v3;
	_ =	sdelay $0x1  }
0x44c: {  	[tilespmem:v2+s28+$0x920 ss:$0x1] =	vst.idx.msk $0xffff, v4  }
0x44d: {  	v4 =	vld.idx.msk [tilespmem:v2+s28+$0x930 ss:$0x1], $0xffff;
	_ =	sdelay $0x2  }
.Ltmp30:
0x44e: {  	(pc) =	sbr.rel @p0 .LBB2_39-.Ltmp30, $3  }
0x44f: {  	_ =	sdelay $0x1  }
0x450: {  	s29 =	sadd.s32 $0x200, s29;
	v4 =	vmul.f32 v4, v3  }
0x451: {  	s31 =	sand.u32 $0x40, s26;
	s26 =	sand.u32 $0x7C00, s29  }
0x452: {  	_ =	sdelay $0x3  }
0x453: {  	s26 =	sor.u32 s31, s26;
	[tilespmem:v2+s28+$0x930 ss:$0x1] =	vst.idx.msk $0xffff, v4  }
0x454: {  	v4 =	vld.idx.msk [tilespmem:v2+s26+$0x900 ss:$0x1], $0xffff;
	_ =	sdelay $0x4  }
0x455: {  	v4 =	vmul.f32 v4, v3;
	_ =	sdelay $0x1  }
0x456: {  	[tilespmem:v2+s26+$0x900 ss:$0x1] =	vst.idx.msk $0xffff, v4  }
0x457: {  	v4 =	vld.idx.msk [tilespmem:v2+s26+$0x910 ss:$0x1], $0xffff;
	_ =	sdelay $0x4  }
0x458: {  	v4 =	vmul.f32 v4, v3;
	_ =	sdelay $0x1  }
0x459: {  	[tilespmem:v2+s26+$0x910 ss:$0x1] =	vst.idx.msk $0xffff, v4  }
0x45a: {  	v4 =	vld.idx.msk [tilespmem:v2+s26+$0x920 ss:$0x1], $0xffff;
	_ =	sdelay $0x4  }
0x45b: {  	v4 =	vmul.f32 v4, v3;
	_ =	sdelay $0x1  }
0x45c: {  	[tilespmem:v2+s26+$0x920 ss:$0x1] =	vst.idx.msk $0xffff, v4  }
0x45d: {  	v4 =	vld.idx.msk [tilespmem:v2+s26+$0x930 ss:$0x1], $0xffff  }
0x45e: {  	s25 =	sadd.s32 $0x1, s25  }
0x45f: {  	p0 =	sne.s32 s25, $0x8  }
.Ltmp31:
0x460: {  	_ = 	snop;
	(pc) =	sbr.rel @p0 .LBB2_38-.Ltmp31, $3  }
0x461: {  	_ = 	snop  }
0x462: {  	v3 =	vmul.f32 v4, v3;
	_ =	sdelay $0x1  }
0x463: {  	[tilespmem:v2+s26+$0x930 ss:$0x1] =	vst.idx.msk $0xffff, v3  }
.LBB2_41:
0x464: {  	s19 =	simm.s32 $0x0;
	s25 =	rddreg [dreg:$0x10];
	s26 =	simm.s32 $0x900  }
0x465: {  	[hbm4b:s25+s19] =	stream.linear.scatter [tilespmem:s26], [sflag:$0x4], $0x8000, $0x38;
	[tilespmem:$0x18900] =	vst v63  }
0x466: {  	_ =	swait.ge [sflag:s23], $0x8000  }
0x467: {  	[sflag:s23] =	ssyncset.done $0x0  }
0x468: {  	[sflag:s23] =	ssyncadd.s32 $0xFFFF8000  }
0x469: {  	v2 =	vld.msk [tilespmem:$0x58], $0xff;
	_ =	sdelay $0x4  }
0x46a: {  	v3 =	vshll.u32 v2, $0x5  }
0x46b: {  	v2 =	vand.u32 $0x7, v2;
	v3 =	vand.u32 $0xFFFFFF00, v3  }
0x46c: {  	v2 =	vor.u32 v2, v3  }
0x46d: {  	v2 =	vperm.xlane v2, v0;
	_ =	sdelay $0x1  }
0x46e: {  	v2 =	vadd.s32 v1, v2;
	_ =	sdelay $0x3  }
0x46f: {  	s30 =	simm.s32 $0x10900  }
0x470: {  	[tilespmem:s30], [sflag:$0x3] =	stream.indirect_vreg.gather [hbm4b:s1+s19], $0x80, v2, vm0, $0xb8;
	[tilespmem:$0x18900] =	vst v63  }
0x471: {  	s31 =	simm.s32 $0x11100  }
0x472: {  	[tilespmem:s31], [sflag:$0x3] =	stream.indirect_vreg.gather [hbm4b:s6+s19], $0x80, v2, vm0, $0xb8;
	[tilespmem:$0x18900] =	vst v63  }
0x473: {  	s26 =	simm.s32 $0x11900  }
0x474: {  	[tilespmem:s26], [sflag:$0x3] =	stream.indirect_vreg.gather [hbm4b:s7+s19], $0x80, v2, vm0, $0xb8;
	[tilespmem:$0x18900] =	vst v63  }
0x475: {  	s28 =	simm.s32 $0x12100  }
0x476: {  	[tilespmem:s28], [sflag:$0x3] =	stream.indirect_vreg.gather [hbm4b:s8+s19], $0x80, v2, vm0, $0xb8;
	[tilespmem:$0x18900] =	vst v63  }
0x477: {  	s29 =	simm.s32 $0x12900  }
0x478: {  	[tilespmem:s29], [sflag:$0x3] =	stream.indirect_vreg.gather [hbm4b:s9+s19], $0x80, v2, vm0, $0xb8;
	[tilespmem:$0x18900] =	vst v63  }
0x479: {  	s30 =	simm.s32 $0x13100  }
0x47a: {  	[tilespmem:s30], [sflag:$0x3] =	stream.indirect_vreg.gather [hbm4b:s10+s19], $0x80, v2, vm0, $0xb8;
	[tilespmem:$0x18900] =	vst v63  }
0x47b: {  	s31 =	simm.s32 $0x13900  }
0x47c: {  	[tilespmem:s31], [sflag:$0x3] =	stream.indirect_vreg.gather [hbm4b:s11+s19], $0x80, v2, vm0, $0xb8;
	[tilespmem:$0x18900] =	vst v63  }
0x47d: {  	s26 =	simm.s32 $0x14100  }
0x47e: {  	[tilespmem:s26], [sflag:$0x3] =	stream.indirect_vreg.gather [hbm4b:s12+s19], $0x80, v2, vm0, $0xb8;
	[tilespmem:$0x18900] =	vst v63  }
0x47f: {  	s28 =	simm.s32 $0x14900  }
0x480: {  	[tilespmem:s28], [sflag:$0x3] =	stream.indirect_vreg.gather [hbm4b:s13+s19], $0x80, v2, vm0, $0xb8;
	[tilespmem:$0x18900] =	vst v63  }
0x481: {  	s29 =	simm.s32 $0x15100  }
0x482: {  	[tilespmem:s29], [sflag:$0x3] =	stream.indirect_vreg.gather [hbm4b:s14+s19], $0x80, v2, vm0, $0xb8;
	[tilespmem:$0x18900] =	vst v63  }
0x483: {  	s30 =	simm.s32 $0x15900  }
0x484: {  	[tilespmem:s30], [sflag:$0x3] =	stream.indirect_vreg.gather [hbm4b:s15+s19], $0x80, v2, vm0, $0xb8;
	[tilespmem:$0x18900] =	vst v63  }
0x485: {  	s31 =	simm.s32 $0x16100  }
0x486: {  	[tilespmem:s31], [sflag:$0x3] =	stream.indirect_vreg.gather [hbm4b:s16+s19], $0x80, v2, vm0, $0xb8;
	[tilespmem:$0x18900] =	vst v63  }
0x487: {  	s26 =	simm.s32 $0x16900  }
0x488: {  	[tilespmem:s26], [sflag:$0x3] =	stream.indirect_vreg.gather [hbm4b:s17+s19], $0x80, v2, vm0, $0xb8;
	[tilespmem:$0x18900] =	vst v63  }
0x489: {  	s28 =	simm.s32 $0x17100  }
0x48a: {  	[tilespmem:s28], [sflag:$0x3] =	stream.indirect_vreg.gather [hbm4b:s18+s19], $0x80, v2, vm0, $0xb8;
	[tilespmem:$0x18900] =	vst v63  }
0x48b: {  	s29 =	simm.s32 $0x17900  }
0x48c: {  	[tilespmem:s29], [sflag:$0x3] =	stream.indirect_vreg.gather [hbm4b:s20+s19], $0x80, v2, vm0, $0xb8;
	[tilespmem:$0x18900] =	vst v63  }
0x48d: {  	s30 =	simm.s32 $0x18100  }
0x48e: {  	[tilespmem:s30], [sflag:$0x3] =	stream.indirect_vreg.gather [hbm4b:s21+s19], $0x80, v2, vm0, $0xb8;
	[tilespmem:$0x18900] =	vst v63  }
0x48f: {  	_ =	swait.ge [sflag:s0], $0x8000  }
0x490: {  	[sflag:s0] =	ssyncset.done $0x0  }
0x491: {  	[sflag:s0] =	ssyncadd.s32 $0xFFFF8000  }
0x492: {  	v2 =	vld [tilespmem:$0x80];
	_ =	sdelay $0x4  }
0x493: {  	(v2sf) =	vpush v2, $0xA;
	_ =	sdelay $0xe  }
0x494: {  	s31 =	spop (v2sf)  }
0x495: {  	p0 =	seq.s32 s31, $0x0  }
.Ltmp32:
0x496: {  	_ = 	snop;
	(pc) =	sbr.rel @p0 .LBB2_45-.Ltmp32, $2  }
0x497: {  	_ =	sdelay $0x2  }
0x498: {  	s25 =	simm.s32 $0x0  }
.LBB2_42:
0x499: {  	s26 =	sshll.u32 s25, $0x7  }
0x49a: {  	v2 =	vmov s26;
	_ =	sdelay $0x1  }
0x49b: {  	s26 =	sshll.u32 s25, $0x4  }
0x49c: {  	s28 =	sand.u32 $0x40, s19;
	s29 =	sand.u32 $0x7C00, s19;
	s26 =	sand.u32 $0x3FFFFFF0, s26  }
0x49d: {  	s28 =	sor.u32 s28, s29;
	v3 =	vld [tilespmem:s26+$0x600]  }
0x49e: {  	v4 =	vld.idx.msk [tilespmem:v2+s28+$0x8900 ss:$0x1], $0xffff;
	_ =	sdelay $0x4  }
0x49f: {  	v4 =	vmul.f32 v4, v3;
	_ =	sdelay $0x1  }
0x4a0: {  	[tilespmem:v2+s28+$0x8900 ss:$0x1] =	vst.idx.msk $0xffff, v4  }
0x4a1: {  	v4 =	vld.idx.msk [tilespmem:v2+s28+$0x8910 ss:$0x1], $0xffff;
	_ =	sdelay $0x4  }
0x4a2: {  	v4 =	vmul.f32 v4, v3;
	_ =	sdelay $0x1  }
0x4a3: {  	[tilespmem:v2+s28+$0x8910 ss:$0x1] =	vst.idx.msk $0xffff, v4  }
0x4a4: {  	v4 =	vld.idx.msk [tilespmem:v2+s28+$0x8920 ss:$0x1], $0xffff;
	_ =	sdelay $0x4  }
0x4a5: {  	v4 =	vmul.f32 v4, v3;
	_ =	sdelay $0x1  }
0x4a6: {  	[tilespmem:v2+s28+$0x8920 ss:$0x1] =	vst.idx.msk $0xffff, v4  }
0x4a7: {  	v4 =	vld.idx.msk [tilespmem:v2+s28+$0x8930 ss:$0x1], $0xffff;
	_ =	sdelay $0x3  }
0x4a8: {  	s29 =	simm.s32 $0x200;
	s26 =	simm.s32 $0x40  }
0x4a9: {  	s30 =	simm.s32 $0x80;
	s31 =	sand.u32 $0x40, s26;
	s26 =	sand.u32 $0x7C00, s29;
	v4 =	vmul.f32 v4, v3  }
.LBB2_43:
0x4aa: {  	p0 =	sne.s32 s30, $0xFC0  }
0x4ab: {  	[tilespmem:v2+s28+$0x8930 ss:$0x1] =	vst.idx.msk $0xffff, v4;
	s28 =	sor.u32 s31, s26;
	s26 =	smov.u32 s30;
	s30 =	sadd.s32 $0x40, s30  }
0x4ac: {  	v4 =	vld.idx.msk [tilespmem:v2+s28+$0x8900 ss:$0x1], $0xffff;
	_ =	sdelay $0x5  }
0x4ad: {  	v4 =	vmul.f32 v4, v3;
	_ =	sdelay $0x1  }
0x4ae: {  	[tilespmem:v2+s28+$0x8900 ss:$0x1] =	vst.idx.msk $0xffff, v4  }
0x4af: {  	v4 =	vld.idx.msk [tilespmem:v2+s28+$0x8910 ss:$0x1], $0xffff;
	_ =	sdelay $0x5  }
0x4b0: {  	v4 =	vmul.f32 v4, v3;
	_ =	sdelay $0x1  }
0x4b1: {  	[tilespmem:v2+s28+$0x8910 ss:$0x1] =	vst.idx.msk $0xffff, v4  }
0x4b2: {  	v4 =	vld.idx.msk [tilespmem:v2+s28+$0x8920 ss:$0x1], $0xffff;
	_ =	sdelay $0x5  }
0x4b3: {  	v4 =	vmul.f32 v4, v3;
	_ =	sdelay $0x1  }
0x4b4: {  	[tilespmem:v2+s28+$0x8920 ss:$0x1] =	vst.idx.msk $0xffff, v4  }
0x4b5: {  	v4 =	vld.idx.msk [tilespmem:v2+s28+$0x8930 ss:$0x1], $0xffff;
	_ =	sdelay $0x2  }
.Ltmp33:
0x4b6: {  	(pc) =	sbr.rel @p0 .LBB2_43-.Ltmp33, $3  }
0x4b7: {  	_ =	sdelay $0x1  }
0x4b8: {  	s29 =	sadd.s32 $0x200, s29;
	v4 =	vmul.f32 v4, v3  }
0x4b9: {  	s31 =	sand.u32 $0x40, s26;
	s26 =	sand.u32 $0x7C00, s29  }
0x4ba: {  	_ =	sdelay $0x3  }
0x4bb: {  	s26 =	sor.u32 s31, s26;
	[tilespmem:v2+s28+$0x8930 ss:$0x1] =	vst.idx.msk $0xffff, v4  }
0x4bc: {  	v4 =	vld.idx.msk [tilespmem:v2+s26+$0x8900 ss:$0x1], $0xffff;
	_ =	sdelay $0x4  }
0x4bd: {  	v4 =	vmul.f32 v4, v3;
	_ =	sdelay $0x1  }
0x4be: {  	[tilespmem:v2+s26+$0x8900 ss:$0x1] =	vst.idx.msk $0xffff, v4  }
0x4bf: {  	v4 =	vld.idx.msk [tilespmem:v2+s26+$0x8910 ss:$0x1], $0xffff;
	_ =	sdelay $0x4  }
0x4c0: {  	v4 =	vmul.f32 v4, v3;
	_ =	sdelay $0x1  }
0x4c1: {  	[tilespmem:v2+s26+$0x8910 ss:$0x1] =	vst.idx.msk $0xffff, v4  }
0x4c2: {  	v4 =	vld.idx.msk [tilespmem:v2+s26+$0x8920 ss:$0x1], $0xffff;
	_ =	sdelay $0x4  }
0x4c3: {  	v4 =	vmul.f32 v4, v3;
	_ =	sdelay $0x1  }
0x4c4: {  	[tilespmem:v2+s26+$0x8920 ss:$0x1] =	vst.idx.msk $0xffff, v4  }
0x4c5: {  	v4 =	vld.idx.msk [tilespmem:v2+s26+$0x8930 ss:$0x1], $0xffff  }
0x4c6: {  	s25 =	sadd.s32 $0x1, s25  }
0x4c7: {  	p0 =	sne.s32 s25, $0x8  }
.Ltmp34:
0x4c8: {  	_ = 	snop;
	(pc) =	sbr.rel @p0 .LBB2_42-.Ltmp34, $3  }
0x4c9: {  	_ = 	snop  }
0x4ca: {  	v3 =	vmul.f32 v4, v3;
	_ =	sdelay $0x1  }
0x4cb: {  	[tilespmem:v2+s26+$0x8930 ss:$0x1] =	vst.idx.msk $0xffff, v3  }
.LBB2_45:
0x4cc: {  	s19 =	simm.s32 $0x0;
	s25 =	rddreg [dreg:$0x11];
	s26 =	simm.s32 $0x8900  }
0x4cd: {  	[hbm4b:s25+s19] =	stream.linear.scatter [tilespmem:s26], [sflag:$0x5], $0x8000, $0x38;
	[tilespmem:$0x18900] =	vst v63  }
0x4ce: {  	_ =	swait.ge [sflag:s4], $0x8000  }
0x4cf: {  	[sflag:s4] =	ssyncset.done $0x0  }
0x4d0: {  	[sflag:s4] =	ssyncadd.s32 $0xFFFF8000  }
0x4d1: {  	v2 =	vld.msk [tilespmem:$0x60], $0xff;
	_ =	sdelay $0x4  }
0x4d2: {  	v3 =	vshll.u32 v2, $0x5  }
0x4d3: {  	v2 =	vand.u32 $0x7, v2;
	v3 =	vand.u32 $0xFFFFFF00, v3  }
0x4d4: {  	v2 =	vor.u32 v2, v3  }
0x4d5: {  	v2 =	vperm.xlane v2, v0;
	_ =	sdelay $0x1  }
0x4d6: {  	v2 =	vadd.s32 v1, v2;
	_ =	sdelay $0x3  }
0x4d7: {  	s30 =	simm.s32 $0x900  }
0x4d8: {  	[tilespmem:s30], [sflag:$0x1] =	stream.indirect_vreg.gather [hbm4b:s1+s19], $0x80, v2, vm0, $0xb8;
	[tilespmem:$0x18900] =	vst v63  }
0x4d9: {  	s31 =	simm.s32 $0x1100  }
0x4da: {  	[tilespmem:s31], [sflag:$0x1] =	stream.indirect_vreg.gather [hbm4b:s6+s19], $0x80, v2, vm0, $0xb8;
	[tilespmem:$0x18900] =	vst v63  }
0x4db: {  	s26 =	simm.s32 $0x1900  }
0x4dc: {  	[tilespmem:s26], [sflag:$0x1] =	stream.indirect_vreg.gather [hbm4b:s7+s19], $0x80, v2, vm0, $0xb8;
	[tilespmem:$0x18900] =	vst v63  }
0x4dd: {  	s28 =	simm.s32 $0x2100  }
0x4de: {  	[tilespmem:s28], [sflag:$0x1] =	stream.indirect_vreg.gather [hbm4b:s8+s19], $0x80, v2, vm0, $0xb8;
	[tilespmem:$0x18900] =	vst v63  }
0x4df: {  	s29 =	simm.s32 $0x2900  }
0x4e0: {  	[tilespmem:s29], [sflag:$0x1] =	stream.indirect_vreg.gather [hbm4b:s9+s19], $0x80, v2, vm0, $0xb8;
	[tilespmem:$0x18900] =	vst v63  }
0x4e1: {  	s30 =	simm.s32 $0x3100  }
0x4e2: {  	[tilespmem:s30], [sflag:$0x1] =	stream.indirect_vreg.gather [hbm4b:s10+s19], $0x80, v2, vm0, $0xb8;
	[tilespmem:$0x18900] =	vst v63  }
0x4e3: {  	s31 =	simm.s32 $0x3900  }
0x4e4: {  	[tilespmem:s31], [sflag:$0x1] =	stream.indirect_vreg.gather [hbm4b:s11+s19], $0x80, v2, vm0, $0xb8;
	[tilespmem:$0x18900] =	vst v63  }
0x4e5: {  	s26 =	simm.s32 $0x4100  }
0x4e6: {  	[tilespmem:s26], [sflag:$0x1] =	stream.indirect_vreg.gather [hbm4b:s12+s19], $0x80, v2, vm0, $0xb8;
	[tilespmem:$0x18900] =	vst v63  }
0x4e7: {  	s28 =	simm.s32 $0x4900  }
0x4e8: {  	[tilespmem:s28], [sflag:$0x1] =	stream.indirect_vreg.gather [hbm4b:s13+s19], $0x80, v2, vm0, $0xb8;
	[tilespmem:$0x18900] =	vst v63  }
0x4e9: {  	s29 =	simm.s32 $0x5100  }
0x4ea: {  	[tilespmem:s29], [sflag:$0x1] =	stream.indirect_vreg.gather [hbm4b:s14+s19], $0x80, v2, vm0, $0xb8;
	[tilespmem:$0x18900] =	vst v63  }
0x4eb: {  	s30 =	simm.s32 $0x5900  }
0x4ec: {  	[tilespmem:s30], [sflag:$0x1] =	stream.indirect_vreg.gather [hbm4b:s15+s19], $0x80, v2, vm0, $0xb8;
	[tilespmem:$0x18900] =	vst v63  }
0x4ed: {  	s31 =	simm.s32 $0x6100  }
0x4ee: {  	[tilespmem:s31], [sflag:$0x1] =	stream.indirect_vreg.gather [hbm4b:s16+s19], $0x80, v2, vm0, $0xb8;
	[tilespmem:$0x18900] =	vst v63  }
0x4ef: {  	s26 =	simm.s32 $0x6900  }
0x4f0: {  	[tilespmem:s26], [sflag:$0x1] =	stream.indirect_vreg.gather [hbm4b:s17+s19], $0x80, v2, vm0, $0xb8;
	[tilespmem:$0x18900] =	vst v63  }
0x4f1: {  	s28 =	simm.s32 $0x7100  }
0x4f2: {  	[tilespmem:s28], [sflag:$0x1] =	stream.indirect_vreg.gather [hbm4b:s18+s19], $0x80, v2, vm0, $0xb8;
	[tilespmem:$0x18900] =	vst v63  }
0x4f3: {  	s29 =	simm.s32 $0x7900  }
0x4f4: {  	[tilespmem:s29], [sflag:$0x1] =	stream.indirect_vreg.gather [hbm4b:s20+s19], $0x80, v2, vm0, $0xb8;
	[tilespmem:$0x18900] =	vst v63  }
0x4f5: {  	s30 =	simm.s32 $0x8100  }
0x4f6: {  	[tilespmem:s30], [sflag:$0x1] =	stream.indirect_vreg.gather [hbm4b:s21+s19], $0x80, v2, vm0, $0xb8;
	[tilespmem:$0x18900] =	vst v63  }
0x4f7: {  	_ =	swait.ge [sflag:s5], $0x8000  }
0x4f8: {  	[sflag:s5] =	ssyncset.done $0x0  }
0x4f9: {  	[sflag:s5] =	ssyncadd.s32 $0xFFFF8000  }
0x4fa: {  	v2 =	vld [tilespmem:$0x80];
	_ =	sdelay $0x4  }
0x4fb: {  	(v2sf) =	vpush v2, $0xB;
	_ =	sdelay $0xe  }
0x4fc: {  	s31 =	spop (v2sf)  }
0x4fd: {  	p0 =	seq.s32 s31, $0x0  }
.Ltmp35:
0x4fe: {  	_ = 	snop;
	(pc) =	sbr.rel @p0 .LBB2_49-.Ltmp35, $2  }
0x4ff: {  	_ =	sdelay $0x2  }
0x500: {  	s25 =	simm.s32 $0x0  }
.LBB2_46:
0x501: {  	s26 =	sshll.u32 s25, $0x7  }
0x502: {  	v2 =	vmov s26;
	_ =	sdelay $0x1  }
0x503: {  	s26 =	sshll.u32 s25, $0x4  }
0x504: {  	s28 =	sand.u32 $0x40, s19;
	s29 =	sand.u32 $0x7C00, s19;
	s26 =	sand.u32 $0x3FFFFFF0, s26  }
0x505: {  	s28 =	sor.u32 s28, s29;
	v3 =	vld [tilespmem:s26+$0x680]  }
0x506: {  	v4 =	vld.idx.msk [tilespmem:v2+s28+$0x10900 ss:$0x1], $0xffff;
	_ =	sdelay $0x4  }
0x507: {  	v4 =	vmul.f32 v4, v3;
	_ =	sdelay $0x1  }
0x508: {  	[tilespmem:v2+s28+$0x10900 ss:$0x1] =	vst.idx.msk $0xffff, v4  }
0x509: {  	v4 =	vld.idx.msk [tilespmem:v2+s28+$0x10910 ss:$0x1], $0xffff;
	_ =	sdelay $0x4  }
0x50a: {  	v4 =	vmul.f32 v4, v3;
	_ =	sdelay $0x1  }
0x50b: {  	[tilespmem:v2+s28+$0x10910 ss:$0x1] =	vst.idx.msk $0xffff, v4  }
0x50c: {  	v4 =	vld.idx.msk [tilespmem:v2+s28+$0x10920 ss:$0x1], $0xffff;
	_ =	sdelay $0x4  }
0x50d: {  	v4 =	vmul.f32 v4, v3;
	_ =	sdelay $0x1  }
0x50e: {  	[tilespmem:v2+s28+$0x10920 ss:$0x1] =	vst.idx.msk $0xffff, v4  }
0x50f: {  	v4 =	vld.idx.msk [tilespmem:v2+s28+$0x10930 ss:$0x1], $0xffff;
	_ =	sdelay $0x3  }
0x510: {  	s29 =	simm.s32 $0x200;
	s26 =	simm.s32 $0x40  }
0x511: {  	s30 =	simm.s32 $0x80;
	s31 =	sand.u32 $0x40, s26;
	s26 =	sand.u32 $0x7C00, s29;
	v4 =	vmul.f32 v4, v3  }
.LBB2_47:
0x512: {  	p0 =	sne.s32 s30, $0xFC0  }
0x513: {  	[tilespmem:v2+s28+$0x10930 ss:$0x1] =	vst.idx.msk $0xffff, v4;
	s28 =	sor.u32 s31, s26;
	s26 =	smov.u32 s30;
	s30 =	sadd.s32 $0x40, s30  }
0x514: {  	v4 =	vld.idx.msk [tilespmem:v2+s28+$0x10900 ss:$0x1], $0xffff;
	_ =	sdelay $0x5  }
0x515: {  	v4 =	vmul.f32 v4, v3;
	_ =	sdelay $0x1  }
0x516: {  	[tilespmem:v2+s28+$0x10900 ss:$0x1] =	vst.idx.msk $0xffff, v4  }
0x517: {  	v4 =	vld.idx.msk [tilespmem:v2+s28+$0x10910 ss:$0x1], $0xffff;
	_ =	sdelay $0x5  }
0x518: {  	v4 =	vmul.f32 v4, v3;
	_ =	sdelay $0x1  }
0x519: {  	[tilespmem:v2+s28+$0x10910 ss:$0x1] =	vst.idx.msk $0xffff, v4  }
0x51a: {  	v4 =	vld.idx.msk [tilespmem:v2+s28+$0x10920 ss:$0x1], $0xffff;
	_ =	sdelay $0x5  }
0x51b: {  	v4 =	vmul.f32 v4, v3;
	_ =	sdelay $0x1  }
0x51c: {  	[tilespmem:v2+s28+$0x10920 ss:$0x1] =	vst.idx.msk $0xffff, v4  }
0x51d: {  	v4 =	vld.idx.msk [tilespmem:v2+s28+$0x10930 ss:$0x1], $0xffff;
	_ =	sdelay $0x2  }
.Ltmp36:
0x51e: {  	(pc) =	sbr.rel @p0 .LBB2_47-.Ltmp36, $3  }
0x51f: {  	_ =	sdelay $0x1  }
0x520: {  	s29 =	sadd.s32 $0x200, s29;
	v4 =	vmul.f32 v4, v3  }
0x521: {  	s31 =	sand.u32 $0x40, s26;
	s26 =	sand.u32 $0x7C00, s29  }
0x522: {  	_ =	sdelay $0x3  }
0x523: {  	s26 =	sor.u32 s31, s26;
	[tilespmem:v2+s28+$0x10930 ss:$0x1] =	vst.idx.msk $0xffff, v4  }
0x524: {  	v4 =	vld.idx.msk [tilespmem:v2+s26+$0x10900 ss:$0x1], $0xffff;
	_ =	sdelay $0x4  }
0x525: {  	v4 =	vmul.f32 v4, v3;
	_ =	sdelay $0x1  }
0x526: {  	[tilespmem:v2+s26+$0x10900 ss:$0x1] =	vst.idx.msk $0xffff, v4  }
0x527: {  	v4 =	vld.idx.msk [tilespmem:v2+s26+$0x10910 ss:$0x1], $0xffff;
	_ =	sdelay $0x4  }
0x528: {  	v4 =	vmul.f32 v4, v3;
	_ =	sdelay $0x1  }
0x529: {  	[tilespmem:v2+s26+$0x10910 ss:$0x1] =	vst.idx.msk $0xffff, v4  }
0x52a: {  	v4 =	vld.idx.msk [tilespmem:v2+s26+$0x10920 ss:$0x1], $0xffff;
	_ =	sdelay $0x4  }
0x52b: {  	v4 =	vmul.f32 v4, v3;
	_ =	sdelay $0x1  }
0x52c: {  	[tilespmem:v2+s26+$0x10920 ss:$0x1] =	vst.idx.msk $0xffff, v4  }
0x52d: {  	v4 =	vld.idx.msk [tilespmem:v2+s26+$0x10930 ss:$0x1], $0xffff  }
0x52e: {  	s25 =	sadd.s32 $0x1, s25  }
0x52f: {  	p0 =	sne.s32 s25, $0x8  }
.Ltmp37:
0x530: {  	_ = 	snop;
	(pc) =	sbr.rel @p0 .LBB2_46-.Ltmp37, $3  }
0x531: {  	_ = 	snop  }
0x532: {  	v3 =	vmul.f32 v4, v3;
	_ =	sdelay $0x1  }
0x533: {  	[tilespmem:v2+s26+$0x10930 ss:$0x1] =	vst.idx.msk $0xffff, v3  }
.LBB2_49:
0x534: {  	s19 =	simm.s32 $0x0;
	s25 =	rddreg [dreg:$0x12];
	s26 =	simm.s32 $0x10900  }
0x535: {  	[hbm4b:s25+s19] =	stream.linear.scatter [tilespmem:s26], [sflag:$0x6], $0x8000, $0x38;
	[tilespmem:$0x18900] =	vst v63  }
0x536: {  	_ =	swait.ge [sflag:s22], $0x8000  }
0x537: {  	[sflag:s22] =	ssyncset.done $0x0  }
0x538: {  	[sflag:s22] =	ssyncadd.s32 $0xFFFF8000  }
0x539: {  	v2 =	vld.msk [tilespmem:$0x68], $0xff;
	_ =	sdelay $0x4  }
0x53a: {  	v3 =	vshll.u32 v2, $0x5  }
0x53b: {  	v2 =	vand.u32 $0x7, v2;
	v3 =	vand.u32 $0xFFFFFF00, v3  }
0x53c: {  	v2 =	vor.u32 v2, v3  }
0x53d: {  	v2 =	vperm.xlane v2, v0;
	_ =	sdelay $0x1  }
0x53e: {  	v2 =	vadd.s32 v1, v2;
	_ =	sdelay $0x3  }
0x53f: {  	s30 =	simm.s32 $0x8900  }
0x540: {  	[tilespmem:s30], [sflag:$0x2] =	stream.indirect_vreg.gather [hbm4b:s1+s19], $0x80, v2, vm0, $0xb8;
	[tilespmem:$0x18900] =	vst v63  }
0x541: {  	s31 =	simm.s32 $0x9100  }
0x542: {  	[tilespmem:s31], [sflag:$0x2] =	stream.indirect_vreg.gather [hbm4b:s6+s19], $0x80, v2, vm0, $0xb8;
	[tilespmem:$0x18900] =	vst v63  }
0x543: {  	s26 =	simm.s32 $0x9900  }
0x544: {  	[tilespmem:s26], [sflag:$0x2] =	stream.indirect_vreg.gather [hbm4b:s7+s19], $0x80, v2, vm0, $0xb8;
	[tilespmem:$0x18900] =	vst v63  }
0x545: {  	s28 =	simm.s32 $0xA100  }
0x546: {  	[tilespmem:s28], [sflag:$0x2] =	stream.indirect_vreg.gather [hbm4b:s8+s19], $0x80, v2, vm0, $0xb8;
	[tilespmem:$0x18900] =	vst v63  }
0x547: {  	s29 =	simm.s32 $0xA900  }
0x548: {  	[tilespmem:s29], [sflag:$0x2] =	stream.indirect_vreg.gather [hbm4b:s9+s19], $0x80, v2, vm0, $0xb8;
	[tilespmem:$0x18900] =	vst v63  }
0x549: {  	s30 =	simm.s32 $0xB100  }
0x54a: {  	[tilespmem:s30], [sflag:$0x2] =	stream.indirect_vreg.gather [hbm4b:s10+s19], $0x80, v2, vm0, $0xb8;
	[tilespmem:$0x18900] =	vst v63  }
0x54b: {  	s31 =	simm.s32 $0xB900  }
0x54c: {  	[tilespmem:s31], [sflag:$0x2] =	stream.indirect_vreg.gather [hbm4b:s11+s19], $0x80, v2, vm0, $0xb8;
	[tilespmem:$0x18900] =	vst v63  }
0x54d: {  	s26 =	simm.s32 $0xC100  }
0x54e: {  	[tilespmem:s26], [sflag:$0x2] =	stream.indirect_vreg.gather [hbm4b:s12+s19], $0x80, v2, vm0, $0xb8;
	[tilespmem:$0x18900] =	vst v63  }
0x54f: {  	s28 =	simm.s32 $0xC900  }
0x550: {  	[tilespmem:s28], [sflag:$0x2] =	stream.indirect_vreg.gather [hbm4b:s13+s19], $0x80, v2, vm0, $0xb8;
	[tilespmem:$0x18900] =	vst v63  }
0x551: {  	s29 =	simm.s32 $0xD100  }
0x552: {  	[tilespmem:s29], [sflag:$0x2] =	stream.indirect_vreg.gather [hbm4b:s14+s19], $0x80, v2, vm0, $0xb8;
	[tilespmem:$0x18900] =	vst v63  }
0x553: {  	s30 =	simm.s32 $0xD900  }
0x554: {  	[tilespmem:s30], [sflag:$0x2] =	stream.indirect_vreg.gather [hbm4b:s15+s19], $0x80, v2, vm0, $0xb8;
	[tilespmem:$0x18900] =	vst v63  }
0x555: {  	s31 =	simm.s32 $0xE100  }
0x556: {  	[tilespmem:s31], [sflag:$0x2] =	stream.indirect_vreg.gather [hbm4b:s16+s19], $0x80, v2, vm0, $0xb8;
	[tilespmem:$0x18900] =	vst v63  }
0x557: {  	s26 =	simm.s32 $0xE900  }
0x558: {  	[tilespmem:s26], [sflag:$0x2] =	stream.indirect_vreg.gather [hbm4b:s17+s19], $0x80, v2, vm0, $0xb8;
	[tilespmem:$0x18900] =	vst v63  }
0x559: {  	s28 =	simm.s32 $0xF100  }
0x55a: {  	[tilespmem:s28], [sflag:$0x2] =	stream.indirect_vreg.gather [hbm4b:s18+s19], $0x80, v2, vm0, $0xb8;
	[tilespmem:$0x18900] =	vst v63  }
0x55b: {  	s29 =	simm.s32 $0xF900  }
0x55c: {  	[tilespmem:s29], [sflag:$0x2] =	stream.indirect_vreg.gather [hbm4b:s20+s19], $0x80, v2, vm0, $0xb8;
	[tilespmem:$0x18900] =	vst v63  }
0x55d: {  	s30 =	simm.s32 $0x10100  }
0x55e: {  	[tilespmem:s30], [sflag:$0x2] =	stream.indirect_vreg.gather [hbm4b:s21+s19], $0x80, v2, vm0, $0xb8;
	[tilespmem:$0x18900] =	vst v63  }
0x55f: {  	_ =	swait.ge [sflag:s2], $0x8000  }
0x560: {  	[sflag:s2] =	ssyncset.done $0x0  }
0x561: {  	[sflag:s2] =	ssyncadd.s32 $0xFFFF8000  }
0x562: {  	v2 =	vld [tilespmem:$0x80];
	_ =	sdelay $0x4  }
0x563: {  	(v2sf) =	vpush v2, $0xC;
	_ =	sdelay $0xe  }
0x564: {  	s31 =	spop (v2sf)  }
0x565: {  	p0 =	seq.s32 s31, $0x0  }
.Ltmp38:
0x566: {  	_ = 	snop;
	(pc) =	sbr.rel @p0 .LBB2_53-.Ltmp38, $2  }
0x567: {  	_ =	sdelay $0x2  }
0x568: {  	s25 =	simm.s32 $0x0  }
.LBB2_50:
0x569: {  	s26 =	sshll.u32 s25, $0x7  }
0x56a: {  	v2 =	vmov s26;
	_ =	sdelay $0x1  }
0x56b: {  	s26 =	sshll.u32 s25, $0x4  }
0x56c: {  	s28 =	sand.u32 $0x40, s19;
	s29 =	sand.u32 $0x7C00, s19;
	s26 =	sand.u32 $0x3FFFFFF0, s26  }
0x56d: {  	s28 =	sor.u32 s28, s29;
	v3 =	vld [tilespmem:s26+$0x700]  }
0x56e: {  	v4 =	vld.idx.msk [tilespmem:v2+s28+$0x900 ss:$0x1], $0xffff;
	_ =	sdelay $0x4  }
0x56f: {  	v4 =	vmul.f32 v4, v3;
	_ =	sdelay $0x1  }
0x570: {  	[tilespmem:v2+s28+$0x900 ss:$0x1] =	vst.idx.msk $0xffff, v4  }
0x571: {  	v4 =	vld.idx.msk [tilespmem:v2+s28+$0x910 ss:$0x1], $0xffff;
	_ =	sdelay $0x4  }
0x572: {  	v4 =	vmul.f32 v4, v3;
	_ =	sdelay $0x1  }
0x573: {  	[tilespmem:v2+s28+$0x910 ss:$0x1] =	vst.idx.msk $0xffff, v4  }
0x574: {  	v4 =	vld.idx.msk [tilespmem:v2+s28+$0x920 ss:$0x1], $0xffff;
	_ =	sdelay $0x4  }
0x575: {  	v4 =	vmul.f32 v4, v3;
	_ =	sdelay $0x1  }
0x576: {  	[tilespmem:v2+s28+$0x920 ss:$0x1] =	vst.idx.msk $0xffff, v4  }
0x577: {  	v4 =	vld.idx.msk [tilespmem:v2+s28+$0x930 ss:$0x1], $0xffff;
	_ =	sdelay $0x3  }
0x578: {  	s29 =	simm.s32 $0x200;
	s26 =	simm.s32 $0x40  }
0x579: {  	s30 =	simm.s32 $0x80;
	s31 =	sand.u32 $0x40, s26;
	s26 =	sand.u32 $0x7C00, s29;
	v4 =	vmul.f32 v4, v3  }
.LBB2_51:
0x57a: {  	p0 =	sne.s32 s30, $0xFC0  }
0x57b: {  	[tilespmem:v2+s28+$0x930 ss:$0x1] =	vst.idx.msk $0xffff, v4;
	s28 =	sor.u32 s31, s26;
	s26 =	smov.u32 s30;
	s30 =	sadd.s32 $0x40, s30  }
0x57c: {  	v4 =	vld.idx.msk [tilespmem:v2+s28+$0x900 ss:$0x1], $0xffff;
	_ =	sdelay $0x5  }
0x57d: {  	v4 =	vmul.f32 v4, v3;
	_ =	sdelay $0x1  }
0x57e: {  	[tilespmem:v2+s28+$0x900 ss:$0x1] =	vst.idx.msk $0xffff, v4  }
0x57f: {  	v4 =	vld.idx.msk [tilespmem:v2+s28+$0x910 ss:$0x1], $0xffff;
	_ =	sdelay $0x5  }
0x580: {  	v4 =	vmul.f32 v4, v3;
	_ =	sdelay $0x1  }
0x581: {  	[tilespmem:v2+s28+$0x910 ss:$0x1] =	vst.idx.msk $0xffff, v4  }
0x582: {  	v4 =	vld.idx.msk [tilespmem:v2+s28+$0x920 ss:$0x1], $0xffff;
	_ =	sdelay $0x5  }
0x583: {  	v4 =	vmul.f32 v4, v3;
	_ =	sdelay $0x1  }
0x584: {  	[tilespmem:v2+s28+$0x920 ss:$0x1] =	vst.idx.msk $0xffff, v4  }
0x585: {  	v4 =	vld.idx.msk [tilespmem:v2+s28+$0x930 ss:$0x1], $0xffff;
	_ =	sdelay $0x2  }
.Ltmp39:
0x586: {  	(pc) =	sbr.rel @p0 .LBB2_51-.Ltmp39, $3  }
0x587: {  	_ =	sdelay $0x1  }
0x588: {  	s29 =	sadd.s32 $0x200, s29;
	v4 =	vmul.f32 v4, v3  }
0x589: {  	s31 =	sand.u32 $0x40, s26;
	s26 =	sand.u32 $0x7C00, s29  }
0x58a: {  	_ =	sdelay $0x3  }
0x58b: {  	s26 =	sor.u32 s31, s26;
	[tilespmem:v2+s28+$0x930 ss:$0x1] =	vst.idx.msk $0xffff, v4  }
0x58c: {  	v4 =	vld.idx.msk [tilespmem:v2+s26+$0x900 ss:$0x1], $0xffff;
	_ =	sdelay $0x4  }
0x58d: {  	v4 =	vmul.f32 v4, v3;
	_ =	sdelay $0x1  }
0x58e: {  	[tilespmem:v2+s26+$0x900 ss:$0x1] =	vst.idx.msk $0xffff, v4  }
0x58f: {  	v4 =	vld.idx.msk [tilespmem:v2+s26+$0x910 ss:$0x1], $0xffff;
	_ =	sdelay $0x4  }
0x590: {  	v4 =	vmul.f32 v4, v3;
	_ =	sdelay $0x1  }
0x591: {  	[tilespmem:v2+s26+$0x910 ss:$0x1] =	vst.idx.msk $0xffff, v4  }
0x592: {  	v4 =	vld.idx.msk [tilespmem:v2+s26+$0x920 ss:$0x1], $0xffff;
	_ =	sdelay $0x4  }
0x593: {  	v4 =	vmul.f32 v4, v3;
	_ =	sdelay $0x1  }
0x594: {  	[tilespmem:v2+s26+$0x920 ss:$0x1] =	vst.idx.msk $0xffff, v4  }
0x595: {  	v4 =	vld.idx.msk [tilespmem:v2+s26+$0x930 ss:$0x1], $0xffff  }
0x596: {  	s25 =	sadd.s32 $0x1, s25  }
0x597: {  	p0 =	sne.s32 s25, $0x8  }
.Ltmp40:
0x598: {  	_ = 	snop;
	(pc) =	sbr.rel @p0 .LBB2_50-.Ltmp40, $3  }
0x599: {  	_ = 	snop  }
0x59a: {  	v3 =	vmul.f32 v4, v3;
	_ =	sdelay $0x1  }
0x59b: {  	[tilespmem:v2+s26+$0x930 ss:$0x1] =	vst.idx.msk $0xffff, v3  }
.LBB2_53:
0x59c: {  	s19 =	simm.s32 $0x0;
	s25 =	rddreg [dreg:$0x13];
	s26 =	simm.s32 $0x900  }
0x59d: {  	[hbm4b:s25+s19] =	stream.linear.scatter [tilespmem:s26], [sflag:$0x4], $0x8000, $0x38;
	[tilespmem:$0x18900] =	vst v63  }
0x59e: {  	_ =	swait.ge [sflag:s23], $0x8000  }
0x59f: {  	[sflag:s23] =	ssyncset.done $0x0  }
0x5a0: {  	[sflag:s23] =	ssyncadd.s32 $0xFFFF8000  }
0x5a1: {  	v2 =	vld.msk [tilespmem:$0x70], $0xff;
	_ =	sdelay $0x4  }
0x5a2: {  	v3 =	vshll.u32 v2, $0x5  }
0x5a3: {  	v2 =	vand.u32 $0x7, v2;
	v3 =	vand.u32 $0xFFFFFF00, v3  }
0x5a4: {  	v2 =	vor.u32 v2, v3  }
0x5a5: {  	v2 =	vperm.xlane v2, v0;
	_ =	sdelay $0x1  }
0x5a6: {  	v2 =	vadd.s32 v1, v2;
	_ =	sdelay $0x3  }
0x5a7: {  	s30 =	simm.s32 $0x10900  }
0x5a8: {  	[tilespmem:s30], [sflag:$0x3] =	stream.indirect_vreg.gather [hbm4b:s1+s19], $0x80, v2, vm0, $0xb8;
	[tilespmem:$0x18900] =	vst v63  }
0x5a9: {  	s31 =	simm.s32 $0x11100  }
0x5aa: {  	[tilespmem:s31], [sflag:$0x3] =	stream.indirect_vreg.gather [hbm4b:s6+s19], $0x80, v2, vm0, $0xb8;
	[tilespmem:$0x18900] =	vst v63  }
0x5ab: {  	s26 =	simm.s32 $0x11900  }
0x5ac: {  	[tilespmem:s26], [sflag:$0x3] =	stream.indirect_vreg.gather [hbm4b:s7+s19], $0x80, v2, vm0, $0xb8;
	[tilespmem:$0x18900] =	vst v63  }
0x5ad: {  	s28 =	simm.s32 $0x12100  }
0x5ae: {  	[tilespmem:s28], [sflag:$0x3] =	stream.indirect_vreg.gather [hbm4b:s8+s19], $0x80, v2, vm0, $0xb8;
	[tilespmem:$0x18900] =	vst v63  }
0x5af: {  	s29 =	simm.s32 $0x12900  }
0x5b0: {  	[tilespmem:s29], [sflag:$0x3] =	stream.indirect_vreg.gather [hbm4b:s9+s19], $0x80, v2, vm0, $0xb8;
	[tilespmem:$0x18900] =	vst v63  }
0x5b1: {  	s30 =	simm.s32 $0x13100  }
0x5b2: {  	[tilespmem:s30], [sflag:$0x3] =	stream.indirect_vreg.gather [hbm4b:s10+s19], $0x80, v2, vm0, $0xb8;
	[tilespmem:$0x18900] =	vst v63  }
0x5b3: {  	s31 =	simm.s32 $0x13900  }
0x5b4: {  	[tilespmem:s31], [sflag:$0x3] =	stream.indirect_vreg.gather [hbm4b:s11+s19], $0x80, v2, vm0, $0xb8;
	[tilespmem:$0x18900] =	vst v63  }
0x5b5: {  	s26 =	simm.s32 $0x14100  }
0x5b6: {  	[tilespmem:s26], [sflag:$0x3] =	stream.indirect_vreg.gather [hbm4b:s12+s19], $0x80, v2, vm0, $0xb8;
	[tilespmem:$0x18900] =	vst v63  }
0x5b7: {  	s28 =	simm.s32 $0x14900  }
0x5b8: {  	[tilespmem:s28], [sflag:$0x3] =	stream.indirect_vreg.gather [hbm4b:s13+s19], $0x80, v2, vm0, $0xb8;
	[tilespmem:$0x18900] =	vst v63  }
0x5b9: {  	s29 =	simm.s32 $0x15100  }
0x5ba: {  	[tilespmem:s29], [sflag:$0x3] =	stream.indirect_vreg.gather [hbm4b:s14+s19], $0x80, v2, vm0, $0xb8;
	[tilespmem:$0x18900] =	vst v63  }
0x5bb: {  	s30 =	simm.s32 $0x15900  }
0x5bc: {  	[tilespmem:s30], [sflag:$0x3] =	stream.indirect_vreg.gather [hbm4b:s15+s19], $0x80, v2, vm0, $0xb8;
	[tilespmem:$0x18900] =	vst v63  }
0x5bd: {  	s31 =	simm.s32 $0x16100  }
0x5be: {  	[tilespmem:s31], [sflag:$0x3] =	stream.indirect_vreg.gather [hbm4b:s16+s19], $0x80, v2, vm0, $0xb8;
	[tilespmem:$0x18900] =	vst v63  }
0x5bf: {  	s26 =	simm.s32 $0x16900  }
0x5c0: {  	[tilespmem:s26], [sflag:$0x3] =	stream.indirect_vreg.gather [hbm4b:s17+s19], $0x80, v2, vm0, $0xb8;
	[tilespmem:$0x18900] =	vst v63  }
0x5c1: {  	s28 =	simm.s32 $0x17100  }
0x5c2: {  	[tilespmem:s28], [sflag:$0x3] =	stream.indirect_vreg.gather [hbm4b:s18+s19], $0x80, v2, vm0, $0xb8;
	[tilespmem:$0x18900] =	vst v63  }
0x5c3: {  	s29 =	simm.s32 $0x17900  }
0x5c4: {  	[tilespmem:s29], [sflag:$0x3] =	stream.indirect_vreg.gather [hbm4b:s20+s19], $0x80, v2, vm0, $0xb8;
	[tilespmem:$0x18900] =	vst v63  }
0x5c5: {  	s30 =	simm.s32 $0x18100  }
0x5c6: {  	[tilespmem:s30], [sflag:$0x3] =	stream.indirect_vreg.gather [hbm4b:s21+s19], $0x80, v2, vm0, $0xb8;
	[tilespmem:$0x18900] =	vst v63  }
0x5c7: {  	_ =	swait.ge [sflag:s0], $0x8000  }
0x5c8: {  	[sflag:s0] =	ssyncset.done $0x0  }
0x5c9: {  	[sflag:s0] =	ssyncadd.s32 $0xFFFF8000  }
0x5ca: {  	v2 =	vld [tilespmem:$0x80];
	_ =	sdelay $0x4  }
0x5cb: {  	(v2sf) =	vpush v2, $0xD;
	_ =	sdelay $0xe  }
0x5cc: {  	s31 =	spop (v2sf)  }
0x5cd: {  	p0 =	seq.s32 s31, $0x0  }
.Ltmp41:
0x5ce: {  	_ = 	snop;
	(pc) =	sbr.rel @p0 .LBB2_57-.Ltmp41, $2  }
0x5cf: {  	_ =	sdelay $0x2  }
0x5d0: {  	s25 =	simm.s32 $0x0  }
.LBB2_54:
0x5d1: {  	s26 =	sshll.u32 s25, $0x7  }
0x5d2: {  	v2 =	vmov s26;
	_ =	sdelay $0x1  }
0x5d3: {  	s26 =	sshll.u32 s25, $0x4  }
0x5d4: {  	s28 =	sand.u32 $0x40, s19;
	s29 =	sand.u32 $0x7C00, s19;
	s26 =	sand.u32 $0x3FFFFFF0, s26  }
0x5d5: {  	s28 =	sor.u32 s28, s29;
	v3 =	vld [tilespmem:s26+$0x780]  }
0x5d6: {  	v4 =	vld.idx.msk [tilespmem:v2+s28+$0x8900 ss:$0x1], $0xffff;
	_ =	sdelay $0x4  }
0x5d7: {  	v4 =	vmul.f32 v4, v3;
	_ =	sdelay $0x1  }
0x5d8: {  	[tilespmem:v2+s28+$0x8900 ss:$0x1] =	vst.idx.msk $0xffff, v4  }
0x5d9: {  	v4 =	vld.idx.msk [tilespmem:v2+s28+$0x8910 ss:$0x1], $0xffff;
	_ =	sdelay $0x4  }
0x5da: {  	v4 =	vmul.f32 v4, v3;
	_ =	sdelay $0x1  }
0x5db: {  	[tilespmem:v2+s28+$0x8910 ss:$0x1] =	vst.idx.msk $0xffff, v4  }
0x5dc: {  	v4 =	vld.idx.msk [tilespmem:v2+s28+$0x8920 ss:$0x1], $0xffff;
	_ =	sdelay $0x4  }
0x5dd: {  	v4 =	vmul.f32 v4, v3;
	_ =	sdelay $0x1  }
0x5de: {  	[tilespmem:v2+s28+$0x8920 ss:$0x1] =	vst.idx.msk $0xffff, v4  }
0x5df: {  	v4 =	vld.idx.msk [tilespmem:v2+s28+$0x8930 ss:$0x1], $0xffff;
	_ =	sdelay $0x3  }
0x5e0: {  	s29 =	simm.s32 $0x200;
	s26 =	simm.s32 $0x40  }
0x5e1: {  	s30 =	simm.s32 $0x80;
	s31 =	sand.u32 $0x40, s26;
	s26 =	sand.u32 $0x7C00, s29;
	v4 =	vmul.f32 v4, v3  }
.LBB2_55:
0x5e2: {  	p0 =	sne.s32 s30, $0xFC0  }
0x5e3: {  	[tilespmem:v2+s28+$0x8930 ss:$0x1] =	vst.idx.msk $0xffff, v4;
	s28 =	sor.u32 s31, s26;
	s26 =	smov.u32 s30;
	s30 =	sadd.s32 $0x40, s30  }
0x5e4: {  	v4 =	vld.idx.msk [tilespmem:v2+s28+$0x8900 ss:$0x1], $0xffff;
	_ =	sdelay $0x5  }
0x5e5: {  	v4 =	vmul.f32 v4, v3;
	_ =	sdelay $0x1  }
0x5e6: {  	[tilespmem:v2+s28+$0x8900 ss:$0x1] =	vst.idx.msk $0xffff, v4  }
0x5e7: {  	v4 =	vld.idx.msk [tilespmem:v2+s28+$0x8910 ss:$0x1], $0xffff;
	_ =	sdelay $0x5  }
0x5e8: {  	v4 =	vmul.f32 v4, v3;
	_ =	sdelay $0x1  }
0x5e9: {  	[tilespmem:v2+s28+$0x8910 ss:$0x1] =	vst.idx.msk $0xffff, v4  }
0x5ea: {  	v4 =	vld.idx.msk [tilespmem:v2+s28+$0x8920 ss:$0x1], $0xffff;
	_ =	sdelay $0x5  }
0x5eb: {  	v4 =	vmul.f32 v4, v3;
	_ =	sdelay $0x1  }
0x5ec: {  	[tilespmem:v2+s28+$0x8920 ss:$0x1] =	vst.idx.msk $0xffff, v4  }
0x5ed: {  	v4 =	vld.idx.msk [tilespmem:v2+s28+$0x8930 ss:$0x1], $0xffff;
	_ =	sdelay $0x2  }
.Ltmp42:
0x5ee: {  	(pc) =	sbr.rel @p0 .LBB2_55-.Ltmp42, $3  }
0x5ef: {  	_ =	sdelay $0x1  }
0x5f0: {  	s29 =	sadd.s32 $0x200, s29;
	v4 =	vmul.f32 v4, v3  }
0x5f1: {  	s31 =	sand.u32 $0x40, s26;
	s26 =	sand.u32 $0x7C00, s29  }
0x5f2: {  	_ =	sdelay $0x3  }
0x5f3: {  	s26 =	sor.u32 s31, s26;
	[tilespmem:v2+s28+$0x8930 ss:$0x1] =	vst.idx.msk $0xffff, v4  }
0x5f4: {  	v4 =	vld.idx.msk [tilespmem:v2+s26+$0x8900 ss:$0x1], $0xffff;
	_ =	sdelay $0x4  }
0x5f5: {  	v4 =	vmul.f32 v4, v3;
	_ =	sdelay $0x1  }
0x5f6: {  	[tilespmem:v2+s26+$0x8900 ss:$0x1] =	vst.idx.msk $0xffff, v4  }
0x5f7: {  	v4 =	vld.idx.msk [tilespmem:v2+s26+$0x8910 ss:$0x1], $0xffff;
	_ =	sdelay $0x4  }
0x5f8: {  	v4 =	vmul.f32 v4, v3;
	_ =	sdelay $0x1  }
0x5f9: {  	[tilespmem:v2+s26+$0x8910 ss:$0x1] =	vst.idx.msk $0xffff, v4  }
0x5fa: {  	v4 =	vld.idx.msk [tilespmem:v2+s26+$0x8920 ss:$0x1], $0xffff;
	_ =	sdelay $0x4  }
0x5fb: {  	v4 =	vmul.f32 v4, v3;
	_ =	sdelay $0x1  }
0x5fc: {  	[tilespmem:v2+s26+$0x8920 ss:$0x1] =	vst.idx.msk $0xffff, v4  }
0x5fd: {  	v4 =	vld.idx.msk [tilespmem:v2+s26+$0x8930 ss:$0x1], $0xffff  }
0x5fe: {  	s25 =	sadd.s32 $0x1, s25  }
0x5ff: {  	p0 =	sne.s32 s25, $0x8  }
.Ltmp43:
0x600: {  	_ = 	snop;
	(pc) =	sbr.rel @p0 .LBB2_54-.Ltmp43, $3  }
0x601: {  	_ = 	snop  }
0x602: {  	v3 =	vmul.f32 v4, v3;
	_ =	sdelay $0x1  }
0x603: {  	[tilespmem:v2+s26+$0x8930 ss:$0x1] =	vst.idx.msk $0xffff, v3  }
.LBB2_57:
0x604: {  	s19 =	simm.s32 $0x0;
	s25 =	rddreg [dreg:$0x14];
	s26 =	simm.s32 $0x8900  }
0x605: {  	[hbm4b:s25+s19] =	stream.linear.scatter [tilespmem:s26], [sflag:$0x5], $0x8000, $0x38;
	[tilespmem:$0x18900] =	vst v63  }
0x606: {  	_ =	swait.ge [sflag:s4], $0x8000  }
0x607: {  	[sflag:s4] =	ssyncset.done $0x0  }
0x608: {  	[sflag:s4] =	ssyncadd.s32 $0xFFFF8000  }
0x609: {  	v2 =	vld.msk [tilespmem:$0x78], $0xff;
	_ =	sdelay $0x4  }
0x60a: {  	v3 =	vshll.u32 v2, $0x5  }
0x60b: {  	v2 =	vand.u32 $0x7, v2;
	v3 =	vand.u32 $0xFFFFFF00, v3  }
0x60c: {  	v2 =	vor.u32 v2, v3  }
0x60d: {  	v2 =	vperm.xlane v2, v0;
	_ =	sdelay $0x1  }
0x60e: {  	v2 =	vadd.s32 v1, v2;
	_ =	sdelay $0x3  }
0x60f: {  	s30 =	simm.s32 $0x900  }
0x610: {  	[tilespmem:s30], [sflag:$0x1] =	stream.indirect_vreg.gather [hbm4b:s1+s19], $0x80, v2, vm0, $0xb8;
	[tilespmem:$0x18900] =	vst v63  }
0x611: {  	s31 =	simm.s32 $0x1100  }
0x612: {  	[tilespmem:s31], [sflag:$0x1] =	stream.indirect_vreg.gather [hbm4b:s6+s19], $0x80, v2, vm0, $0xb8;
	[tilespmem:$0x18900] =	vst v63  }
0x613: {  	s26 =	simm.s32 $0x1900  }
0x614: {  	[tilespmem:s26], [sflag:$0x1] =	stream.indirect_vreg.gather [hbm4b:s7+s19], $0x80, v2, vm0, $0xb8;
	[tilespmem:$0x18900] =	vst v63  }
0x615: {  	s28 =	simm.s32 $0x2100  }
0x616: {  	[tilespmem:s28], [sflag:$0x1] =	stream.indirect_vreg.gather [hbm4b:s8+s19], $0x80, v2, vm0, $0xb8;
	[tilespmem:$0x18900] =	vst v63  }
0x617: {  	s29 =	simm.s32 $0x2900  }
0x618: {  	[tilespmem:s29], [sflag:$0x1] =	stream.indirect_vreg.gather [hbm4b:s9+s19], $0x80, v2, vm0, $0xb8;
	[tilespmem:$0x18900] =	vst v63  }
0x619: {  	s30 =	simm.s32 $0x3100  }
0x61a: {  	[tilespmem:s30], [sflag:$0x1] =	stream.indirect_vreg.gather [hbm4b:s10+s19], $0x80, v2, vm0, $0xb8;
	[tilespmem:$0x18900] =	vst v63  }
0x61b: {  	s31 =	simm.s32 $0x3900  }
0x61c: {  	[tilespmem:s31], [sflag:$0x1] =	stream.indirect_vreg.gather [hbm4b:s11+s19], $0x80, v2, vm0, $0xb8;
	[tilespmem:$0x18900] =	vst v63  }
0x61d: {  	s26 =	simm.s32 $0x4100  }
0x61e: {  	[tilespmem:s26], [sflag:$0x1] =	stream.indirect_vreg.gather [hbm4b:s12+s19], $0x80, v2, vm0, $0xb8;
	[tilespmem:$0x18900] =	vst v63  }
0x61f: {  	s28 =	simm.s32 $0x4900  }
0x620: {  	[tilespmem:s28], [sflag:$0x1] =	stream.indirect_vreg.gather [hbm4b:s13+s19], $0x80, v2, vm0, $0xb8;
	[tilespmem:$0x18900] =	vst v63  }
0x621: {  	s29 =	simm.s32 $0x5100  }
0x622: {  	[tilespmem:s29], [sflag:$0x1] =	stream.indirect_vreg.gather [hbm4b:s14+s19], $0x80, v2, vm0, $0xb8;
	[tilespmem:$0x18900] =	vst v63  }
0x623: {  	s30 =	simm.s32 $0x5900  }
0x624: {  	[tilespmem:s30], [sflag:$0x1] =	stream.indirect_vreg.gather [hbm4b:s15+s19], $0x80, v2, vm0, $0xb8;
	[tilespmem:$0x18900] =	vst v63  }
0x625: {  	s31 =	simm.s32 $0x6100  }
0x626: {  	[tilespmem:s31], [sflag:$0x1] =	stream.indirect_vreg.gather [hbm4b:s16+s19], $0x80, v2, vm0, $0xb8;
	[tilespmem:$0x18900] =	vst v63  }
0x627: {  	s26 =	simm.s32 $0x6900  }
0x628: {  	[tilespmem:s26], [sflag:$0x1] =	stream.indirect_vreg.gather [hbm4b:s17+s19], $0x80, v2, vm0, $0xb8;
	[tilespmem:$0x18900] =	vst v63  }
0x629: {  	s28 =	simm.s32 $0x7100  }
0x62a: {  	[tilespmem:s28], [sflag:$0x1] =	stream.indirect_vreg.gather [hbm4b:s18+s19], $0x80, v2, vm0, $0xb8;
	[tilespmem:$0x18900] =	vst v63  }
0x62b: {  	s29 =	simm.s32 $0x7900  }
0x62c: {  	[tilespmem:s29], [sflag:$0x1] =	stream.indirect_vreg.gather [hbm4b:s20+s19], $0x80, v2, vm0, $0xb8;
	[tilespmem:$0x18900] =	vst v63  }
0x62d: {  	s30 =	simm.s32 $0x8100  }
0x62e: {  	[tilespmem:s30], [sflag:$0x1] =	stream.indirect_vreg.gather [hbm4b:s21+s19], $0x80, v2, vm0, $0xb8;
	[tilespmem:$0x18900] =	vst v63  }
0x62f: {  	_ =	swait.ge [sflag:s5], $0x8000  }
0x630: {  	[sflag:s5] =	ssyncset.done $0x0  }
0x631: {  	[sflag:s5] =	ssyncadd.s32 $0xFFFF8000  }
0x632: {  	v2 =	vld [tilespmem:$0x80];
	_ =	sdelay $0x4  }
0x633: {  	(v2sf) =	vpush v2, $0xE;
	_ =	sdelay $0xe  }
0x634: {  	s31 =	spop (v2sf)  }
0x635: {  	p0 =	seq.s32 s31, $0x0  }
.Ltmp44:
0x636: {  	_ = 	snop;
	(pc) =	sbr.rel @p0 .LBB2_61-.Ltmp44, $2  }
0x637: {  	_ =	sdelay $0x2  }
0x638: {  	s25 =	simm.s32 $0x0  }
.LBB2_58:
0x639: {  	s26 =	sshll.u32 s25, $0x7  }
0x63a: {  	v2 =	vmov s26;
	_ =	sdelay $0x1  }
0x63b: {  	s26 =	sshll.u32 s25, $0x4  }
0x63c: {  	s28 =	sand.u32 $0x40, s19;
	s29 =	sand.u32 $0x7C00, s19;
	s26 =	sand.u32 $0x3FFFFFF0, s26  }
0x63d: {  	s28 =	sor.u32 s28, s29;
	v3 =	vld [tilespmem:s26+$0x800]  }
0x63e: {  	v4 =	vld.idx.msk [tilespmem:v2+s28+$0x10900 ss:$0x1], $0xffff;
	_ =	sdelay $0x4  }
0x63f: {  	v4 =	vmul.f32 v4, v3;
	_ =	sdelay $0x1  }
0x640: {  	[tilespmem:v2+s28+$0x10900 ss:$0x1] =	vst.idx.msk $0xffff, v4  }
0x641: {  	v4 =	vld.idx.msk [tilespmem:v2+s28+$0x10910 ss:$0x1], $0xffff;
	_ =	sdelay $0x4  }
0x642: {  	v4 =	vmul.f32 v4, v3;
	_ =	sdelay $0x1  }
0x643: {  	[tilespmem:v2+s28+$0x10910 ss:$0x1] =	vst.idx.msk $0xffff, v4  }
0x644: {  	v4 =	vld.idx.msk [tilespmem:v2+s28+$0x10920 ss:$0x1], $0xffff;
	_ =	sdelay $0x4  }
0x645: {  	v4 =	vmul.f32 v4, v3;
	_ =	sdelay $0x1  }
0x646: {  	[tilespmem:v2+s28+$0x10920 ss:$0x1] =	vst.idx.msk $0xffff, v4  }
0x647: {  	v4 =	vld.idx.msk [tilespmem:v2+s28+$0x10930 ss:$0x1], $0xffff;
	_ =	sdelay $0x3  }
0x648: {  	s29 =	simm.s32 $0x200;
	s26 =	simm.s32 $0x40  }
0x649: {  	s30 =	simm.s32 $0x80;
	s31 =	sand.u32 $0x40, s26;
	s26 =	sand.u32 $0x7C00, s29;
	v4 =	vmul.f32 v4, v3  }
.LBB2_59:
0x64a: {  	p0 =	sne.s32 s30, $0xFC0  }
0x64b: {  	[tilespmem:v2+s28+$0x10930 ss:$0x1] =	vst.idx.msk $0xffff, v4;
	s28 =	sor.u32 s31, s26;
	s26 =	smov.u32 s30;
	s30 =	sadd.s32 $0x40, s30  }
0x64c: {  	v4 =	vld.idx.msk [tilespmem:v2+s28+$0x10900 ss:$0x1], $0xffff;
	_ =	sdelay $0x5  }
0x64d: {  	v4 =	vmul.f32 v4, v3;
	_ =	sdelay $0x1  }
0x64e: {  	[tilespmem:v2+s28+$0x10900 ss:$0x1] =	vst.idx.msk $0xffff, v4  }
0x64f: {  	v4 =	vld.idx.msk [tilespmem:v2+s28+$0x10910 ss:$0x1], $0xffff;
	_ =	sdelay $0x5  }
0x650: {  	v4 =	vmul.f32 v4, v3;
	_ =	sdelay $0x1  }
0x651: {  	[tilespmem:v2+s28+$0x10910 ss:$0x1] =	vst.idx.msk $0xffff, v4  }
0x652: {  	v4 =	vld.idx.msk [tilespmem:v2+s28+$0x10920 ss:$0x1], $0xffff;
	_ =	sdelay $0x5  }
0x653: {  	v4 =	vmul.f32 v4, v3;
	_ =	sdelay $0x1  }
0x654: {  	[tilespmem:v2+s28+$0x10920 ss:$0x1] =	vst.idx.msk $0xffff, v4  }
0x655: {  	v4 =	vld.idx.msk [tilespmem:v2+s28+$0x10930 ss:$0x1], $0xffff;
	_ =	sdelay $0x2  }
.Ltmp45:
0x656: {  	(pc) =	sbr.rel @p0 .LBB2_59-.Ltmp45, $3  }
0x657: {  	_ =	sdelay $0x1  }
0x658: {  	s29 =	sadd.s32 $0x200, s29;
	v4 =	vmul.f32 v4, v3  }
0x659: {  	s31 =	sand.u32 $0x40, s26;
	s26 =	sand.u32 $0x7C00, s29  }
0x65a: {  	_ =	sdelay $0x3  }
0x65b: {  	s26 =	sor.u32 s31, s26;
	[tilespmem:v2+s28+$0x10930 ss:$0x1] =	vst.idx.msk $0xffff, v4  }
0x65c: {  	v4 =	vld.idx.msk [tilespmem:v2+s26+$0x10900 ss:$0x1], $0xffff;
	_ =	sdelay $0x4  }
0x65d: {  	v4 =	vmul.f32 v4, v3;
	_ =	sdelay $0x1  }
0x65e: {  	[tilespmem:v2+s26+$0x10900 ss:$0x1] =	vst.idx.msk $0xffff, v4  }
0x65f: {  	v4 =	vld.idx.msk [tilespmem:v2+s26+$0x10910 ss:$0x1], $0xffff;
	_ =	sdelay $0x4  }
0x660: {  	v4 =	vmul.f32 v4, v3;
	_ =	sdelay $0x1  }
0x661: {  	[tilespmem:v2+s26+$0x10910 ss:$0x1] =	vst.idx.msk $0xffff, v4  }
0x662: {  	v4 =	vld.idx.msk [tilespmem:v2+s26+$0x10920 ss:$0x1], $0xffff;
	_ =	sdelay $0x4  }
0x663: {  	v4 =	vmul.f32 v4, v3;
	_ =	sdelay $0x1  }
0x664: {  	[tilespmem:v2+s26+$0x10920 ss:$0x1] =	vst.idx.msk $0xffff, v4  }
0x665: {  	v4 =	vld.idx.msk [tilespmem:v2+s26+$0x10930 ss:$0x1], $0xffff  }
0x666: {  	s25 =	sadd.s32 $0x1, s25  }
0x667: {  	p0 =	sne.s32 s25, $0x8  }
.Ltmp46:
0x668: {  	_ = 	snop;
	(pc) =	sbr.rel @p0 .LBB2_58-.Ltmp46, $3  }
0x669: {  	_ = 	snop  }
0x66a: {  	v3 =	vmul.f32 v4, v3;
	_ =	sdelay $0x1  }
0x66b: {  	[tilespmem:v2+s26+$0x10930 ss:$0x1] =	vst.idx.msk $0xffff, v3  }
.LBB2_61:
0x66c: {  	s19 =	simm.s32 $0x0;
	s25 =	rddreg [dreg:$0x15];
	s26 =	simm.s32 $0x10900  }
0x66d: {  	[hbm4b:s25+s19] =	stream.linear.scatter [tilespmem:s26], [sflag:$0x6], $0x8000, $0x38;
	[tilespmem:$0x18900] =	vst v63  }
0x66e: {  	_ =	swait.ge [sflag:s2], $0x8000  }
0x66f: {  	[sflag:s2] =	ssyncset.done $0x0  }
0x670: {  	[sflag:s2] =	ssyncadd.s32 $0xFFFF8000  }
0x671: {  	v2 =	vld [tilespmem:$0x80];
	_ =	sdelay $0x4  }
0x672: {  	(v2sf) =	vpush v2, $0xF;
	_ =	sdelay $0xe  }
0x673: {  	s31 =	spop (v2sf)  }
0x674: {  	p0 =	seq.s32 s31, $0x0  }
.Ltmp47:
0x675: {  	_ = 	snop;
	(pc) =	sbr.rel @p0 .LBB2_65-.Ltmp47, $2  }
0x676: {  	_ =	sdelay $0x2  }
0x677: {  	s25 =	simm.s32 $0x0  }
.LBB2_62:
0x678: {  	s26 =	sshll.u32 s25, $0x7  }
0x679: {  	v2 =	vmov s26;
	_ =	sdelay $0x1  }
0x67a: {  	s26 =	sshll.u32 s25, $0x4  }
0x67b: {  	s28 =	sand.u32 $0x40, s19;
	s29 =	sand.u32 $0x7C00, s19;
	s26 =	sand.u32 $0x3FFFFFF0, s26  }
0x67c: {  	s28 =	sor.u32 s28, s29;
	v3 =	vld [tilespmem:s26+$0x880]  }
0x67d: {  	v4 =	vld.idx.msk [tilespmem:v2+s28+$0x900 ss:$0x1], $0xffff;
	_ =	sdelay $0x4  }
0x67e: {  	v4 =	vmul.f32 v4, v3;
	_ =	sdelay $0x1  }
0x67f: {  	[tilespmem:v2+s28+$0x900 ss:$0x1] =	vst.idx.msk $0xffff, v4  }
0x680: {  	v4 =	vld.idx.msk [tilespmem:v2+s28+$0x910 ss:$0x1], $0xffff;
	_ =	sdelay $0x4  }
0x681: {  	v4 =	vmul.f32 v4, v3;
	_ =	sdelay $0x1  }
0x682: {  	[tilespmem:v2+s28+$0x910 ss:$0x1] =	vst.idx.msk $0xffff, v4  }
0x683: {  	v4 =	vld.idx.msk [tilespmem:v2+s28+$0x920 ss:$0x1], $0xffff;
	_ =	sdelay $0x4  }
0x684: {  	v4 =	vmul.f32 v4, v3;
	_ =	sdelay $0x1  }
0x685: {  	[tilespmem:v2+s28+$0x920 ss:$0x1] =	vst.idx.msk $0xffff, v4  }
0x686: {  	v4 =	vld.idx.msk [tilespmem:v2+s28+$0x930 ss:$0x1], $0xffff;
	_ =	sdelay $0x3  }
0x687: {  	s29 =	simm.s32 $0x200;
	s26 =	simm.s32 $0x40  }
0x688: {  	s30 =	simm.s32 $0x80;
	s31 =	sand.u32 $0x40, s26;
	s26 =	sand.u32 $0x7C00, s29;
	v4 =	vmul.f32 v4, v3  }
.LBB2_63:
0x689: {  	p0 =	sne.s32 s30, $0xFC0  }
0x68a: {  	[tilespmem:v2+s28+$0x930 ss:$0x1] =	vst.idx.msk $0xffff, v4;
	s28 =	sor.u32 s31, s26;
	s26 =	smov.u32 s30;
	s30 =	sadd.s32 $0x40, s30  }
0x68b: {  	v4 =	vld.idx.msk [tilespmem:v2+s28+$0x900 ss:$0x1], $0xffff;
	_ =	sdelay $0x5  }
0x68c: {  	v4 =	vmul.f32 v4, v3;
	_ =	sdelay $0x1  }
0x68d: {  	[tilespmem:v2+s28+$0x900 ss:$0x1] =	vst.idx.msk $0xffff, v4  }
0x68e: {  	v4 =	vld.idx.msk [tilespmem:v2+s28+$0x910 ss:$0x1], $0xffff;
	_ =	sdelay $0x5  }
0x68f: {  	v4 =	vmul.f32 v4, v3;
	_ =	sdelay $0x1  }
0x690: {  	[tilespmem:v2+s28+$0x910 ss:$0x1] =	vst.idx.msk $0xffff, v4  }
0x691: {  	v4 =	vld.idx.msk [tilespmem:v2+s28+$0x920 ss:$0x1], $0xffff;
	_ =	sdelay $0x5  }
0x692: {  	v4 =	vmul.f32 v4, v3;
	_ =	sdelay $0x1  }
0x693: {  	[tilespmem:v2+s28+$0x920 ss:$0x1] =	vst.idx.msk $0xffff, v4  }
0x694: {  	v4 =	vld.idx.msk [tilespmem:v2+s28+$0x930 ss:$0x1], $0xffff;
	_ =	sdelay $0x2  }
.Ltmp48:
0x695: {  	(pc) =	sbr.rel @p0 .LBB2_63-.Ltmp48, $3  }
0x696: {  	_ =	sdelay $0x1  }
0x697: {  	s29 =	sadd.s32 $0x200, s29;
	v4 =	vmul.f32 v4, v3  }
0x698: {  	s31 =	sand.u32 $0x40, s26;
	s26 =	sand.u32 $0x7C00, s29  }
0x699: {  	_ =	sdelay $0x3  }
0x69a: {  	s26 =	sor.u32 s31, s26;
	[tilespmem:v2+s28+$0x930 ss:$0x1] =	vst.idx.msk $0xffff, v4  }
0x69b: {  	v4 =	vld.idx.msk [tilespmem:v2+s26+$0x900 ss:$0x1], $0xffff;
	_ =	sdelay $0x4  }
0x69c: {  	v4 =	vmul.f32 v4, v3;
	_ =	sdelay $0x1  }
0x69d: {  	[tilespmem:v2+s26+$0x900 ss:$0x1] =	vst.idx.msk $0xffff, v4  }
0x69e: {  	v4 =	vld.idx.msk [tilespmem:v2+s26+$0x910 ss:$0x1], $0xffff;
	_ =	sdelay $0x4  }
0x69f: {  	v4 =	vmul.f32 v4, v3;
	_ =	sdelay $0x1  }
0x6a0: {  	[tilespmem:v2+s26+$0x910 ss:$0x1] =	vst.idx.msk $0xffff, v4  }
0x6a1: {  	v4 =	vld.idx.msk [tilespmem:v2+s26+$0x920 ss:$0x1], $0xffff;
	_ =	sdelay $0x4  }
0x6a2: {  	v4 =	vmul.f32 v4, v3;
	_ =	sdelay $0x1  }
0x6a3: {  	[tilespmem:v2+s26+$0x920 ss:$0x1] =	vst.idx.msk $0xffff, v4  }
0x6a4: {  	v4 =	vld.idx.msk [tilespmem:v2+s26+$0x930 ss:$0x1], $0xffff  }
0x6a5: {  	s25 =	sadd.s32 $0x1, s25  }
0x6a6: {  	p0 =	sne.s32 s25, $0x8  }
.Ltmp49:
0x6a7: {  	_ = 	snop;
	(pc) =	sbr.rel @p0 .LBB2_62-.Ltmp49, $4  }
.Ltmp50:
0x6a8: {  	_ = 	snop;
	(pc) =	sbr.rel @!p0 .LBB2_65-.Ltmp50, $4  }
0x6a9: {  	v3 =	vmul.f32 v4, v3  }
0x6aa: {  	_ = 	snop  }
0x6ab: {  	[tilespmem:v2+s26+$0x930 ss:$0x1] =	vst.idx.msk $0xffff, v3  }
0x6ac: {  	_ = 	snop  }
.LBB2_66:
0x6ad: {  	_ =	sfence.sel $0x180000  }
0x6ae: {  	[bflag:$0x0] =	sbarrier.arrive $0xFFFF  }
0x6af: {  	_ =	strace $0x90000047  }
0x6b0: {  	s0 =	stileid.u32;
	[bflag:$0x2] =	sbarrier.arrive $0xFFFF  }
0x6b1: {  	p0 =	sne.s32 s0, $0x0;
	s0 =	rddreg [dreg:$0x3]  }
0x6b2: {  	s0 =	sadd.s32 @!p0 $0x100000, s0  }
0x6b3: {  	[sflag:s0] =	ssyncadd.tile.s32 @!p0 $0x1;
	_ =	shalt  }
.Lfunc_end2:
_tile_overlayer_lowered:
.L_overlay_start_2:
0x6b4: {  	(tag) =	ssettag $0x2  }
0x6b5: {  	s0 =	rddreg [dreg:$0x0];
	s2 =	stileid.u32  }
0x6b6: {  	s1 =	rddreg [dreg:$0x1];
	p0 =	sne.s32 s2, $0x0  }
0x6b7: {  	s3 =	rddreg [dreg:$0x2];
	[bflag:$0x3] =	sbarrier.arrive $0xFFFF;
	s2 =	simm.s32 @!p0 $0x1C08  }
0x6b8: {  	[timem:s3], [sflag:s2] =	dma.local @!p0 [hbm:s0], s1  }
0x6b9: {  	s0 =	simm.s32 @!p0 $0x8  }
0x6ba: {  	_ =	swait.ge @!p0 [sflag:s0], s1  }
0x6bb: {  	s1 =	ssub.s32 @!p0 $0x0, s1;
	[sflag:s0] =	ssyncset.done @!p0 $0x0  }
0x6bc: {  	[sflag:s0] =	ssyncadd.s32 @!p0 s1  }
0x6bd: {  	[bflag:$0x3] =	sbarrier.arrive $0xFFFF  }
0x6be: {  	_ =	shalt  }

</sc_bundles>
